<compile_context>
chip_gen: v7x
topology: tpu7x:2x2x1
jax: 0.10.2.dev20260603
libtpu: 0.0.44.dev20260713+nightly
codegen_flags: <defaults>
</compile_context>

<pallas_src>
import functools

import jax
import jax.numpy as jnp
from jax import lax
from jax.experimental import pallas as pl
from jax.experimental.pallas import tpu as pltpu
from jax.experimental.pallas import tpu_sc as plsc

N = 320000
N_IN = 128
N_HID = 32
SEGS = 8000
N_CT = 16
NBAGS = SEGS // N_CT

GW = 48
BLK_A = 4000

NW = 32
RW = N // NW
SUB = 125
NSUB = 8
BIG = SUB * NSUB
NBIG = RW // BIG
BROWS = N // SUB
ZROWS = SEGS // 8


def _stage_a(x_ref, w1_ref, b1_ref, wc_ref, bc_ref, g_ref):
    x = x_ref[...]
    h = jnp.maximum(
        jnp.dot(x, w1_ref[...], preferred_element_type=jnp.float32) + b1_ref[...],
        0.0,
    )
    s = jnp.sum(h * wc_ref[...], axis=1, keepdims=True) + bc_ref[...]
    e = jnp.exp(s)
    g_ref[...] = jnp.concatenate(
        [h * e, e, jnp.zeros((BLK_A, GW - N_HID - 1), jnp.float32)], axis=1
    )


def _stage_b(nbig, ib0, g_hbm, b_hbm, out_hbm, gbuf, ibuf, uacc, lsem, ssem):
    rw = nbig * BIG
    cid = lax.axis_index("c")
    sid = lax.axis_index("s")
    wid = sid * 2 + cid

    z = jnp.zeros((16,), jnp.float32)

    def zrow(i, carry):
        gbuf[0, i, pl.ds(0, 16)] = z
        gbuf[0, i, pl.ds(16, 16)] = z
        gbuf[0, i, pl.ds(32, 16)] = z
        return carry

    @pl.when(sid < 8)
    def _zero():
        lax.fori_loop(0, ZROWS, zrow, 0)
        pltpu.sync_copy(gbuf.at[0], uacc.at[pl.ds(sid * ZROWS, ZROWS)])

    plsc.subcore_barrier()

    rowbase = wid * rw
    ibase = ib0 + wid * (rw // SUB)

    def start_load(bi, b):
        hg = pltpu.async_copy(
            g_hbm.at[pl.ds(rowbase + bi * BIG, BIG)], gbuf.at[b], lsem
        )
        hi = pltpu.async_copy(
            b_hbm.at[pl.ds(ibase + bi * NSUB, NSUB)], ibuf.at[b], lsem
        )
        return hg, hi

    pend = start_load(0, 0)
    for bi in range(nbig):
        b = bi % 2
        hg, hi = pend
        if bi + 1 < nbig:
            pend = start_load(bi + 1, (bi + 1) % 2)
        hg.wait()
        hi.wait()
        scs = [
            pltpu.async_copy(
                gbuf.at[b, pl.ds(j * SUB, SUB)],
                uacc.at[ibuf.at[b, j]],
                ssem,
                add=True,
            )
            for j in range(NSUB)
        ]
        for h in scs:
            h.wait()

    plsc.subcore_barrier()

    @pl.when(sid < 8)
    def _flush():
        pltpu.sync_copy(
            uacc.at[pl.ds(sid * ZROWS, ZROWS)],
            out_hbm.at[cid, pl.ds(sid * ZROWS, ZROWS)],
        )


def _stage_c(ua_ref, ub_ref, wct_ref, bct_ref, wo_ref, bo_ref, out_ref):
    ua = ua_ref[...]
    ub = ub_ref[...]
    uc = (ua[0] + ua[1]) + (ub[0] + ub[1])
    pooled = uc[:, :, :N_HID] / (uc[:, :, N_HID:N_HID + 1] + 1e-16)
    t = jnp.sum(pooled * wct_ref[...], axis=-1, keepdims=True) + bct_ref[...]
    m = jnp.max(t, axis=1, keepdims=True)
    ee = jnp.exp(t - m)
    dd = jnp.sum(ee, axis=1, keepdims=True)
    xs = jnp.sum(pooled * (ee / dd), axis=1)
    out_ref[...] = jnp.sum(xs * wo_ref[...], axis=-1, keepdims=True) + bo_ref[...]


def kernel(X, batch, ct_size, n_ct, W1, b1, Wc, bc, Wct, bct, Wo, bo):
    NH = N // 2
    nbig_h = NH // NW // BIG

    def stage_a_half(block_off):
        return pl.pallas_call(
            _stage_a,
            grid=(NH // BLK_A,),
            in_specs=[
                pl.BlockSpec((BLK_A, N_IN), lambda i: (i + block_off, 0)),
                pl.BlockSpec((N_IN, N_HID), lambda i: (0, 0)),
                pl.BlockSpec((1, N_HID), lambda i: (0, 0)),
                pl.BlockSpec((1, N_HID), lambda i: (0, 0)),
                pl.BlockSpec((1, 1), lambda i: (0, 0)),
            ],
            out_specs=pl.BlockSpec((BLK_A, GW), lambda i: (i, 0)),
            out_shape=jax.ShapeDtypeStruct((NH, GW), jnp.float32),
        )(
            X,
            W1,
            b1.reshape(1, N_HID),
            Wc[:, 0].reshape(1, N_HID),
            bc.reshape(1, 1),
        )

    mesh = plsc.VectorSubcoreMesh(core_axis_name="c", subcore_axis_name="s")
    batch2d = batch.reshape(BROWS, SUB)

    def stage_b_half(g_half, ib0):
        return pl.kernel(
            functools.partial(_stage_b, nbig_h, ib0),
            mesh=mesh,
            compiler_params=pltpu.CompilerParams(use_tc_tiling_on_sc=False),
            out_type=jax.ShapeDtypeStruct((2, SEGS, GW), jnp.float32),
            scratch_types=[
                pltpu.VMEM((2, BIG, GW), jnp.float32),
                pltpu.VMEM((2, NSUB, SUB), jnp.int32),
                pltpu.VMEM_SHARED((SEGS, GW), jnp.float32),
                pltpu.SemaphoreType.DMA,
                pltpu.SemaphoreType.DMA,
            ],
        )(g_half, batch2d)

    g0 = stage_a_half(0)
    u2a = stage_b_half(g0, 0)
    g1 = stage_a_half(NH // BLK_A)
    u2b = stage_b_half(g1, (NH // SUB))

    out = pl.pallas_call(
        _stage_c,
        out_shape=jax.ShapeDtypeStruct((NBAGS, 1), jnp.float32),
    )(
        u2a.reshape(2, NBAGS, N_CT, GW),
        u2b.reshape(2, NBAGS, N_CT, GW),
        Wct[:, 0].reshape(1, 1, N_HID),
        bct.reshape(1, 1, 1),
        Wo[:, 0].reshape(1, N_HID),
        bo.reshape(1, 1),
    )
    return out

# --- scband reference (transcript-rebuilt; emitter-appended) ---
"""Pipeline reference for scband-model-87497073754830 (READ-ONLY COPY).

The authoritative reference and input builder live on the scoring server;
editing this copy changes nothing except your own understanding.
"""

import jax, jax.numpy as jnp
import numpy as np

N = 320000
N_IN = 128
N_HID = 32
CT_SIZE = 8000
N_CT = 16


def setup_inputs(seed: int = 0) -> dict:
    key = jax.random.key(seed)
    ks = jax.random.split(key, 8)
    X = jax.random.normal(ks[0], (N, N_IN), dtype=jnp.float32)
    batch = jnp.sort(jax.random.randint(ks[1], (N,), 0, CT_SIZE, dtype=jnp.int32))
    W1 = jax.random.normal(ks[2], (N_IN, N_HID), dtype=jnp.float32) / np.sqrt(N_IN)
    b1 = jnp.zeros((N_HID,), dtype=jnp.float32)
    Wc = jax.random.normal(ks[3], (N_HID, 1), dtype=jnp.float32) / np.sqrt(N_HID)
    bc = jnp.zeros((1,), dtype=jnp.float32)
    Wct = jax.random.normal(ks[4], (N_HID, 1), dtype=jnp.float32) / np.sqrt(N_HID)
    bct = jnp.zeros((1,), dtype=jnp.float32)
    Wo = jax.random.normal(ks[5], (N_HID, 1), dtype=jnp.float32) / np.sqrt(N_HID)
    bo = jnp.zeros((1,), dtype=jnp.float32)
    return {"X": X, "batch": batch, "ct_size": CT_SIZE, "n_ct": N_CT,
            "W1": W1, "b1": b1, "Wc": Wc, "bc": bc,
            "Wct": Wct, "bct": bct, "Wo": Wo, "bo": bo}


def _segment_softmax(s, seg, num_segments):
    m = jax.ops.segment_max(s, seg, num_segments=num_segments)
    m = jax.lax.stop_gradient(m)
    e = jnp.exp(s - m[seg])
    d = jax.ops.segment_sum(e, seg, num_segments=num_segments)
    return e / (d[seg] + 1e-16)


def reference(X, batch, ct_size, n_ct, W1, b1, Wc, bc, Wct, bct, Wo, bo):
    # self.lin: Linear(n_in, n_hid) + ReLU (dropout=0 is identity)
    h = jax.nn.relu(X @ W1 + b1)                       # [N, 32]
    # attn1 with use_softmax: per-segment softmax of w_c scores
    s = (h @ Wc + bc)[:, 0]                            # [N]
    w_c = _segment_softmax(s, batch, CT_SIZE)          # [N]
    # global_add_pool with size=ct_size, then reshape(-1, n_ct, n_in1)
    pooled = jax.ops.segment_sum(h * w_c[:, None], batch, num_segments=CT_SIZE)
    Xr = pooled.reshape(-1, N_CT, N_HID)               # [500, 16, 32]
    # lin2 is empty (n_layers_lin2=0)
    # attn2 with softmax over dim=1
    w_ct = jax.nn.softmax(Xr @ Wct + bct, axis=1)      # [500, 16, 1]
    Xs = jnp.sum(Xr * w_ct, axis=1)                    # [500, 32]
    out = Xs @ Wo + bo                                 # [500, 1]
    out = out + 0.0 * (ct_size + n_ct - (CT_SIZE + N_CT))
    return out

if __name__ == "__main__":
    import jax
    _d = setup_inputs()
    print(jax.jit(kernel)(*tuple(_d.values())))

</pallas_src>

<mosaic_0001>
#map = affine_map<(d0, d1) -> (0, 0)>
#map1 = affine_map<(d0, d1) -> (0, 0, 0)>
module attributes {stable_mosaic.version = 14 : i64} {
  func.func @_stage_b(%arg0: i32, %arg1: i32, %arg2: memref<160000x48xf32, #tpu.memory_space<hbm>>, %arg3: memref<2560x125xi32, #tpu.memory_space<hbm>>, %arg4: memref<2x8000x48xf32, #tpu.memory_space<hbm>>, %arg5: memref<2x1000x48xf32, #tpu.memory_space<vmem>>, %arg6: memref<2x8x125xi32, #tpu.memory_space<vmem>>, %arg7: memref<8000x48xf32, #tpu.memory_space<vmem_shared>>, %arg8: memref<!tpu.dma_semaphore, #tpu.memory_space<semaphore_mem>>, %arg9: memref<!tpu.dma_semaphore, #tpu.memory_space<semaphore_mem>>) attributes {dimension_semantics = [#tpu.dimension_semantics<core_parallel>, #tpu.dimension_semantics<subcore_parallel>], iteration_bounds = array<i64: 2, 16>, scalar_prefetch = 0 : i64, scratch_operands = 5 : i64, tpu.core_type = #tpu.core_type<sc_vector_subcore>, window_params = [{transform_indices = #map}, {transform_indices = #map}, {transform_indices = #map1}]} {
    %mul3A = arith.constant 2 : i32
    %mul3A_0 = arith.muli %arg1, %mul3A : i32
    %add3A = arith.addi %mul3A_0, %arg0 : i32
    %broadcast_in_dim3A = arith.constant 0.000000e+00 : f32
    %broadcast_in_dim3A_1 = vector.broadcast %broadcast_in_dim3A : f32 to vector<16xf32>
    %lt3A = arith.constant 8 : i32
    %lt3A_2 = arith.cmpi slt, %arg1, %lt3A : i32
    %convert_element_type3A = arith.extui %lt3A_2 : i1 to i32
    %cond3A = arith.constant 0 : i32
    %cond3A_3 = arith.cmpi ne, %convert_element_type3A, %cond3A : i32
    scf.if %cond3A_3 {
      %scan3A = arith.constant 0 : i32
      %scan3A_1334 = arith.constant 0 : i32
      %scan3A_1335 = arith.constant 1000 : i32
      %scan3A_1336 = arith.addi %scan3A_1334, %scan3A_1335 : i32
      %scan3A_1337 = arith.constant 1 : i32
      scf.for %scan3A_1341 = %scan3A_1334 to %scan3A_1336 step %scan3A_1337  : i32 {
        %swap3A = arith.constant 0 : i32
        %swap3A_1342 = arith.index_cast %swap3A : i32 to index
        %swap3A_1343 = arith.index_cast %scan3A_1341 : i32 to index
        %swap3A_1344 = arith.constant 0 : index
        %swap3A_1345 = tpu.vector_load %arg5[%swap3A_1342, %swap3A_1343, %swap3A_1344] {strides = array<i32>} : memref<2x1000x48xf32, #tpu.memory_space<vmem>>, vector<1x1x16xf32>,
        %swap3A_1346 = vector.shape_cast %swap3A_1345 : vector<1x1x16xf32> to vector<16xf32>
        %swap3A_1347 = vector.shape_cast %broadcast_in_dim3A_1 : vector<16xf32> to vector<1x1x16xf32>
        tpu.vector_store %arg5[%swap3A_1342, %swap3A_1343, %swap3A_1344], %swap3A_1347 {strides = array<i32>} : memref<2x1000x48xf32, #tpu.memory_space<vmem>>, vector<1x1x16xf32>,
        %swap3A_1348 = arith.constant 0 : i32
        %swap3A_1349 = arith.index_cast %swap3A_1348 : i32 to index
        %swap3A_1350 = arith.index_cast %scan3A_1341 : i32 to index
        %swap3A_1351 = arith.constant 16 : index
        %swap3A_1352 = tpu.vector_load %arg5[%swap3A_1349, %swap3A_1350, %swap3A_1351] {strides = array<i32>} : memref<2x1000x48xf32, #tpu.memory_space<vmem>>, vector<1x1x16xf32>,
        %swap3A_1353 = vector.shape_cast %swap3A_1352 : vector<1x1x16xf32> to vector<16xf32>
        %swap3A_1354 = vector.shape_cast %broadcast_in_dim3A_1 : vector<16xf32> to vector<1x1x16xf32>
        tpu.vector_store %arg5[%swap3A_1349, %swap3A_1350, %swap3A_1351], %swap3A_1354 {strides = array<i32>} : memref<2x1000x48xf32, #tpu.memory_space<vmem>>, vector<1x1x16xf32>,
        %swap3A_1355 = arith.constant 0 : i32
        %swap3A_1356 = arith.index_cast %swap3A_1355 : i32 to index
        %swap3A_1357 = arith.index_cast %scan3A_1341 : i32 to index
        %swap3A_1358 = arith.constant 32 : index
        %swap3A_1359 = tpu.vector_load %arg5[%swap3A_1356, %swap3A_1357, %swap3A_1358] {strides = array<i32>} : memref<2x1000x48xf32, #tpu.memory_space<vmem>>, vector<1x1x16xf32>,
        %swap3A_1360 = vector.shape_cast %swap3A_1359 : vector<1x1x16xf32> to vector<16xf32>
        %swap3A_1361 = vector.shape_cast %broadcast_in_dim3A_1 : vector<16xf32> to vector<1x1x16xf32>
        tpu.vector_store %arg5[%swap3A_1356, %swap3A_1357, %swap3A_1358], %swap3A_1361 {strides = array<i32>} : memref<2x1000x48xf32, #tpu.memory_space<vmem>>, vector<1x1x16xf32>,
      }
      %scan3A_1338 = arith.constant 1000 : i32
      %mul3A_1339 = arith.constant 1000 : i32
      %mul3A_1340 = arith.muli %arg1, %mul3A_1339 : i32
      %run_scoped3A = arith.constant 0 : i32
      "tpu.region"() ({
        %run_scoped3A_1341 = tpu.sem_alloc : memref<!tpu.dma_semaphore, #tpu.memory_space<semaphore_mem>>
        %dma_start3A_1342 = arith.constant 0 : i32
        %dma_start3A_1343 = arith.constant 0 : i32
        %dma_start3A_1344 = tpu.memref_slice %arg5[%run_scoped3A, %dma_start3A_1342, %dma_start3A_1343] : memref<2x1000x48xf32, #tpu.memory_space<vmem>> -> memref<1x1000x48xf32, #tpu.memory_space<vmem>>
        %dma_start3A_1345 = tpu.memref_squeeze %dma_start3A_1344 : memref<1x1000x48xf32, #tpu.memory_space<vmem>> -> memref<1000x48xf32, #tpu.memory_space<vmem>>
        %dma_start3A_1346 = arith.constant 0 : i32
        %dma_start3A_1347 = tpu.memref_slice %arg7[%mul3A_1340, %dma_start3A_1346] : memref<8000x48xf32, #tpu.memory_space<vmem_shared>> -> memref<1000x48xf32, #tpu.memory_space<vmem_shared>>
        %dma_start3A_1348 = arith.constant 0 : i32
        %dma_start3A_1349 = tpu.memref_slice %arg7[%mul3A_1340, %dma_start3A_1348] : memref<8000x48xf32, #tpu.memory_space<vmem_shared>> -> memref<1000x48xf32, #tpu.memory_space<vmem_shared>>
        %dma_start3A_1350 = arith.constant 0 : i32
        %dma_start3A_1351 = arith.constant 0 : i32
        %dma_start3A_1352 = tpu.memref_slice %arg5[%run_scoped3A, %dma_start3A_1350, %dma_start3A_1351] : memref<2x1000x48xf32, #tpu.memory_space<vmem>> -> memref<1x1000x48xf32, #tpu.memory_space<vmem>>
        %dma_start3A_1353 = tpu.memref_squeeze %dma_start3A_1352 : memref<1x1000x48xf32, #tpu.memory_space<vmem>> -> memref<1000x48xf32, #tpu.memory_space<vmem>>
        tpu.enqueue_dma source(%dma_start3A_1353 : memref<1000x48xf32, #tpu.memory_space<vmem>>) target(%dma_start3A_1349 : memref<1000x48xf32, #tpu.memory_space<vmem_shared>>) target_semaphore(%run_scoped3A_1341 : memref<!tpu.dma_semaphore, #tpu.memory_space<semaphore_mem>>)
        %dma_wait3A_1354 = arith.constant 0 : i32
        %dma_wait3A_1355 = arith.constant 0 : i32
        %dma_wait3A_1356 = tpu.memref_slice %arg5[%run_scoped3A, %dma_wait3A_1354, %dma_wait3A_1355] : memref<2x1000x48xf32, #tpu.memory_space<vmem>> -> memref<1x1000x48xf32, #tpu.memory_space<vmem>>
        %dma_wait3A_1357 = tpu.memref_squeeze %dma_wait3A_1356 : memref<1x1000x48xf32, #tpu.memory_space<vmem>> -> memref<1000x48xf32, #tpu.memory_space<vmem>>
        %dma_wait3A_1358 = arith.constant 0 : i32
        %dma_wait3A_1359 = tpu.memref_slice %arg7[%mul3A_1340, %dma_wait3A_1358] : memref<8000x48xf32, #tpu.memory_space<vmem_shared>> -> memref<1000x48xf32, #tpu.memory_space<vmem_shared>>
        %dma_wait3A_1360 = arith.constant 0 : i32
        %dma_wait3A_1361 = tpu.memref_slice %arg7[%mul3A_1340, %dma_wait3A_1360] : memref<8000x48xf32, #tpu.memory_space<vmem_shared>> -> memref<1000x48xf32, #tpu.memory_space<vmem_shared>>
        %dma_wait3A_1362 = arith.constant 0 : i32
        %dma_wait3A_1363 = arith.constant 0 : i32
        %dma_wait3A_1364 = tpu.memref_slice %arg5[%run_scoped3A, %dma_wait3A_1362, %dma_wait3A_1363] : memref<2x1000x48xf32, #tpu.memory_space<vmem>> -> memref<1x1000x48xf32, #tpu.memory_space<vmem>>
        %dma_wait3A_1365 = tpu.memref_squeeze %dma_wait3A_1364 : memref<1x1000x48xf32, #tpu.memory_space<vmem>> -> memref<1000x48xf32, #tpu.memory_space<vmem>>
        tpu.wait_dma2 semaphore(%run_scoped3A_1341 : memref<!tpu.dma_semaphore, #tpu.memory_space<semaphore_mem>>) src(%dma_wait3A_1365 : memref<1000x48xf32, #tpu.memory_space<vmem>>) dst(%dma_wait3A_1361 : memref<1000x48xf32, #tpu.memory_space<vmem_shared>>)
        tpu.yield
      }) : () -> ()
    } else {
    }
    %barrier3A = arith.constant 0 : index
    tpu.barrier barrier_id(%barrier3A)
    %mul3A_4 = arith.constant 5000 : i32
    %mul3A_5 = arith.muli %add3A, %mul3A_4 : i32
    %mul3A_6 = arith.constant 40 : i32
    %mul3A_7 = arith.muli %add3A, %mul3A_6 : i32
    %add3A_8 = arith.constant 1280 : i32
    %add3A_9 = arith.addi %add3A_8, %mul3A_7 : i32
    %add3A_10 = arith.constant 0 : i32
    %add3A_11 = arith.addi %mul3A_5, %add3A_10 : i32
    %dma_start3A = arith.constant 0 : i32
    %dma_start3A_12 = arith.constant 0 : i32
    %dma_start3A_13 = arith.constant 0 : i32
    %dma_start3A_14 = tpu.memref_slice %arg5[%dma_start3A, %dma_start3A_12, %dma_start3A_13] : memref<2x1000x48xf32, #tpu.memory_space<vmem>> -> memref<1x1000x48xf32, #tpu.memory_space<vmem>>
    %dma_start3A_15 = tpu.memref_squeeze %dma_start3A_14 : memref<1x1000x48xf32, #tpu.memory_space<vmem>> -> memref<1000x48xf32, #tpu.memory_space<vmem>>
    %dma_start3A_16 = arith.constant 0 : i32
    %dma_start3A_17 = tpu.memref_slice %arg2[%add3A_11, %dma_start3A_16] : memref<160000x48xf32, #tpu.memory_space<hbm>> -> memref<1000x48xf32, #tpu.memory_space<hbm>>
    %dma_start3A_18 = arith.constant 0 : i32
    %dma_start3A_19 = arith.constant 0 : i32
    %dma_start3A_20 = tpu.memref_slice %arg5[%dma_start3A, %dma_start3A_18, %dma_start3A_19] : memref<2x1000x48xf32, #tpu.memory_space<vmem>> -> memref<1x1000x48xf32, #tpu.memory_space<vmem>>
    %dma_start3A_21 = tpu.memref_squeeze %dma_start3A_20 : memref<1x1000x48xf32, #tpu.memory_space<vmem>> -> memref<1000x48xf32, #tpu.memory_space<vmem>>
    %dma_start3A_22 = arith.constant 0 : i32
    %dma_start3A_23 = tpu.memref_slice %arg2[%add3A_11, %dma_start3A_22] : memref<160000x48xf32, #tpu.memory_space<hbm>> -> memref<1000x48xf32, #tpu.memory_space<hbm>>
    tpu.enqueue_dma source(%dma_start3A_23 : memref<1000x48xf32, #tpu.memory_space<hbm>>) target(%dma_start3A_21 : memref<1000x48xf32, #tpu.memory_space<vmem>>) target_semaphore(%arg8 : memref<!tpu.dma_semaphore, #tpu.memory_space<semaphore_mem>>)
    %add3A_24 = arith.constant 0 : i32
    %add3A_25 = arith.addi %add3A_9, %add3A_24 : i32
    %dma_start3A_26 = arith.constant 0 : i32
    %dma_start3A_27 = arith.constant 0 : i32
    %dma_start3A_28 = arith.constant 0 : i32
    %dma_start3A_29 = tpu.memref_slice %arg6[%dma_start3A_26, %dma_start3A_27, %dma_start3A_28] : memref<2x8x125xi32, #tpu.memory_space<vmem>> -> memref<1x8x125xi32, #tpu.memory_space<vmem>>
    %dma_start3A_30 = tpu.memref_squeeze %dma_start3A_29 : memref<1x8x125xi32, #tpu.memory_space<vmem>> -> memref<8x125xi32, #tpu.memory_space<vmem>>
    %dma_start3A_31 = arith.constant 0 : i32
    %dma_start3A_32 = tpu.memref_slice %arg3[%add3A_25, %dma_start3A_31] : memref<2560x125xi32, #tpu.memory_space<hbm>> -> memref<8x125xi32, #tpu.memory_space<hbm>>
    %dma_start3A_33 = arith.constant 0 : i32
    %dma_start3A_34 = arith.constant 0 : i32
    %dma_start3A_35 = tpu.memref_slice %arg6[%dma_start3A_26, %dma_start3A_33, %dma_start3A_34] : memref<2x8x125xi32, #tpu.memory_space<vmem>> -> memref<1x8x125xi32, #tpu.memory_space<vmem>>
    %dma_start3A_36 = tpu.memref_squeeze %dma_start3A_35 : memref<1x8x125xi32, #tpu.memory_space<vmem>> -> memref<8x125xi32, #tpu.memory_space<vmem>>
    %dma_start3A_37 = arith.constant 0 : i32
    %dma_start3A_38 = tpu.memref_slice %arg3[%add3A_25, %dma_start3A_37] : memref<2560x125xi32, #tpu.memory_space<hbm>> -> memref<8x125xi32, #tpu.memory_space<hbm>>
    tpu.enqueue_dma source(%dma_start3A_38 : memref<8x125xi32, #tpu.memory_space<hbm>>) target(%dma_start3A_36 : memref<8x125xi32, #tpu.memory_space<vmem>>) target_semaphore(%arg8 : memref<!tpu.dma_semaphore, #tpu.memory_space<semaphore_mem>>)
    %add3A_39 = arith.constant 1000 : i32
    %add3A_40 = arith.addi %mul3A_5, %add3A_39 : i32
    %dma_start3A_41 = arith.constant 1 : i32
    %dma_start3A_42 = arith.constant 0 : i32
    %dma_start3A_43 = arith.constant 0 : i32
    %dma_start3A_44 = tpu.memref_slice %arg5[%dma_start3A_41, %dma_start3A_42, %dma_start3A_43] : memref<2x1000x48xf32, #tpu.memory_space<vmem>> -> memref<1x1000x48xf32, #tpu.memory_space<vmem>>
    %dma_start3A_45 = tpu.memref_squeeze %dma_start3A_44 : memref<1x1000x48xf32, #tpu.memory_space<vmem>> -> memref<1000x48xf32, #tpu.memory_space<vmem>>
    %dma_start3A_46 = arith.constant 0 : i32
    %dma_start3A_47 = tpu.memref_slice %arg2[%add3A_40, %dma_start3A_46] : memref<160000x48xf32, #tpu.memory_space<hbm>> -> memref<1000x48xf32, #tpu.memory_space<hbm>>
    %dma_start3A_48 = arith.constant 0 : i32
    %dma_start3A_49 = arith.constant 0 : i32
    %dma_start3A_50 = tpu.memref_slice %arg5[%dma_start3A_41, %dma_start3A_48, %dma_start3A_49] : memref<2x1000x48xf32, #tpu.memory_space<vmem>> -> memref<1x1000x48xf32, #tpu.memory_space<vmem>>
    %dma_start3A_51 = tpu.memref_squeeze %dma_start3A_50 : memref<1x1000x48xf32, #tpu.memory_space<vmem>> -> memref<1000x48xf32, #tpu.memory_space<vmem>>
    %dma_start3A_52 = arith.constant 0 : i32
    %dma_start3A_53 = tpu.memref_slice %arg2[%add3A_40, %dma_start3A_52] : memref<160000x48xf32, #tpu.memory_space<hbm>> -> memref<1000x48xf32, #tpu.memory_space<hbm>>
    tpu.enqueue_dma source(%dma_start3A_53 : memref<1000x48xf32, #tpu.memory_space<hbm>>) target(%dma_start3A_51 : memref<1000x48xf32, #tpu.memory_space<vmem>>) target_semaphore(%arg8 : memref<!tpu.dma_semaphore, #tpu.memory_space<semaphore_mem>>)
    %add3A_54 = arith.constant 8 : i32
    %add3A_55 = arith.addi %add3A_9, %add3A_54 : i32
    %dma_start3A_56 = arith.constant 1 : i32
    %dma_start3A_57 = arith.constant 0 : i32
    %dma_start3A_58 = arith.constant 0 : i32
    %dma_start3A_59 = tpu.memref_slice %arg6[%dma_start3A_56, %dma_start3A_57, %dma_start3A_58] : memref<2x8x125xi32, #tpu.memory_space<vmem>> -> memref<1x8x125xi32, #tpu.memory_space<vmem>>
    %dma_start3A_60 = tpu.memref_squeeze %dma_start3A_59 : memref<1x8x125xi32, #tpu.memory_space<vmem>> -> memref<8x125xi32, #tpu.memory_space<vmem>>
    %dma_start3A_61 = arith.constant 0 : i32
    %dma_start3A_62 = tpu.memref_slice %arg3[%add3A_55, %dma_start3A_61] : memref<2560x125xi32, #tpu.memory_space<hbm>> -> memref<8x125xi32, #tpu.memory_space<hbm>>
    %dma_start3A_63 = arith.constant 0 : i32
    %dma_start3A_64 = arith.constant 0 : i32
    %dma_start3A_65 = tpu.memref_slice %arg6[%dma_start3A_56, %dma_start3A_63, %dma_start3A_64] : memref<2x8x125xi32, #tpu.memory_space<vmem>> -> memref<1x8x125xi32, #tpu.memory_space<vmem>>
    %dma_start3A_66 = tpu.memref_squeeze %dma_start3A_65 : memref<1x8x125xi32, #tpu.memory_space<vmem>> -> memref<8x125xi32, #tpu.memory_space<vmem>>
    %dma_start3A_67 = arith.constant 0 : i32
    %dma_start3A_68 = tpu.memref_slice %arg3[%add3A_55, %dma_start3A_67] : memref<2560x125xi32, #tpu.memory_space<hbm>> -> memref<8x125xi32, #tpu.memory_space<hbm>>
    tpu.enqueue_dma source(%dma_start3A_68 : memref<8x125xi32, #tpu.memory_space<hbm>>) target(%dma_start3A_66 : memref<8x125xi32, #tpu.memory_space<vmem>>) target_semaphore(%arg8 : memref<!tpu.dma_semaphore, #tpu.memory_space<semaphore_mem>>)
    %dma_wait3A = arith.constant 0 : i32
    %dma_wait3A_69 = arith.constant 0 : i32
    %dma_wait3A_70 = arith.constant 0 : i32
    %dma_wait3A_71 = tpu.memref_slice %arg5[%dma_wait3A, %dma_wait3A_69, %dma_wait3A_70] : memref<2x1000x48xf32, #tpu.memory_space<vmem>> -> memref<1x1000x48xf32, #tpu.memory_space<vmem>>
    %dma_wait3A_72 = tpu.memref_squeeze %dma_wait3A_71 : memref<1x1000x48xf32, #tpu.memory_space<vmem>> -> memref<1000x48xf32, #tpu.memory_space<vmem>>
    %dma_wait3A_73 = arith.constant 0 : i32
    %dma_wait3A_74 = tpu.memref_slice %arg2[%add3A_11, %dma_wait3A_73] : memref<160000x48xf32, #tpu.memory_space<hbm>> -> memref<1000x48xf32, #tpu.memory_space<hbm>>
    %dma_wait3A_75 = arith.constant 0 : i32
    %dma_wait3A_76 = arith.constant 0 : i32
    %dma_wait3A_77 = tpu.memref_slice %arg5[%dma_wait3A, %dma_wait3A_75, %dma_wait3A_76] : memref<2x1000x48xf32, #tpu.memory_space<vmem>> -> memref<1x1000x48xf32, #tpu.memory_space<vmem>>
    %dma_wait3A_78 = tpu.memref_squeeze %dma_wait3A_77 : memref<1x1000x48xf32, #tpu.memory_space<vmem>> -> memref<1000x48xf32, #tpu.memory_space<vmem>>
    %dma_wait3A_79 = arith.constant 0 : i32
    %dma_wait3A_80 = tpu.memref_slice %arg2[%add3A_11, %dma_wait3A_79] : memref<160000x48xf32, #tpu.memory_space<hbm>> -> memref<1000x48xf32, #tpu.memory_space<hbm>>
    tpu.wait_dma2 semaphore(%arg8 : memref<!tpu.dma_semaphore, #tpu.memory_space<semaphore_mem>>) src(%dma_wait3A_80 : memref<1000x48xf32, #tpu.memory_space<hbm>>) dst(%dma_wait3A_78 : memref<1000x48xf32, #tpu.memory_space<vmem>>)
    %dma_wait3A_81 = arith.constant 0 : i32
    %dma_wait3A_82 = arith.constant 0 : i32
    %dma_wait3A_83 = arith.constant 0 : i32
    %dma_wait3A_84 = tpu.memref_slice %arg6[%dma_wait3A_81, %dma_wait3A_82, %dma_wait3A_83] : memref<2x8x125xi32, #tpu.memory_space<vmem>> -> memref<1x8x125xi32, #tpu.memory_space<vmem>>
    %dma_wait3A_85 = tpu.memref_squeeze %dma_wait3A_84 : memref<1x8x125xi32, #tpu.memory_space<vmem>> -> memref<8x125xi32, #tpu.memory_space<vmem>>
    %dma_wait3A_86 = arith.constant 0 : i32
    %dma_wait3A_87 = tpu.memref_slice %arg3[%add3A_25, %dma_wait3A_86] : memref<2560x125xi32, #tpu.memory_space<hbm>> -> memref<8x125xi32, #tpu.memory_space<hbm>>
    %dma_wait3A_88 = arith.constant 0 : i32
    %dma_wait3A_89 = arith.constant 0 : i32
    %dma_wait3A_90 = tpu.memref_slice %arg6[%dma_wait3A_81, %dma_wait3A_88, %dma_wait3A_89] : memref<2x8x125xi32, #tpu.memory_space<vmem>> -> memref<1x8x125xi32, #tpu.memory_space<vmem>>
    %dma_wait3A_91 = tpu.memref_squeeze %dma_wait3A_90 : memref<1x8x125xi32, #tpu.memory_space<vmem>> -> memref<8x125xi32, #tpu.memory_space<vmem>>
    %dma_wait3A_92 = arith.constant 0 : i32
    %dma_wait3A_93 = tpu.memref_slice %arg3[%add3A_25, %dma_wait3A_92] : memref<2560x125xi32, #tpu.memory_space<hbm>> -> memref<8x125xi32, #tpu.memory_space<hbm>>
    tpu.wait_dma2 semaphore(%arg8 : memref<!tpu.dma_semaphore, #tpu.memory_space<semaphore_mem>>) src(%dma_wait3A_93 : memref<8x125xi32, #tpu.memory_space<hbm>>) dst(%dma_wait3A_91 : memref<8x125xi32, #tpu.memory_space<vmem>>)
    %dma_start3A_94 = arith.constant 0 : i32
    %dma_start3A_95 = arith.constant 0 : i32
    %dma_start3A_96 = arith.constant 0 : i32
    %dma_start3A_97 = arith.constant 0 : i32
    %dma_start3A_98 = arith.constant 0 : i32
    %dma_start3A_99 = tpu.memref_slice %arg5[%dma_start3A_94, %dma_start3A_97, %dma_start3A_98] : memref<2x1000x48xf32, #tpu.memory_space<vmem>> -> memref<1x125x48xf32, #tpu.memory_space<vmem>>
    %dma_start3A_100 = tpu.memref_squeeze %dma_start3A_99 : memref<1x125x48xf32, #tpu.memory_space<vmem>> -> memref<125x48xf32, #tpu.memory_space<vmem>>
    %dma_start3A_101 = arith.constant 0 : i32
    %dma_start3A_102 = tpu.memref_slice %arg6[%dma_start3A_95, %dma_start3A_96, %dma_start3A_101] : memref<2x8x125xi32, #tpu.memory_space<vmem>> -> memref<1x1x125xi32, #tpu.memory_space<vmem>>
    %dma_start3A_103 = tpu.memref_squeeze %dma_start3A_102 : memref<1x1x125xi32, #tpu.memory_space<vmem>> -> memref<125xi32, #tpu.memory_space<vmem>>
    %dma_start3A_104 = arith.constant 0 : i32
    %dma_start3A_105 = arith.constant 0 : i32
    %dma_start3A_106 = tpu.memref_slice %arg7[%dma_start3A_104, %dma_start3A_105] : memref<8000x48xf32, #tpu.memory_space<vmem_shared>> -> memref<8000x48xf32, #tpu.memory_space<vmem_shared>>
    tpu.enqueue_indirect_dma source(%dma_start3A_100 : memref<125x48xf32, #tpu.memory_space<vmem>>) target(%dma_start3A_106 : memref<8000x48xf32, #tpu.memory_space<vmem_shared>>) offsets(%dma_start3A_103 : memref<125xi32, #tpu.memory_space<vmem>>) semaphore(%arg9 : memref<!tpu.dma_semaphore, #tpu.memory_space<semaphore_mem>>) {add = true}
    %dma_start3A_107 = arith.constant 0 : i32
    %dma_start3A_108 = arith.constant 0 : i32
    %dma_start3A_109 = arith.constant 1 : i32
    %dma_start3A_110 = arith.constant 125 : i32
    %dma_start3A_111 = arith.constant 0 : i32
    %dma_start3A_112 = tpu.memref_slice %arg5[%dma_start3A_107, %dma_start3A_110, %dma_start3A_111] : memref<2x1000x48xf32, #tpu.memory_space<vmem>> -> memref<1x125x48xf32, #tpu.memory_space<vmem>>
    %dma_start3A_113 = tpu.memref_squeeze %dma_start3A_112 : memref<1x125x48xf32, #tpu.memory_space<vmem>> -> memref<125x48xf32, #tpu.memory_space<vmem>>
    %dma_start3A_114 = arith.constant 0 : i32
    %dma_start3A_115 = tpu.memref_slice %arg6[%dma_start3A_108, %dma_start3A_109, %dma_start3A_114] : memref<2x8x125xi32, #tpu.memory_space<vmem>> -> memref<1x1x125xi32, #tpu.memory_space<vmem>>
    %dma_start3A_116 = tpu.memref_squeeze %dma_start3A_115 : memref<1x1x125xi32, #tpu.memory_space<vmem>> -> memref<125xi32, #tpu.memory_space<vmem>>
    %dma_start3A_117 = arith.constant 0 : i32
    %dma_start3A_118 = arith.constant 0 : i32
    %dma_start3A_119 = tpu.memref_slice %arg7[%dma_start3A_117, %dma_start3A_118] : memref<8000x48xf32, #tpu.memory_space<vmem_shared>> -> memref<8000x48xf32, #tpu.memory_space<vmem_shared>>
    tpu.enqueue_indirect_dma source(%dma_start3A_113 : memref<125x48xf32, #tpu.memory_space<vmem>>) target(%dma_start3A_119 : memref<8000x48xf32, #tpu.memory_space<vmem_shared>>) offsets(%dma_start3A_116 : memref<125xi32, #tpu.memory_space<vmem>>) semaphore(%arg9 : memref<!tpu.dma_semaphore, #tpu.memory_space<semaphore_mem>>) {add = true}
    %dma_start3A_120 = arith.constant 0 : i32
    %dma_start3A_121 = arith.constant 0 : i32
    %dma_start3A_122 = arith.constant 2 : i32
    %dma_start3A_123 = arith.constant 250 : i32
    %dma_start3A_124 = arith.constant 0 : i32
    %dma_start3A_125 = tpu.memref_slice %arg5[%dma_start3A_120, %dma_start3A_123, %dma_start3A_124] : memref<2x1000x48xf32, #tpu.memory_space<vmem>> -> memref<1x125x48xf32, #tpu.memory_space<vmem>>
    %dma_start3A_126 = tpu.memref_squeeze %dma_start3A_125 : memref<1x125x48xf32, #tpu.memory_space<vmem>> -> memref<125x48xf32, #tpu.memory_space<vmem>>
    %dma_start3A_127 = arith.constant 0 : i32
    %dma_start3A_128 = tpu.memref_slice %arg6[%dma_start3A_121, %dma_start3A_122, %dma_start3A_127] : memref<2x8x125xi32, #tpu.memory_space<vmem>> -> memref<1x1x125xi32, #tpu.memory_space<vmem>>
    %dma_start3A_129 = tpu.memref_squeeze %dma_start3A_128 : memref<1x1x125xi32, #tpu.memory_space<vmem>> -> memref<125xi32, #tpu.memory_space<vmem>>
    %dma_start3A_130 = arith.constant 0 : i32
    %dma_start3A_131 = arith.constant 0 : i32
    %dma_start3A_132 = tpu.memref_slice %arg7[%dma_start3A_130, %dma_start3A_131] : memref<8000x48xf32, #tpu.memory_space<vmem_shared>> -> memref<8000x48xf32, #tpu.memory_space<vmem_shared>>
    tpu.enqueue_indirect_dma source(%dma_start3A_126 : memref<125x48xf32, #tpu.memory_space<vmem>>) target(%dma_start3A_132 : memref<8000x48xf32, #tpu.memory_space<vmem_shared>>) offsets(%dma_start3A_129 : memref<125xi32, #tpu.memory_space<vmem>>) semaphore(%arg9 : memref<!tpu.dma_semaphore, #tpu.memory_space<semaphore_mem>>) {add = true}
    %dma_start3A_133 = arith.constant 0 : i32
    %dma_start3A_134 = arith.constant 0 : i32
    %dma_start3A_135 = arith.constant 3 : i32
    %dma_start3A_136 = arith.constant 375 : i32
    %dma_start3A_137 = arith.constant 0 : i32
    %dma_start3A_138 = tpu.memref_slice %arg5[%dma_start3A_133, %dma_start3A_136, %dma_start3A_137] : memref<2x1000x48xf32, #tpu.memory_space<vmem>> -> memref<1x125x48xf32, #tpu.memory_space<vmem>>
    %dma_start3A_139 = tpu.memref_squeeze %dma_start3A_138 : memref<1x125x48xf32, #tpu.memory_space<vmem>> -> memref<125x48xf32, #tpu.memory_space<vmem>>
    %dma_start3A_140 = arith.constant 0 : i32
    %dma_start3A_141 = tpu.memref_slice %arg6[%dma_start3A_134, %dma_start3A_135, %dma_start3A_140] : memref<2x8x125xi32, #tpu.memory_space<vmem>> -> memref<1x1x125xi32, #tpu.memory_space<vmem>>
    %dma_start3A_142 = tpu.memref_squeeze %dma_start3A_141 : memref<1x1x125xi32, #tpu.memory_space<vmem>> -> memref<125xi32, #tpu.memory_space<vmem>>
    %dma_start3A_143 = arith.constant 0 : i32
    %dma_start3A_144 = arith.constant 0 : i32
    %dma_start3A_145 = tpu.memref_slice %arg7[%dma_start3A_143, %dma_start3A_144] : memref<8000x48xf32, #tpu.memory_space<vmem_shared>> -> memref<8000x48xf32, #tpu.memory_space<vmem_shared>>
    tpu.enqueue_indirect_dma source(%dma_start3A_139 : memref<125x48xf32, #tpu.memory_space<vmem>>) target(%dma_start3A_145 : memref<8000x48xf32, #tpu.memory_space<vmem_shared>>) offsets(%dma_start3A_142 : memref<125xi32, #tpu.memory_space<vmem>>) semaphore(%arg9 : memref<!tpu.dma_semaphore, #tpu.memory_space<semaphore_mem>>) {add = true}
    %dma_start3A_146 = arith.constant 0 : i32
    %dma_start3A_147 = arith.constant 0 : i32
    %dma_start3A_148 = arith.constant 4 : i32
    %dma_start3A_149 = arith.constant 500 : i32
    %dma_start3A_150 = arith.constant 0 : i32
    %dma_start3A_151 = tpu.memref_slice %arg5[%dma_start3A_146, %dma_start3A_149, %dma_start3A_150] : memref<2x1000x48xf32, #tpu.memory_space<vmem>> -> memref<1x125x48xf32, #tpu.memory_space<vmem>>
    %dma_start3A_152 = tpu.memref_squeeze %dma_start3A_151 : memref<1x125x48xf32, #tpu.memory_space<vmem>> -> memref<125x48xf32, #tpu.memory_space<vmem>>
    %dma_start3A_153 = arith.constant 0 : i32
    %dma_start3A_154 = tpu.memref_slice %arg6[%dma_start3A_147, %dma_start3A_148, %dma_start3A_153] : memref<2x8x125xi32, #tpu.memory_space<vmem>> -> memref<1x1x125xi32, #tpu.memory_space<vmem>>
    %dma_start3A_155 = tpu.memref_squeeze %dma_start3A_154 : memref<1x1x125xi32, #tpu.memory_space<vmem>> -> memref<125xi32, #tpu.memory_space<vmem>>
    %dma_start3A_156 = arith.constant 0 : i32
    %dma_start3A_157 = arith.constant 0 : i32
    %dma_start3A_158 = tpu.memref_slice %arg7[%dma_start3A_156, %dma_start3A_157] : memref<8000x48xf32, #tpu.memory_space<vmem_shared>> -> memref<8000x48xf32, #tpu.memory_space<vmem_shared>>
    tpu.enqueue_indirect_dma source(%dma_start3A_152 : memref<125x48xf32, #tpu.memory_space<vmem>>) target(%dma_start3A_158 : memref<8000x48xf32, #tpu.memory_space<vmem_shared>>) offsets(%dma_start3A_155 : memref<125xi32, #tpu.memory_space<vmem>>) semaphore(%arg9 : memref<!tpu.dma_semaphore, #tpu.memory_space<semaphore_mem>>) {add = true}
    %dma_start3A_159 = arith.constant 0 : i32
    %dma_start3A_160 = arith.constant 0 : i32
    %dma_start3A_161 = arith.constant 5 : i32
    %dma_start3A_162 = arith.constant 625 : i32
    %dma_start3A_163 = arith.constant 0 : i32
    %dma_start3A_164 = tpu.memref_slice %arg5[%dma_start3A_159, %dma_start3A_162, %dma_start3A_163] : memref<2x1000x48xf32, #tpu.memory_space<vmem>> -> memref<1x125x48xf32, #tpu.memory_space<vmem>>
    %dma_start3A_165 = tpu.memref_squeeze %dma_start3A_164 : memref<1x125x48xf32, #tpu.memory_space<vmem>> -> memref<125x48xf32, #tpu.memory_space<vmem>>
    %dma_start3A_166 = arith.constant 0 : i32
    %dma_start3A_167 = tpu.memref_slice %arg6[%dma_start3A_160, %dma_start3A_161, %dma_start3A_166] : memref<2x8x125xi32, #tpu.memory_space<vmem>> -> memref<1x1x125xi32, #tpu.memory_space<vmem>>
    %dma_start3A_168 = tpu.memref_squeeze %dma_start3A_167 : memref<1x1x125xi32, #tpu.memory_space<vmem>> -> memref<125xi32, #tpu.memory_space<vmem>>
    %dma_start3A_169 = arith.constant 0 : i32
    %dma_start3A_170 = arith.constant 0 : i32
    %dma_start3A_171 = tpu.memref_slice %arg7[%dma_start3A_169, %dma_start3A_170] : memref<8000x48xf32, #tpu.memory_space<vmem_shared>> -> memref<8000x48xf32, #tpu.memory_space<vmem_shared>>
    tpu.enqueue_indirect_dma source(%dma_start3A_165 : memref<125x48xf32, #tpu.memory_space<vmem>>) target(%dma_start3A_171 : memref<8000x48xf32, #tpu.memory_space<vmem_shared>>) offsets(%dma_start3A_168 : memref<125xi32, #tpu.memory_space<vmem>>) semaphore(%arg9 : memref<!tpu.dma_semaphore, #tpu.memory_space<semaphore_mem>>) {add = true}
    %dma_start3A_172 = arith.constant 0 : i32
    %dma_start3A_173 = arith.constant 0 : i32
    %dma_start3A_174 = arith.constant 6 : i32
    %dma_start3A_175 = arith.constant 750 : i32
    %dma_start3A_176 = arith.constant 0 : i32
    %dma_start3A_177 = tpu.memref_slice %arg5[%dma_start3A_172, %dma_start3A_175, %dma_start3A_176] : memref<2x1000x48xf32, #tpu.memory_space<vmem>> -> memref<1x125x48xf32, #tpu.memory_space<vmem>>
    %dma_start3A_178 = tpu.memref_squeeze %dma_start3A_177 : memref<1x125x48xf32, #tpu.memory_space<vmem>> -> memref<125x48xf32, #tpu.memory_space<vmem>>
    %dma_start3A_179 = arith.constant 0 : i32
    %dma_start3A_180 = tpu.memref_slice %arg6[%dma_start3A_173, %dma_start3A_174, %dma_start3A_179] : memref<2x8x125xi32, #tpu.memory_space<vmem>> -> memref<1x1x125xi32, #tpu.memory_space<vmem>>
    %dma_start3A_181 = tpu.memref_squeeze %dma_start3A_180 : memref<1x1x125xi32, #tpu.memory_space<vmem>> -> memref<125xi32, #tpu.memory_space<vmem>>
    %dma_start3A_182 = arith.constant 0 : i32
    %dma_start3A_183 = arith.constant 0 : i32
    %dma_start3A_184 = tpu.memref_slice %arg7[%dma_start3A_182, %dma_start3A_183] : memref<8000x48xf32, #tpu.memory_space<vmem_shared>> -> memref<8000x48xf32, #tpu.memory_space<vmem_shared>>
    tpu.enqueue_indirect_dma source(%dma_start3A_178 : memref<125x48xf32, #tpu.memory_space<vmem>>) target(%dma_start3A_184 : memref<8000x48xf32, #tpu.memory_space<vmem_shared>>) offsets(%dma_start3A_181 : memref<125xi32, #tpu.memory_space<vmem>>) semaphore(%arg9 : memref<!tpu.dma_semaphore, #tpu.memory_space<semaphore_mem>>) {add = true}
    %dma_start3A_185 = arith.constant 0 : i32
    %dma_start3A_186 = arith.constant 0 : i32
    %dma_start3A_187 = arith.constant 7 : i32
    %dma_start3A_188 = arith.constant 875 : i32
    %dma_start3A_189 = arith.constant 0 : i32
    %dma_start3A_190 = tpu.memref_slice %arg5[%dma_start3A_185, %dma_start3A_188, %dma_start3A_189] : memref<2x1000x48xf32, #tpu.memory_space<vmem>> -> memref<1x125x48xf32, #tpu.memory_space<vmem>>
    %dma_start3A_191 = tpu.memref_squeeze %dma_start3A_190 : memref<1x125x48xf32, #tpu.memory_space<vmem>> -> memref<125x48xf32, #tpu.memory_space<vmem>>
    %dma_start3A_192 = arith.constant 0 : i32
    %dma_start3A_193 = tpu.memref_slice %arg6[%dma_start3A_186, %dma_start3A_187, %dma_start3A_192] : memref<2x8x125xi32, #tpu.memory_space<vmem>> -> memref<1x1x125xi32, #tpu.memory_space<vmem>>
    %dma_start3A_194 = tpu.memref_squeeze %dma_start3A_193 : memref<1x1x125xi32, #tpu.memory_space<vmem>> -> memref<125xi32, #tpu.memory_space<vmem>>
    %dma_start3A_195 = arith.constant 0 : i32
    %dma_start3A_196 = arith.constant 0 : i32
    %dma_start3A_197 = tpu.memref_slice %arg7[%dma_start3A_195, %dma_start3A_196] : memref<8000x48xf32, #tpu.memory_space<vmem_shared>> -> memref<8000x48xf32, #tpu.memory_space<vmem_shared>>
    tpu.enqueue_indirect_dma source(%dma_start3A_191 : memref<125x48xf32, #tpu.memory_space<vmem>>) target(%dma_start3A_197 : memref<8000x48xf32, #tpu.memory_space<vmem_shared>>) offsets(%dma_start3A_194 : memref<125xi32, #tpu.memory_space<vmem>>) semaphore(%arg9 : memref<!tpu.dma_semaphore, #tpu.memory_space<semaphore_mem>>) {add = true}
    %dma_wait3A_198 = arith.constant 0 : i32
    %dma_wait3A_199 = arith.constant 0 : i32
    %dma_wait3A_200 = arith.constant 0 : i32
    %dma_wait3A_201 = arith.constant 0 : i32
    %dma_wait3A_202 = arith.constant 0 : i32
    %dma_wait3A_203 = tpu.memref_slice %arg5[%dma_wait3A_198, %dma_wait3A_201, %dma_wait3A_202] : memref<2x1000x48xf32, #tpu.memory_space<vmem>> -> memref<1x125x48xf32, #tpu.memory_space<vmem>>
    %dma_wait3A_204 = tpu.memref_squeeze %dma_wait3A_203 : memref<1x125x48xf32, #tpu.memory_space<vmem>> -> memref<125x48xf32, #tpu.memory_space<vmem>>
    %dma_wait3A_205 = arith.constant 0 : i32
    %dma_wait3A_206 = tpu.memref_slice %arg6[%dma_wait3A_199, %dma_wait3A_200, %dma_wait3A_205] : memref<2x8x125xi32, #tpu.memory_space<vmem>> -> memref<1x1x125xi32, #tpu.memory_space<vmem>>
    %dma_wait3A_207 = tpu.memref_squeeze %dma_wait3A_206 : memref<1x1x125xi32, #tpu.memory_space<vmem>> -> memref<125xi32, #tpu.memory_space<vmem>>
    %dma_wait3A_208 = arith.constant 0 : i32
    %dma_wait3A_209 = arith.constant 0 : i32
    %dma_wait3A_210 = tpu.memref_slice %arg7[%dma_wait3A_208, %dma_wait3A_209] : memref<8000x48xf32, #tpu.memory_space<vmem_shared>> -> memref<8000x48xf32, #tpu.memory_space<vmem_shared>>
    tpu.wait_indirect_dma semaphore(%arg9 : memref<!tpu.dma_semaphore, #tpu.memory_space<semaphore_mem>>) src(%dma_wait3A_204 : memref<125x48xf32, #tpu.memory_space<vmem>>) dst(%dma_wait3A_210 : memref<8000x48xf32, #tpu.memory_space<vmem_shared>>)
    %dma_wait3A_211 = arith.constant 0 : i32
    %dma_wait3A_212 = arith.constant 0 : i32
    %dma_wait3A_213 = arith.constant 1 : i32
    %dma_wait3A_214 = arith.constant 125 : i32
    %dma_wait3A_215 = arith.constant 0 : i32
    %dma_wait3A_216 = tpu.memref_slice %arg5[%dma_wait3A_211, %dma_wait3A_214, %dma_wait3A_215] : memref<2x1000x48xf32, #tpu.memory_space<vmem>> -> memref<1x125x48xf32, #tpu.memory_space<vmem>>
    %dma_wait3A_217 = tpu.memref_squeeze %dma_wait3A_216 : memref<1x125x48xf32, #tpu.memory_space<vmem>> -> memref<125x48xf32, #tpu.memory_space<vmem>>
    %dma_wait3A_218 = arith.constant 0 : i32
    %dma_wait3A_219 = tpu.memref_slice %arg6[%dma_wait3A_212, %dma_wait3A_213, %dma_wait3A_218] : memref<2x8x125xi32, #tpu.memory_space<vmem>> -> memref<1x1x125xi32, #tpu.memory_space<vmem>>
    %dma_wait3A_220 = tpu.memref_squeeze %dma_wait3A_219 : memref<1x1x125xi32, #tpu.memory_space<vmem>> -> memref<125xi32, #tpu.memory_space<vmem>>
    %dma_wait3A_221 = arith.constant 0 : i32
    %dma_wait3A_222 = arith.constant 0 : i32
    %dma_wait3A_223 = tpu.memref_slice %arg7[%dma_wait3A_221, %dma_wait3A_222] : memref<8000x48xf32, #tpu.memory_space<vmem_shared>> -> memref<8000x48xf32, #tpu.memory_space<vmem_shared>>
    tpu.wait_indirect_dma semaphore(%arg9 : memref<!tpu.dma_semaphore, #tpu.memory_space<semaphore_mem>>) src(%dma_wait3A_217 : memref<125x48xf32, #tpu.memory_space<vmem>>) dst(%dma_wait3A_223 : memref<8000x48xf32, #tpu.memory_space<vmem_shared>>)
    %dma_wait3A_224 = arith.constant 0 : i32
    %dma_wait3A_225 = arith.constant 0 : i32
    %dma_wait3A_226 = arith.constant 2 : i32
    %dma_wait3A_227 = arith.constant 250 : i32
    %dma_wait3A_228 = arith.constant 0 : i32
    %dma_wait3A_229 = tpu.memref_slice %arg5[%dma_wait3A_224, %dma_wait3A_227, %dma_wait3A_228] : memref<2x1000x48xf32, #tpu.memory_space<vmem>> -> memref<1x125x48xf32, #tpu.memory_space<vmem>>
    %dma_wait3A_230 = tpu.memref_squeeze %dma_wait3A_229 : memref<1x125x48xf32, #tpu.memory_space<vmem>> -> memref<125x48xf32, #tpu.memory_space<vmem>>
    %dma_wait3A_231 = arith.constant 0 : i32
    %dma_wait3A_232 = tpu.memref_slice %arg6[%dma_wait3A_225, %dma_wait3A_226, %dma_wait3A_231] : memref<2x8x125xi32, #tpu.memory_space<vmem>> -> memref<1x1x125xi32, #tpu.memory_space<vmem>>
    %dma_wait3A_233 = tpu.memref_squeeze %dma_wait3A_232 : memref<1x1x125xi32, #tpu.memory_space<vmem>> -> memref<125xi32, #tpu.memory_space<vmem>>
    %dma_wait3A_234 = arith.constant 0 : i32
    %dma_wait3A_235 = arith.constant 0 : i32
    %dma_wait3A_236 = tpu.memref_slice %arg7[%dma_wait3A_234, %dma_wait3A_235] : memref<8000x48xf32, #tpu.memory_space<vmem_shared>> -> memref<8000x48xf32, #tpu.memory_space<vmem_shared>>
    tpu.wait_indirect_dma semaphore(%arg9 : memref<!tpu.dma_semaphore, #tpu.memory_space<semaphore_mem>>) src(%dma_wait3A_230 : memref<125x48xf32, #tpu.memory_space<vmem>>) dst(%dma_wait3A_236 : memref<8000x48xf32, #tpu.memory_space<vmem_shared>>)
    %dma_wait3A_237 = arith.constant 0 : i32
    %dma_wait3A_238 = arith.constant 0 : i32
    %dma_wait3A_239 = arith.constant 3 : i32
    %dma_wait3A_240 = arith.constant 375 : i32
    %dma_wait3A_241 = arith.constant 0 : i32
    %dma_wait3A_242 = tpu.memref_slice %arg5[%dma_wait3A_237, %dma_wait3A_240, %dma_wait3A_241] : memref<2x1000x48xf32, #tpu.memory_space<vmem>> -> memref<1x125x48xf32, #tpu.memory_space<vmem>>
    %dma_wait3A_243 = tpu.memref_squeeze %dma_wait3A_242 : memref<1x125x48xf32, #tpu.memory_space<vmem>> -> memref<125x48xf32, #tpu.memory_space<vmem>>
    %dma_wait3A_244 = arith.constant 0 : i32
    %dma_wait3A_245 = tpu.memref_slice %arg6[%dma_wait3A_238, %dma_wait3A_239, %dma_wait3A_244] : memref<2x8x125xi32, #tpu.memory_space<vmem>> -> memref<1x1x125xi32, #tpu.memory_space<vmem>>
    %dma_wait3A_246 = tpu.memref_squeeze %dma_wait3A_245 : memref<1x1x125xi32, #tpu.memory_space<vmem>> -> memref<125xi32, #tpu.memory_space<vmem>>
    %dma_wait3A_247 = arith.constant 0 : i32
    %dma_wait3A_248 = arith.constant 0 : i32
    %dma_wait3A_249 = tpu.memref_slice %arg7[%dma_wait3A_247, %dma_wait3A_248] : memref<8000x48xf32, #tpu.memory_space<vmem_shared>> -> memref<8000x48xf32, #tpu.memory_space<vmem_shared>>
    tpu.wait_indirect_dma semaphore(%arg9 : memref<!tpu.dma_semaphore, #tpu.memory_space<semaphore_mem>>) src(%dma_wait3A_243 : memref<125x48xf32, #tpu.memory_space<vmem>>) dst(%dma_wait3A_249 : memref<8000x48xf32, #tpu.memory_space<vmem_shared>>)
    %dma_wait3A_250 = arith.constant 0 : i32
    %dma_wait3A_251 = arith.constant 0 : i32
    %dma_wait3A_252 = arith.constant 4 : i32
    %dma_wait3A_253 = arith.constant 500 : i32
    %dma_wait3A_254 = arith.constant 0 : i32
    %dma_wait3A_255 = tpu.memref_slice %arg5[%dma_wait3A_250, %dma_wait3A_253, %dma_wait3A_254] : memref<2x1000x48xf32, #tpu.memory_space<vmem>> -> memref<1x125x48xf32, #tpu.memory_space<vmem>>
    %dma_wait3A_256 = tpu.memref_squeeze %dma_wait3A_255 : memref<1x125x48xf32, #tpu.memory_space<vmem>> -> memref<125x48xf32, #tpu.memory_space<vmem>>
    %dma_wait3A_257 = arith.constant 0 : i32
    %dma_wait3A_258 = tpu.memref_slice %arg6[%dma_wait3A_251, %dma_wait3A_252, %dma_wait3A_257] : memref<2x8x125xi32, #tpu.memory_space<vmem>> -> memref<1x1x125xi32, #tpu.memory_space<vmem>>
    %dma_wait3A_259 = tpu.memref_squeeze %dma_wait3A_258 : memref<1x1x125xi32, #tpu.memory_space<vmem>> -> memref<125xi32, #tpu.memory_space<vmem>>
    %dma_wait3A_260 = arith.constant 0 : i32
    %dma_wait3A_261 = arith.constant 0 : i32
    %dma_wait3A_262 = tpu.memref_slice %arg7[%dma_wait3A_260, %dma_wait3A_261] : memref<8000x48xf32, #tpu.memory_space<vmem_shared>> -> memref<8000x48xf32, #tpu.memory_space<vmem_shared>>
    tpu.wait_indirect_dma semaphore(%arg9 : memref<!tpu.dma_semaphore, #tpu.memory_space<semaphore_mem>>) src(%dma_wait3A_256 : memref<125x48xf32, #tpu.memory_space<vmem>>) dst(%dma_wait3A_262 : memref<8000x48xf32, #tpu.memory_space<vmem_shared>>)
    %dma_wait3A_263 = arith.constant 0 : i32
    %dma_wait3A_264 = arith.constant 0 : i32
    %dma_wait3A_265 = arith.constant 5 : i32
    %dma_wait3A_266 = arith.constant 625 : i32
    %dma_wait3A_267 = arith.constant 0 : i32
    %dma_wait3A_268 = tpu.memref_slice %arg5[%dma_wait3A_263, %dma_wait3A_266, %dma_wait3A_267] : memref<2x1000x48xf32, #tpu.memory_space<vmem>> -> memref<1x125x48xf32, #tpu.memory_space<vmem>>
    %dma_wait3A_269 = tpu.memref_squeeze %dma_wait3A_268 : memref<1x125x48xf32, #tpu.memory_space<vmem>> -> memref<125x48xf32, #tpu.memory_space<vmem>>
    %dma_wait3A_270 = arith.constant 0 : i32
    %dma_wait3A_271 = tpu.memref_slice %arg6[%dma_wait3A_264, %dma_wait3A_265, %dma_wait3A_270] : memref<2x8x125xi32, #tpu.memory_space<vmem>> -> memref<1x1x125xi32, #tpu.memory_space<vmem>>
    %dma_wait3A_272 = tpu.memref_squeeze %dma_wait3A_271 : memref<1x1x125xi32, #tpu.memory_space<vmem>> -> memref<125xi32, #tpu.memory_space<vmem>>
    %dma_wait3A_273 = arith.constant 0 : i32
    %dma_wait3A_274 = arith.constant 0 : i32
    %dma_wait3A_275 = tpu.memref_slice %arg7[%dma_wait3A_273, %dma_wait3A_274] : memref<8000x48xf32, #tpu.memory_space<vmem_shared>> -> memref<8000x48xf32, #tpu.memory_space<vmem_shared>>
    tpu.wait_indirect_dma semaphore(%arg9 : memref<!tpu.dma_semaphore, #tpu.memory_space<semaphore_mem>>) src(%dma_wait3A_269 : memref<125x48xf32, #tpu.memory_space<vmem>>) dst(%dma_wait3A_275 : memref<8000x48xf32, #tpu.memory_space<vmem_shared>>)
    %dma_wait3A_276 = arith.constant 0 : i32
    %dma_wait3A_277 = arith.constant 0 : i32
    %dma_wait3A_278 = arith.constant 6 : i32
    %dma_wait3A_279 = arith.constant 750 : i32
    %dma_wait3A_280 = arith.constant 0 : i32
    %dma_wait3A_281 = tpu.memref_slice %arg5[%dma_wait3A_276, %dma_wait3A_279, %dma_wait3A_280] : memref<2x1000x48xf32, #tpu.memory_space<vmem>> -> memref<1x125x48xf32, #tpu.memory_space<vmem>>
    %dma_wait3A_282 = tpu.memref_squeeze %dma_wait3A_281 : memref<1x125x48xf32, #tpu.memory_space<vmem>> -> memref<125x48xf32, #tpu.memory_space<vmem>>
    %dma_wait3A_283 = arith.constant 0 : i32
    %dma_wait3A_284 = tpu.memref_slice %arg6[%dma_wait3A_277, %dma_wait3A_278, %dma_wait3A_283] : memref<2x8x125xi32, #tpu.memory_space<vmem>> -> memref<1x1x125xi32, #tpu.memory_space<vmem>>
    %dma_wait3A_285 = tpu.memref_squeeze %dma_wait3A_284 : memref<1x1x125xi32, #tpu.memory_space<vmem>> -> memref<125xi32, #tpu.memory_space<vmem>>
    %dma_wait3A_286 = arith.constant 0 : i32
    %dma_wait3A_287 = arith.constant 0 : i32
    %dma_wait3A_288 = tpu.memref_slice %arg7[%dma_wait3A_286, %dma_wait3A_287] : memref<8000x48xf32, #tpu.memory_space<vmem_shared>> -> memref<8000x48xf32, #tpu.memory_space<vmem_shared>>
    tpu.wait_indirect_dma semaphore(%arg9 : memref<!tpu.dma_semaphore, #tpu.memory_space<semaphore_mem>>) src(%dma_wait3A_282 : memref<125x48xf32, #tpu.memory_space<vmem>>) dst(%dma_wait3A_288 : memref<8000x48xf32, #tpu.memory_space<vmem_shared>>)
    %dma_wait3A_289 = arith.constant 0 : i32
    %dma_wait3A_290 = arith.constant 0 : i32
    %dma_wait3A_291 = arith.constant 7 : i32
    %dma_wait3A_292 = arith.constant 875 : i32
    %dma_wait3A_293 = arith.constant 0 : i32
    %dma_wait3A_294 = tpu.memref_slice %arg5[%dma_wait3A_289, %dma_wait3A_292, %dma_wait3A_293] : memref<2x1000x48xf32, #tpu.memory_space<vmem>> -> memref<1x125x48xf32, #tpu.memory_space<vmem>>
    %dma_wait3A_295 = tpu.memref_squeeze %dma_wait3A_294 : memref<1x125x48xf32, #tpu.memory_space<vmem>> -> memref<125x48xf32, #tpu.memory_space<vmem>>
    %dma_wait3A_296 = arith.constant 0 : i32
    %dma_wait3A_297 = tpu.memref_slice %arg6[%dma_wait3A_290, %dma_wait3A_291, %dma_wait3A_296] : memref<2x8x125xi32, #tpu.memory_space<vmem>> -> memref<1x1x125xi32, #tpu.memory_space<vmem>>
    %dma_wait3A_298 = tpu.memref_squeeze %dma_wait3A_297 : memref<1x1x125xi32, #tpu.memory_space<vmem>> -> memref<125xi32, #tpu.memory_space<vmem>>
    %dma_wait3A_299 = arith.constant 0 : i32
    %dma_wait3A_300 = arith.constant 0 : i32
    %dma_wait3A_301 = tpu.memref_slice %arg7[%dma_wait3A_299, %dma_wait3A_300] : memref<8000x48xf32, #tpu.memory_space<vmem_shared>> -> memref<8000x48xf32, #tpu.memory_space<vmem_shared>>
    tpu.wait_indirect_dma semaphore(%arg9 : memref<!tpu.dma_semaphore, #tpu.memory_space<semaphore_mem>>) src(%dma_wait3A_295 : memref<125x48xf32, #tpu.memory_space<vmem>>) dst(%dma_wait3A_301 : memref<8000x48xf32, #tpu.memory_space<vmem_shared>>)
    %add3A_302 = arith.constant 2000 : i32
    %add3A_303 = arith.addi %mul3A_5, %add3A_302 : i32
    %dma_start3A_304 = arith.constant 0 : i32
    %dma_start3A_305 = arith.constant 0 : i32
    %dma_start3A_306 = arith.constant 0 : i32
    %dma_start3A_307 = tpu.memref_slice %arg5[%dma_start3A_304, %dma_start3A_305, %dma_start3A_306] : memref<2x1000x48xf32, #tpu.memory_space<vmem>> -> memref<1x1000x48xf32, #tpu.memory_space<vmem>>
    %dma_start3A_308 = tpu.memref_squeeze %dma_start3A_307 : memref<1x1000x48xf32, #tpu.memory_space<vmem>> -> memref<1000x48xf32, #tpu.memory_space<vmem>>
    %dma_start3A_309 = arith.constant 0 : i32
    %dma_start3A_310 = tpu.memref_slice %arg2[%add3A_303, %dma_start3A_309] : memref<160000x48xf32, #tpu.memory_space<hbm>> -> memref<1000x48xf32, #tpu.memory_space<hbm>>
    %dma_start3A_311 = arith.constant 0 : i32
    %dma_start3A_312 = arith.constant 0 : i32
    %dma_start3A_313 = tpu.memref_slice %arg5[%dma_start3A_304, %dma_start3A_311, %dma_start3A_312] : memref<2x1000x48xf32, #tpu.memory_space<vmem>> -> memref<1x1000x48xf32, #tpu.memory_space<vmem>>
    %dma_start3A_314 = tpu.memref_squeeze %dma_start3A_313 : memref<1x1000x48xf32, #tpu.memory_space<vmem>> -> memref<1000x48xf32, #tpu.memory_space<vmem>>
    %dma_start3A_315 = arith.constant 0 : i32
    %dma_start3A_316 = tpu.memref_slice %arg2[%add3A_303, %dma_start3A_315] : memref<160000x48xf32, #tpu.memory_space<hbm>> -> memref<1000x48xf32, #tpu.memory_space<hbm>>
    tpu.enqueue_dma source(%dma_start3A_316 : memref<1000x48xf32, #tpu.memory_space<hbm>>) target(%dma_start3A_314 : memref<1000x48xf32, #tpu.memory_space<vmem>>) target_semaphore(%arg8 : memref<!tpu.dma_semaphore, #tpu.memory_space<semaphore_mem>>)
    %add3A_317 = arith.constant 16 : i32
    %add3A_318 = arith.addi %add3A_9, %add3A_317 : i32
    %dma_start3A_319 = arith.constant 0 : i32
    %dma_start3A_320 = arith.constant 0 : i32
    %dma_start3A_321 = arith.constant 0 : i32
    %dma_start3A_322 = tpu.memref_slice %arg6[%dma_start3A_319, %dma_start3A_320, %dma_start3A_321] : memref<2x8x125xi32, #tpu.memory_space<vmem>> -> memref<1x8x125xi32, #tpu.memory_space<vmem>>
    %dma_start3A_323 = tpu.memref_squeeze %dma_start3A_322 : memref<1x8x125xi32, #tpu.memory_space<vmem>> -> memref<8x125xi32, #tpu.memory_space<vmem>>
    %dma_start3A_324 = arith.constant 0 : i32
    %dma_start3A_325 = tpu.memref_slice %arg3[%add3A_318, %dma_start3A_324] : memref<2560x125xi32, #tpu.memory_space<hbm>> -> memref<8x125xi32, #tpu.memory_space<hbm>>
    %dma_start3A_326 = arith.constant 0 : i32
    %dma_start3A_327 = arith.constant 0 : i32
    %dma_start3A_328 = tpu.memref_slice %arg6[%dma_start3A_319, %dma_start3A_326, %dma_start3A_327] : memref<2x8x125xi32, #tpu.memory_space<vmem>> -> memref<1x8x125xi32, #tpu.memory_space<vmem>>
    %dma_start3A_329 = tpu.memref_squeeze %dma_start3A_328 : memref<1x8x125xi32, #tpu.memory_space<vmem>> -> memref<8x125xi32, #tpu.memory_space<vmem>>
    %dma_start3A_330 = arith.constant 0 : i32
    %dma_start3A_331 = tpu.memref_slice %arg3[%add3A_318, %dma_start3A_330] : memref<2560x125xi32, #tpu.memory_space<hbm>> -> memref<8x125xi32, #tpu.memory_space<hbm>>
    tpu.enqueue_dma source(%dma_start3A_331 : memref<8x125xi32, #tpu.memory_space<hbm>>) target(%dma_start3A_329 : memref<8x125xi32, #tpu.memory_space<vmem>>) target_semaphore(%arg8 : memref<!tpu.dma_semaphore, #tpu.memory_space<semaphore_mem>>)
    %dma_wait3A_332 = arith.constant 1 : i32
    %dma_wait3A_333 = arith.constant 0 : i32
    %dma_wait3A_334 = arith.constant 0 : i32
    %dma_wait3A_335 = tpu.memref_slice %arg5[%dma_wait3A_332, %dma_wait3A_333, %dma_wait3A_334] : memref<2x1000x48xf32, #tpu.memory_space<vmem>> -> memref<1x1000x48xf32, #tpu.memory_space<vmem>>
    %dma_wait3A_336 = tpu.memref_squeeze %dma_wait3A_335 : memref<1x1000x48xf32, #tpu.memory_space<vmem>> -> memref<1000x48xf32, #tpu.memory_space<vmem>>
    %dma_wait3A_337 = arith.constant 0 : i32
    %dma_wait3A_338 = tpu.memref_slice %arg2[%add3A_40, %dma_wait3A_337] : memref<160000x48xf32, #tpu.memory_space<hbm>> -> memref<1000x48xf32, #tpu.memory_space<hbm>>
    %dma_wait3A_339 = arith.constant 0 : i32
    %dma_wait3A_340 = arith.constant 0 : i32
    %dma_wait3A_341 = tpu.memref_slice %arg5[%dma_wait3A_332, %dma_wait3A_339, %dma_wait3A_340] : memref<2x1000x48xf32, #tpu.memory_space<vmem>> -> memref<1x1000x48xf32, #tpu.memory_space<vmem>>
    %dma_wait3A_342 = tpu.memref_squeeze %dma_wait3A_341 : memref<1x1000x48xf32, #tpu.memory_space<vmem>> -> memref<1000x48xf32, #tpu.memory_space<vmem>>
    %dma_wait3A_343 = arith.constant 0 : i32
    %dma_wait3A_344 = tpu.memref_slice %arg2[%add3A_40, %dma_wait3A_343] : memref<160000x48xf32, #tpu.memory_space<hbm>> -> memref<1000x48xf32, #tpu.memory_space<hbm>>
    tpu.wait_dma2 semaphore(%arg8 : memref<!tpu.dma_semaphore, #tpu.memory_space<semaphore_mem>>) src(%dma_wait3A_344 : memref<1000x48xf32, #tpu.memory_space<hbm>>) dst(%dma_wait3A_342 : memref<1000x48xf32, #tpu.memory_space<vmem>>)
    %dma_wait3A_345 = arith.constant 1 : i32
    %dma_wait3A_346 = arith.constant 0 : i32
    %dma_wait3A_347 = arith.constant 0 : i32
    %dma_wait3A_348 = tpu.memref_slice %arg6[%dma_wait3A_345, %dma_wait3A_346, %dma_wait3A_347] : memref<2x8x125xi32, #tpu.memory_space<vmem>> -> memref<1x8x125xi32, #tpu.memory_space<vmem>>
    %dma_wait3A_349 = tpu.memref_squeeze %dma_wait3A_348 : memref<1x8x125xi32, #tpu.memory_space<vmem>> -> memref<8x125xi32, #tpu.memory_space<vmem>>
    %dma_wait3A_350 = arith.constant 0 : i32
    %dma_wait3A_351 = tpu.memref_slice %arg3[%add3A_55, %dma_wait3A_350] : memref<2560x125xi32, #tpu.memory_space<hbm>> -> memref<8x125xi32, #tpu.memory_space<hbm>>
    %dma_wait3A_352 = arith.constant 0 : i32
    %dma_wait3A_353 = arith.constant 0 : i32
    %dma_wait3A_354 = tpu.memref_slice %arg6[%dma_wait3A_345, %dma_wait3A_352, %dma_wait3A_353] : memref<2x8x125xi32, #tpu.memory_space<vmem>> -> memref<1x8x125xi32, #tpu.memory_space<vmem>>
    %dma_wait3A_355 = tpu.memref_squeeze %dma_wait3A_354 : memref<1x8x125xi32, #tpu.memory_space<vmem>> -> memref<8x125xi32, #tpu.memory_space<vmem>>
    %dma_wait3A_356 = arith.constant 0 : i32
    %dma_wait3A_357 = tpu.memref_slice %arg3[%add3A_55, %dma_wait3A_356] : memref<2560x125xi32, #tpu.memory_space<hbm>> -> memref<8x125xi32, #tpu.memory_space<hbm>>
    tpu.wait_dma2 semaphore(%arg8 : memref<!tpu.dma_semaphore, #tpu.memory_space<semaphore_mem>>) src(%dma_wait3A_357 : memref<8x125xi32, #tpu.memory_space<hbm>>) dst(%dma_wait3A_355 : memref<8x125xi32, #tpu.memory_space<vmem>>)
    %dma_start3A_358 = arith.constant 1 : i32
    %dma_start3A_359 = arith.constant 1 : i32
    %dma_start3A_360 = arith.constant 0 : i32
    %dma_start3A_361 = arith.constant 0 : i32
    %dma_start3A_362 = arith.constant 0 : i32
    %dma_start3A_363 = tpu.memref_slice %arg5[%dma_start3A_358, %dma_start3A_361, %dma_start3A_362] : memref<2x1000x48xf32, #tpu.memory_space<vmem>> -> memref<1x125x48xf32, #tpu.memory_space<vmem>>
    %dma_start3A_364 = tpu.memref_squeeze %dma_start3A_363 : memref<1x125x48xf32, #tpu.memory_space<vmem>> -> memref<125x48xf32, #tpu.memory_space<vmem>>
    %dma_start3A_365 = arith.constant 0 : i32
    %dma_start3A_366 = tpu.memref_slice %arg6[%dma_start3A_359, %dma_start3A_360, %dma_start3A_365] : memref<2x8x125xi32, #tpu.memory_space<vmem>> -> memref<1x1x125xi32, #tpu.memory_space<vmem>>
    %dma_start3A_367 = tpu.memref_squeeze %dma_start3A_366 : memref<1x1x125xi32, #tpu.memory_space<vmem>> -> memref<125xi32, #tpu.memory_space<vmem>>
    %dma_start3A_368 = arith.constant 0 : i32
    %dma_start3A_369 = arith.constant 0 : i32
    %dma_start3A_370 = tpu.memref_slice %arg7[%dma_start3A_368, %dma_start3A_369] : memref<8000x48xf32, #tpu.memory_space<vmem_shared>> -> memref<8000x48xf32, #tpu.memory_space<vmem_shared>>
    tpu.enqueue_indirect_dma source(%dma_start3A_364 : memref<125x48xf32, #tpu.memory_space<vmem>>) target(%dma_start3A_370 : memref<8000x48xf32, #tpu.memory_space<vmem_shared>>) offsets(%dma_start3A_367 : memref<125xi32, #tpu.memory_space<vmem>>) semaphore(%arg9 : memref<!tpu.dma_semaphore, #tpu.memory_space<semaphore_mem>>) {add = true}
    %dma_start3A_371 = arith.constant 1 : i32
    %dma_start3A_372 = arith.constant 1 : i32
    %dma_start3A_373 = arith.constant 1 : i32
    %dma_start3A_374 = arith.constant 125 : i32
    %dma_start3A_375 = arith.constant 0 : i32
    %dma_start3A_376 = tpu.memref_slice %arg5[%dma_start3A_371, %dma_start3A_374, %dma_start3A_375] : memref<2x1000x48xf32, #tpu.memory_space<vmem>> -> memref<1x125x48xf32, #tpu.memory_space<vmem>>
    %dma_start3A_377 = tpu.memref_squeeze %dma_start3A_376 : memref<1x125x48xf32, #tpu.memory_space<vmem>> -> memref<125x48xf32, #tpu.memory_space<vmem>>
    %dma_start3A_378 = arith.constant 0 : i32
    %dma_start3A_379 = tpu.memref_slice %arg6[%dma_start3A_372, %dma_start3A_373, %dma_start3A_378] : memref<2x8x125xi32, #tpu.memory_space<vmem>> -> memref<1x1x125xi32, #tpu.memory_space<vmem>>
    %dma_start3A_380 = tpu.memref_squeeze %dma_start3A_379 : memref<1x1x125xi32, #tpu.memory_space<vmem>> -> memref<125xi32, #tpu.memory_space<vmem>>
    %dma_start3A_381 = arith.constant 0 : i32
    %dma_start3A_382 = arith.constant 0 : i32
    %dma_start3A_383 = tpu.memref_slice %arg7[%dma_start3A_381, %dma_start3A_382] : memref<8000x48xf32, #tpu.memory_space<vmem_shared>> -> memref<8000x48xf32, #tpu.memory_space<vmem_shared>>
    tpu.enqueue_indirect_dma source(%dma_start3A_377 : memref<125x48xf32, #tpu.memory_space<vmem>>) target(%dma_start3A_383 : memref<8000x48xf32, #tpu.memory_space<vmem_shared>>) offsets(%dma_start3A_380 : memref<125xi32, #tpu.memory_space<vmem>>) semaphore(%arg9 : memref<!tpu.dma_semaphore, #tpu.memory_space<semaphore_mem>>) {add = true}
    %dma_start3A_384 = arith.constant 1 : i32
    %dma_start3A_385 = arith.constant 1 : i32
    %dma_start3A_386 = arith.constant 2 : i32
    %dma_start3A_387 = arith.constant 250 : i32
    %dma_start3A_388 = arith.constant 0 : i32
    %dma_start3A_389 = tpu.memref_slice %arg5[%dma_start3A_384, %dma_start3A_387, %dma_start3A_388] : memref<2x1000x48xf32, #tpu.memory_space<vmem>> -> memref<1x125x48xf32, #tpu.memory_space<vmem>>
    %dma_start3A_390 = tpu.memref_squeeze %dma_start3A_389 : memref<1x125x48xf32, #tpu.memory_space<vmem>> -> memref<125x48xf32, #tpu.memory_space<vmem>>
    %dma_start3A_391 = arith.constant 0 : i32
    %dma_start3A_392 = tpu.memref_slice %arg6[%dma_start3A_385, %dma_start3A_386, %dma_start3A_391] : memref<2x8x125xi32, #tpu.memory_space<vmem>> -> memref<1x1x125xi32, #tpu.memory_space<vmem>>
    %dma_start3A_393 = tpu.memref_squeeze %dma_start3A_392 : memref<1x1x125xi32, #tpu.memory_space<vmem>> -> memref<125xi32, #tpu.memory_space<vmem>>
    %dma_start3A_394 = arith.constant 0 : i32
    %dma_start3A_395 = arith.constant 0 : i32
    %dma_start3A_396 = tpu.memref_slice %arg7[%dma_start3A_394, %dma_start3A_395] : memref<8000x48xf32, #tpu.memory_space<vmem_shared>> -> memref<8000x48xf32, #tpu.memory_space<vmem_shared>>
    tpu.enqueue_indirect_dma source(%dma_start3A_390 : memref<125x48xf32, #tpu.memory_space<vmem>>) target(%dma_start3A_396 : memref<8000x48xf32, #tpu.memory_space<vmem_shared>>) offsets(%dma_start3A_393 : memref<125xi32, #tpu.memory_space<vmem>>) semaphore(%arg9 : memref<!tpu.dma_semaphore, #tpu.memory_space<semaphore_mem>>) {add = true}
    %dma_start3A_397 = arith.constant 1 : i32
    %dma_start3A_398 = arith.constant 1 : i32
    %dma_start3A_399 = arith.constant 3 : i32
    %dma_start3A_400 = arith.constant 375 : i32
    %dma_start3A_401 = arith.constant 0 : i32
    %dma_start3A_402 = tpu.memref_slice %arg5[%dma_start3A_397, %dma_start3A_400, %dma_start3A_401] : memref<2x1000x48xf32, #tpu.memory_space<vmem>> -> memref<1x125x48xf32, #tpu.memory_space<vmem>>
    %dma_start3A_403 = tpu.memref_squeeze %dma_start3A_402 : memref<1x125x48xf32, #tpu.memory_space<vmem>> -> memref<125x48xf32, #tpu.memory_space<vmem>>
    %dma_start3A_404 = arith.constant 0 : i32
    %dma_start3A_405 = tpu.memref_slice %arg6[%dma_start3A_398, %dma_start3A_399, %dma_start3A_404] : memref<2x8x125xi32, #tpu.memory_space<vmem>> -> memref<1x1x125xi32, #tpu.memory_space<vmem>>
    %dma_start3A_406 = tpu.memref_squeeze %dma_start3A_405 : memref<1x1x125xi32, #tpu.memory_space<vmem>> -> memref<125xi32, #tpu.memory_space<vmem>>
    %dma_start3A_407 = arith.constant 0 : i32
    %dma_start3A_408 = arith.constant 0 : i32
    %dma_start3A_409 = tpu.memref_slice %arg7[%dma_start3A_407, %dma_start3A_408] : memref<8000x48xf32, #tpu.memory_space<vmem_shared>> -> memref<8000x48xf32, #tpu.memory_space<vmem_shared>>
    tpu.enqueue_indirect_dma source(%dma_start3A_403 : memref<125x48xf32, #tpu.memory_space<vmem>>) target(%dma_start3A_409 : memref<8000x48xf32, #tpu.memory_space<vmem_shared>>) offsets(%dma_start3A_406 : memref<125xi32, #tpu.memory_space<vmem>>) semaphore(%arg9 : memref<!tpu.dma_semaphore, #tpu.memory_space<semaphore_mem>>) {add = true}
    %dma_start3A_410 = arith.constant 1 : i32
    %dma_start3A_411 = arith.constant 1 : i32
    %dma_start3A_412 = arith.constant 4 : i32
    %dma_start3A_413 = arith.constant 500 : i32
    %dma_start3A_414 = arith.constant 0 : i32
    %dma_start3A_415 = tpu.memref_slice %arg5[%dma_start3A_410, %dma_start3A_413, %dma_start3A_414] : memref<2x1000x48xf32, #tpu.memory_space<vmem>> -> memref<1x125x48xf32, #tpu.memory_space<vmem>>
    %dma_start3A_416 = tpu.memref_squeeze %dma_start3A_415 : memref<1x125x48xf32, #tpu.memory_space<vmem>> -> memref<125x48xf32, #tpu.memory_space<vmem>>
    %dma_start3A_417 = arith.constant 0 : i32
    %dma_start3A_418 = tpu.memref_slice %arg6[%dma_start3A_411, %dma_start3A_412, %dma_start3A_417] : memref<2x8x125xi32, #tpu.memory_space<vmem>> -> memref<1x1x125xi32, #tpu.memory_space<vmem>>
    %dma_start3A_419 = tpu.memref_squeeze %dma_start3A_418 : memref<1x1x125xi32, #tpu.memory_space<vmem>> -> memref<125xi32, #tpu.memory_space<vmem>>
    %dma_start3A_420 = arith.constant 0 : i32
    %dma_start3A_421 = arith.constant 0 : i32
    %dma_start3A_422 = tpu.memref_slice %arg7[%dma_start3A_420, %dma_start3A_421] : memref<8000x48xf32, #tpu.memory_space<vmem_shared>> -> memref<8000x48xf32, #tpu.memory_space<vmem_shared>>
    tpu.enqueue_indirect_dma source(%dma_start3A_416 : memref<125x48xf32, #tpu.memory_space<vmem>>) target(%dma_start3A_422 : memref<8000x48xf32, #tpu.memory_space<vmem_shared>>) offsets(%dma_start3A_419 : memref<125xi32, #tpu.memory_space<vmem>>) semaphore(%arg9 : memref<!tpu.dma_semaphore, #tpu.memory_space<semaphore_mem>>) {add = true}
    %dma_start3A_423 = arith.constant 1 : i32
    %dma_start3A_424 = arith.constant 1 : i32
    %dma_start3A_425 = arith.constant 5 : i32
    %dma_start3A_426 = arith.constant 625 : i32
    %dma_start3A_427 = arith.constant 0 : i32
    %dma_start3A_428 = tpu.memref_slice %arg5[%dma_start3A_423, %dma_start3A_426, %dma_start3A_427] : memref<2x1000x48xf32, #tpu.memory_space<vmem>> -> memref<1x125x48xf32, #tpu.memory_space<vmem>>
    %dma_start3A_429 = tpu.memref_squeeze %dma_start3A_428 : memref<1x125x48xf32, #tpu.memory_space<vmem>> -> memref<125x48xf32, #tpu.memory_space<vmem>>
    %dma_start3A_430 = arith.constant 0 : i32
    %dma_start3A_431 = tpu.memref_slice %arg6[%dma_start3A_424, %dma_start3A_425, %dma_start3A_430] : memref<2x8x125xi32, #tpu.memory_space<vmem>> -> memref<1x1x125xi32, #tpu.memory_space<vmem>>
    %dma_start3A_432 = tpu.memref_squeeze %dma_start3A_431 : memref<1x1x125xi32, #tpu.memory_space<vmem>> -> memref<125xi32, #tpu.memory_space<vmem>>
    %dma_start3A_433 = arith.constant 0 : i32
    %dma_start3A_434 = arith.constant 0 : i32
    %dma_start3A_435 = tpu.memref_slice %arg7[%dma_start3A_433, %dma_start3A_434] : memref<8000x48xf32, #tpu.memory_space<vmem_shared>> -> memref<8000x48xf32, #tpu.memory_space<vmem_shared>>
    tpu.enqueue_indirect_dma source(%dma_start3A_429 : memref<125x48xf32, #tpu.memory_space<vmem>>) target(%dma_start3A_435 : memref<8000x48xf32, #tpu.memory_space<vmem_shared>>) offsets(%dma_start3A_432 : memref<125xi32, #tpu.memory_space<vmem>>) semaphore(%arg9 : memref<!tpu.dma_semaphore, #tpu.memory_space<semaphore_mem>>) {add = true}
    %dma_start3A_436 = arith.constant 1 : i32
    %dma_start3A_437 = arith.constant 1 : i32
    %dma_start3A_438 = arith.constant 6 : i32
    %dma_start3A_439 = arith.constant 750 : i32
    %dma_start3A_440 = arith.constant 0 : i32
    %dma_start3A_441 = tpu.memref_slice %arg5[%dma_start3A_436, %dma_start3A_439, %dma_start3A_440] : memref<2x1000x48xf32, #tpu.memory_space<vmem>> -> memref<1x125x48xf32, #tpu.memory_space<vmem>>
    %dma_start3A_442 = tpu.memref_squeeze %dma_start3A_441 : memref<1x125x48xf32, #tpu.memory_space<vmem>> -> memref<125x48xf32, #tpu.memory_space<vmem>>
    %dma_start3A_443 = arith.constant 0 : i32
    %dma_start3A_444 = tpu.memref_slice %arg6[%dma_start3A_437, %dma_start3A_438, %dma_start3A_443] : memref<2x8x125xi32, #tpu.memory_space<vmem>> -> memref<1x1x125xi32, #tpu.memory_space<vmem>>
    %dma_start3A_445 = tpu.memref_squeeze %dma_start3A_444 : memref<1x1x125xi32, #tpu.memory_space<vmem>> -> memref<125xi32, #tpu.memory_space<vmem>>
    %dma_start3A_446 = arith.constant 0 : i32
    %dma_start3A_447 = arith.constant 0 : i32
    %dma_start3A_448 = tpu.memref_slice %arg7[%dma_start3A_446, %dma_start3A_447] : memref<8000x48xf32, #tpu.memory_space<vmem_shared>> -> memref<8000x48xf32, #tpu.memory_space<vmem_shared>>
    tpu.enqueue_indirect_dma source(%dma_start3A_442 : memref<125x48xf32, #tpu.memory_space<vmem>>) target(%dma_start3A_448 : memref<8000x48xf32, #tpu.memory_space<vmem_shared>>) offsets(%dma_start3A_445 : memref<125xi32, #tpu.memory_space<vmem>>) semaphore(%arg9 : memref<!tpu.dma_semaphore, #tpu.memory_space<semaphore_mem>>) {add = true}
    %dma_start3A_449 = arith.constant 1 : i32
    %dma_start3A_450 = arith.constant 1 : i32
    %dma_start3A_451 = arith.constant 7 : i32
    %dma_start3A_452 = arith.constant 875 : i32
    %dma_start3A_453 = arith.constant 0 : i32
    %dma_start3A_454 = tpu.memref_slice %arg5[%dma_start3A_449, %dma_start3A_452, %dma_start3A_453] : memref<2x1000x48xf32, #tpu.memory_space<vmem>> -> memref<1x125x48xf32, #tpu.memory_space<vmem>>
    %dma_start3A_455 = tpu.memref_squeeze %dma_start3A_454 : memref<1x125x48xf32, #tpu.memory_space<vmem>> -> memref<125x48xf32, #tpu.memory_space<vmem>>
    %dma_start3A_456 = arith.constant 0 : i32
    %dma_start3A_457 = tpu.memref_slice %arg6[%dma_start3A_450, %dma_start3A_451, %dma_start3A_456] : memref<2x8x125xi32, #tpu.memory_space<vmem>> -> memref<1x1x125xi32, #tpu.memory_space<vmem>>
    %dma_start3A_458 = tpu.memref_squeeze %dma_start3A_457 : memref<1x1x125xi32, #tpu.memory_space<vmem>> -> memref<125xi32, #tpu.memory_space<vmem>>
    %dma_start3A_459 = arith.constant 0 : i32
    %dma_start3A_460 = arith.constant 0 : i32
    %dma_start3A_461 = tpu.memref_slice %arg7[%dma_start3A_459, %dma_start3A_460] : memref<8000x48xf32, #tpu.memory_space<vmem_shared>> -> memref<8000x48xf32, #tpu.memory_space<vmem_shared>>
    tpu.enqueue_indirect_dma source(%dma_start3A_455 : memref<125x48xf32, #tpu.memory_space<vmem>>) target(%dma_start3A_461 : memref<8000x48xf32, #tpu.memory_space<vmem_shared>>) offsets(%dma_start3A_458 : memref<125xi32, #tpu.memory_space<vmem>>) semaphore(%arg9 : memref<!tpu.dma_semaphore, #tpu.memory_space<semaphore_mem>>) {add = true}
    %dma_wait3A_462 = arith.constant 1 : i32
    %dma_wait3A_463 = arith.constant 1 : i32
    %dma_wait3A_464 = arith.constant 0 : i32
    %dma_wait3A_465 = arith.constant 0 : i32
    %dma_wait3A_466 = arith.constant 0 : i32
    %dma_wait3A_467 = tpu.memref_slice %arg5[%dma_wait3A_462, %dma_wait3A_465, %dma_wait3A_466] : memref<2x1000x48xf32, #tpu.memory_space<vmem>> -> memref<1x125x48xf32, #tpu.memory_space<vmem>>
    %dma_wait3A_468 = tpu.memref_squeeze %dma_wait3A_467 : memref<1x125x48xf32, #tpu.memory_space<vmem>> -> memref<125x48xf32, #tpu.memory_space<vmem>>
    %dma_wait3A_469 = arith.constant 0 : i32
    %dma_wait3A_470 = tpu.memref_slice %arg6[%dma_wait3A_463, %dma_wait3A_464, %dma_wait3A_469] : memref<2x8x125xi32, #tpu.memory_space<vmem>> -> memref<1x1x125xi32, #tpu.memory_space<vmem>>
    %dma_wait3A_471 = tpu.memref_squeeze %dma_wait3A_470 : memref<1x1x125xi32, #tpu.memory_space<vmem>> -> memref<125xi32, #tpu.memory_space<vmem>>
    %dma_wait3A_472 = arith.constant 0 : i32
    %dma_wait3A_473 = arith.constant 0 : i32
    %dma_wait3A_474 = tpu.memref_slice %arg7[%dma_wait3A_472, %dma_wait3A_473] : memref<8000x48xf32, #tpu.memory_space<vmem_shared>> -> memref<8000x48xf32, #tpu.memory_space<vmem_shared>>
    tpu.wait_indirect_dma semaphore(%arg9 : memref<!tpu.dma_semaphore, #tpu.memory_space<semaphore_mem>>) src(%dma_wait3A_468 : memref<125x48xf32, #tpu.memory_space<vmem>>) dst(%dma_wait3A_474 : memref<8000x48xf32, #tpu.memory_space<vmem_shared>>)
    %dma_wait3A_475 = arith.constant 1 : i32
    %dma_wait3A_476 = arith.constant 1 : i32
    %dma_wait3A_477 = arith.constant 1 : i32
    %dma_wait3A_478 = arith.constant 125 : i32
    %dma_wait3A_479 = arith.constant 0 : i32
    %dma_wait3A_480 = tpu.memref_slice %arg5[%dma_wait3A_475, %dma_wait3A_478, %dma_wait3A_479] : memref<2x1000x48xf32, #tpu.memory_space<vmem>> -> memref<1x125x48xf32, #tpu.memory_space<vmem>>
    %dma_wait3A_481 = tpu.memref_squeeze %dma_wait3A_480 : memref<1x125x48xf32, #tpu.memory_space<vmem>> -> memref<125x48xf32, #tpu.memory_space<vmem>>
    %dma_wait3A_482 = arith.constant 0 : i32
    %dma_wait3A_483 = tpu.memref_slice %arg6[%dma_wait3A_476, %dma_wait3A_477, %dma_wait3A_482] : memref<2x8x125xi32, #tpu.memory_space<vmem>> -> memref<1x1x125xi32, #tpu.memory_space<vmem>>
    %dma_wait3A_484 = tpu.memref_squeeze %dma_wait3A_483 : memref<1x1x125xi32, #tpu.memory_space<vmem>> -> memref<125xi32, #tpu.memory_space<vmem>>
    %dma_wait3A_485 = arith.constant 0 : i32
    %dma_wait3A_486 = arith.constant 0 : i32
    %dma_wait3A_487 = tpu.memref_slice %arg7[%dma_wait3A_485, %dma_wait3A_486] : memref<8000x48xf32, #tpu.memory_space<vmem_shared>> -> memref<8000x48xf32, #tpu.memory_space<vmem_shared>>
    tpu.wait_indirect_dma semaphore(%arg9 : memref<!tpu.dma_semaphore, #tpu.memory_space<semaphore_mem>>) src(%dma_wait3A_481 : memref<125x48xf32, #tpu.memory_space<vmem>>) dst(%dma_wait3A_487 : memref<8000x48xf32, #tpu.memory_space<vmem_shared>>)
    %dma_wait3A_488 = arith.constant 1 : i32
    %dma_wait3A_489 = arith.constant 1 : i32
    %dma_wait3A_490 = arith.constant 2 : i32
    %dma_wait3A_491 = arith.constant 250 : i32
    %dma_wait3A_492 = arith.constant 0 : i32
    %dma_wait3A_493 = tpu.memref_slice %arg5[%dma_wait3A_488, %dma_wait3A_491, %dma_wait3A_492] : memref<2x1000x48xf32, #tpu.memory_space<vmem>> -> memref<1x125x48xf32, #tpu.memory_space<vmem>>
    %dma_wait3A_494 = tpu.memref_squeeze %dma_wait3A_493 : memref<1x125x48xf32, #tpu.memory_space<vmem>> -> memref<125x48xf32, #tpu.memory_space<vmem>>
    %dma_wait3A_495 = arith.constant 0 : i32
    %dma_wait3A_496 = tpu.memref_slice %arg6[%dma_wait3A_489, %dma_wait3A_490, %dma_wait3A_495] : memref<2x8x125xi32, #tpu.memory_space<vmem>> -> memref<1x1x125xi32, #tpu.memory_space<vmem>>
    %dma_wait3A_497 = tpu.memref_squeeze %dma_wait3A_496 : memref<1x1x125xi32, #tpu.memory_space<vmem>> -> memref<125xi32, #tpu.memory_space<vmem>>
    %dma_wait3A_498 = arith.constant 0 : i32
    %dma_wait3A_499 = arith.constant 0 : i32
    %dma_wait3A_500 = tpu.memref_slice %arg7[%dma_wait3A_498, %dma_wait3A_499] : memref<8000x48xf32, #tpu.memory_space<vmem_shared>> -> memref<8000x48xf32, #tpu.memory_space<vmem_shared>>
    tpu.wait_indirect_dma semaphore(%arg9 : memref<!tpu.dma_semaphore, #tpu.memory_space<semaphore_mem>>) src(%dma_wait3A_494 : memref<125x48xf32, #tpu.memory_space<vmem>>) dst(%dma_wait3A_500 : memref<8000x48xf32, #tpu.memory_space<vmem_shared>>)
    %dma_wait3A_501 = arith.constant 1 : i32
    %dma_wait3A_502 = arith.constant 1 : i32
    %dma_wait3A_503 = arith.constant 3 : i32
    %dma_wait3A_504 = arith.constant 375 : i32
    %dma_wait3A_505 = arith.constant 0 : i32
    %dma_wait3A_506 = tpu.memref_slice %arg5[%dma_wait3A_501, %dma_wait3A_504, %dma_wait3A_505] : memref<2x1000x48xf32, #tpu.memory_space<vmem>> -> memref<1x125x48xf32, #tpu.memory_space<vmem>>
    %dma_wait3A_507 = tpu.memref_squeeze %dma_wait3A_506 : memref<1x125x48xf32, #tpu.memory_space<vmem>> -> memref<125x48xf32, #tpu.memory_space<vmem>>
    %dma_wait3A_508 = arith.constant 0 : i32
    %dma_wait3A_509 = tpu.memref_slice %arg6[%dma_wait3A_502, %dma_wait3A_503, %dma_wait3A_508] : memref<2x8x125xi32, #tpu.memory_space<vmem>> -> memref<1x1x125xi32, #tpu.memory_space<vmem>>
    %dma_wait3A_510 = tpu.memref_squeeze %dma_wait3A_509 : memref<1x1x125xi32, #tpu.memory_space<vmem>> -> memref<125xi32, #tpu.memory_space<vmem>>
    %dma_wait3A_511 = arith.constant 0 : i32
    %dma_wait3A_512 = arith.constant 0 : i32
    %dma_wait3A_513 = tpu.memref_slice %arg7[%dma_wait3A_511, %dma_wait3A_512] : memref<8000x48xf32, #tpu.memory_space<vmem_shared>> -> memref<8000x48xf32, #tpu.memory_space<vmem_shared>>
    tpu.wait_indirect_dma semaphore(%arg9 : memref<!tpu.dma_semaphore, #tpu.memory_space<semaphore_mem>>) src(%dma_wait3A_507 : memref<125x48xf32, #tpu.memory_space<vmem>>) dst(%dma_wait3A_513 : memref<8000x48xf32, #tpu.memory_space<vmem_shared>>)
    %dma_wait3A_514 = arith.constant 1 : i32
    %dma_wait3A_515 = arith.constant 1 : i32
    %dma_wait3A_516 = arith.constant 4 : i32
    %dma_wait3A_517 = arith.constant 500 : i32
    %dma_wait3A_518 = arith.constant 0 : i32
    %dma_wait3A_519 = tpu.memref_slice %arg5[%dma_wait3A_514, %dma_wait3A_517, %dma_wait3A_518] : memref<2x1000x48xf32, #tpu.memory_space<vmem>> -> memref<1x125x48xf32, #tpu.memory_space<vmem>>
    %dma_wait3A_520 = tpu.memref_squeeze %dma_wait3A_519 : memref<1x125x48xf32, #tpu.memory_space<vmem>> -> memref<125x48xf32, #tpu.memory_space<vmem>>
    %dma_wait3A_521 = arith.constant 0 : i32
    %dma_wait3A_522 = tpu.memref_slice %arg6[%dma_wait3A_515, %dma_wait3A_516, %dma_wait3A_521] : memref<2x8x125xi32, #tpu.memory_space<vmem>> -> memref<1x1x125xi32, #tpu.memory_space<vmem>>
    %dma_wait3A_523 = tpu.memref_squeeze %dma_wait3A_522 : memref<1x1x125xi32, #tpu.memory_space<vmem>> -> memref<125xi32, #tpu.memory_space<vmem>>
    %dma_wait3A_524 = arith.constant 0 : i32
    %dma_wait3A_525 = arith.constant 0 : i32
    %dma_wait3A_526 = tpu.memref_slice %arg7[%dma_wait3A_524, %dma_wait3A_525] : memref<8000x48xf32, #tpu.memory_space<vmem_shared>> -> memref<8000x48xf32, #tpu.memory_space<vmem_shared>>
    tpu.wait_indirect_dma semaphore(%arg9 : memref<!tpu.dma_semaphore, #tpu.memory_space<semaphore_mem>>) src(%dma_wait3A_520 : memref<125x48xf32, #tpu.memory_space<vmem>>) dst(%dma_wait3A_526 : memref<8000x48xf32, #tpu.memory_space<vmem_shared>>)
    %dma_wait3A_527 = arith.constant 1 : i32
    %dma_wait3A_528 = arith.constant 1 : i32
    %dma_wait3A_529 = arith.constant 5 : i32
    %dma_wait3A_530 = arith.constant 625 : i32
    %dma_wait3A_531 = arith.constant 0 : i32
    %dma_wait3A_532 = tpu.memref_slice %arg5[%dma_wait3A_527, %dma_wait3A_530, %dma_wait3A_531] : memref<2x1000x48xf32, #tpu.memory_space<vmem>> -> memref<1x125x48xf32, #tpu.memory_space<vmem>>
    %dma_wait3A_533 = tpu.memref_squeeze %dma_wait3A_532 : memref<1x125x48xf32, #tpu.memory_space<vmem>> -> memref<125x48xf32, #tpu.memory_space<vmem>>
    %dma_wait3A_534 = arith.constant 0 : i32
    %dma_wait3A_535 = tpu.memref_slice %arg6[%dma_wait3A_528, %dma_wait3A_529, %dma_wait3A_534] : memref<2x8x125xi32, #tpu.memory_space<vmem>> -> memref<1x1x125xi32, #tpu.memory_space<vmem>>
    %dma_wait3A_536 = tpu.memref_squeeze %dma_wait3A_535 : memref<1x1x125xi32, #tpu.memory_space<vmem>> -> memref<125xi32, #tpu.memory_space<vmem>>
    %dma_wait3A_537 = arith.constant 0 : i32
    %dma_wait3A_538 = arith.constant 0 : i32
    %dma_wait3A_539 = tpu.memref_slice %arg7[%dma_wait3A_537, %dma_wait3A_538] : memref<8000x48xf32, #tpu.memory_space<vmem_shared>> -> memref<8000x48xf32, #tpu.memory_space<vmem_shared>>
    tpu.wait_indirect_dma semaphore(%arg9 : memref<!tpu.dma_semaphore, #tpu.memory_space<semaphore_mem>>) src(%dma_wait3A_533 : memref<125x48xf32, #tpu.memory_space<vmem>>) dst(%dma_wait3A_539 : memref<8000x48xf32, #tpu.memory_space<vmem_shared>>)
    %dma_wait3A_540 = arith.constant 1 : i32
    %dma_wait3A_541 = arith.constant 1 : i32
    %dma_wait3A_542 = arith.constant 6 : i32
    %dma_wait3A_543 = arith.constant 750 : i32
    %dma_wait3A_544 = arith.constant 0 : i32
    %dma_wait3A_545 = tpu.memref_slice %arg5[%dma_wait3A_540, %dma_wait3A_543, %dma_wait3A_544] : memref<2x1000x48xf32, #tpu.memory_space<vmem>> -> memref<1x125x48xf32, #tpu.memory_space<vmem>>
    %dma_wait3A_546 = tpu.memref_squeeze %dma_wait3A_545 : memref<1x125x48xf32, #tpu.memory_space<vmem>> -> memref<125x48xf32, #tpu.memory_space<vmem>>
    %dma_wait3A_547 = arith.constant 0 : i32
    %dma_wait3A_548 = tpu.memref_slice %arg6[%dma_wait3A_541, %dma_wait3A_542, %dma_wait3A_547] : memref<2x8x125xi32, #tpu.memory_space<vmem>> -> memref<1x1x125xi32, #tpu.memory_space<vmem>>
    %dma_wait3A_549 = tpu.memref_squeeze %dma_wait3A_548 : memref<1x1x125xi32, #tpu.memory_space<vmem>> -> memref<125xi32, #tpu.memory_space<vmem>>
    %dma_wait3A_550 = arith.constant 0 : i32
    %dma_wait3A_551 = arith.constant 0 : i32
    %dma_wait3A_552 = tpu.memref_slice %arg7[%dma_wait3A_550, %dma_wait3A_551] : memref<8000x48xf32, #tpu.memory_space<vmem_shared>> -> memref<8000x48xf32, #tpu.memory_space<vmem_shared>>
    tpu.wait_indirect_dma semaphore(%arg9 : memref<!tpu.dma_semaphore, #tpu.memory_space<semaphore_mem>>) src(%dma_wait3A_546 : memref<125x48xf32, #tpu.memory_space<vmem>>) dst(%dma_wait3A_552 : memref<8000x48xf32, #tpu.memory_space<vmem_shared>>)
    %dma_wait3A_553 = arith.constant 1 : i32
    %dma_wait3A_554 = arith.constant 1 : i32
    %dma_wait3A_555 = arith.constant 7 : i32
    %dma_wait3A_556 = arith.constant 875 : i32
    %dma_wait3A_557 = arith.constant 0 : i32
    %dma_wait3A_558 = tpu.memref_slice %arg5[%dma_wait3A_553, %dma_wait3A_556, %dma_wait3A_557] : memref<2x1000x48xf32, #tpu.memory_space<vmem>> -> memref<1x125x48xf32, #tpu.memory_space<vmem>>
    %dma_wait3A_559 = tpu.memref_squeeze %dma_wait3A_558 : memref<1x125x48xf32, #tpu.memory_space<vmem>> -> memref<125x48xf32, #tpu.memory_space<vmem>>
    %dma_wait3A_560 = arith.constant 0 : i32
    %dma_wait3A_561 = tpu.memref_slice %arg6[%dma_wait3A_554, %dma_wait3A_555, %dma_wait3A_560] : memref<2x8x125xi32, #tpu.memory_space<vmem>> -> memref<1x1x125xi32, #tpu.memory_space<vmem>>
    %dma_wait3A_562 = tpu.memref_squeeze %dma_wait3A_561 : memref<1x1x125xi32, #tpu.memory_space<vmem>> -> memref<125xi32, #tpu.memory_space<vmem>>
    %dma_wait3A_563 = arith.constant 0 : i32
    %dma_wait3A_564 = arith.constant 0 : i32
    %dma_wait3A_565 = tpu.memref_slice %arg7[%dma_wait3A_563, %dma_wait3A_564] : memref<8000x48xf32, #tpu.memory_space<vmem_shared>> -> memref<8000x48xf32, #tpu.memory_space<vmem_shared>>
    tpu.wait_indirect_dma semaphore(%arg9 : memref<!tpu.dma_semaphore, #tpu.memory_space<semaphore_mem>>) src(%dma_wait3A_559 : memref<125x48xf32, #tpu.memory_space<vmem>>) dst(%dma_wait3A_565 : memref<8000x48xf32, #tpu.memory_space<vmem_shared>>)
    %add3A_566 = arith.constant 3000 : i32
    %add3A_567 = arith.addi %mul3A_5, %add3A_566 : i32
    %dma_start3A_568 = arith.constant 1 : i32
    %dma_start3A_569 = arith.constant 0 : i32
    %dma_start3A_570 = arith.constant 0 : i32
    %dma_start3A_571 = tpu.memref_slice %arg5[%dma_start3A_568, %dma_start3A_569, %dma_start3A_570] : memref<2x1000x48xf32, #tpu.memory_space<vmem>> -> memref<1x1000x48xf32, #tpu.memory_space<vmem>>
    %dma_start3A_572 = tpu.memref_squeeze %dma_start3A_571 : memref<1x1000x48xf32, #tpu.memory_space<vmem>> -> memref<1000x48xf32, #tpu.memory_space<vmem>>
    %dma_start3A_573 = arith.constant 0 : i32
    %dma_start3A_574 = tpu.memref_slice %arg2[%add3A_567, %dma_start3A_573] : memref<160000x48xf32, #tpu.memory_space<hbm>> -> memref<1000x48xf32, #tpu.memory_space<hbm>>
    %dma_start3A_575 = arith.constant 0 : i32
    %dma_start3A_576 = arith.constant 0 : i32
    %dma_start3A_577 = tpu.memref_slice %arg5[%dma_start3A_568, %dma_start3A_575, %dma_start3A_576] : memref<2x1000x48xf32, #tpu.memory_space<vmem>> -> memref<1x1000x48xf32, #tpu.memory_space<vmem>>
    %dma_start3A_578 = tpu.memref_squeeze %dma_start3A_577 : memref<1x1000x48xf32, #tpu.memory_space<vmem>> -> memref<1000x48xf32, #tpu.memory_space<vmem>>
    %dma_start3A_579 = arith.constant 0 : i32
    %dma_start3A_580 = tpu.memref_slice %arg2[%add3A_567, %dma_start3A_579] : memref<160000x48xf32, #tpu.memory_space<hbm>> -> memref<1000x48xf32, #tpu.memory_space<hbm>>
    tpu.enqueue_dma source(%dma_start3A_580 : memref<1000x48xf32, #tpu.memory_space<hbm>>) target(%dma_start3A_578 : memref<1000x48xf32, #tpu.memory_space<vmem>>) target_semaphore(%arg8 : memref<!tpu.dma_semaphore, #tpu.memory_space<semaphore_mem>>)
    %add3A_581 = arith.constant 24 : i32
    %add3A_582 = arith.addi %add3A_9, %add3A_581 : i32
    %dma_start3A_583 = arith.constant 1 : i32
    %dma_start3A_584 = arith.constant 0 : i32
    %dma_start3A_585 = arith.constant 0 : i32
    %dma_start3A_586 = tpu.memref_slice %arg6[%dma_start3A_583, %dma_start3A_584, %dma_start3A_585] : memref<2x8x125xi32, #tpu.memory_space<vmem>> -> memref<1x8x125xi32, #tpu.memory_space<vmem>>
    %dma_start3A_587 = tpu.memref_squeeze %dma_start3A_586 : memref<1x8x125xi32, #tpu.memory_space<vmem>> -> memref<8x125xi32, #tpu.memory_space<vmem>>
    %dma_start3A_588 = arith.constant 0 : i32
    %dma_start3A_589 = tpu.memref_slice %arg3[%add3A_582, %dma_start3A_588] : memref<2560x125xi32, #tpu.memory_space<hbm>> -> memref<8x125xi32, #tpu.memory_space<hbm>>
    %dma_start3A_590 = arith.constant 0 : i32
    %dma_start3A_591 = arith.constant 0 : i32
    %dma_start3A_592 = tpu.memref_slice %arg6[%dma_start3A_583, %dma_start3A_590, %dma_start3A_591] : memref<2x8x125xi32, #tpu.memory_space<vmem>> -> memref<1x8x125xi32, #tpu.memory_space<vmem>>
    %dma_start3A_593 = tpu.memref_squeeze %dma_start3A_592 : memref<1x8x125xi32, #tpu.memory_space<vmem>> -> memref<8x125xi32, #tpu.memory_space<vmem>>
    %dma_start3A_594 = arith.constant 0 : i32
    %dma_start3A_595 = tpu.memref_slice %arg3[%add3A_582, %dma_start3A_594] : memref<2560x125xi32, #tpu.memory_space<hbm>> -> memref<8x125xi32, #tpu.memory_space<hbm>>
    tpu.enqueue_dma source(%dma_start3A_595 : memref<8x125xi32, #tpu.memory_space<hbm>>) target(%dma_start3A_593 : memref<8x125xi32, #tpu.memory_space<vmem>>) target_semaphore(%arg8 : memref<!tpu.dma_semaphore, #tpu.memory_space<semaphore_mem>>)
    %dma_wait3A_596 = arith.constant 0 : i32
    %dma_wait3A_597 = arith.constant 0 : i32
    %dma_wait3A_598 = arith.constant 0 : i32
    %dma_wait3A_599 = tpu.memref_slice %arg5[%dma_wait3A_596, %dma_wait3A_597, %dma_wait3A_598] : memref<2x1000x48xf32, #tpu.memory_space<vmem>> -> memref<1x1000x48xf32, #tpu.memory_space<vmem>>
    %dma_wait3A_600 = tpu.memref_squeeze %dma_wait3A_599 : memref<1x1000x48xf32, #tpu.memory_space<vmem>> -> memref<1000x48xf32, #tpu.memory_space<vmem>>
    %dma_wait3A_601 = arith.constant 0 : i32
    %dma_wait3A_602 = tpu.memref_slice %arg2[%add3A_303, %dma_wait3A_601] : memref<160000x48xf32, #tpu.memory_space<hbm>> -> memref<1000x48xf32, #tpu.memory_space<hbm>>
    %dma_wait3A_603 = arith.constant 0 : i32
    %dma_wait3A_604 = arith.constant 0 : i32
    %dma_wait3A_605 = tpu.memref_slice %arg5[%dma_wait3A_596, %dma_wait3A_603, %dma_wait3A_604] : memref<2x1000x48xf32, #tpu.memory_space<vmem>> -> memref<1x1000x48xf32, #tpu.memory_space<vmem>>
    %dma_wait3A_606 = tpu.memref_squeeze %dma_wait3A_605 : memref<1x1000x48xf32, #tpu.memory_space<vmem>> -> memref<1000x48xf32, #tpu.memory_space<vmem>>
    %dma_wait3A_607 = arith.constant 0 : i32
    %dma_wait3A_608 = tpu.memref_slice %arg2[%add3A_303, %dma_wait3A_607] : memref<160000x48xf32, #tpu.memory_space<hbm>> -> memref<1000x48xf32, #tpu.memory_space<hbm>>
    tpu.wait_dma2 semaphore(%arg8 : memref<!tpu.dma_semaphore, #tpu.memory_space<semaphore_mem>>) src(%dma_wait3A_608 : memref<1000x48xf32, #tpu.memory_space<hbm>>) dst(%dma_wait3A_606 : memref<1000x48xf32, #tpu.memory_space<vmem>>)
    %dma_wait3A_609 = arith.constant 0 : i32
    %dma_wait3A_610 = arith.constant 0 : i32
    %dma_wait3A_611 = arith.constant 0 : i32
    %dma_wait3A_612 = tpu.memref_slice %arg6[%dma_wait3A_609, %dma_wait3A_610, %dma_wait3A_611] : memref<2x8x125xi32, #tpu.memory_space<vmem>> -> memref<1x8x125xi32, #tpu.memory_space<vmem>>
    %dma_wait3A_613 = tpu.memref_squeeze %dma_wait3A_612 : memref<1x8x125xi32, #tpu.memory_space<vmem>> -> memref<8x125xi32, #tpu.memory_space<vmem>>
    %dma_wait3A_614 = arith.constant 0 : i32
    %dma_wait3A_615 = tpu.memref_slice %arg3[%add3A_318, %dma_wait3A_614] : memref<2560x125xi32, #tpu.memory_space<hbm>> -> memref<8x125xi32, #tpu.memory_space<hbm>>
    %dma_wait3A_616 = arith.constant 0 : i32
    %dma_wait3A_617 = arith.constant 0 : i32
    %dma_wait3A_618 = tpu.memref_slice %arg6[%dma_wait3A_609, %dma_wait3A_616, %dma_wait3A_617] : memref<2x8x125xi32, #tpu.memory_space<vmem>> -> memref<1x8x125xi32, #tpu.memory_space<vmem>>
    %dma_wait3A_619 = tpu.memref_squeeze %dma_wait3A_618 : memref<1x8x125xi32, #tpu.memory_space<vmem>> -> memref<8x125xi32, #tpu.memory_space<vmem>>
    %dma_wait3A_620 = arith.constant 0 : i32
    %dma_wait3A_621 = tpu.memref_slice %arg3[%add3A_318, %dma_wait3A_620] : memref<2560x125xi32, #tpu.memory_space<hbm>> -> memref<8x125xi32, #tpu.memory_space<hbm>>
    tpu.wait_dma2 semaphore(%arg8 : memref<!tpu.dma_semaphore, #tpu.memory_space<semaphore_mem>>) src(%dma_wait3A_621 : memref<8x125xi32, #tpu.memory_space<hbm>>) dst(%dma_wait3A_619 : memref<8x125xi32, #tpu.memory_space<vmem>>)
    %dma_start3A_622 = arith.constant 0 : i32
    %dma_start3A_623 = arith.constant 0 : i32
    %dma_start3A_624 = arith.constant 0 : i32
    %dma_start3A_625 = arith.constant 0 : i32
    %dma_start3A_626 = arith.constant 0 : i32
    %dma_start3A_627 = tpu.memref_slice %arg5[%dma_start3A_622, %dma_start3A_625, %dma_start3A_626] : memref<2x1000x48xf32, #tpu.memory_space<vmem>> -> memref<1x125x48xf32, #tpu.memory_space<vmem>>
    %dma_start3A_628 = tpu.memref_squeeze %dma_start3A_627 : memref<1x125x48xf32, #tpu.memory_space<vmem>> -> memref<125x48xf32, #tpu.memory_space<vmem>>
    %dma_start3A_629 = arith.constant 0 : i32
    %dma_start3A_630 = tpu.memref_slice %arg6[%dma_start3A_623, %dma_start3A_624, %dma_start3A_629] : memref<2x8x125xi32, #tpu.memory_space<vmem>> -> memref<1x1x125xi32, #tpu.memory_space<vmem>>
    %dma_start3A_631 = tpu.memref_squeeze %dma_start3A_630 : memref<1x1x125xi32, #tpu.memory_space<vmem>> -> memref<125xi32, #tpu.memory_space<vmem>>
    %dma_start3A_632 = arith.constant 0 : i32
    %dma_start3A_633 = arith.constant 0 : i32
    %dma_start3A_634 = tpu.memref_slice %arg7[%dma_start3A_632, %dma_start3A_633] : memref<8000x48xf32, #tpu.memory_space<vmem_shared>> -> memref<8000x48xf32, #tpu.memory_space<vmem_shared>>
    tpu.enqueue_indirect_dma source(%dma_start3A_628 : memref<125x48xf32, #tpu.memory_space<vmem>>) target(%dma_start3A_634 : memref<8000x48xf32, #tpu.memory_space<vmem_shared>>) offsets(%dma_start3A_631 : memref<125xi32, #tpu.memory_space<vmem>>) semaphore(%arg9 : memref<!tpu.dma_semaphore, #tpu.memory_space<semaphore_mem>>) {add = true}
    %dma_start3A_635 = arith.constant 0 : i32
    %dma_start3A_636 = arith.constant 0 : i32
    %dma_start3A_637 = arith.constant 1 : i32
    %dma_start3A_638 = arith.constant 125 : i32
    %dma_start3A_639 = arith.constant 0 : i32
    %dma_start3A_640 = tpu.memref_slice %arg5[%dma_start3A_635, %dma_start3A_638, %dma_start3A_639] : memref<2x1000x48xf32, #tpu.memory_space<vmem>> -> memref<1x125x48xf32, #tpu.memory_space<vmem>>
    %dma_start3A_641 = tpu.memref_squeeze %dma_start3A_640 : memref<1x125x48xf32, #tpu.memory_space<vmem>> -> memref<125x48xf32, #tpu.memory_space<vmem>>
    %dma_start3A_642 = arith.constant 0 : i32
    %dma_start3A_643 = tpu.memref_slice %arg6[%dma_start3A_636, %dma_start3A_637, %dma_start3A_642] : memref<2x8x125xi32, #tpu.memory_space<vmem>> -> memref<1x1x125xi32, #tpu.memory_space<vmem>>
    %dma_start3A_644 = tpu.memref_squeeze %dma_start3A_643 : memref<1x1x125xi32, #tpu.memory_space<vmem>> -> memref<125xi32, #tpu.memory_space<vmem>>
    %dma_start3A_645 = arith.constant 0 : i32
    %dma_start3A_646 = arith.constant 0 : i32
    %dma_start3A_647 = tpu.memref_slice %arg7[%dma_start3A_645, %dma_start3A_646] : memref<8000x48xf32, #tpu.memory_space<vmem_shared>> -> memref<8000x48xf32, #tpu.memory_space<vmem_shared>>
    tpu.enqueue_indirect_dma source(%dma_start3A_641 : memref<125x48xf32, #tpu.memory_space<vmem>>) target(%dma_start3A_647 : memref<8000x48xf32, #tpu.memory_space<vmem_shared>>) offsets(%dma_start3A_644 : memref<125xi32, #tpu.memory_space<vmem>>) semaphore(%arg9 : memref<!tpu.dma_semaphore, #tpu.memory_space<semaphore_mem>>) {add = true}
    %dma_start3A_648 = arith.constant 0 : i32
    %dma_start3A_649 = arith.constant 0 : i32
    %dma_start3A_650 = arith.constant 2 : i32
    %dma_start3A_651 = arith.constant 250 : i32
    %dma_start3A_652 = arith.constant 0 : i32
    %dma_start3A_653 = tpu.memref_slice %arg5[%dma_start3A_648, %dma_start3A_651, %dma_start3A_652] : memref<2x1000x48xf32, #tpu.memory_space<vmem>> -> memref<1x125x48xf32, #tpu.memory_space<vmem>>
    %dma_start3A_654 = tpu.memref_squeeze %dma_start3A_653 : memref<1x125x48xf32, #tpu.memory_space<vmem>> -> memref<125x48xf32, #tpu.memory_space<vmem>>
    %dma_start3A_655 = arith.constant 0 : i32
    %dma_start3A_656 = tpu.memref_slice %arg6[%dma_start3A_649, %dma_start3A_650, %dma_start3A_655] : memref<2x8x125xi32, #tpu.memory_space<vmem>> -> memref<1x1x125xi32, #tpu.memory_space<vmem>>
    %dma_start3A_657 = tpu.memref_squeeze %dma_start3A_656 : memref<1x1x125xi32, #tpu.memory_space<vmem>> -> memref<125xi32, #tpu.memory_space<vmem>>
    %dma_start3A_658 = arith.constant 0 : i32
    %dma_start3A_659 = arith.constant 0 : i32
    %dma_start3A_660 = tpu.memref_slice %arg7[%dma_start3A_658, %dma_start3A_659] : memref<8000x48xf32, #tpu.memory_space<vmem_shared>> -> memref<8000x48xf32, #tpu.memory_space<vmem_shared>>
    tpu.enqueue_indirect_dma source(%dma_start3A_654 : memref<125x48xf32, #tpu.memory_space<vmem>>) target(%dma_start3A_660 : memref<8000x48xf32, #tpu.memory_space<vmem_shared>>) offsets(%dma_start3A_657 : memref<125xi32, #tpu.memory_space<vmem>>) semaphore(%arg9 : memref<!tpu.dma_semaphore, #tpu.memory_space<semaphore_mem>>) {add = true}
    %dma_start3A_661 = arith.constant 0 : i32
    %dma_start3A_662 = arith.constant 0 : i32
    %dma_start3A_663 = arith.constant 3 : i32
    %dma_start3A_664 = arith.constant 375 : i32
    %dma_start3A_665 = arith.constant 0 : i32
    %dma_start3A_666 = tpu.memref_slice %arg5[%dma_start3A_661, %dma_start3A_664, %dma_start3A_665] : memref<2x1000x48xf32, #tpu.memory_space<vmem>> -> memref<1x125x48xf32, #tpu.memory_space<vmem>>
    %dma_start3A_667 = tpu.memref_squeeze %dma_start3A_666 : memref<1x125x48xf32, #tpu.memory_space<vmem>> -> memref<125x48xf32, #tpu.memory_space<vmem>>
    %dma_start3A_668 = arith.constant 0 : i32
    %dma_start3A_669 = tpu.memref_slice %arg6[%dma_start3A_662, %dma_start3A_663, %dma_start3A_668] : memref<2x8x125xi32, #tpu.memory_space<vmem>> -> memref<1x1x125xi32, #tpu.memory_space<vmem>>
    %dma_start3A_670 = tpu.memref_squeeze %dma_start3A_669 : memref<1x1x125xi32, #tpu.memory_space<vmem>> -> memref<125xi32, #tpu.memory_space<vmem>>
    %dma_start3A_671 = arith.constant 0 : i32
    %dma_start3A_672 = arith.constant 0 : i32
    %dma_start3A_673 = tpu.memref_slice %arg7[%dma_start3A_671, %dma_start3A_672] : memref<8000x48xf32, #tpu.memory_space<vmem_shared>> -> memref<8000x48xf32, #tpu.memory_space<vmem_shared>>
    tpu.enqueue_indirect_dma source(%dma_start3A_667 : memref<125x48xf32, #tpu.memory_space<vmem>>) target(%dma_start3A_673 : memref<8000x48xf32, #tpu.memory_space<vmem_shared>>) offsets(%dma_start3A_670 : memref<125xi32, #tpu.memory_space<vmem>>) semaphore(%arg9 : memref<!tpu.dma_semaphore, #tpu.memory_space<semaphore_mem>>) {add = true}
    %dma_start3A_674 = arith.constant 0 : i32
    %dma_start3A_675 = arith.constant 0 : i32
    %dma_start3A_676 = arith.constant 4 : i32
    %dma_start3A_677 = arith.constant 500 : i32
    %dma_start3A_678 = arith.constant 0 : i32
    %dma_start3A_679 = tpu.memref_slice %arg5[%dma_start3A_674, %dma_start3A_677, %dma_start3A_678] : memref<2x1000x48xf32, #tpu.memory_space<vmem>> -> memref<1x125x48xf32, #tpu.memory_space<vmem>>
    %dma_start3A_680 = tpu.memref_squeeze %dma_start3A_679 : memref<1x125x48xf32, #tpu.memory_space<vmem>> -> memref<125x48xf32, #tpu.memory_space<vmem>>
    %dma_start3A_681 = arith.constant 0 : i32
    %dma_start3A_682 = tpu.memref_slice %arg6[%dma_start3A_675, %dma_start3A_676, %dma_start3A_681] : memref<2x8x125xi32, #tpu.memory_space<vmem>> -> memref<1x1x125xi32, #tpu.memory_space<vmem>>
    %dma_start3A_683 = tpu.memref_squeeze %dma_start3A_682 : memref<1x1x125xi32, #tpu.memory_space<vmem>> -> memref<125xi32, #tpu.memory_space<vmem>>
    %dma_start3A_684 = arith.constant 0 : i32
    %dma_start3A_685 = arith.constant 0 : i32
    %dma_start3A_686 = tpu.memref_slice %arg7[%dma_start3A_684, %dma_start3A_685] : memref<8000x48xf32, #tpu.memory_space<vmem_shared>> -> memref<8000x48xf32, #tpu.memory_space<vmem_shared>>
    tpu.enqueue_indirect_dma source(%dma_start3A_680 : memref<125x48xf32, #tpu.memory_space<vmem>>) target(%dma_start3A_686 : memref<8000x48xf32, #tpu.memory_space<vmem_shared>>) offsets(%dma_start3A_683 : memref<125xi32, #tpu.memory_space<vmem>>) semaphore(%arg9 : memref<!tpu.dma_semaphore, #tpu.memory_space<semaphore_mem>>) {add = true}
    %dma_start3A_687 = arith.constant 0 : i32
    %dma_start3A_688 = arith.constant 0 : i32
    %dma_start3A_689 = arith.constant 5 : i32
    %dma_start3A_690 = arith.constant 625 : i32
    %dma_start3A_691 = arith.constant 0 : i32
    %dma_start3A_692 = tpu.memref_slice %arg5[%dma_start3A_687, %dma_start3A_690, %dma_start3A_691] : memref<2x1000x48xf32, #tpu.memory_space<vmem>> -> memref<1x125x48xf32, #tpu.memory_space<vmem>>
    %dma_start3A_693 = tpu.memref_squeeze %dma_start3A_692 : memref<1x125x48xf32, #tpu.memory_space<vmem>> -> memref<125x48xf32, #tpu.memory_space<vmem>>
    %dma_start3A_694 = arith.constant 0 : i32
    %dma_start3A_695 = tpu.memref_slice %arg6[%dma_start3A_688, %dma_start3A_689, %dma_start3A_694] : memref<2x8x125xi32, #tpu.memory_space<vmem>> -> memref<1x1x125xi32, #tpu.memory_space<vmem>>
    %dma_start3A_696 = tpu.memref_squeeze %dma_start3A_695 : memref<1x1x125xi32, #tpu.memory_space<vmem>> -> memref<125xi32, #tpu.memory_space<vmem>>
    %dma_start3A_697 = arith.constant 0 : i32
    %dma_start3A_698 = arith.constant 0 : i32
    %dma_start3A_699 = tpu.memref_slice %arg7[%dma_start3A_697, %dma_start3A_698] : memref<8000x48xf32, #tpu.memory_space<vmem_shared>> -> memref<8000x48xf32, #tpu.memory_space<vmem_shared>>
    tpu.enqueue_indirect_dma source(%dma_start3A_693 : memref<125x48xf32, #tpu.memory_space<vmem>>) target(%dma_start3A_699 : memref<8000x48xf32, #tpu.memory_space<vmem_shared>>) offsets(%dma_start3A_696 : memref<125xi32, #tpu.memory_space<vmem>>) semaphore(%arg9 : memref<!tpu.dma_semaphore, #tpu.memory_space<semaphore_mem>>) {add = true}
    %dma_start3A_700 = arith.constant 0 : i32
    %dma_start3A_701 = arith.constant 0 : i32
    %dma_start3A_702 = arith.constant 6 : i32
    %dma_start3A_703 = arith.constant 750 : i32
    %dma_start3A_704 = arith.constant 0 : i32
    %dma_start3A_705 = tpu.memref_slice %arg5[%dma_start3A_700, %dma_start3A_703, %dma_start3A_704] : memref<2x1000x48xf32, #tpu.memory_space<vmem>> -> memref<1x125x48xf32, #tpu.memory_space<vmem>>
    %dma_start3A_706 = tpu.memref_squeeze %dma_start3A_705 : memref<1x125x48xf32, #tpu.memory_space<vmem>> -> memref<125x48xf32, #tpu.memory_space<vmem>>
    %dma_start3A_707 = arith.constant 0 : i32
    %dma_start3A_708 = tpu.memref_slice %arg6[%dma_start3A_701, %dma_start3A_702, %dma_start3A_707] : memref<2x8x125xi32, #tpu.memory_space<vmem>> -> memref<1x1x125xi32, #tpu.memory_space<vmem>>
    %dma_start3A_709 = tpu.memref_squeeze %dma_start3A_708 : memref<1x1x125xi32, #tpu.memory_space<vmem>> -> memref<125xi32, #tpu.memory_space<vmem>>
    %dma_start3A_710 = arith.constant 0 : i32
    %dma_start3A_711 = arith.constant 0 : i32
    %dma_start3A_712 = tpu.memref_slice %arg7[%dma_start3A_710, %dma_start3A_711] : memref<8000x48xf32, #tpu.memory_space<vmem_shared>> -> memref<8000x48xf32, #tpu.memory_space<vmem_shared>>
    tpu.enqueue_indirect_dma source(%dma_start3A_706 : memref<125x48xf32, #tpu.memory_space<vmem>>) target(%dma_start3A_712 : memref<8000x48xf32, #tpu.memory_space<vmem_shared>>) offsets(%dma_start3A_709 : memref<125xi32, #tpu.memory_space<vmem>>) semaphore(%arg9 : memref<!tpu.dma_semaphore, #tpu.memory_space<semaphore_mem>>) {add = true}
    %dma_start3A_713 = arith.constant 0 : i32
    %dma_start3A_714 = arith.constant 0 : i32
    %dma_start3A_715 = arith.constant 7 : i32
    %dma_start3A_716 = arith.constant 875 : i32
    %dma_start3A_717 = arith.constant 0 : i32
    %dma_start3A_718 = tpu.memref_slice %arg5[%dma_start3A_713, %dma_start3A_716, %dma_start3A_717] : memref<2x1000x48xf32, #tpu.memory_space<vmem>> -> memref<1x125x48xf32, #tpu.memory_space<vmem>>
    %dma_start3A_719 = tpu.memref_squeeze %dma_start3A_718 : memref<1x125x48xf32, #tpu.memory_space<vmem>> -> memref<125x48xf32, #tpu.memory_space<vmem>>
    %dma_start3A_720 = arith.constant 0 : i32
    %dma_start3A_721 = tpu.memref_slice %arg6[%dma_start3A_714, %dma_start3A_715, %dma_start3A_720] : memref<2x8x125xi32, #tpu.memory_space<vmem>> -> memref<1x1x125xi32, #tpu.memory_space<vmem>>
    %dma_start3A_722 = tpu.memref_squeeze %dma_start3A_721 : memref<1x1x125xi32, #tpu.memory_space<vmem>> -> memref<125xi32, #tpu.memory_space<vmem>>
    %dma_start3A_723 = arith.constant 0 : i32
    %dma_start3A_724 = arith.constant 0 : i32
    %dma_start3A_725 = tpu.memref_slice %arg7[%dma_start3A_723, %dma_start3A_724] : memref<8000x48xf32, #tpu.memory_space<vmem_shared>> -> memref<8000x48xf32, #tpu.memory_space<vmem_shared>>
    tpu.enqueue_indirect_dma source(%dma_start3A_719 : memref<125x48xf32, #tpu.memory_space<vmem>>) target(%dma_start3A_725 : memref<8000x48xf32, #tpu.memory_space<vmem_shared>>) offsets(%dma_start3A_722 : memref<125xi32, #tpu.memory_space<vmem>>) semaphore(%arg9 : memref<!tpu.dma_semaphore, #tpu.memory_space<semaphore_mem>>) {add = true}
    %dma_wait3A_726 = arith.constant 0 : i32
    %dma_wait3A_727 = arith.constant 0 : i32
    %dma_wait3A_728 = arith.constant 0 : i32
    %dma_wait3A_729 = arith.constant 0 : i32
    %dma_wait3A_730 = arith.constant 0 : i32
    %dma_wait3A_731 = tpu.memref_slice %arg5[%dma_wait3A_726, %dma_wait3A_729, %dma_wait3A_730] : memref<2x1000x48xf32, #tpu.memory_space<vmem>> -> memref<1x125x48xf32, #tpu.memory_space<vmem>>
    %dma_wait3A_732 = tpu.memref_squeeze %dma_wait3A_731 : memref<1x125x48xf32, #tpu.memory_space<vmem>> -> memref<125x48xf32, #tpu.memory_space<vmem>>
    %dma_wait3A_733 = arith.constant 0 : i32
    %dma_wait3A_734 = tpu.memref_slice %arg6[%dma_wait3A_727, %dma_wait3A_728, %dma_wait3A_733] : memref<2x8x125xi32, #tpu.memory_space<vmem>> -> memref<1x1x125xi32, #tpu.memory_space<vmem>>
    %dma_wait3A_735 = tpu.memref_squeeze %dma_wait3A_734 : memref<1x1x125xi32, #tpu.memory_space<vmem>> -> memref<125xi32, #tpu.memory_space<vmem>>
    %dma_wait3A_736 = arith.constant 0 : i32
    %dma_wait3A_737 = arith.constant 0 : i32
    %dma_wait3A_738 = tpu.memref_slice %arg7[%dma_wait3A_736, %dma_wait3A_737] : memref<8000x48xf32, #tpu.memory_space<vmem_shared>> -> memref<8000x48xf32, #tpu.memory_space<vmem_shared>>
    tpu.wait_indirect_dma semaphore(%arg9 : memref<!tpu.dma_semaphore, #tpu.memory_space<semaphore_mem>>) src(%dma_wait3A_732 : memref<125x48xf32, #tpu.memory_space<vmem>>) dst(%dma_wait3A_738 : memref<8000x48xf32, #tpu.memory_space<vmem_shared>>)
    %dma_wait3A_739 = arith.constant 0 : i32
    %dma_wait3A_740 = arith.constant 0 : i32
    %dma_wait3A_741 = arith.constant 1 : i32
    %dma_wait3A_742 = arith.constant 125 : i32
    %dma_wait3A_743 = arith.constant 0 : i32
    %dma_wait3A_744 = tpu.memref_slice %arg5[%dma_wait3A_739, %dma_wait3A_742, %dma_wait3A_743] : memref<2x1000x48xf32, #tpu.memory_space<vmem>> -> memref<1x125x48xf32, #tpu.memory_space<vmem>>
    %dma_wait3A_745 = tpu.memref_squeeze %dma_wait3A_744 : memref<1x125x48xf32, #tpu.memory_space<vmem>> -> memref<125x48xf32, #tpu.memory_space<vmem>>
    %dma_wait3A_746 = arith.constant 0 : i32
    %dma_wait3A_747 = tpu.memref_slice %arg6[%dma_wait3A_740, %dma_wait3A_741, %dma_wait3A_746] : memref<2x8x125xi32, #tpu.memory_space<vmem>> -> memref<1x1x125xi32, #tpu.memory_space<vmem>>
    %dma_wait3A_748 = tpu.memref_squeeze %dma_wait3A_747 : memref<1x1x125xi32, #tpu.memory_space<vmem>> -> memref<125xi32, #tpu.memory_space<vmem>>
    %dma_wait3A_749 = arith.constant 0 : i32
    %dma_wait3A_750 = arith.constant 0 : i32
    %dma_wait3A_751 = tpu.memref_slice %arg7[%dma_wait3A_749, %dma_wait3A_750] : memref<8000x48xf32, #tpu.memory_space<vmem_shared>> -> memref<8000x48xf32, #tpu.memory_space<vmem_shared>>
    tpu.wait_indirect_dma semaphore(%arg9 : memref<!tpu.dma_semaphore, #tpu.memory_space<semaphore_mem>>) src(%dma_wait3A_745 : memref<125x48xf32, #tpu.memory_space<vmem>>) dst(%dma_wait3A_751 : memref<8000x48xf32, #tpu.memory_space<vmem_shared>>)
    %dma_wait3A_752 = arith.constant 0 : i32
    %dma_wait3A_753 = arith.constant 0 : i32
    %dma_wait3A_754 = arith.constant 2 : i32
    %dma_wait3A_755 = arith.constant 250 : i32
    %dma_wait3A_756 = arith.constant 0 : i32
    %dma_wait3A_757 = tpu.memref_slice %arg5[%dma_wait3A_752, %dma_wait3A_755, %dma_wait3A_756] : memref<2x1000x48xf32, #tpu.memory_space<vmem>> -> memref<1x125x48xf32, #tpu.memory_space<vmem>>
    %dma_wait3A_758 = tpu.memref_squeeze %dma_wait3A_757 : memref<1x125x48xf32, #tpu.memory_space<vmem>> -> memref<125x48xf32, #tpu.memory_space<vmem>>
    %dma_wait3A_759 = arith.constant 0 : i32
    %dma_wait3A_760 = tpu.memref_slice %arg6[%dma_wait3A_753, %dma_wait3A_754, %dma_wait3A_759] : memref<2x8x125xi32, #tpu.memory_space<vmem>> -> memref<1x1x125xi32, #tpu.memory_space<vmem>>
    %dma_wait3A_761 = tpu.memref_squeeze %dma_wait3A_760 : memref<1x1x125xi32, #tpu.memory_space<vmem>> -> memref<125xi32, #tpu.memory_space<vmem>>
    %dma_wait3A_762 = arith.constant 0 : i32
    %dma_wait3A_763 = arith.constant 0 : i32
    %dma_wait3A_764 = tpu.memref_slice %arg7[%dma_wait3A_762, %dma_wait3A_763] : memref<8000x48xf32, #tpu.memory_space<vmem_shared>> -> memref<8000x48xf32, #tpu.memory_space<vmem_shared>>
    tpu.wait_indirect_dma semaphore(%arg9 : memref<!tpu.dma_semaphore, #tpu.memory_space<semaphore_mem>>) src(%dma_wait3A_758 : memref<125x48xf32, #tpu.memory_space<vmem>>) dst(%dma_wait3A_764 : memref<8000x48xf32, #tpu.memory_space<vmem_shared>>)
    %dma_wait3A_765 = arith.constant 0 : i32
    %dma_wait3A_766 = arith.constant 0 : i32
    %dma_wait3A_767 = arith.constant 3 : i32
    %dma_wait3A_768 = arith.constant 375 : i32
    %dma_wait3A_769 = arith.constant 0 : i32
    %dma_wait3A_770 = tpu.memref_slice %arg5[%dma_wait3A_765, %dma_wait3A_768, %dma_wait3A_769] : memref<2x1000x48xf32, #tpu.memory_space<vmem>> -> memref<1x125x48xf32, #tpu.memory_space<vmem>>
    %dma_wait3A_771 = tpu.memref_squeeze %dma_wait3A_770 : memref<1x125x48xf32, #tpu.memory_space<vmem>> -> memref<125x48xf32, #tpu.memory_space<vmem>>
    %dma_wait3A_772 = arith.constant 0 : i32
    %dma_wait3A_773 = tpu.memref_slice %arg6[%dma_wait3A_766, %dma_wait3A_767, %dma_wait3A_772] : memref<2x8x125xi32, #tpu.memory_space<vmem>> -> memref<1x1x125xi32, #tpu.memory_space<vmem>>
    %dma_wait3A_774 = tpu.memref_squeeze %dma_wait3A_773 : memref<1x1x125xi32, #tpu.memory_space<vmem>> -> memref<125xi32, #tpu.memory_space<vmem>>
    %dma_wait3A_775 = arith.constant 0 : i32
    %dma_wait3A_776 = arith.constant 0 : i32
    %dma_wait3A_777 = tpu.memref_slice %arg7[%dma_wait3A_775, %dma_wait3A_776] : memref<8000x48xf32, #tpu.memory_space<vmem_shared>> -> memref<8000x48xf32, #tpu.memory_space<vmem_shared>>
    tpu.wait_indirect_dma semaphore(%arg9 : memref<!tpu.dma_semaphore, #tpu.memory_space<semaphore_mem>>) src(%dma_wait3A_771 : memref<125x48xf32, #tpu.memory_space<vmem>>) dst(%dma_wait3A_777 : memref<8000x48xf32, #tpu.memory_space<vmem_shared>>)
    %dma_wait3A_778 = arith.constant 0 : i32
    %dma_wait3A_779 = arith.constant 0 : i32
    %dma_wait3A_780 = arith.constant 4 : i32
    %dma_wait3A_781 = arith.constant 500 : i32
    %dma_wait3A_782 = arith.constant 0 : i32
    %dma_wait3A_783 = tpu.memref_slice %arg5[%dma_wait3A_778, %dma_wait3A_781, %dma_wait3A_782] : memref<2x1000x48xf32, #tpu.memory_space<vmem>> -> memref<1x125x48xf32, #tpu.memory_space<vmem>>
    %dma_wait3A_784 = tpu.memref_squeeze %dma_wait3A_783 : memref<1x125x48xf32, #tpu.memory_space<vmem>> -> memref<125x48xf32, #tpu.memory_space<vmem>>
    %dma_wait3A_785 = arith.constant 0 : i32
    %dma_wait3A_786 = tpu.memref_slice %arg6[%dma_wait3A_779, %dma_wait3A_780, %dma_wait3A_785] : memref<2x8x125xi32, #tpu.memory_space<vmem>> -> memref<1x1x125xi32, #tpu.memory_space<vmem>>
    %dma_wait3A_787 = tpu.memref_squeeze %dma_wait3A_786 : memref<1x1x125xi32, #tpu.memory_space<vmem>> -> memref<125xi32, #tpu.memory_space<vmem>>
    %dma_wait3A_788 = arith.constant 0 : i32
    %dma_wait3A_789 = arith.constant 0 : i32
    %dma_wait3A_790 = tpu.memref_slice %arg7[%dma_wait3A_788, %dma_wait3A_789] : memref<8000x48xf32, #tpu.memory_space<vmem_shared>> -> memref<8000x48xf32, #tpu.memory_space<vmem_shared>>
    tpu.wait_indirect_dma semaphore(%arg9 : memref<!tpu.dma_semaphore, #tpu.memory_space<semaphore_mem>>) src(%dma_wait3A_784 : memref<125x48xf32, #tpu.memory_space<vmem>>) dst(%dma_wait3A_790 : memref<8000x48xf32, #tpu.memory_space<vmem_shared>>)
    %dma_wait3A_791 = arith.constant 0 : i32
    %dma_wait3A_792 = arith.constant 0 : i32
    %dma_wait3A_793 = arith.constant 5 : i32
    %dma_wait3A_794 = arith.constant 625 : i32
    %dma_wait3A_795 = arith.constant 0 : i32
    %dma_wait3A_796 = tpu.memref_slice %arg5[%dma_wait3A_791, %dma_wait3A_794, %dma_wait3A_795] : memref<2x1000x48xf32, #tpu.memory_space<vmem>> -> memref<1x125x48xf32, #tpu.memory_space<vmem>>
    %dma_wait3A_797 = tpu.memref_squeeze %dma_wait3A_796 : memref<1x125x48xf32, #tpu.memory_space<vmem>> -> memref<125x48xf32, #tpu.memory_space<vmem>>
    %dma_wait3A_798 = arith.constant 0 : i32
    %dma_wait3A_799 = tpu.memref_slice %arg6[%dma_wait3A_792, %dma_wait3A_793, %dma_wait3A_798] : memref<2x8x125xi32, #tpu.memory_space<vmem>> -> memref<1x1x125xi32, #tpu.memory_space<vmem>>
    %dma_wait3A_800 = tpu.memref_squeeze %dma_wait3A_799 : memref<1x1x125xi32, #tpu.memory_space<vmem>> -> memref<125xi32, #tpu.memory_space<vmem>>
    %dma_wait3A_801 = arith.constant 0 : i32
    %dma_wait3A_802 = arith.constant 0 : i32
    %dma_wait3A_803 = tpu.memref_slice %arg7[%dma_wait3A_801, %dma_wait3A_802] : memref<8000x48xf32, #tpu.memory_space<vmem_shared>> -> memref<8000x48xf32, #tpu.memory_space<vmem_shared>>
    tpu.wait_indirect_dma semaphore(%arg9 : memref<!tpu.dma_semaphore, #tpu.memory_space<semaphore_mem>>) src(%dma_wait3A_797 : memref<125x48xf32, #tpu.memory_space<vmem>>) dst(%dma_wait3A_803 : memref<8000x48xf32, #tpu.memory_space<vmem_shared>>)
    %dma_wait3A_804 = arith.constant 0 : i32
    %dma_wait3A_805 = arith.constant 0 : i32
    %dma_wait3A_806 = arith.constant 6 : i32
    %dma_wait3A_807 = arith.constant 750 : i32
    %dma_wait3A_808 = arith.constant 0 : i32
    %dma_wait3A_809 = tpu.memref_slice %arg5[%dma_wait3A_804, %dma_wait3A_807, %dma_wait3A_808] : memref<2x1000x48xf32, #tpu.memory_space<vmem>> -> memref<1x125x48xf32, #tpu.memory_space<vmem>>
    %dma_wait3A_810 = tpu.memref_squeeze %dma_wait3A_809 : memref<1x125x48xf32, #tpu.memory_space<vmem>> -> memref<125x48xf32, #tpu.memory_space<vmem>>
    %dma_wait3A_811 = arith.constant 0 : i32
    %dma_wait3A_812 = tpu.memref_slice %arg6[%dma_wait3A_805, %dma_wait3A_806, %dma_wait3A_811] : memref<2x8x125xi32, #tpu.memory_space<vmem>> -> memref<1x1x125xi32, #tpu.memory_space<vmem>>
    %dma_wait3A_813 = tpu.memref_squeeze %dma_wait3A_812 : memref<1x1x125xi32, #tpu.memory_space<vmem>> -> memref<125xi32, #tpu.memory_space<vmem>>
    %dma_wait3A_814 = arith.constant 0 : i32
    %dma_wait3A_815 = arith.constant 0 : i32
    %dma_wait3A_816 = tpu.memref_slice %arg7[%dma_wait3A_814, %dma_wait3A_815] : memref<8000x48xf32, #tpu.memory_space<vmem_shared>> -> memref<8000x48xf32, #tpu.memory_space<vmem_shared>>
    tpu.wait_indirect_dma semaphore(%arg9 : memref<!tpu.dma_semaphore, #tpu.memory_space<semaphore_mem>>) src(%dma_wait3A_810 : memref<125x48xf32, #tpu.memory_space<vmem>>) dst(%dma_wait3A_816 : memref<8000x48xf32, #tpu.memory_space<vmem_shared>>)
    %dma_wait3A_817 = arith.constant 0 : i32
    %dma_wait3A_818 = arith.constant 0 : i32
    %dma_wait3A_819 = arith.constant 7 : i32
    %dma_wait3A_820 = arith.constant 875 : i32
    %dma_wait3A_821 = arith.constant 0 : i32
    %dma_wait3A_822 = tpu.memref_slice %arg5[%dma_wait3A_817, %dma_wait3A_820, %dma_wait3A_821] : memref<2x1000x48xf32, #tpu.memory_space<vmem>> -> memref<1x125x48xf32, #tpu.memory_space<vmem>>
    %dma_wait3A_823 = tpu.memref_squeeze %dma_wait3A_822 : memref<1x125x48xf32, #tpu.memory_space<vmem>> -> memref<125x48xf32, #tpu.memory_space<vmem>>
    %dma_wait3A_824 = arith.constant 0 : i32
    %dma_wait3A_825 = tpu.memref_slice %arg6[%dma_wait3A_818, %dma_wait3A_819, %dma_wait3A_824] : memref<2x8x125xi32, #tpu.memory_space<vmem>> -> memref<1x1x125xi32, #tpu.memory_space<vmem>>
    %dma_wait3A_826 = tpu.memref_squeeze %dma_wait3A_825 : memref<1x1x125xi32, #tpu.memory_space<vmem>> -> memref<125xi32, #tpu.memory_space<vmem>>
    %dma_wait3A_827 = arith.constant 0 : i32
    %dma_wait3A_828 = arith.constant 0 : i32
    %dma_wait3A_829 = tpu.memref_slice %arg7[%dma_wait3A_827, %dma_wait3A_828] : memref<8000x48xf32, #tpu.memory_space<vmem_shared>> -> memref<8000x48xf32, #tpu.memory_space<vmem_shared>>
    tpu.wait_indirect_dma semaphore(%arg9 : memref<!tpu.dma_semaphore, #tpu.memory_space<semaphore_mem>>) src(%dma_wait3A_823 : memref<125x48xf32, #tpu.memory_space<vmem>>) dst(%dma_wait3A_829 : memref<8000x48xf32, #tpu.memory_space<vmem_shared>>)
    %add3A_830 = arith.constant 4000 : i32
    %add3A_831 = arith.addi %mul3A_5, %add3A_830 : i32
    %dma_start3A_832 = arith.constant 0 : i32
    %dma_start3A_833 = arith.constant 0 : i32
    %dma_start3A_834 = arith.constant 0 : i32
    %dma_start3A_835 = tpu.memref_slice %arg5[%dma_start3A_832, %dma_start3A_833, %dma_start3A_834] : memref<2x1000x48xf32, #tpu.memory_space<vmem>> -> memref<1x1000x48xf32, #tpu.memory_space<vmem>>
    %dma_start3A_836 = tpu.memref_squeeze %dma_start3A_835 : memref<1x1000x48xf32, #tpu.memory_space<vmem>> -> memref<1000x48xf32, #tpu.memory_space<vmem>>
    %dma_start3A_837 = arith.constant 0 : i32
    %dma_start3A_838 = tpu.memref_slice %arg2[%add3A_831, %dma_start3A_837] : memref<160000x48xf32, #tpu.memory_space<hbm>> -> memref<1000x48xf32, #tpu.memory_space<hbm>>
    %dma_start3A_839 = arith.constant 0 : i32
    %dma_start3A_840 = arith.constant 0 : i32
    %dma_start3A_841 = tpu.memref_slice %arg5[%dma_start3A_832, %dma_start3A_839, %dma_start3A_840] : memref<2x1000x48xf32, #tpu.memory_space<vmem>> -> memref<1x1000x48xf32, #tpu.memory_space<vmem>>
    %dma_start3A_842 = tpu.memref_squeeze %dma_start3A_841 : memref<1x1000x48xf32, #tpu.memory_space<vmem>> -> memref<1000x48xf32, #tpu.memory_space<vmem>>
    %dma_start3A_843 = arith.constant 0 : i32
    %dma_start3A_844 = tpu.memref_slice %arg2[%add3A_831, %dma_start3A_843] : memref<160000x48xf32, #tpu.memory_space<hbm>> -> memref<1000x48xf32, #tpu.memory_space<hbm>>
    tpu.enqueue_dma source(%dma_start3A_844 : memref<1000x48xf32, #tpu.memory_space<hbm>>) target(%dma_start3A_842 : memref<1000x48xf32, #tpu.memory_space<vmem>>) target_semaphore(%arg8 : memref<!tpu.dma_semaphore, #tpu.memory_space<semaphore_mem>>)
    %add3A_845 = arith.constant 32 : i32
    %add3A_846 = arith.addi %add3A_9, %add3A_845 : i32
    %dma_start3A_847 = arith.constant 0 : i32
    %dma_start3A_848 = arith.constant 0 : i32
    %dma_start3A_849 = arith.constant 0 : i32
    %dma_start3A_850 = tpu.memref_slice %arg6[%dma_start3A_847, %dma_start3A_848, %dma_start3A_849] : memref<2x8x125xi32, #tpu.memory_space<vmem>> -> memref<1x8x125xi32, #tpu.memory_space<vmem>>
    %dma_start3A_851 = tpu.memref_squeeze %dma_start3A_850 : memref<1x8x125xi32, #tpu.memory_space<vmem>> -> memref<8x125xi32, #tpu.memory_space<vmem>>
    %dma_start3A_852 = arith.constant 0 : i32
    %dma_start3A_853 = tpu.memref_slice %arg3[%add3A_846, %dma_start3A_852] : memref<2560x125xi32, #tpu.memory_space<hbm>> -> memref<8x125xi32, #tpu.memory_space<hbm>>
    %dma_start3A_854 = arith.constant 0 : i32
    %dma_start3A_855 = arith.constant 0 : i32
    %dma_start3A_856 = tpu.memref_slice %arg6[%dma_start3A_847, %dma_start3A_854, %dma_start3A_855] : memref<2x8x125xi32, #tpu.memory_space<vmem>> -> memref<1x8x125xi32, #tpu.memory_space<vmem>>
    %dma_start3A_857 = tpu.memref_squeeze %dma_start3A_856 : memref<1x8x125xi32, #tpu.memory_space<vmem>> -> memref<8x125xi32, #tpu.memory_space<vmem>>
    %dma_start3A_858 = arith.constant 0 : i32
    %dma_start3A_859 = tpu.memref_slice %arg3[%add3A_846, %dma_start3A_858] : memref<2560x125xi32, #tpu.memory_space<hbm>> -> memref<8x125xi32, #tpu.memory_space<hbm>>
    tpu.enqueue_dma source(%dma_start3A_859 : memref<8x125xi32, #tpu.memory_space<hbm>>) target(%dma_start3A_857 : memref<8x125xi32, #tpu.memory_space<vmem>>) target_semaphore(%arg8 : memref<!tpu.dma_semaphore, #tpu.memory_space<semaphore_mem>>)
    %dma_wait3A_860 = arith.constant 1 : i32
    %dma_wait3A_861 = arith.constant 0 : i32
    %dma_wait3A_862 = arith.constant 0 : i32
    %dma_wait3A_863 = tpu.memref_slice %arg5[%dma_wait3A_860, %dma_wait3A_861, %dma_wait3A_862] : memref<2x1000x48xf32, #tpu.memory_space<vmem>> -> memref<1x1000x48xf32, #tpu.memory_space<vmem>>
    %dma_wait3A_864 = tpu.memref_squeeze %dma_wait3A_863 : memref<1x1000x48xf32, #tpu.memory_space<vmem>> -> memref<1000x48xf32, #tpu.memory_space<vmem>>
    %dma_wait3A_865 = arith.constant 0 : i32
    %dma_wait3A_866 = tpu.memref_slice %arg2[%add3A_567, %dma_wait3A_865] : memref<160000x48xf32, #tpu.memory_space<hbm>> -> memref<1000x48xf32, #tpu.memory_space<hbm>>
    %dma_wait3A_867 = arith.constant 0 : i32
    %dma_wait3A_868 = arith.constant 0 : i32
    %dma_wait3A_869 = tpu.memref_slice %arg5[%dma_wait3A_860, %dma_wait3A_867, %dma_wait3A_868] : memref<2x1000x48xf32, #tpu.memory_space<vmem>> -> memref<1x1000x48xf32, #tpu.memory_space<vmem>>
    %dma_wait3A_870 = tpu.memref_squeeze %dma_wait3A_869 : memref<1x1000x48xf32, #tpu.memory_space<vmem>> -> memref<1000x48xf32, #tpu.memory_space<vmem>>
    %dma_wait3A_871 = arith.constant 0 : i32
    %dma_wait3A_872 = tpu.memref_slice %arg2[%add3A_567, %dma_wait3A_871] : memref<160000x48xf32, #tpu.memory_space<hbm>> -> memref<1000x48xf32, #tpu.memory_space<hbm>>
    tpu.wait_dma2 semaphore(%arg8 : memref<!tpu.dma_semaphore, #tpu.memory_space<semaphore_mem>>) src(%dma_wait3A_872 : memref<1000x48xf32, #tpu.memory_space<hbm>>) dst(%dma_wait3A_870 : memref<1000x48xf32, #tpu.memory_space<vmem>>)
    %dma_wait3A_873 = arith.constant 1 : i32
    %dma_wait3A_874 = arith.constant 0 : i32
    %dma_wait3A_875 = arith.constant 0 : i32
    %dma_wait3A_876 = tpu.memref_slice %arg6[%dma_wait3A_873, %dma_wait3A_874, %dma_wait3A_875] : memref<2x8x125xi32, #tpu.memory_space<vmem>> -> memref<1x8x125xi32, #tpu.memory_space<vmem>>
    %dma_wait3A_877 = tpu.memref_squeeze %dma_wait3A_876 : memref<1x8x125xi32, #tpu.memory_space<vmem>> -> memref<8x125xi32, #tpu.memory_space<vmem>>
    %dma_wait3A_878 = arith.constant 0 : i32
    %dma_wait3A_879 = tpu.memref_slice %arg3[%add3A_582, %dma_wait3A_878] : memref<2560x125xi32, #tpu.memory_space<hbm>> -> memref<8x125xi32, #tpu.memory_space<hbm>>
    %dma_wait3A_880 = arith.constant 0 : i32
    %dma_wait3A_881 = arith.constant 0 : i32
    %dma_wait3A_882 = tpu.memref_slice %arg6[%dma_wait3A_873, %dma_wait3A_880, %dma_wait3A_881] : memref<2x8x125xi32, #tpu.memory_space<vmem>> -> memref<1x8x125xi32, #tpu.memory_space<vmem>>
    %dma_wait3A_883 = tpu.memref_squeeze %dma_wait3A_882 : memref<1x8x125xi32, #tpu.memory_space<vmem>> -> memref<8x125xi32, #tpu.memory_space<vmem>>
    %dma_wait3A_884 = arith.constant 0 : i32
    %dma_wait3A_885 = tpu.memref_slice %arg3[%add3A_582, %dma_wait3A_884] : memref<2560x125xi32, #tpu.memory_space<hbm>> -> memref<8x125xi32, #tpu.memory_space<hbm>>
    tpu.wait_dma2 semaphore(%arg8 : memref<!tpu.dma_semaphore, #tpu.memory_space<semaphore_mem>>) src(%dma_wait3A_885 : memref<8x125xi32, #tpu.memory_space<hbm>>) dst(%dma_wait3A_883 : memref<8x125xi32, #tpu.memory_space<vmem>>)
    %dma_start3A_886 = arith.constant 1 : i32
    %dma_start3A_887 = arith.constant 1 : i32
    %dma_start3A_888 = arith.constant 0 : i32
    %dma_start3A_889 = arith.constant 0 : i32
    %dma_start3A_890 = arith.constant 0 : i32
    %dma_start3A_891 = tpu.memref_slice %arg5[%dma_start3A_886, %dma_start3A_889, %dma_start3A_890] : memref<2x1000x48xf32, #tpu.memory_space<vmem>> -> memref<1x125x48xf32, #tpu.memory_space<vmem>>
    %dma_start3A_892 = tpu.memref_squeeze %dma_start3A_891 : memref<1x125x48xf32, #tpu.memory_space<vmem>> -> memref<125x48xf32, #tpu.memory_space<vmem>>
    %dma_start3A_893 = arith.constant 0 : i32
    %dma_start3A_894 = tpu.memref_slice %arg6[%dma_start3A_887, %dma_start3A_888, %dma_start3A_893] : memref<2x8x125xi32, #tpu.memory_space<vmem>> -> memref<1x1x125xi32, #tpu.memory_space<vmem>>
    %dma_start3A_895 = tpu.memref_squeeze %dma_start3A_894 : memref<1x1x125xi32, #tpu.memory_space<vmem>> -> memref<125xi32, #tpu.memory_space<vmem>>
    %dma_start3A_896 = arith.constant 0 : i32
    %dma_start3A_897 = arith.constant 0 : i32
    %dma_start3A_898 = tpu.memref_slice %arg7[%dma_start3A_896, %dma_start3A_897] : memref<8000x48xf32, #tpu.memory_space<vmem_shared>> -> memref<8000x48xf32, #tpu.memory_space<vmem_shared>>
    tpu.enqueue_indirect_dma source(%dma_start3A_892 : memref<125x48xf32, #tpu.memory_space<vmem>>) target(%dma_start3A_898 : memref<8000x48xf32, #tpu.memory_space<vmem_shared>>) offsets(%dma_start3A_895 : memref<125xi32, #tpu.memory_space<vmem>>) semaphore(%arg9 : memref<!tpu.dma_semaphore, #tpu.memory_space<semaphore_mem>>) {add = true}
    %dma_start3A_899 = arith.constant 1 : i32
    %dma_start3A_900 = arith.constant 1 : i32
    %dma_start3A_901 = arith.constant 1 : i32
    %dma_start3A_902 = arith.constant 125 : i32
    %dma_start3A_903 = arith.constant 0 : i32
    %dma_start3A_904 = tpu.memref_slice %arg5[%dma_start3A_899, %dma_start3A_902, %dma_start3A_903] : memref<2x1000x48xf32, #tpu.memory_space<vmem>> -> memref<1x125x48xf32, #tpu.memory_space<vmem>>
    %dma_start3A_905 = tpu.memref_squeeze %dma_start3A_904 : memref<1x125x48xf32, #tpu.memory_space<vmem>> -> memref<125x48xf32, #tpu.memory_space<vmem>>
    %dma_start3A_906 = arith.constant 0 : i32
    %dma_start3A_907 = tpu.memref_slice %arg6[%dma_start3A_900, %dma_start3A_901, %dma_start3A_906] : memref<2x8x125xi32, #tpu.memory_space<vmem>> -> memref<1x1x125xi32, #tpu.memory_space<vmem>>
    %dma_start3A_908 = tpu.memref_squeeze %dma_start3A_907 : memref<1x1x125xi32, #tpu.memory_space<vmem>> -> memref<125xi32, #tpu.memory_space<vmem>>
    %dma_start3A_909 = arith.constant 0 : i32
    %dma_start3A_910 = arith.constant 0 : i32
    %dma_start3A_911 = tpu.memref_slice %arg7[%dma_start3A_909, %dma_start3A_910] : memref<8000x48xf32, #tpu.memory_space<vmem_shared>> -> memref<8000x48xf32, #tpu.memory_space<vmem_shared>>
    tpu.enqueue_indirect_dma source(%dma_start3A_905 : memref<125x48xf32, #tpu.memory_space<vmem>>) target(%dma_start3A_911 : memref<8000x48xf32, #tpu.memory_space<vmem_shared>>) offsets(%dma_start3A_908 : memref<125xi32, #tpu.memory_space<vmem>>) semaphore(%arg9 : memref<!tpu.dma_semaphore, #tpu.memory_space<semaphore_mem>>) {add = true}
    %dma_start3A_912 = arith.constant 1 : i32
    %dma_start3A_913 = arith.constant 1 : i32
    %dma_start3A_914 = arith.constant 2 : i32
    %dma_start3A_915 = arith.constant 250 : i32
    %dma_start3A_916 = arith.constant 0 : i32
    %dma_start3A_917 = tpu.memref_slice %arg5[%dma_start3A_912, %dma_start3A_915, %dma_start3A_916] : memref<2x1000x48xf32, #tpu.memory_space<vmem>> -> memref<1x125x48xf32, #tpu.memory_space<vmem>>
    %dma_start3A_918 = tpu.memref_squeeze %dma_start3A_917 : memref<1x125x48xf32, #tpu.memory_space<vmem>> -> memref<125x48xf32, #tpu.memory_space<vmem>>
    %dma_start3A_919 = arith.constant 0 : i32
    %dma_start3A_920 = tpu.memref_slice %arg6[%dma_start3A_913, %dma_start3A_914, %dma_start3A_919] : memref<2x8x125xi32, #tpu.memory_space<vmem>> -> memref<1x1x125xi32, #tpu.memory_space<vmem>>
    %dma_start3A_921 = tpu.memref_squeeze %dma_start3A_920 : memref<1x1x125xi32, #tpu.memory_space<vmem>> -> memref<125xi32, #tpu.memory_space<vmem>>
    %dma_start3A_922 = arith.constant 0 : i32
    %dma_start3A_923 = arith.constant 0 : i32
    %dma_start3A_924 = tpu.memref_slice %arg7[%dma_start3A_922, %dma_start3A_923] : memref<8000x48xf32, #tpu.memory_space<vmem_shared>> -> memref<8000x48xf32, #tpu.memory_space<vmem_shared>>
    tpu.enqueue_indirect_dma source(%dma_start3A_918 : memref<125x48xf32, #tpu.memory_space<vmem>>) target(%dma_start3A_924 : memref<8000x48xf32, #tpu.memory_space<vmem_shared>>) offsets(%dma_start3A_921 : memref<125xi32, #tpu.memory_space<vmem>>) semaphore(%arg9 : memref<!tpu.dma_semaphore, #tpu.memory_space<semaphore_mem>>) {add = true}
    %dma_start3A_925 = arith.constant 1 : i32
    %dma_start3A_926 = arith.constant 1 : i32
    %dma_start3A_927 = arith.constant 3 : i32
    %dma_start3A_928 = arith.constant 375 : i32
    %dma_start3A_929 = arith.constant 0 : i32
    %dma_start3A_930 = tpu.memref_slice %arg5[%dma_start3A_925, %dma_start3A_928, %dma_start3A_929] : memref<2x1000x48xf32, #tpu.memory_space<vmem>> -> memref<1x125x48xf32, #tpu.memory_space<vmem>>
    %dma_start3A_931 = tpu.memref_squeeze %dma_start3A_930 : memref<1x125x48xf32, #tpu.memory_space<vmem>> -> memref<125x48xf32, #tpu.memory_space<vmem>>
    %dma_start3A_932 = arith.constant 0 : i32
    %dma_start3A_933 = tpu.memref_slice %arg6[%dma_start3A_926, %dma_start3A_927, %dma_start3A_932] : memref<2x8x125xi32, #tpu.memory_space<vmem>> -> memref<1x1x125xi32, #tpu.memory_space<vmem>>
    %dma_start3A_934 = tpu.memref_squeeze %dma_start3A_933 : memref<1x1x125xi32, #tpu.memory_space<vmem>> -> memref<125xi32, #tpu.memory_space<vmem>>
    %dma_start3A_935 = arith.constant 0 : i32
    %dma_start3A_936 = arith.constant 0 : i32
    %dma_start3A_937 = tpu.memref_slice %arg7[%dma_start3A_935, %dma_start3A_936] : memref<8000x48xf32, #tpu.memory_space<vmem_shared>> -> memref<8000x48xf32, #tpu.memory_space<vmem_shared>>
    tpu.enqueue_indirect_dma source(%dma_start3A_931 : memref<125x48xf32, #tpu.memory_space<vmem>>) target(%dma_start3A_937 : memref<8000x48xf32, #tpu.memory_space<vmem_shared>>) offsets(%dma_start3A_934 : memref<125xi32, #tpu.memory_space<vmem>>) semaphore(%arg9 : memref<!tpu.dma_semaphore, #tpu.memory_space<semaphore_mem>>) {add = true}
    %dma_start3A_938 = arith.constant 1 : i32
    %dma_start3A_939 = arith.constant 1 : i32
    %dma_start3A_940 = arith.constant 4 : i32
    %dma_start3A_941 = arith.constant 500 : i32
    %dma_start3A_942 = arith.constant 0 : i32
    %dma_start3A_943 = tpu.memref_slice %arg5[%dma_start3A_938, %dma_start3A_941, %dma_start3A_942] : memref<2x1000x48xf32, #tpu.memory_space<vmem>> -> memref<1x125x48xf32, #tpu.memory_space<vmem>>
    %dma_start3A_944 = tpu.memref_squeeze %dma_start3A_943 : memref<1x125x48xf32, #tpu.memory_space<vmem>> -> memref<125x48xf32, #tpu.memory_space<vmem>>
    %dma_start3A_945 = arith.constant 0 : i32
    %dma_start3A_946 = tpu.memref_slice %arg6[%dma_start3A_939, %dma_start3A_940, %dma_start3A_945] : memref<2x8x125xi32, #tpu.memory_space<vmem>> -> memref<1x1x125xi32, #tpu.memory_space<vmem>>
    %dma_start3A_947 = tpu.memref_squeeze %dma_start3A_946 : memref<1x1x125xi32, #tpu.memory_space<vmem>> -> memref<125xi32, #tpu.memory_space<vmem>>
    %dma_start3A_948 = arith.constant 0 : i32
    %dma_start3A_949 = arith.constant 0 : i32
    %dma_start3A_950 = tpu.memref_slice %arg7[%dma_start3A_948, %dma_start3A_949] : memref<8000x48xf32, #tpu.memory_space<vmem_shared>> -> memref<8000x48xf32, #tpu.memory_space<vmem_shared>>
    tpu.enqueue_indirect_dma source(%dma_start3A_944 : memref<125x48xf32, #tpu.memory_space<vmem>>) target(%dma_start3A_950 : memref<8000x48xf32, #tpu.memory_space<vmem_shared>>) offsets(%dma_start3A_947 : memref<125xi32, #tpu.memory_space<vmem>>) semaphore(%arg9 : memref<!tpu.dma_semaphore, #tpu.memory_space<semaphore_mem>>) {add = true}
    %dma_start3A_951 = arith.constant 1 : i32
    %dma_start3A_952 = arith.constant 1 : i32
    %dma_start3A_953 = arith.constant 5 : i32
    %dma_start3A_954 = arith.constant 625 : i32
    %dma_start3A_955 = arith.constant 0 : i32
    %dma_start3A_956 = tpu.memref_slice %arg5[%dma_start3A_951, %dma_start3A_954, %dma_start3A_955] : memref<2x1000x48xf32, #tpu.memory_space<vmem>> -> memref<1x125x48xf32, #tpu.memory_space<vmem>>
    %dma_start3A_957 = tpu.memref_squeeze %dma_start3A_956 : memref<1x125x48xf32, #tpu.memory_space<vmem>> -> memref<125x48xf32, #tpu.memory_space<vmem>>
    %dma_start3A_958 = arith.constant 0 : i32
    %dma_start3A_959 = tpu.memref_slice %arg6[%dma_start3A_952, %dma_start3A_953, %dma_start3A_958] : memref<2x8x125xi32, #tpu.memory_space<vmem>> -> memref<1x1x125xi32, #tpu.memory_space<vmem>>
    %dma_start3A_960 = tpu.memref_squeeze %dma_start3A_959 : memref<1x1x125xi32, #tpu.memory_space<vmem>> -> memref<125xi32, #tpu.memory_space<vmem>>
    %dma_start3A_961 = arith.constant 0 : i32
    %dma_start3A_962 = arith.constant 0 : i32
    %dma_start3A_963 = tpu.memref_slice %arg7[%dma_start3A_961, %dma_start3A_962] : memref<8000x48xf32, #tpu.memory_space<vmem_shared>> -> memref<8000x48xf32, #tpu.memory_space<vmem_shared>>
    tpu.enqueue_indirect_dma source(%dma_start3A_957 : memref<125x48xf32, #tpu.memory_space<vmem>>) target(%dma_start3A_963 : memref<8000x48xf32, #tpu.memory_space<vmem_shared>>) offsets(%dma_start3A_960 : memref<125xi32, #tpu.memory_space<vmem>>) semaphore(%arg9 : memref<!tpu.dma_semaphore, #tpu.memory_space<semaphore_mem>>) {add = true}
    %dma_start3A_964 = arith.constant 1 : i32
    %dma_start3A_965 = arith.constant 1 : i32
    %dma_start3A_966 = arith.constant 6 : i32
    %dma_start3A_967 = arith.constant 750 : i32
    %dma_start3A_968 = arith.constant 0 : i32
    %dma_start3A_969 = tpu.memref_slice %arg5[%dma_start3A_964, %dma_start3A_967, %dma_start3A_968] : memref<2x1000x48xf32, #tpu.memory_space<vmem>> -> memref<1x125x48xf32, #tpu.memory_space<vmem>>
    %dma_start3A_970 = tpu.memref_squeeze %dma_start3A_969 : memref<1x125x48xf32, #tpu.memory_space<vmem>> -> memref<125x48xf32, #tpu.memory_space<vmem>>
    %dma_start3A_971 = arith.constant 0 : i32
    %dma_start3A_972 = tpu.memref_slice %arg6[%dma_start3A_965, %dma_start3A_966, %dma_start3A_971] : memref<2x8x125xi32, #tpu.memory_space<vmem>> -> memref<1x1x125xi32, #tpu.memory_space<vmem>>
    %dma_start3A_973 = tpu.memref_squeeze %dma_start3A_972 : memref<1x1x125xi32, #tpu.memory_space<vmem>> -> memref<125xi32, #tpu.memory_space<vmem>>
    %dma_start3A_974 = arith.constant 0 : i32
    %dma_start3A_975 = arith.constant 0 : i32
    %dma_start3A_976 = tpu.memref_slice %arg7[%dma_start3A_974, %dma_start3A_975] : memref<8000x48xf32, #tpu.memory_space<vmem_shared>> -> memref<8000x48xf32, #tpu.memory_space<vmem_shared>>
    tpu.enqueue_indirect_dma source(%dma_start3A_970 : memref<125x48xf32, #tpu.memory_space<vmem>>) target(%dma_start3A_976 : memref<8000x48xf32, #tpu.memory_space<vmem_shared>>) offsets(%dma_start3A_973 : memref<125xi32, #tpu.memory_space<vmem>>) semaphore(%arg9 : memref<!tpu.dma_semaphore, #tpu.memory_space<semaphore_mem>>) {add = true}
    %dma_start3A_977 = arith.constant 1 : i32
    %dma_start3A_978 = arith.constant 1 : i32
    %dma_start3A_979 = arith.constant 7 : i32
    %dma_start3A_980 = arith.constant 875 : i32
    %dma_start3A_981 = arith.constant 0 : i32
    %dma_start3A_982 = tpu.memref_slice %arg5[%dma_start3A_977, %dma_start3A_980, %dma_start3A_981] : memref<2x1000x48xf32, #tpu.memory_space<vmem>> -> memref<1x125x48xf32, #tpu.memory_space<vmem>>
    %dma_start3A_983 = tpu.memref_squeeze %dma_start3A_982 : memref<1x125x48xf32, #tpu.memory_space<vmem>> -> memref<125x48xf32, #tpu.memory_space<vmem>>
    %dma_start3A_984 = arith.constant 0 : i32
    %dma_start3A_985 = tpu.memref_slice %arg6[%dma_start3A_978, %dma_start3A_979, %dma_start3A_984] : memref<2x8x125xi32, #tpu.memory_space<vmem>> -> memref<1x1x125xi32, #tpu.memory_space<vmem>>
    %dma_start3A_986 = tpu.memref_squeeze %dma_start3A_985 : memref<1x1x125xi32, #tpu.memory_space<vmem>> -> memref<125xi32, #tpu.memory_space<vmem>>
    %dma_start3A_987 = arith.constant 0 : i32
    %dma_start3A_988 = arith.constant 0 : i32
    %dma_start3A_989 = tpu.memref_slice %arg7[%dma_start3A_987, %dma_start3A_988] : memref<8000x48xf32, #tpu.memory_space<vmem_shared>> -> memref<8000x48xf32, #tpu.memory_space<vmem_shared>>
    tpu.enqueue_indirect_dma source(%dma_start3A_983 : memref<125x48xf32, #tpu.memory_space<vmem>>) target(%dma_start3A_989 : memref<8000x48xf32, #tpu.memory_space<vmem_shared>>) offsets(%dma_start3A_986 : memref<125xi32, #tpu.memory_space<vmem>>) semaphore(%arg9 : memref<!tpu.dma_semaphore, #tpu.memory_space<semaphore_mem>>) {add = true}
    %dma_wait3A_990 = arith.constant 1 : i32
    %dma_wait3A_991 = arith.constant 1 : i32
    %dma_wait3A_992 = arith.constant 0 : i32
    %dma_wait3A_993 = arith.constant 0 : i32
    %dma_wait3A_994 = arith.constant 0 : i32
    %dma_wait3A_995 = tpu.memref_slice %arg5[%dma_wait3A_990, %dma_wait3A_993, %dma_wait3A_994] : memref<2x1000x48xf32, #tpu.memory_space<vmem>> -> memref<1x125x48xf32, #tpu.memory_space<vmem>>
    %dma_wait3A_996 = tpu.memref_squeeze %dma_wait3A_995 : memref<1x125x48xf32, #tpu.memory_space<vmem>> -> memref<125x48xf32, #tpu.memory_space<vmem>>
    %dma_wait3A_997 = arith.constant 0 : i32
    %dma_wait3A_998 = tpu.memref_slice %arg6[%dma_wait3A_991, %dma_wait3A_992, %dma_wait3A_997] : memref<2x8x125xi32, #tpu.memory_space<vmem>> -> memref<1x1x125xi32, #tpu.memory_space<vmem>>
    %dma_wait3A_999 = tpu.memref_squeeze %dma_wait3A_998 : memref<1x1x125xi32, #tpu.memory_space<vmem>> -> memref<125xi32, #tpu.memory_space<vmem>>
    %dma_wait3A_1000 = arith.constant 0 : i32
    %dma_wait3A_1001 = arith.constant 0 : i32
    %dma_wait3A_1002 = tpu.memref_slice %arg7[%dma_wait3A_1000, %dma_wait3A_1001] : memref<8000x48xf32, #tpu.memory_space<vmem_shared>> -> memref<8000x48xf32, #tpu.memory_space<vmem_shared>>
    tpu.wait_indirect_dma semaphore(%arg9 : memref<!tpu.dma_semaphore, #tpu.memory_space<semaphore_mem>>) src(%dma_wait3A_996 : memref<125x48xf32, #tpu.memory_space<vmem>>) dst(%dma_wait3A_1002 : memref<8000x48xf32, #tpu.memory_space<vmem_shared>>)
    %dma_wait3A_1003 = arith.constant 1 : i32
    %dma_wait3A_1004 = arith.constant 1 : i32
    %dma_wait3A_1005 = arith.constant 1 : i32
    %dma_wait3A_1006 = arith.constant 125 : i32
    %dma_wait3A_1007 = arith.constant 0 : i32
    %dma_wait3A_1008 = tpu.memref_slice %arg5[%dma_wait3A_1003, %dma_wait3A_1006, %dma_wait3A_1007] : memref<2x1000x48xf32, #tpu.memory_space<vmem>> -> memref<1x125x48xf32, #tpu.memory_space<vmem>>
    %dma_wait3A_1009 = tpu.memref_squeeze %dma_wait3A_1008 : memref<1x125x48xf32, #tpu.memory_space<vmem>> -> memref<125x48xf32, #tpu.memory_space<vmem>>
    %dma_wait3A_1010 = arith.constant 0 : i32
    %dma_wait3A_1011 = tpu.memref_slice %arg6[%dma_wait3A_1004, %dma_wait3A_1005, %dma_wait3A_1010] : memref<2x8x125xi32, #tpu.memory_space<vmem>> -> memref<1x1x125xi32, #tpu.memory_space<vmem>>
    %dma_wait3A_1012 = tpu.memref_squeeze %dma_wait3A_1011 : memref<1x1x125xi32, #tpu.memory_space<vmem>> -> memref<125xi32, #tpu.memory_space<vmem>>
    %dma_wait3A_1013 = arith.constant 0 : i32
    %dma_wait3A_1014 = arith.constant 0 : i32
    %dma_wait3A_1015 = tpu.memref_slice %arg7[%dma_wait3A_1013, %dma_wait3A_1014] : memref<8000x48xf32, #tpu.memory_space<vmem_shared>> -> memref<8000x48xf32, #tpu.memory_space<vmem_shared>>
    tpu.wait_indirect_dma semaphore(%arg9 : memref<!tpu.dma_semaphore, #tpu.memory_space<semaphore_mem>>) src(%dma_wait3A_1009 : memref<125x48xf32, #tpu.memory_space<vmem>>) dst(%dma_wait3A_1015 : memref<8000x48xf32, #tpu.memory_space<vmem_shared>>)
    %dma_wait3A_1016 = arith.constant 1 : i32
    %dma_wait3A_1017 = arith.constant 1 : i32
    %dma_wait3A_1018 = arith.constant 2 : i32
    %dma_wait3A_1019 = arith.constant 250 : i32
    %dma_wait3A_1020 = arith.constant 0 : i32
    %dma_wait3A_1021 = tpu.memref_slice %arg5[%dma_wait3A_1016, %dma_wait3A_1019, %dma_wait3A_1020] : memref<2x1000x48xf32, #tpu.memory_space<vmem>> -> memref<1x125x48xf32, #tpu.memory_space<vmem>>
    %dma_wait3A_1022 = tpu.memref_squeeze %dma_wait3A_1021 : memref<1x125x48xf32, #tpu.memory_space<vmem>> -> memref<125x48xf32, #tpu.memory_space<vmem>>
    %dma_wait3A_1023 = arith.constant 0 : i32
    %dma_wait3A_1024 = tpu.memref_slice %arg6[%dma_wait3A_1017, %dma_wait3A_1018, %dma_wait3A_1023] : memref<2x8x125xi32, #tpu.memory_space<vmem>> -> memref<1x1x125xi32, #tpu.memory_space<vmem>>
    %dma_wait3A_1025 = tpu.memref_squeeze %dma_wait3A_1024 : memref<1x1x125xi32, #tpu.memory_space<vmem>> -> memref<125xi32, #tpu.memory_space<vmem>>
    %dma_wait3A_1026 = arith.constant 0 : i32
    %dma_wait3A_1027 = arith.constant 0 : i32
    %dma_wait3A_1028 = tpu.memref_slice %arg7[%dma_wait3A_1026, %dma_wait3A_1027] : memref<8000x48xf32, #tpu.memory_space<vmem_shared>> -> memref<8000x48xf32, #tpu.memory_space<vmem_shared>>
    tpu.wait_indirect_dma semaphore(%arg9 : memref<!tpu.dma_semaphore, #tpu.memory_space<semaphore_mem>>) src(%dma_wait3A_1022 : memref<125x48xf32, #tpu.memory_space<vmem>>) dst(%dma_wait3A_1028 : memref<8000x48xf32, #tpu.memory_space<vmem_shared>>)
    %dma_wait3A_1029 = arith.constant 1 : i32
    %dma_wait3A_1030 = arith.constant 1 : i32
    %dma_wait3A_1031 = arith.constant 3 : i32
    %dma_wait3A_1032 = arith.constant 375 : i32
    %dma_wait3A_1033 = arith.constant 0 : i32
    %dma_wait3A_1034 = tpu.memref_slice %arg5[%dma_wait3A_1029, %dma_wait3A_1032, %dma_wait3A_1033] : memref<2x1000x48xf32, #tpu.memory_space<vmem>> -> memref<1x125x48xf32, #tpu.memory_space<vmem>>
    %dma_wait3A_1035 = tpu.memref_squeeze %dma_wait3A_1034 : memref<1x125x48xf32, #tpu.memory_space<vmem>> -> memref<125x48xf32, #tpu.memory_space<vmem>>
    %dma_wait3A_1036 = arith.constant 0 : i32
    %dma_wait3A_1037 = tpu.memref_slice %arg6[%dma_wait3A_1030, %dma_wait3A_1031, %dma_wait3A_1036] : memref<2x8x125xi32, #tpu.memory_space<vmem>> -> memref<1x1x125xi32, #tpu.memory_space<vmem>>
    %dma_wait3A_1038 = tpu.memref_squeeze %dma_wait3A_1037 : memref<1x1x125xi32, #tpu.memory_space<vmem>> -> memref<125xi32, #tpu.memory_space<vmem>>
    %dma_wait3A_1039 = arith.constant 0 : i32
    %dma_wait3A_1040 = arith.constant 0 : i32
    %dma_wait3A_1041 = tpu.memref_slice %arg7[%dma_wait3A_1039, %dma_wait3A_1040] : memref<8000x48xf32, #tpu.memory_space<vmem_shared>> -> memref<8000x48xf32, #tpu.memory_space<vmem_shared>>
    tpu.wait_indirect_dma semaphore(%arg9 : memref<!tpu.dma_semaphore, #tpu.memory_space<semaphore_mem>>) src(%dma_wait3A_1035 : memref<125x48xf32, #tpu.memory_space<vmem>>) dst(%dma_wait3A_1041 : memref<8000x48xf32, #tpu.memory_space<vmem_shared>>)
    %dma_wait3A_1042 = arith.constant 1 : i32
    %dma_wait3A_1043 = arith.constant 1 : i32
    %dma_wait3A_1044 = arith.constant 4 : i32
    %dma_wait3A_1045 = arith.constant 500 : i32
    %dma_wait3A_1046 = arith.constant 0 : i32
    %dma_wait3A_1047 = tpu.memref_slice %arg5[%dma_wait3A_1042, %dma_wait3A_1045, %dma_wait3A_1046] : memref<2x1000x48xf32, #tpu.memory_space<vmem>> -> memref<1x125x48xf32, #tpu.memory_space<vmem>>
    %dma_wait3A_1048 = tpu.memref_squeeze %dma_wait3A_1047 : memref<1x125x48xf32, #tpu.memory_space<vmem>> -> memref<125x48xf32, #tpu.memory_space<vmem>>
    %dma_wait3A_1049 = arith.constant 0 : i32
    %dma_wait3A_1050 = tpu.memref_slice %arg6[%dma_wait3A_1043, %dma_wait3A_1044, %dma_wait3A_1049] : memref<2x8x125xi32, #tpu.memory_space<vmem>> -> memref<1x1x125xi32, #tpu.memory_space<vmem>>
    %dma_wait3A_1051 = tpu.memref_squeeze %dma_wait3A_1050 : memref<1x1x125xi32, #tpu.memory_space<vmem>> -> memref<125xi32, #tpu.memory_space<vmem>>
    %dma_wait3A_1052 = arith.constant 0 : i32
    %dma_wait3A_1053 = arith.constant 0 : i32
    %dma_wait3A_1054 = tpu.memref_slice %arg7[%dma_wait3A_1052, %dma_wait3A_1053] : memref<8000x48xf32, #tpu.memory_space<vmem_shared>> -> memref<8000x48xf32, #tpu.memory_space<vmem_shared>>
    tpu.wait_indirect_dma semaphore(%arg9 : memref<!tpu.dma_semaphore, #tpu.memory_space<semaphore_mem>>) src(%dma_wait3A_1048 : memref<125x48xf32, #tpu.memory_space<vmem>>) dst(%dma_wait3A_1054 : memref<8000x48xf32, #tpu.memory_space<vmem_shared>>)
    %dma_wait3A_1055 = arith.constant 1 : i32
    %dma_wait3A_1056 = arith.constant 1 : i32
    %dma_wait3A_1057 = arith.constant 5 : i32
    %dma_wait3A_1058 = arith.constant 625 : i32
    %dma_wait3A_1059 = arith.constant 0 : i32
    %dma_wait3A_1060 = tpu.memref_slice %arg5[%dma_wait3A_1055, %dma_wait3A_1058, %dma_wait3A_1059] : memref<2x1000x48xf32, #tpu.memory_space<vmem>> -> memref<1x125x48xf32, #tpu.memory_space<vmem>>
    %dma_wait3A_1061 = tpu.memref_squeeze %dma_wait3A_1060 : memref<1x125x48xf32, #tpu.memory_space<vmem>> -> memref<125x48xf32, #tpu.memory_space<vmem>>
    %dma_wait3A_1062 = arith.constant 0 : i32
    %dma_wait3A_1063 = tpu.memref_slice %arg6[%dma_wait3A_1056, %dma_wait3A_1057, %dma_wait3A_1062] : memref<2x8x125xi32, #tpu.memory_space<vmem>> -> memref<1x1x125xi32, #tpu.memory_space<vmem>>
    %dma_wait3A_1064 = tpu.memref_squeeze %dma_wait3A_1063 : memref<1x1x125xi32, #tpu.memory_space<vmem>> -> memref<125xi32, #tpu.memory_space<vmem>>
    %dma_wait3A_1065 = arith.constant 0 : i32
    %dma_wait3A_1066 = arith.constant 0 : i32
    %dma_wait3A_1067 = tpu.memref_slice %arg7[%dma_wait3A_1065, %dma_wait3A_1066] : memref<8000x48xf32, #tpu.memory_space<vmem_shared>> -> memref<8000x48xf32, #tpu.memory_space<vmem_shared>>
    tpu.wait_indirect_dma semaphore(%arg9 : memref<!tpu.dma_semaphore, #tpu.memory_space<semaphore_mem>>) src(%dma_wait3A_1061 : memref<125x48xf32, #tpu.memory_space<vmem>>) dst(%dma_wait3A_1067 : memref<8000x48xf32, #tpu.memory_space<vmem_shared>>)
    %dma_wait3A_1068 = arith.constant 1 : i32
    %dma_wait3A_1069 = arith.constant 1 : i32
    %dma_wait3A_1070 = arith.constant 6 : i32
    %dma_wait3A_1071 = arith.constant 750 : i32
    %dma_wait3A_1072 = arith.constant 0 : i32
    %dma_wait3A_1073 = tpu.memref_slice %arg5[%dma_wait3A_1068, %dma_wait3A_1071, %dma_wait3A_1072] : memref<2x1000x48xf32, #tpu.memory_space<vmem>> -> memref<1x125x48xf32, #tpu.memory_space<vmem>>
    %dma_wait3A_1074 = tpu.memref_squeeze %dma_wait3A_1073 : memref<1x125x48xf32, #tpu.memory_space<vmem>> -> memref<125x48xf32, #tpu.memory_space<vmem>>
    %dma_wait3A_1075 = arith.constant 0 : i32
    %dma_wait3A_1076 = tpu.memref_slice %arg6[%dma_wait3A_1069, %dma_wait3A_1070, %dma_wait3A_1075] : memref<2x8x125xi32, #tpu.memory_space<vmem>> -> memref<1x1x125xi32, #tpu.memory_space<vmem>>
    %dma_wait3A_1077 = tpu.memref_squeeze %dma_wait3A_1076 : memref<1x1x125xi32, #tpu.memory_space<vmem>> -> memref<125xi32, #tpu.memory_space<vmem>>
    %dma_wait3A_1078 = arith.constant 0 : i32
    %dma_wait3A_1079 = arith.constant 0 : i32
    %dma_wait3A_1080 = tpu.memref_slice %arg7[%dma_wait3A_1078, %dma_wait3A_1079] : memref<8000x48xf32, #tpu.memory_space<vmem_shared>> -> memref<8000x48xf32, #tpu.memory_space<vmem_shared>>
    tpu.wait_indirect_dma semaphore(%arg9 : memref<!tpu.dma_semaphore, #tpu.memory_space<semaphore_mem>>) src(%dma_wait3A_1074 : memref<125x48xf32, #tpu.memory_space<vmem>>) dst(%dma_wait3A_1080 : memref<8000x48xf32, #tpu.memory_space<vmem_shared>>)
    %dma_wait3A_1081 = arith.constant 1 : i32
    %dma_wait3A_1082 = arith.constant 1 : i32
    %dma_wait3A_1083 = arith.constant 7 : i32
    %dma_wait3A_1084 = arith.constant 875 : i32
    %dma_wait3A_1085 = arith.constant 0 : i32
    %dma_wait3A_1086 = tpu.memref_slice %arg5[%dma_wait3A_1081, %dma_wait3A_1084, %dma_wait3A_1085] : memref<2x1000x48xf32, #tpu.memory_space<vmem>> -> memref<1x125x48xf32, #tpu.memory_space<vmem>>
    %dma_wait3A_1087 = tpu.memref_squeeze %dma_wait3A_1086 : memref<1x125x48xf32, #tpu.memory_space<vmem>> -> memref<125x48xf32, #tpu.memory_space<vmem>>
    %dma_wait3A_1088 = arith.constant 0 : i32
    %dma_wait3A_1089 = tpu.memref_slice %arg6[%dma_wait3A_1082, %dma_wait3A_1083, %dma_wait3A_1088] : memref<2x8x125xi32, #tpu.memory_space<vmem>> -> memref<1x1x125xi32, #tpu.memory_space<vmem>>
    %dma_wait3A_1090 = tpu.memref_squeeze %dma_wait3A_1089 : memref<1x1x125xi32, #tpu.memory_space<vmem>> -> memref<125xi32, #tpu.memory_space<vmem>>
    %dma_wait3A_1091 = arith.constant 0 : i32
    %dma_wait3A_1092 = arith.constant 0 : i32
    %dma_wait3A_1093 = tpu.memref_slice %arg7[%dma_wait3A_1091, %dma_wait3A_1092] : memref<8000x48xf32, #tpu.memory_space<vmem_shared>> -> memref<8000x48xf32, #tpu.memory_space<vmem_shared>>
    tpu.wait_indirect_dma semaphore(%arg9 : memref<!tpu.dma_semaphore, #tpu.memory_space<semaphore_mem>>) src(%dma_wait3A_1087 : memref<125x48xf32, #tpu.memory_space<vmem>>) dst(%dma_wait3A_1093 : memref<8000x48xf32, #tpu.memory_space<vmem_shared>>)
    %dma_wait3A_1094 = arith.constant 0 : i32
    %dma_wait3A_1095 = arith.constant 0 : i32
    %dma_wait3A_1096 = arith.constant 0 : i32
    %dma_wait3A_1097 = tpu.memref_slice %arg5[%dma_wait3A_1094, %dma_wait3A_1095, %dma_wait3A_1096] : memref<2x1000x48xf32, #tpu.memory_space<vmem>> -> memref<1x1000x48xf32, #tpu.memory_space<vmem>>
    %dma_wait3A_1098 = tpu.memref_squeeze %dma_wait3A_1097 : memref<1x1000x48xf32, #tpu.memory_space<vmem>> -> memref<1000x48xf32, #tpu.memory_space<vmem>>
    %dma_wait3A_1099 = arith.constant 0 : i32
    %dma_wait3A_1100 = tpu.memref_slice %arg2[%add3A_831, %dma_wait3A_1099] : memref<160000x48xf32, #tpu.memory_space<hbm>> -> memref<1000x48xf32, #tpu.memory_space<hbm>>
    %dma_wait3A_1101 = arith.constant 0 : i32
    %dma_wait3A_1102 = arith.constant 0 : i32
    %dma_wait3A_1103 = tpu.memref_slice %arg5[%dma_wait3A_1094, %dma_wait3A_1101, %dma_wait3A_1102] : memref<2x1000x48xf32, #tpu.memory_space<vmem>> -> memref<1x1000x48xf32, #tpu.memory_space<vmem>>
    %dma_wait3A_1104 = tpu.memref_squeeze %dma_wait3A_1103 : memref<1x1000x48xf32, #tpu.memory_space<vmem>> -> memref<1000x48xf32, #tpu.memory_space<vmem>>
    %dma_wait3A_1105 = arith.constant 0 : i32
    %dma_wait3A_1106 = tpu.memref_slice %arg2[%add3A_831, %dma_wait3A_1105] : memref<160000x48xf32, #tpu.memory_space<hbm>> -> memref<1000x48xf32, #tpu.memory_space<hbm>>
    tpu.wait_dma2 semaphore(%arg8 : memref<!tpu.dma_semaphore, #tpu.memory_space<semaphore_mem>>) src(%dma_wait3A_1106 : memref<1000x48xf32, #tpu.memory_space<hbm>>) dst(%dma_wait3A_1104 : memref<1000x48xf32, #tpu.memory_space<vmem>>)
    %dma_wait3A_1107 = arith.constant 0 : i32
    %dma_wait3A_1108 = arith.constant 0 : i32
    %dma_wait3A_1109 = arith.constant 0 : i32
    %dma_wait3A_1110 = tpu.memref_slice %arg6[%dma_wait3A_1107, %dma_wait3A_1108, %dma_wait3A_1109] : memref<2x8x125xi32, #tpu.memory_space<vmem>> -> memref<1x8x125xi32, #tpu.memory_space<vmem>>
    %dma_wait3A_1111 = tpu.memref_squeeze %dma_wait3A_1110 : memref<1x8x125xi32, #tpu.memory_space<vmem>> -> memref<8x125xi32, #tpu.memory_space<vmem>>
    %dma_wait3A_1112 = arith.constant 0 : i32
    %dma_wait3A_1113 = tpu.memref_slice %arg3[%add3A_846, %dma_wait3A_1112] : memref<2560x125xi32, #tpu.memory_space<hbm>> -> memref<8x125xi32, #tpu.memory_space<hbm>>
    %dma_wait3A_1114 = arith.constant 0 : i32
    %dma_wait3A_1115 = arith.constant 0 : i32
    %dma_wait3A_1116 = tpu.memref_slice %arg6[%dma_wait3A_1107, %dma_wait3A_1114, %dma_wait3A_1115] : memref<2x8x125xi32, #tpu.memory_space<vmem>> -> memref<1x8x125xi32, #tpu.memory_space<vmem>>
    %dma_wait3A_1117 = tpu.memref_squeeze %dma_wait3A_1116 : memref<1x8x125xi32, #tpu.memory_space<vmem>> -> memref<8x125xi32, #tpu.memory_space<vmem>>
    %dma_wait3A_1118 = arith.constant 0 : i32
    %dma_wait3A_1119 = tpu.memref_slice %arg3[%add3A_846, %dma_wait3A_1118] : memref<2560x125xi32, #tpu.memory_space<hbm>> -> memref<8x125xi32, #tpu.memory_space<hbm>>
    tpu.wait_dma2 semaphore(%arg8 : memref<!tpu.dma_semaphore, #tpu.memory_space<semaphore_mem>>) src(%dma_wait3A_1119 : memref<8x125xi32, #tpu.memory_space<hbm>>) dst(%dma_wait3A_1117 : memref<8x125xi32, #tpu.memory_space<vmem>>)
    %dma_start3A_1120 = arith.constant 0 : i32
    %dma_start3A_1121 = arith.constant 0 : i32
    %dma_start3A_1122 = arith.constant 0 : i32
    %dma_start3A_1123 = arith.constant 0 : i32
    %dma_start3A_1124 = arith.constant 0 : i32
    %dma_start3A_1125 = tpu.memref_slice %arg5[%dma_start3A_1120, %dma_start3A_1123, %dma_start3A_1124] : memref<2x1000x48xf32, #tpu.memory_space<vmem>> -> memref<1x125x48xf32, #tpu.memory_space<vmem>>
    %dma_start3A_1126 = tpu.memref_squeeze %dma_start3A_1125 : memref<1x125x48xf32, #tpu.memory_space<vmem>> -> memref<125x48xf32, #tpu.memory_space<vmem>>
    %dma_start3A_1127 = arith.constant 0 : i32
    %dma_start3A_1128 = tpu.memref_slice %arg6[%dma_start3A_1121, %dma_start3A_1122, %dma_start3A_1127] : memref<2x8x125xi32, #tpu.memory_space<vmem>> -> memref<1x1x125xi32, #tpu.memory_space<vmem>>
    %dma_start3A_1129 = tpu.memref_squeeze %dma_start3A_1128 : memref<1x1x125xi32, #tpu.memory_space<vmem>> -> memref<125xi32, #tpu.memory_space<vmem>>
    %dma_start3A_1130 = arith.constant 0 : i32
    %dma_start3A_1131 = arith.constant 0 : i32
    %dma_start3A_1132 = tpu.memref_slice %arg7[%dma_start3A_1130, %dma_start3A_1131] : memref<8000x48xf32, #tpu.memory_space<vmem_shared>> -> memref<8000x48xf32, #tpu.memory_space<vmem_shared>>
    tpu.enqueue_indirect_dma source(%dma_start3A_1126 : memref<125x48xf32, #tpu.memory_space<vmem>>) target(%dma_start3A_1132 : memref<8000x48xf32, #tpu.memory_space<vmem_shared>>) offsets(%dma_start3A_1129 : memref<125xi32, #tpu.memory_space<vmem>>) semaphore(%arg9 : memref<!tpu.dma_semaphore, #tpu.memory_space<semaphore_mem>>) {add = true}
    %dma_start3A_1133 = arith.constant 0 : i32
    %dma_start3A_1134 = arith.constant 0 : i32
    %dma_start3A_1135 = arith.constant 1 : i32
    %dma_start3A_1136 = arith.constant 125 : i32
    %dma_start3A_1137 = arith.constant 0 : i32
    %dma_start3A_1138 = tpu.memref_slice %arg5[%dma_start3A_1133, %dma_start3A_1136, %dma_start3A_1137] : memref<2x1000x48xf32, #tpu.memory_space<vmem>> -> memref<1x125x48xf32, #tpu.memory_space<vmem>>
    %dma_start3A_1139 = tpu.memref_squeeze %dma_start3A_1138 : memref<1x125x48xf32, #tpu.memory_space<vmem>> -> memref<125x48xf32, #tpu.memory_space<vmem>>
    %dma_start3A_1140 = arith.constant 0 : i32
    %dma_start3A_1141 = tpu.memref_slice %arg6[%dma_start3A_1134, %dma_start3A_1135, %dma_start3A_1140] : memref<2x8x125xi32, #tpu.memory_space<vmem>> -> memref<1x1x125xi32, #tpu.memory_space<vmem>>
    %dma_start3A_1142 = tpu.memref_squeeze %dma_start3A_1141 : memref<1x1x125xi32, #tpu.memory_space<vmem>> -> memref<125xi32, #tpu.memory_space<vmem>>
    %dma_start3A_1143 = arith.constant 0 : i32
    %dma_start3A_1144 = arith.constant 0 : i32
    %dma_start3A_1145 = tpu.memref_slice %arg7[%dma_start3A_1143, %dma_start3A_1144] : memref<8000x48xf32, #tpu.memory_space<vmem_shared>> -> memref<8000x48xf32, #tpu.memory_space<vmem_shared>>
    tpu.enqueue_indirect_dma source(%dma_start3A_1139 : memref<125x48xf32, #tpu.memory_space<vmem>>) target(%dma_start3A_1145 : memref<8000x48xf32, #tpu.memory_space<vmem_shared>>) offsets(%dma_start3A_1142 : memref<125xi32, #tpu.memory_space<vmem>>) semaphore(%arg9 : memref<!tpu.dma_semaphore, #tpu.memory_space<semaphore_mem>>) {add = true}
    %dma_start3A_1146 = arith.constant 0 : i32
    %dma_start3A_1147 = arith.constant 0 : i32
    %dma_start3A_1148 = arith.constant 2 : i32
    %dma_start3A_1149 = arith.constant 250 : i32
    %dma_start3A_1150 = arith.constant 0 : i32
    %dma_start3A_1151 = tpu.memref_slice %arg5[%dma_start3A_1146, %dma_start3A_1149, %dma_start3A_1150] : memref<2x1000x48xf32, #tpu.memory_space<vmem>> -> memref<1x125x48xf32, #tpu.memory_space<vmem>>
    %dma_start3A_1152 = tpu.memref_squeeze %dma_start3A_1151 : memref<1x125x48xf32, #tpu.memory_space<vmem>> -> memref<125x48xf32, #tpu.memory_space<vmem>>
    %dma_start3A_1153 = arith.constant 0 : i32
    %dma_start3A_1154 = tpu.memref_slice %arg6[%dma_start3A_1147, %dma_start3A_1148, %dma_start3A_1153] : memref<2x8x125xi32, #tpu.memory_space<vmem>> -> memref<1x1x125xi32, #tpu.memory_space<vmem>>
    %dma_start3A_1155 = tpu.memref_squeeze %dma_start3A_1154 : memref<1x1x125xi32, #tpu.memory_space<vmem>> -> memref<125xi32, #tpu.memory_space<vmem>>
    %dma_start3A_1156 = arith.constant 0 : i32
    %dma_start3A_1157 = arith.constant 0 : i32
    %dma_start3A_1158 = tpu.memref_slice %arg7[%dma_start3A_1156, %dma_start3A_1157] : memref<8000x48xf32, #tpu.memory_space<vmem_shared>> -> memref<8000x48xf32, #tpu.memory_space<vmem_shared>>
    tpu.enqueue_indirect_dma source(%dma_start3A_1152 : memref<125x48xf32, #tpu.memory_space<vmem>>) target(%dma_start3A_1158 : memref<8000x48xf32, #tpu.memory_space<vmem_shared>>) offsets(%dma_start3A_1155 : memref<125xi32, #tpu.memory_space<vmem>>) semaphore(%arg9 : memref<!tpu.dma_semaphore, #tpu.memory_space<semaphore_mem>>) {add = true}
    %dma_start3A_1159 = arith.constant 0 : i32
    %dma_start3A_1160 = arith.constant 0 : i32
    %dma_start3A_1161 = arith.constant 3 : i32
    %dma_start3A_1162 = arith.constant 375 : i32
    %dma_start3A_1163 = arith.constant 0 : i32
    %dma_start3A_1164 = tpu.memref_slice %arg5[%dma_start3A_1159, %dma_start3A_1162, %dma_start3A_1163] : memref<2x1000x48xf32, #tpu.memory_space<vmem>> -> memref<1x125x48xf32, #tpu.memory_space<vmem>>
    %dma_start3A_1165 = tpu.memref_squeeze %dma_start3A_1164 : memref<1x125x48xf32, #tpu.memory_space<vmem>> -> memref<125x48xf32, #tpu.memory_space<vmem>>
    %dma_start3A_1166 = arith.constant 0 : i32
    %dma_start3A_1167 = tpu.memref_slice %arg6[%dma_start3A_1160, %dma_start3A_1161, %dma_start3A_1166] : memref<2x8x125xi32, #tpu.memory_space<vmem>> -> memref<1x1x125xi32, #tpu.memory_space<vmem>>
    %dma_start3A_1168 = tpu.memref_squeeze %dma_start3A_1167 : memref<1x1x125xi32, #tpu.memory_space<vmem>> -> memref<125xi32, #tpu.memory_space<vmem>>
    %dma_start3A_1169 = arith.constant 0 : i32
    %dma_start3A_1170 = arith.constant 0 : i32
    %dma_start3A_1171 = tpu.memref_slice %arg7[%dma_start3A_1169, %dma_start3A_1170] : memref<8000x48xf32, #tpu.memory_space<vmem_shared>> -> memref<8000x48xf32, #tpu.memory_space<vmem_shared>>
    tpu.enqueue_indirect_dma source(%dma_start3A_1165 : memref<125x48xf32, #tpu.memory_space<vmem>>) target(%dma_start3A_1171 : memref<8000x48xf32, #tpu.memory_space<vmem_shared>>) offsets(%dma_start3A_1168 : memref<125xi32, #tpu.memory_space<vmem>>) semaphore(%arg9 : memref<!tpu.dma_semaphore, #tpu.memory_space<semaphore_mem>>) {add = true}
    %dma_start3A_1172 = arith.constant 0 : i32
    %dma_start3A_1173 = arith.constant 0 : i32
    %dma_start3A_1174 = arith.constant 4 : i32
    %dma_start3A_1175 = arith.constant 500 : i32
    %dma_start3A_1176 = arith.constant 0 : i32
    %dma_start3A_1177 = tpu.memref_slice %arg5[%dma_start3A_1172, %dma_start3A_1175, %dma_start3A_1176] : memref<2x1000x48xf32, #tpu.memory_space<vmem>> -> memref<1x125x48xf32, #tpu.memory_space<vmem>>
    %dma_start3A_1178 = tpu.memref_squeeze %dma_start3A_1177 : memref<1x125x48xf32, #tpu.memory_space<vmem>> -> memref<125x48xf32, #tpu.memory_space<vmem>>
    %dma_start3A_1179 = arith.constant 0 : i32
    %dma_start3A_1180 = tpu.memref_slice %arg6[%dma_start3A_1173, %dma_start3A_1174, %dma_start3A_1179] : memref<2x8x125xi32, #tpu.memory_space<vmem>> -> memref<1x1x125xi32, #tpu.memory_space<vmem>>
    %dma_start3A_1181 = tpu.memref_squeeze %dma_start3A_1180 : memref<1x1x125xi32, #tpu.memory_space<vmem>> -> memref<125xi32, #tpu.memory_space<vmem>>
    %dma_start3A_1182 = arith.constant 0 : i32
    %dma_start3A_1183 = arith.constant 0 : i32
    %dma_start3A_1184 = tpu.memref_slice %arg7[%dma_start3A_1182, %dma_start3A_1183] : memref<8000x48xf32, #tpu.memory_space<vmem_shared>> -> memref<8000x48xf32, #tpu.memory_space<vmem_shared>>
    tpu.enqueue_indirect_dma source(%dma_start3A_1178 : memref<125x48xf32, #tpu.memory_space<vmem>>) target(%dma_start3A_1184 : memref<8000x48xf32, #tpu.memory_space<vmem_shared>>) offsets(%dma_start3A_1181 : memref<125xi32, #tpu.memory_space<vmem>>) semaphore(%arg9 : memref<!tpu.dma_semaphore, #tpu.memory_space<semaphore_mem>>) {add = true}
    %dma_start3A_1185 = arith.constant 0 : i32
    %dma_start3A_1186 = arith.constant 0 : i32
    %dma_start3A_1187 = arith.constant 5 : i32
    %dma_start3A_1188 = arith.constant 625 : i32
    %dma_start3A_1189 = arith.constant 0 : i32
    %dma_start3A_1190 = tpu.memref_slice %arg5[%dma_start3A_1185, %dma_start3A_1188, %dma_start3A_1189] : memref<2x1000x48xf32, #tpu.memory_space<vmem>> -> memref<1x125x48xf32, #tpu.memory_space<vmem>>
    %dma_start3A_1191 = tpu.memref_squeeze %dma_start3A_1190 : memref<1x125x48xf32, #tpu.memory_space<vmem>> -> memref<125x48xf32, #tpu.memory_space<vmem>>
    %dma_start3A_1192 = arith.constant 0 : i32
    %dma_start3A_1193 = tpu.memref_slice %arg6[%dma_start3A_1186, %dma_start3A_1187, %dma_start3A_1192] : memref<2x8x125xi32, #tpu.memory_space<vmem>> -> memref<1x1x125xi32, #tpu.memory_space<vmem>>
    %dma_start3A_1194 = tpu.memref_squeeze %dma_start3A_1193 : memref<1x1x125xi32, #tpu.memory_space<vmem>> -> memref<125xi32, #tpu.memory_space<vmem>>
    %dma_start3A_1195 = arith.constant 0 : i32
    %dma_start3A_1196 = arith.constant 0 : i32
    %dma_start3A_1197 = tpu.memref_slice %arg7[%dma_start3A_1195, %dma_start3A_1196] : memref<8000x48xf32, #tpu.memory_space<vmem_shared>> -> memref<8000x48xf32, #tpu.memory_space<vmem_shared>>
    tpu.enqueue_indirect_dma source(%dma_start3A_1191 : memref<125x48xf32, #tpu.memory_space<vmem>>) target(%dma_start3A_1197 : memref<8000x48xf32, #tpu.memory_space<vmem_shared>>) offsets(%dma_start3A_1194 : memref<125xi32, #tpu.memory_space<vmem>>) semaphore(%arg9 : memref<!tpu.dma_semaphore, #tpu.memory_space<semaphore_mem>>) {add = true}
    %dma_start3A_1198 = arith.constant 0 : i32
    %dma_start3A_1199 = arith.constant 0 : i32
    %dma_start3A_1200 = arith.constant 6 : i32
    %dma_start3A_1201 = arith.constant 750 : i32
    %dma_start3A_1202 = arith.constant 0 : i32
    %dma_start3A_1203 = tpu.memref_slice %arg5[%dma_start3A_1198, %dma_start3A_1201, %dma_start3A_1202] : memref<2x1000x48xf32, #tpu.memory_space<vmem>> -> memref<1x125x48xf32, #tpu.memory_space<vmem>>
    %dma_start3A_1204 = tpu.memref_squeeze %dma_start3A_1203 : memref<1x125x48xf32, #tpu.memory_space<vmem>> -> memref<125x48xf32, #tpu.memory_space<vmem>>
    %dma_start3A_1205 = arith.constant 0 : i32
    %dma_start3A_1206 = tpu.memref_slice %arg6[%dma_start3A_1199, %dma_start3A_1200, %dma_start3A_1205] : memref<2x8x125xi32, #tpu.memory_space<vmem>> -> memref<1x1x125xi32, #tpu.memory_space<vmem>>
    %dma_start3A_1207 = tpu.memref_squeeze %dma_start3A_1206 : memref<1x1x125xi32, #tpu.memory_space<vmem>> -> memref<125xi32, #tpu.memory_space<vmem>>
    %dma_start3A_1208 = arith.constant 0 : i32
    %dma_start3A_1209 = arith.constant 0 : i32
    %dma_start3A_1210 = tpu.memref_slice %arg7[%dma_start3A_1208, %dma_start3A_1209] : memref<8000x48xf32, #tpu.memory_space<vmem_shared>> -> memref<8000x48xf32, #tpu.memory_space<vmem_shared>>
    tpu.enqueue_indirect_dma source(%dma_start3A_1204 : memref<125x48xf32, #tpu.memory_space<vmem>>) target(%dma_start3A_1210 : memref<8000x48xf32, #tpu.memory_space<vmem_shared>>) offsets(%dma_start3A_1207 : memref<125xi32, #tpu.memory_space<vmem>>) semaphore(%arg9 : memref<!tpu.dma_semaphore, #tpu.memory_space<semaphore_mem>>) {add = true}
    %dma_start3A_1211 = arith.constant 0 : i32
    %dma_start3A_1212 = arith.constant 0 : i32
    %dma_start3A_1213 = arith.constant 7 : i32
    %dma_start3A_1214 = arith.constant 875 : i32
    %dma_start3A_1215 = arith.constant 0 : i32
    %dma_start3A_1216 = tpu.memref_slice %arg5[%dma_start3A_1211, %dma_start3A_1214, %dma_start3A_1215] : memref<2x1000x48xf32, #tpu.memory_space<vmem>> -> memref<1x125x48xf32, #tpu.memory_space<vmem>>
    %dma_start3A_1217 = tpu.memref_squeeze %dma_start3A_1216 : memref<1x125x48xf32, #tpu.memory_space<vmem>> -> memref<125x48xf32, #tpu.memory_space<vmem>>
    %dma_start3A_1218 = arith.constant 0 : i32
    %dma_start3A_1219 = tpu.memref_slice %arg6[%dma_start3A_1212, %dma_start3A_1213, %dma_start3A_1218] : memref<2x8x125xi32, #tpu.memory_space<vmem>> -> memref<1x1x125xi32, #tpu.memory_space<vmem>>
    %dma_start3A_1220 = tpu.memref_squeeze %dma_start3A_1219 : memref<1x1x125xi32, #tpu.memory_space<vmem>> -> memref<125xi32, #tpu.memory_space<vmem>>
    %dma_start3A_1221 = arith.constant 0 : i32
    %dma_start3A_1222 = arith.constant 0 : i32
    %dma_start3A_1223 = tpu.memref_slice %arg7[%dma_start3A_1221, %dma_start3A_1222] : memref<8000x48xf32, #tpu.memory_space<vmem_shared>> -> memref<8000x48xf32, #tpu.memory_space<vmem_shared>>
    tpu.enqueue_indirect_dma source(%dma_start3A_1217 : memref<125x48xf32, #tpu.memory_space<vmem>>) target(%dma_start3A_1223 : memref<8000x48xf32, #tpu.memory_space<vmem_shared>>) offsets(%dma_start3A_1220 : memref<125xi32, #tpu.memory_space<vmem>>) semaphore(%arg9 : memref<!tpu.dma_semaphore, #tpu.memory_space<semaphore_mem>>) {add = true}
    %dma_wait3A_1224 = arith.constant 0 : i32
    %dma_wait3A_1225 = arith.constant 0 : i32
    %dma_wait3A_1226 = arith.constant 0 : i32
    %dma_wait3A_1227 = arith.constant 0 : i32
    %dma_wait3A_1228 = arith.constant 0 : i32
    %dma_wait3A_1229 = tpu.memref_slice %arg5[%dma_wait3A_1224, %dma_wait3A_1227, %dma_wait3A_1228] : memref<2x1000x48xf32, #tpu.memory_space<vmem>> -> memref<1x125x48xf32, #tpu.memory_space<vmem>>
    %dma_wait3A_1230 = tpu.memref_squeeze %dma_wait3A_1229 : memref<1x125x48xf32, #tpu.memory_space<vmem>> -> memref<125x48xf32, #tpu.memory_space<vmem>>
    %dma_wait3A_1231 = arith.constant 0 : i32
    %dma_wait3A_1232 = tpu.memref_slice %arg6[%dma_wait3A_1225, %dma_wait3A_1226, %dma_wait3A_1231] : memref<2x8x125xi32, #tpu.memory_space<vmem>> -> memref<1x1x125xi32, #tpu.memory_space<vmem>>
    %dma_wait3A_1233 = tpu.memref_squeeze %dma_wait3A_1232 : memref<1x1x125xi32, #tpu.memory_space<vmem>> -> memref<125xi32, #tpu.memory_space<vmem>>
    %dma_wait3A_1234 = arith.constant 0 : i32
    %dma_wait3A_1235 = arith.constant 0 : i32
    %dma_wait3A_1236 = tpu.memref_slice %arg7[%dma_wait3A_1234, %dma_wait3A_1235] : memref<8000x48xf32, #tpu.memory_space<vmem_shared>> -> memref<8000x48xf32, #tpu.memory_space<vmem_shared>>
    tpu.wait_indirect_dma semaphore(%arg9 : memref<!tpu.dma_semaphore, #tpu.memory_space<semaphore_mem>>) src(%dma_wait3A_1230 : memref<125x48xf32, #tpu.memory_space<vmem>>) dst(%dma_wait3A_1236 : memref<8000x48xf32, #tpu.memory_space<vmem_shared>>)
    %dma_wait3A_1237 = arith.constant 0 : i32
    %dma_wait3A_1238 = arith.constant 0 : i32
    %dma_wait3A_1239 = arith.constant 1 : i32
    %dma_wait3A_1240 = arith.constant 125 : i32
    %dma_wait3A_1241 = arith.constant 0 : i32
    %dma_wait3A_1242 = tpu.memref_slice %arg5[%dma_wait3A_1237, %dma_wait3A_1240, %dma_wait3A_1241] : memref<2x1000x48xf32, #tpu.memory_space<vmem>> -> memref<1x125x48xf32, #tpu.memory_space<vmem>>
    %dma_wait3A_1243 = tpu.memref_squeeze %dma_wait3A_1242 : memref<1x125x48xf32, #tpu.memory_space<vmem>> -> memref<125x48xf32, #tpu.memory_space<vmem>>
    %dma_wait3A_1244 = arith.constant 0 : i32
    %dma_wait3A_1245 = tpu.memref_slice %arg6[%dma_wait3A_1238, %dma_wait3A_1239, %dma_wait3A_1244] : memref<2x8x125xi32, #tpu.memory_space<vmem>> -> memref<1x1x125xi32, #tpu.memory_space<vmem>>
    %dma_wait3A_1246 = tpu.memref_squeeze %dma_wait3A_1245 : memref<1x1x125xi32, #tpu.memory_space<vmem>> -> memref<125xi32, #tpu.memory_space<vmem>>
    %dma_wait3A_1247 = arith.constant 0 : i32
    %dma_wait3A_1248 = arith.constant 0 : i32
    %dma_wait3A_1249 = tpu.memref_slice %arg7[%dma_wait3A_1247, %dma_wait3A_1248] : memref<8000x48xf32, #tpu.memory_space<vmem_shared>> -> memref<8000x48xf32, #tpu.memory_space<vmem_shared>>
    tpu.wait_indirect_dma semaphore(%arg9 : memref<!tpu.dma_semaphore, #tpu.memory_space<semaphore_mem>>) src(%dma_wait3A_1243 : memref<125x48xf32, #tpu.memory_space<vmem>>) dst(%dma_wait3A_1249 : memref<8000x48xf32, #tpu.memory_space<vmem_shared>>)
    %dma_wait3A_1250 = arith.constant 0 : i32
    %dma_wait3A_1251 = arith.constant 0 : i32
    %dma_wait3A_1252 = arith.constant 2 : i32
    %dma_wait3A_1253 = arith.constant 250 : i32
    %dma_wait3A_1254 = arith.constant 0 : i32
    %dma_wait3A_1255 = tpu.memref_slice %arg5[%dma_wait3A_1250, %dma_wait3A_1253, %dma_wait3A_1254] : memref<2x1000x48xf32, #tpu.memory_space<vmem>> -> memref<1x125x48xf32, #tpu.memory_space<vmem>>
    %dma_wait3A_1256 = tpu.memref_squeeze %dma_wait3A_1255 : memref<1x125x48xf32, #tpu.memory_space<vmem>> -> memref<125x48xf32, #tpu.memory_space<vmem>>
    %dma_wait3A_1257 = arith.constant 0 : i32
    %dma_wait3A_1258 = tpu.memref_slice %arg6[%dma_wait3A_1251, %dma_wait3A_1252, %dma_wait3A_1257] : memref<2x8x125xi32, #tpu.memory_space<vmem>> -> memref<1x1x125xi32, #tpu.memory_space<vmem>>
    %dma_wait3A_1259 = tpu.memref_squeeze %dma_wait3A_1258 : memref<1x1x125xi32, #tpu.memory_space<vmem>> -> memref<125xi32, #tpu.memory_space<vmem>>
    %dma_wait3A_1260 = arith.constant 0 : i32
    %dma_wait3A_1261 = arith.constant 0 : i32
    %dma_wait3A_1262 = tpu.memref_slice %arg7[%dma_wait3A_1260, %dma_wait3A_1261] : memref<8000x48xf32, #tpu.memory_space<vmem_shared>> -> memref<8000x48xf32, #tpu.memory_space<vmem_shared>>
    tpu.wait_indirect_dma semaphore(%arg9 : memref<!tpu.dma_semaphore, #tpu.memory_space<semaphore_mem>>) src(%dma_wait3A_1256 : memref<125x48xf32, #tpu.memory_space<vmem>>) dst(%dma_wait3A_1262 : memref<8000x48xf32, #tpu.memory_space<vmem_shared>>)
    %dma_wait3A_1263 = arith.constant 0 : i32
    %dma_wait3A_1264 = arith.constant 0 : i32
    %dma_wait3A_1265 = arith.constant 3 : i32
    %dma_wait3A_1266 = arith.constant 375 : i32
    %dma_wait3A_1267 = arith.constant 0 : i32
    %dma_wait3A_1268 = tpu.memref_slice %arg5[%dma_wait3A_1263, %dma_wait3A_1266, %dma_wait3A_1267] : memref<2x1000x48xf32, #tpu.memory_space<vmem>> -> memref<1x125x48xf32, #tpu.memory_space<vmem>>
    %dma_wait3A_1269 = tpu.memref_squeeze %dma_wait3A_1268 : memref<1x125x48xf32, #tpu.memory_space<vmem>> -> memref<125x48xf32, #tpu.memory_space<vmem>>
    %dma_wait3A_1270 = arith.constant 0 : i32
    %dma_wait3A_1271 = tpu.memref_slice %arg6[%dma_wait3A_1264, %dma_wait3A_1265, %dma_wait3A_1270] : memref<2x8x125xi32, #tpu.memory_space<vmem>> -> memref<1x1x125xi32, #tpu.memory_space<vmem>>
    %dma_wait3A_1272 = tpu.memref_squeeze %dma_wait3A_1271 : memref<1x1x125xi32, #tpu.memory_space<vmem>> -> memref<125xi32, #tpu.memory_space<vmem>>
    %dma_wait3A_1273 = arith.constant 0 : i32
    %dma_wait3A_1274 = arith.constant 0 : i32
    %dma_wait3A_1275 = tpu.memref_slice %arg7[%dma_wait3A_1273, %dma_wait3A_1274] : memref<8000x48xf32, #tpu.memory_space<vmem_shared>> -> memref<8000x48xf32, #tpu.memory_space<vmem_shared>>
    tpu.wait_indirect_dma semaphore(%arg9 : memref<!tpu.dma_semaphore, #tpu.memory_space<semaphore_mem>>) src(%dma_wait3A_1269 : memref<125x48xf32, #tpu.memory_space<vmem>>) dst(%dma_wait3A_1275 : memref<8000x48xf32, #tpu.memory_space<vmem_shared>>)
    %dma_wait3A_1276 = arith.constant 0 : i32
    %dma_wait3A_1277 = arith.constant 0 : i32
    %dma_wait3A_1278 = arith.constant 4 : i32
    %dma_wait3A_1279 = arith.constant 500 : i32
    %dma_wait3A_1280 = arith.constant 0 : i32
    %dma_wait3A_1281 = tpu.memref_slice %arg5[%dma_wait3A_1276, %dma_wait3A_1279, %dma_wait3A_1280] : memref<2x1000x48xf32, #tpu.memory_space<vmem>> -> memref<1x125x48xf32, #tpu.memory_space<vmem>>
    %dma_wait3A_1282 = tpu.memref_squeeze %dma_wait3A_1281 : memref<1x125x48xf32, #tpu.memory_space<vmem>> -> memref<125x48xf32, #tpu.memory_space<vmem>>
    %dma_wait3A_1283 = arith.constant 0 : i32
    %dma_wait3A_1284 = tpu.memref_slice %arg6[%dma_wait3A_1277, %dma_wait3A_1278, %dma_wait3A_1283] : memref<2x8x125xi32, #tpu.memory_space<vmem>> -> memref<1x1x125xi32, #tpu.memory_space<vmem>>
    %dma_wait3A_1285 = tpu.memref_squeeze %dma_wait3A_1284 : memref<1x1x125xi32, #tpu.memory_space<vmem>> -> memref<125xi32, #tpu.memory_space<vmem>>
    %dma_wait3A_1286 = arith.constant 0 : i32
    %dma_wait3A_1287 = arith.constant 0 : i32
    %dma_wait3A_1288 = tpu.memref_slice %arg7[%dma_wait3A_1286, %dma_wait3A_1287] : memref<8000x48xf32, #tpu.memory_space<vmem_shared>> -> memref<8000x48xf32, #tpu.memory_space<vmem_shared>>
    tpu.wait_indirect_dma semaphore(%arg9 : memref<!tpu.dma_semaphore, #tpu.memory_space<semaphore_mem>>) src(%dma_wait3A_1282 : memref<125x48xf32, #tpu.memory_space<vmem>>) dst(%dma_wait3A_1288 : memref<8000x48xf32, #tpu.memory_space<vmem_shared>>)
    %dma_wait3A_1289 = arith.constant 0 : i32
    %dma_wait3A_1290 = arith.constant 0 : i32
    %dma_wait3A_1291 = arith.constant 5 : i32
    %dma_wait3A_1292 = arith.constant 625 : i32
    %dma_wait3A_1293 = arith.constant 0 : i32
    %dma_wait3A_1294 = tpu.memref_slice %arg5[%dma_wait3A_1289, %dma_wait3A_1292, %dma_wait3A_1293] : memref<2x1000x48xf32, #tpu.memory_space<vmem>> -> memref<1x125x48xf32, #tpu.memory_space<vmem>>
    %dma_wait3A_1295 = tpu.memref_squeeze %dma_wait3A_1294 : memref<1x125x48xf32, #tpu.memory_space<vmem>> -> memref<125x48xf32, #tpu.memory_space<vmem>>
    %dma_wait3A_1296 = arith.constant 0 : i32
    %dma_wait3A_1297 = tpu.memref_slice %arg6[%dma_wait3A_1290, %dma_wait3A_1291, %dma_wait3A_1296] : memref<2x8x125xi32, #tpu.memory_space<vmem>> -> memref<1x1x125xi32, #tpu.memory_space<vmem>>
    %dma_wait3A_1298 = tpu.memref_squeeze %dma_wait3A_1297 : memref<1x1x125xi32, #tpu.memory_space<vmem>> -> memref<125xi32, #tpu.memory_space<vmem>>
    %dma_wait3A_1299 = arith.constant 0 : i32
    %dma_wait3A_1300 = arith.constant 0 : i32
    %dma_wait3A_1301 = tpu.memref_slice %arg7[%dma_wait3A_1299, %dma_wait3A_1300] : memref<8000x48xf32, #tpu.memory_space<vmem_shared>> -> memref<8000x48xf32, #tpu.memory_space<vmem_shared>>
    tpu.wait_indirect_dma semaphore(%arg9 : memref<!tpu.dma_semaphore, #tpu.memory_space<semaphore_mem>>) src(%dma_wait3A_1295 : memref<125x48xf32, #tpu.memory_space<vmem>>) dst(%dma_wait3A_1301 : memref<8000x48xf32, #tpu.memory_space<vmem_shared>>)
    %dma_wait3A_1302 = arith.constant 0 : i32
    %dma_wait3A_1303 = arith.constant 0 : i32
    %dma_wait3A_1304 = arith.constant 6 : i32
    %dma_wait3A_1305 = arith.constant 750 : i32
    %dma_wait3A_1306 = arith.constant 0 : i32
    %dma_wait3A_1307 = tpu.memref_slice %arg5[%dma_wait3A_1302, %dma_wait3A_1305, %dma_wait3A_1306] : memref<2x1000x48xf32, #tpu.memory_space<vmem>> -> memref<1x125x48xf32, #tpu.memory_space<vmem>>
    %dma_wait3A_1308 = tpu.memref_squeeze %dma_wait3A_1307 : memref<1x125x48xf32, #tpu.memory_space<vmem>> -> memref<125x48xf32, #tpu.memory_space<vmem>>
    %dma_wait3A_1309 = arith.constant 0 : i32
    %dma_wait3A_1310 = tpu.memref_slice %arg6[%dma_wait3A_1303, %dma_wait3A_1304, %dma_wait3A_1309] : memref<2x8x125xi32, #tpu.memory_space<vmem>> -> memref<1x1x125xi32, #tpu.memory_space<vmem>>
    %dma_wait3A_1311 = tpu.memref_squeeze %dma_wait3A_1310 : memref<1x1x125xi32, #tpu.memory_space<vmem>> -> memref<125xi32, #tpu.memory_space<vmem>>
    %dma_wait3A_1312 = arith.constant 0 : i32
    %dma_wait3A_1313 = arith.constant 0 : i32
    %dma_wait3A_1314 = tpu.memref_slice %arg7[%dma_wait3A_1312, %dma_wait3A_1313] : memref<8000x48xf32, #tpu.memory_space<vmem_shared>> -> memref<8000x48xf32, #tpu.memory_space<vmem_shared>>
    tpu.wait_indirect_dma semaphore(%arg9 : memref<!tpu.dma_semaphore, #tpu.memory_space<semaphore_mem>>) src(%dma_wait3A_1308 : memref<125x48xf32, #tpu.memory_space<vmem>>) dst(%dma_wait3A_1314 : memref<8000x48xf32, #tpu.memory_space<vmem_shared>>)
    %dma_wait3A_1315 = arith.constant 0 : i32
    %dma_wait3A_1316 = arith.constant 0 : i32
    %dma_wait3A_1317 = arith.constant 7 : i32
    %dma_wait3A_1318 = arith.constant 875 : i32
    %dma_wait3A_1319 = arith.constant 0 : i32
    %dma_wait3A_1320 = tpu.memref_slice %arg5[%dma_wait3A_1315, %dma_wait3A_1318, %dma_wait3A_1319] : memref<2x1000x48xf32, #tpu.memory_space<vmem>> -> memref<1x125x48xf32, #tpu.memory_space<vmem>>
    %dma_wait3A_1321 = tpu.memref_squeeze %dma_wait3A_1320 : memref<1x125x48xf32, #tpu.memory_space<vmem>> -> memref<125x48xf32, #tpu.memory_space<vmem>>
    %dma_wait3A_1322 = arith.constant 0 : i32
    %dma_wait3A_1323 = tpu.memref_slice %arg6[%dma_wait3A_1316, %dma_wait3A_1317, %dma_wait3A_1322] : memref<2x8x125xi32, #tpu.memory_space<vmem>> -> memref<1x1x125xi32, #tpu.memory_space<vmem>>
    %dma_wait3A_1324 = tpu.memref_squeeze %dma_wait3A_1323 : memref<1x1x125xi32, #tpu.memory_space<vmem>> -> memref<125xi32, #tpu.memory_space<vmem>>
    %dma_wait3A_1325 = arith.constant 0 : i32
    %dma_wait3A_1326 = arith.constant 0 : i32
    %dma_wait3A_1327 = tpu.memref_slice %arg7[%dma_wait3A_1325, %dma_wait3A_1326] : memref<8000x48xf32, #tpu.memory_space<vmem_shared>> -> memref<8000x48xf32, #tpu.memory_space<vmem_shared>>
    tpu.wait_indirect_dma semaphore(%arg9 : memref<!tpu.dma_semaphore, #tpu.memory_space<semaphore_mem>>) src(%dma_wait3A_1321 : memref<125x48xf32, #tpu.memory_space<vmem>>) dst(%dma_wait3A_1327 : memref<8000x48xf32, #tpu.memory_space<vmem_shared>>)
    %barrier3A_1328 = arith.constant 0 : index
    tpu.barrier barrier_id(%barrier3A_1328)
    %lt3A_1329 = arith.constant 8 : i32
    %lt3A_1330 = arith.cmpi slt, %arg1, %lt3A_1329 : i32
    %convert_element_type3A_1331 = arith.extui %lt3A_1330 : i1 to i32
    %cond3A_1332 = arith.constant 0 : i32
    %cond3A_1333 = arith.cmpi ne, %convert_element_type3A_1331, %cond3A_1332 : i32
    scf.if %cond3A_1333 {
      %mul3A_1334 = arith.constant 1000 : i32
      %mul3A_1335 = arith.muli %arg1, %mul3A_1334 : i32
      %mul3A_1336 = arith.constant 1000 : i32
      %mul3A_1337 = arith.muli %arg1, %mul3A_1336 : i32
      "tpu.region"() ({
        %run_scoped3A = tpu.sem_alloc : memref<!tpu.dma_semaphore, #tpu.memory_space<semaphore_mem>>
        %dma_start3A_1338 = arith.constant 0 : i32
        %dma_start3A_1339 = tpu.memref_slice %arg4[%arg0, %mul3A_1337, %dma_start3A_1338] : memref<2x8000x48xf32, #tpu.memory_space<hbm>> -> memref<1x1000x48xf32, #tpu.memory_space<hbm>>
        %dma_start3A_1340 = tpu.memref_squeeze %dma_start3A_1339 : memref<1x1000x48xf32, #tpu.memory_space<hbm>> -> memref<1000x48xf32, #tpu.memory_space<hbm>>
        %dma_start3A_1341 = arith.constant 0 : i32
        %dma_start3A_1342 = tpu.memref_slice %arg7[%mul3A_1335, %dma_start3A_1341] : memref<8000x48xf32, #tpu.memory_space<vmem_shared>> -> memref<1000x48xf32, #tpu.memory_space<vmem_shared>>
        tpu.enqueue_dma source(%dma_start3A_1342 : memref<1000x48xf32, #tpu.memory_space<vmem_shared>>) target(%dma_start3A_1340 : memref<1000x48xf32, #tpu.memory_space<hbm>>) target_semaphore(%run_scoped3A : memref<!tpu.dma_semaphore, #tpu.memory_space<semaphore_mem>>)
        %dma_wait3A_1343 = arith.constant 0 : i32
        %dma_wait3A_1344 = tpu.memref_slice %arg4[%arg0, %mul3A_1337, %dma_wait3A_1343] : memref<2x8000x48xf32, #tpu.memory_space<hbm>> -> memref<1x1000x48xf32, #tpu.memory_space<hbm>>
        %dma_wait3A_1345 = tpu.memref_squeeze %dma_wait3A_1344 : memref<1x1000x48xf32, #tpu.memory_space<hbm>> -> memref<1000x48xf32, #tpu.memory_space<hbm>>
        %dma_wait3A_1346 = arith.constant 0 : i32
        %dma_wait3A_1347 = tpu.memref_slice %arg7[%mul3A_1335, %dma_wait3A_1346] : memref<8000x48xf32, #tpu.memory_space<vmem_shared>> -> memref<1000x48xf32, #tpu.memory_space<vmem_shared>>
        tpu.wait_dma2 semaphore(%run_scoped3A : memref<!tpu.dma_semaphore, #tpu.memory_space<semaphore_mem>>) src(%dma_wait3A_1347 : memref<1000x48xf32, #tpu.memory_space<vmem_shared>>) dst(%dma_wait3A_1345 : memref<1000x48xf32, #tpu.memory_space<hbm>>)
        tpu.yield
      }) : () -> ()
    } else {
    }
    return
  }
}

#map = affine_map<(d0, d1) -> (0, 0)>
#map1 = affine_map<(d0, d1) -> (0, 0, 0)>
module attributes {stable_mosaic.version = 14 : i64} {
  func.func @_stage_b(%arg0: i32, %arg1: i32, %arg2: memref<160000x48xf32, #tpu.memory_space<hbm>>, %arg3: memref<2560x125xi32, #tpu.memory_space<hbm>>, %arg4: memref<2x8000x48xf32, #tpu.memory_space<hbm>>, %arg5: memref<2x1000x48xf32, #tpu.memory_space<vmem>>, %arg6: memref<2x8x125xi32, #tpu.memory_space<vmem>>, %arg7: memref<8000x48xf32, #tpu.memory_space<vmem_shared>>, %arg8: memref<!tpu.dma_semaphore, #tpu.memory_space<semaphore_mem>>, %arg9: memref<!tpu.dma_semaphore, #tpu.memory_space<semaphore_mem>>) attributes {dimension_semantics = [#tpu.dimension_semantics<core_parallel>, #tpu.dimension_semantics<subcore_parallel>], iteration_bounds = array<i64: 2, 16>, scalar_prefetch = 0 : i64, scratch_operands = 5 : i64, tpu.core_type = #tpu.core_type<sc_vector_subcore>, window_params = [{transform_indices = #map}, {transform_indices = #map}, {transform_indices = #map1}]} {
    %mul3A = arith.constant 2 : i32
    %mul3A_0 = arith.muli %arg1, %mul3A : i32
    %add3A = arith.addi %mul3A_0, %arg0 : i32
    %broadcast_in_dim3A = arith.constant 0.000000e+00 : f32
    %broadcast_in_dim3A_1 = vector.broadcast %broadcast_in_dim3A : f32 to vector<16xf32>
    %lt3A = arith.constant 8 : i32
    %lt3A_2 = arith.cmpi slt, %arg1, %lt3A : i32
    %convert_element_type3A = arith.extui %lt3A_2 : i1 to i32
    %cond3A = arith.constant 0 : i32
    %cond3A_3 = arith.cmpi ne, %convert_element_type3A, %cond3A : i32
    scf.if %cond3A_3 {
      %scan3A = arith.constant 0 : i32
      %scan3A_1334 = arith.constant 0 : i32
      %scan3A_1335 = arith.constant 1000 : i32
      %scan3A_1336 = arith.addi %scan3A_1334, %scan3A_1335 : i32
      %scan3A_1337 = arith.constant 1 : i32
      scf.for %scan3A_1341 = %scan3A_1334 to %scan3A_1336 step %scan3A_1337  : i32 {
        %swap3A = arith.constant 0 : i32
        %swap3A_1342 = arith.index_cast %swap3A : i32 to index
        %swap3A_1343 = arith.index_cast %scan3A_1341 : i32 to index
        %swap3A_1344 = arith.constant 0 : index
        %swap3A_1345 = tpu.vector_load %arg5[%swap3A_1342, %swap3A_1343, %swap3A_1344] {strides = array<i32>} : memref<2x1000x48xf32, #tpu.memory_space<vmem>>, vector<1x1x16xf32>,
        %swap3A_1346 = vector.shape_cast %swap3A_1345 : vector<1x1x16xf32> to vector<16xf32>
        %swap3A_1347 = vector.shape_cast %broadcast_in_dim3A_1 : vector<16xf32> to vector<1x1x16xf32>
        tpu.vector_store %arg5[%swap3A_1342, %swap3A_1343, %swap3A_1344], %swap3A_1347 {strides = array<i32>} : memref<2x1000x48xf32, #tpu.memory_space<vmem>>, vector<1x1x16xf32>,
        %swap3A_1348 = arith.constant 0 : i32
        %swap3A_1349 = arith.index_cast %swap3A_1348 : i32 to index
        %swap3A_1350 = arith.index_cast %scan3A_1341 : i32 to index
        %swap3A_1351 = arith.constant 16 : index
        %swap3A_1352 = tpu.vector_load %arg5[%swap3A_1349, %swap3A_1350, %swap3A_1351] {strides = array<i32>} : memref<2x1000x48xf32, #tpu.memory_space<vmem>>, vector<1x1x16xf32>,
        %swap3A_1353 = vector.shape_cast %swap3A_1352 : vector<1x1x16xf32> to vector<16xf32>
        %swap3A_1354 = vector.shape_cast %broadcast_in_dim3A_1 : vector<16xf32> to vector<1x1x16xf32>
        tpu.vector_store %arg5[%swap3A_1349, %swap3A_1350, %swap3A_1351], %swap3A_1354 {strides = array<i32>} : memref<2x1000x48xf32, #tpu.memory_space<vmem>>, vector<1x1x16xf32>,
        %swap3A_1355 = arith.constant 0 : i32
        %swap3A_1356 = arith.index_cast %swap3A_1355 : i32 to index
        %swap3A_1357 = arith.index_cast %scan3A_1341 : i32 to index
        %swap3A_1358 = arith.constant 32 : index
        %swap3A_1359 = tpu.vector_load %arg5[%swap3A_1356, %swap3A_1357, %swap3A_1358] {strides = array<i32>} : memref<2x1000x48xf32, #tpu.memory_space<vmem>>, vector<1x1x16xf32>,
        %swap3A_1360 = vector.shape_cast %swap3A_1359 : vector<1x1x16xf32> to vector<16xf32>
        %swap3A_1361 = vector.shape_cast %broadcast_in_dim3A_1 : vector<16xf32> to vector<1x1x16xf32>
        tpu.vector_store %arg5[%swap3A_1356, %swap3A_1357, %swap3A_1358], %swap3A_1361 {strides = array<i32>} : memref<2x1000x48xf32, #tpu.memory_space<vmem>>, vector<1x1x16xf32>,
      }
      %scan3A_1338 = arith.constant 1000 : i32
      %mul3A_1339 = arith.constant 1000 : i32
      %mul3A_1340 = arith.muli %arg1, %mul3A_1339 : i32
      %run_scoped3A = arith.constant 0 : i32
      "tpu.region"() ({
        %run_scoped3A_1341 = tpu.sem_alloc : memref<!tpu.dma_semaphore, #tpu.memory_space<semaphore_mem>>
        %dma_start3A_1342 = arith.constant 0 : i32
        %dma_start3A_1343 = arith.constant 0 : i32
        %dma_start3A_1344 = tpu.memref_slice %arg5[%run_scoped3A, %dma_start3A_1342, %dma_start3A_1343] : memref<2x1000x48xf32, #tpu.memory_space<vmem>> -> memref<1x1000x48xf32, #tpu.memory_space<vmem>>
        %dma_start3A_1345 = tpu.memref_squeeze %dma_start3A_1344 : memref<1x1000x48xf32, #tpu.memory_space<vmem>> -> memref<1000x48xf32, #tpu.memory_space<vmem>>
        %dma_start3A_1346 = arith.constant 0 : i32
        %dma_start3A_1347 = tpu.memref_slice %arg7[%mul3A_1340, %dma_start3A_1346] : memref<8000x48xf32, #tpu.memory_space<vmem_shared>> -> memref<1000x48xf32, #tpu.memory_space<vmem_shared>>
        %dma_start3A_1348 = arith.constant 0 : i32
        %dma_start3A_1349 = tpu.memref_slice %arg7[%mul3A_1340, %dma_start3A_1348] : memref<8000x48xf32, #tpu.memory_space<vmem_shared>> -> memref<1000x48xf32, #tpu.memory_space<vmem_shared>>
        %dma_start3A_1350 = arith.constant 0 : i32
        %dma_start3A_1351 = arith.constant 0 : i32
        %dma_start3A_1352 = tpu.memref_slice %arg5[%run_scoped3A, %dma_start3A_1350, %dma_start3A_1351] : memref<2x1000x48xf32, #tpu.memory_space<vmem>> -> memref<1x1000x48xf32, #tpu.memory_space<vmem>>
        %dma_start3A_1353 = tpu.memref_squeeze %dma_start3A_1352 : memref<1x1000x48xf32, #tpu.memory_space<vmem>> -> memref<1000x48xf32, #tpu.memory_space<vmem>>
        tpu.enqueue_dma source(%dma_start3A_1353 : memref<1000x48xf32, #tpu.memory_space<vmem>>) target(%dma_start3A_1349 : memref<1000x48xf32, #tpu.memory_space<vmem_shared>>) target_semaphore(%run_scoped3A_1341 : memref<!tpu.dma_semaphore, #tpu.memory_space<semaphore_mem>>)
        %dma_wait3A_1354 = arith.constant 0 : i32
        %dma_wait3A_1355 = arith.constant 0 : i32
        %dma_wait3A_1356 = tpu.memref_slice %arg5[%run_scoped3A, %dma_wait3A_1354, %dma_wait3A_1355] : memref<2x1000x48xf32, #tpu.memory_space<vmem>> -> memref<1x1000x48xf32, #tpu.memory_space<vmem>>
        %dma_wait3A_1357 = tpu.memref_squeeze %dma_wait3A_1356 : memref<1x1000x48xf32, #tpu.memory_space<vmem>> -> memref<1000x48xf32, #tpu.memory_space<vmem>>
        %dma_wait3A_1358 = arith.constant 0 : i32
        %dma_wait3A_1359 = tpu.memref_slice %arg7[%mul3A_1340, %dma_wait3A_1358] : memref<8000x48xf32, #tpu.memory_space<vmem_shared>> -> memref<1000x48xf32, #tpu.memory_space<vmem_shared>>
        %dma_wait3A_1360 = arith.constant 0 : i32
        %dma_wait3A_1361 = tpu.memref_slice %arg7[%mul3A_1340, %dma_wait3A_1360] : memref<8000x48xf32, #tpu.memory_space<vmem_shared>> -> memref<1000x48xf32, #tpu.memory_space<vmem_shared>>
        %dma_wait3A_1362 = arith.constant 0 : i32
        %dma_wait3A_1363 = arith.constant 0 : i32
        %dma_wait3A_1364 = tpu.memref_slice %arg5[%run_scoped3A, %dma_wait3A_1362, %dma_wait3A_1363] : memref<2x1000x48xf32, #tpu.memory_space<vmem>> -> memref<1x1000x48xf32, #tpu.memory_space<vmem>>
        %dma_wait3A_1365 = tpu.memref_squeeze %dma_wait3A_1364 : memref<1x1000x48xf32, #tpu.memory_space<vmem>> -> memref<1000x48xf32, #tpu.memory_space<vmem>>
        tpu.wait_dma2 semaphore(%run_scoped3A_1341 : memref<!tpu.dma_semaphore, #tpu.memory_space<semaphore_mem>>) src(%dma_wait3A_1365 : memref<1000x48xf32, #tpu.memory_space<vmem>>) dst(%dma_wait3A_1361 : memref<1000x48xf32, #tpu.memory_space<vmem_shared>>)
        tpu.yield
      }) : () -> ()
    } else {
    }
    %barrier3A = arith.constant 0 : index
    tpu.barrier barrier_id(%barrier3A)
    %mul3A_4 = arith.constant 5000 : i32
    %mul3A_5 = arith.muli %add3A, %mul3A_4 : i32
    %mul3A_6 = arith.constant 40 : i32
    %mul3A_7 = arith.muli %add3A, %mul3A_6 : i32
    %add3A_8 = arith.constant 0 : i32
    %add3A_9 = arith.addi %add3A_8, %mul3A_7 : i32
    %add3A_10 = arith.constant 0 : i32
    %add3A_11 = arith.addi %mul3A_5, %add3A_10 : i32
    %dma_start3A = arith.constant 0 : i32
    %dma_start3A_12 = arith.constant 0 : i32
    %dma_start3A_13 = arith.constant 0 : i32
    %dma_start3A_14 = tpu.memref_slice %arg5[%dma_start3A, %dma_start3A_12, %dma_start3A_13] : memref<2x1000x48xf32, #tpu.memory_space<vmem>> -> memref<1x1000x48xf32, #tpu.memory_space<vmem>>
    %dma_start3A_15 = tpu.memref_squeeze %dma_start3A_14 : memref<1x1000x48xf32, #tpu.memory_space<vmem>> -> memref<1000x48xf32, #tpu.memory_space<vmem>>
    %dma_start3A_16 = arith.constant 0 : i32
    %dma_start3A_17 = tpu.memref_slice %arg2[%add3A_11, %dma_start3A_16] : memref<160000x48xf32, #tpu.memory_space<hbm>> -> memref<1000x48xf32, #tpu.memory_space<hbm>>
    %dma_start3A_18 = arith.constant 0 : i32
    %dma_start3A_19 = arith.constant 0 : i32
    %dma_start3A_20 = tpu.memref_slice %arg5[%dma_start3A, %dma_start3A_18, %dma_start3A_19] : memref<2x1000x48xf32, #tpu.memory_space<vmem>> -> memref<1x1000x48xf32, #tpu.memory_space<vmem>>
    %dma_start3A_21 = tpu.memref_squeeze %dma_start3A_20 : memref<1x1000x48xf32, #tpu.memory_space<vmem>> -> memref<1000x48xf32, #tpu.memory_space<vmem>>
    %dma_start3A_22 = arith.constant 0 : i32
    %dma_start3A_23 = tpu.memref_slice %arg2[%add3A_11, %dma_start3A_22] : memref<160000x48xf32, #tpu.memory_space<hbm>> -> memref<1000x48xf32, #tpu.memory_space<hbm>>
    tpu.enqueue_dma source(%dma_start3A_23 : memref<1000x48xf32, #tpu.memory_space<hbm>>) target(%dma_start3A_21 : memref<1000x48xf32, #tpu.memory_space<vmem>>) target_semaphore(%arg8 : memref<!tpu.dma_semaphore, #tpu.memory_space<semaphore_mem>>)
    %add3A_24 = arith.constant 0 : i32
    %add3A_25 = arith.addi %add3A_9, %add3A_24 : i32
    %dma_start3A_26 = arith.constant 0 : i32
    %dma_start3A_27 = arith.constant 0 : i32
    %dma_start3A_28 = arith.constant 0 : i32
    %dma_start3A_29 = tpu.memref_slice %arg6[%dma_start3A_26, %dma_start3A_27, %dma_start3A_28] : memref<2x8x125xi32, #tpu.memory_space<vmem>> -> memref<1x8x125xi32, #tpu.memory_space<vmem>>
    %dma_start3A_30 = tpu.memref_squeeze %dma_start3A_29 : memref<1x8x125xi32, #tpu.memory_space<vmem>> -> memref<8x125xi32, #tpu.memory_space<vmem>>
    %dma_start3A_31 = arith.constant 0 : i32
    %dma_start3A_32 = tpu.memref_slice %arg3[%add3A_25, %dma_start3A_31] : memref<2560x125xi32, #tpu.memory_space<hbm>> -> memref<8x125xi32, #tpu.memory_space<hbm>>
    %dma_start3A_33 = arith.constant 0 : i32
    %dma_start3A_34 = arith.constant 0 : i32
    %dma_start3A_35 = tpu.memref_slice %arg6[%dma_start3A_26, %dma_start3A_33, %dma_start3A_34] : memref<2x8x125xi32, #tpu.memory_space<vmem>> -> memref<1x8x125xi32, #tpu.memory_space<vmem>>
    %dma_start3A_36 = tpu.memref_squeeze %dma_start3A_35 : memref<1x8x125xi32, #tpu.memory_space<vmem>> -> memref<8x125xi32, #tpu.memory_space<vmem>>
    %dma_start3A_37 = arith.constant 0 : i32
    %dma_start3A_38 = tpu.memref_slice %arg3[%add3A_25, %dma_start3A_37] : memref<2560x125xi32, #tpu.memory_space<hbm>> -> memref<8x125xi32, #tpu.memory_space<hbm>>
    tpu.enqueue_dma source(%dma_start3A_38 : memref<8x125xi32, #tpu.memory_space<hbm>>) target(%dma_start3A_36 : memref<8x125xi32, #tpu.memory_space<vmem>>) target_semaphore(%arg8 : memref<!tpu.dma_semaphore, #tpu.memory_space<semaphore_mem>>)
    %add3A_39 = arith.constant 1000 : i32
    %add3A_40 = arith.addi %mul3A_5, %add3A_39 : i32
    %dma_start3A_41 = arith.constant 1 : i32
    %dma_start3A_42 = arith.constant 0 : i32
    %dma_start3A_43 = arith.constant 0 : i32
    %dma_start3A_44 = tpu.memref_slice %arg5[%dma_start3A_41, %dma_start3A_42, %dma_start3A_43] : memref<2x1000x48xf32, #tpu.memory_space<vmem>> -> memref<1x1000x48xf32, #tpu.memory_space<vmem>>
    %dma_start3A_45 = tpu.memref_squeeze %dma_start3A_44 : memref<1x1000x48xf32, #tpu.memory_space<vmem>> -> memref<1000x48xf32, #tpu.memory_space<vmem>>
    %dma_start3A_46 = arith.constant 0 : i32
    %dma_start3A_47 = tpu.memref_slice %arg2[%add3A_40, %dma_start3A_46] : memref<160000x48xf32, #tpu.memory_space<hbm>> -> memref<1000x48xf32, #tpu.memory_space<hbm>>
    %dma_start3A_48 = arith.constant 0 : i32
    %dma_start3A_49 = arith.constant 0 : i32
    %dma_start3A_50 = tpu.memref_slice %arg5[%dma_start3A_41, %dma_start3A_48, %dma_start3A_49] : memref<2x1000x48xf32, #tpu.memory_space<vmem>> -> memref<1x1000x48xf32, #tpu.memory_space<vmem>>
    %dma_start3A_51 = tpu.memref_squeeze %dma_start3A_50 : memref<1x1000x48xf32, #tpu.memory_space<vmem>> -> memref<1000x48xf32, #tpu.memory_space<vmem>>
    %dma_start3A_52 = arith.constant 0 : i32
    %dma_start3A_53 = tpu.memref_slice %arg2[%add3A_40, %dma_start3A_52] : memref<160000x48xf32, #tpu.memory_space<hbm>> -> memref<1000x48xf32, #tpu.memory_space<hbm>>
    tpu.enqueue_dma source(%dma_start3A_53 : memref<1000x48xf32, #tpu.memory_space<hbm>>) target(%dma_start3A_51 : memref<1000x48xf32, #tpu.memory_space<vmem>>) target_semaphore(%arg8 : memref<!tpu.dma_semaphore, #tpu.memory_space<semaphore_mem>>)
    %add3A_54 = arith.constant 8 : i32
    %add3A_55 = arith.addi %add3A_9, %add3A_54 : i32
    %dma_start3A_56 = arith.constant 1 : i32
    %dma_start3A_57 = arith.constant 0 : i32
    %dma_start3A_58 = arith.constant 0 : i32
    %dma_start3A_59 = tpu.memref_slice %arg6[%dma_start3A_56, %dma_start3A_57, %dma_start3A_58] : memref<2x8x125xi32, #tpu.memory_space<vmem>> -> memref<1x8x125xi32, #tpu.memory_space<vmem>>
    %dma_start3A_60 = tpu.memref_squeeze %dma_start3A_59 : memref<1x8x125xi32, #tpu.memory_space<vmem>> -> memref<8x125xi32, #tpu.memory_space<vmem>>
    %dma_start3A_61 = arith.constant 0 : i32
    %dma_start3A_62 = tpu.memref_slice %arg3[%add3A_55, %dma_start3A_61] : memref<2560x125xi32, #tpu.memory_space<hbm>> -> memref<8x125xi32, #tpu.memory_space<hbm>>
    %dma_start3A_63 = arith.constant 0 : i32
    %dma_start3A_64 = arith.constant 0 : i32
    %dma_start3A_65 = tpu.memref_slice %arg6[%dma_start3A_56, %dma_start3A_63, %dma_start3A_64] : memref<2x8x125xi32, #tpu.memory_space<vmem>> -> memref<1x8x125xi32, #tpu.memory_space<vmem>>
    %dma_start3A_66 = tpu.memref_squeeze %dma_start3A_65 : memref<1x8x125xi32, #tpu.memory_space<vmem>> -> memref<8x125xi32, #tpu.memory_space<vmem>>
    %dma_start3A_67 = arith.constant 0 : i32
    %dma_start3A_68 = tpu.memref_slice %arg3[%add3A_55, %dma_start3A_67] : memref<2560x125xi32, #tpu.memory_space<hbm>> -> memref<8x125xi32, #tpu.memory_space<hbm>>
    tpu.enqueue_dma source(%dma_start3A_68 : memref<8x125xi32, #tpu.memory_space<hbm>>) target(%dma_start3A_66 : memref<8x125xi32, #tpu.memory_space<vmem>>) target_semaphore(%arg8 : memref<!tpu.dma_semaphore, #tpu.memory_space<semaphore_mem>>)
    %dma_wait3A = arith.constant 0 : i32
    %dma_wait3A_69 = arith.constant 0 : i32
    %dma_wait3A_70 = arith.constant 0 : i32
    %dma_wait3A_71 = tpu.memref_slice %arg5[%dma_wait3A, %dma_wait3A_69, %dma_wait3A_70] : memref<2x1000x48xf32, #tpu.memory_space<vmem>> -> memref<1x1000x48xf32, #tpu.memory_space<vmem>>
    %dma_wait3A_72 = tpu.memref_squeeze %dma_wait3A_71 : memref<1x1000x48xf32, #tpu.memory_space<vmem>> -> memref<1000x48xf32, #tpu.memory_space<vmem>>
    %dma_wait3A_73 = arith.constant 0 : i32
    %dma_wait3A_74 = tpu.memref_slice %arg2[%add3A_11, %dma_wait3A_73] : memref<160000x48xf32, #tpu.memory_space<hbm>> -> memref<1000x48xf32, #tpu.memory_space<hbm>>
    %dma_wait3A_75 = arith.constant 0 : i32
    %dma_wait3A_76 = arith.constant 0 : i32
    %dma_wait3A_77 = tpu.memref_slice %arg5[%dma_wait3A, %dma_wait3A_75, %dma_wait3A_76] : memref<2x1000x48xf32, #tpu.memory_space<vmem>> -> memref<1x1000x48xf32, #tpu.memory_space<vmem>>
    %dma_wait3A_78 = tpu.memref_squeeze %dma_wait3A_77 : memref<1x1000x48xf32, #tpu.memory_space<vmem>> -> memref<1000x48xf32, #tpu.memory_space<vmem>>
    %dma_wait3A_79 = arith.constant 0 : i32
    %dma_wait3A_80 = tpu.memref_slice %arg2[%add3A_11, %dma_wait3A_79] : memref<160000x48xf32, #tpu.memory_space<hbm>> -> memref<1000x48xf32, #tpu.memory_space<hbm>>
    tpu.wait_dma2 semaphore(%arg8 : memref<!tpu.dma_semaphore, #tpu.memory_space<semaphore_mem>>) src(%dma_wait3A_80 : memref<1000x48xf32, #tpu.memory_space<hbm>>) dst(%dma_wait3A_78 : memref<1000x48xf32, #tpu.memory_space<vmem>>)
    %dma_wait3A_81 = arith.constant 0 : i32
    %dma_wait3A_82 = arith.constant 0 : i32
    %dma_wait3A_83 = arith.constant 0 : i32
    %dma_wait3A_84 = tpu.memref_slice %arg6[%dma_wait3A_81, %dma_wait3A_82, %dma_wait3A_83] : memref<2x8x125xi32, #tpu.memory_space<vmem>> -> memref<1x8x125xi32, #tpu.memory_space<vmem>>
    %dma_wait3A_85 = tpu.memref_squeeze %dma_wait3A_84 : memref<1x8x125xi32, #tpu.memory_space<vmem>> -> memref<8x125xi32, #tpu.memory_space<vmem>>
    %dma_wait3A_86 = arith.constant 0 : i32
    %dma_wait3A_87 = tpu.memref_slice %arg3[%add3A_25, %dma_wait3A_86] : memref<2560x125xi32, #tpu.memory_space<hbm>> -> memref<8x125xi32, #tpu.memory_space<hbm>>
    %dma_wait3A_88 = arith.constant 0 : i32
    %dma_wait3A_89 = arith.constant 0 : i32
    %dma_wait3A_90 = tpu.memref_slice %arg6[%dma_wait3A_81, %dma_wait3A_88, %dma_wait3A_89] : memref<2x8x125xi32, #tpu.memory_space<vmem>> -> memref<1x8x125xi32, #tpu.memory_space<vmem>>
    %dma_wait3A_91 = tpu.memref_squeeze %dma_wait3A_90 : memref<1x8x125xi32, #tpu.memory_space<vmem>> -> memref<8x125xi32, #tpu.memory_space<vmem>>
    %dma_wait3A_92 = arith.constant 0 : i32
    %dma_wait3A_93 = tpu.memref_slice %arg3[%add3A_25, %dma_wait3A_92] : memref<2560x125xi32, #tpu.memory_space<hbm>> -> memref<8x125xi32, #tpu.memory_space<hbm>>
    tpu.wait_dma2 semaphore(%arg8 : memref<!tpu.dma_semaphore, #tpu.memory_space<semaphore_mem>>) src(%dma_wait3A_93 : memref<8x125xi32, #tpu.memory_space<hbm>>) dst(%dma_wait3A_91 : memref<8x125xi32, #tpu.memory_space<vmem>>)
    %dma_start3A_94 = arith.constant 0 : i32
    %dma_start3A_95 = arith.constant 0 : i32
    %dma_start3A_96 = arith.constant 0 : i32
    %dma_start3A_97 = arith.constant 0 : i32
    %dma_start3A_98 = arith.constant 0 : i32
    %dma_start3A_99 = tpu.memref_slice %arg5[%dma_start3A_94, %dma_start3A_97, %dma_start3A_98] : memref<2x1000x48xf32, #tpu.memory_space<vmem>> -> memref<1x125x48xf32, #tpu.memory_space<vmem>>
    %dma_start3A_100 = tpu.memref_squeeze %dma_start3A_99 : memref<1x125x48xf32, #tpu.memory_space<vmem>> -> memref<125x48xf32, #tpu.memory_space<vmem>>
    %dma_start3A_101 = arith.constant 0 : i32
    %dma_start3A_102 = tpu.memref_slice %arg6[%dma_start3A_95, %dma_start3A_96, %dma_start3A_101] : memref<2x8x125xi32, #tpu.memory_space<vmem>> -> memref<1x1x125xi32, #tpu.memory_space<vmem>>
    %dma_start3A_103 = tpu.memref_squeeze %dma_start3A_102 : memref<1x1x125xi32, #tpu.memory_space<vmem>> -> memref<125xi32, #tpu.memory_space<vmem>>
    %dma_start3A_104 = arith.constant 0 : i32
    %dma_start3A_105 = arith.constant 0 : i32
    %dma_start3A_106 = tpu.memref_slice %arg7[%dma_start3A_104, %dma_start3A_105] : memref<8000x48xf32, #tpu.memory_space<vmem_shared>> -> memref<8000x48xf32, #tpu.memory_space<vmem_shared>>
    tpu.enqueue_indirect_dma source(%dma_start3A_100 : memref<125x48xf32, #tpu.memory_space<vmem>>) target(%dma_start3A_106 : memref<8000x48xf32, #tpu.memory_space<vmem_shared>>) offsets(%dma_start3A_103 : memref<125xi32, #tpu.memory_space<vmem>>) semaphore(%arg9 : memref<!tpu.dma_semaphore, #tpu.memory_space<semaphore_mem>>) {add = true}
    %dma_start3A_107 = arith.constant 0 : i32
    %dma_start3A_108 = arith.constant 0 : i32
    %dma_start3A_109 = arith.constant 1 : i32
    %dma_start3A_110 = arith.constant 125 : i32
    %dma_start3A_111 = arith.constant 0 : i32
    %dma_start3A_112 = tpu.memref_slice %arg5[%dma_start3A_107, %dma_start3A_110, %dma_start3A_111] : memref<2x1000x48xf32, #tpu.memory_space<vmem>> -> memref<1x125x48xf32, #tpu.memory_space<vmem>>
    %dma_start3A_113 = tpu.memref_squeeze %dma_start3A_112 : memref<1x125x48xf32, #tpu.memory_space<vmem>> -> memref<125x48xf32, #tpu.memory_space<vmem>>
    %dma_start3A_114 = arith.constant 0 : i32
    %dma_start3A_115 = tpu.memref_slice %arg6[%dma_start3A_108, %dma_start3A_109, %dma_start3A_114] : memref<2x8x125xi32, #tpu.memory_space<vmem>> -> memref<1x1x125xi32, #tpu.memory_space<vmem>>
    %dma_start3A_116 = tpu.memref_squeeze %dma_start3A_115 : memref<1x1x125xi32, #tpu.memory_space<vmem>> -> memref<125xi32, #tpu.memory_space<vmem>>
    %dma_start3A_117 = arith.constant 0 : i32
    %dma_start3A_118 = arith.constant 0 : i32
    %dma_start3A_119 = tpu.memref_slice %arg7[%dma_start3A_117, %dma_start3A_118] : memref<8000x48xf32, #tpu.memory_space<vmem_shared>> -> memref<8000x48xf32, #tpu.memory_space<vmem_shared>>
    tpu.enqueue_indirect_dma source(%dma_start3A_113 : memref<125x48xf32, #tpu.memory_space<vmem>>) target(%dma_start3A_119 : memref<8000x48xf32, #tpu.memory_space<vmem_shared>>) offsets(%dma_start3A_116 : memref<125xi32, #tpu.memory_space<vmem>>) semaphore(%arg9 : memref<!tpu.dma_semaphore, #tpu.memory_space<semaphore_mem>>) {add = true}
    %dma_start3A_120 = arith.constant 0 : i32
    %dma_start3A_121 = arith.constant 0 : i32
    %dma_start3A_122 = arith.constant 2 : i32
    %dma_start3A_123 = arith.constant 250 : i32
    %dma_start3A_124 = arith.constant 0 : i32
    %dma_start3A_125 = tpu.memref_slice %arg5[%dma_start3A_120, %dma_start3A_123, %dma_start3A_124] : memref<2x1000x48xf32, #tpu.memory_space<vmem>> -> memref<1x125x48xf32, #tpu.memory_space<vmem>>
    %dma_start3A_126 = tpu.memref_squeeze %dma_start3A_125 : memref<1x125x48xf32, #tpu.memory_space<vmem>> -> memref<125x48xf32, #tpu.memory_space<vmem>>
    %dma_start3A_127 = arith.constant 0 : i32
    %dma_start3A_128 = tpu.memref_slice %arg6[%dma_start3A_121, %dma_start3A_122, %dma_start3A_127] : memref<2x8x125xi32, #tpu.memory_space<vmem>> -> memref<1x1x125xi32, #tpu.memory_space<vmem>>
    %dma_start3A_129 = tpu.memref_squeeze %dma_start3A_128 : memref<1x1x125xi32, #tpu.memory_space<vmem>> -> memref<125xi32, #tpu.memory_space<vmem>>
    %dma_start3A_130 = arith.constant 0 : i32
    %dma_start3A_131 = arith.constant 0 : i32
    %dma_start3A_132 = tpu.memref_slice %arg7[%dma_start3A_130, %dma_start3A_131] : memref<8000x48xf32, #tpu.memory_space<vmem_shared>> -> memref<8000x48xf32, #tpu.memory_space<vmem_shared>>
    tpu.enqueue_indirect_dma source(%dma_start3A_126 : memref<125x48xf32, #tpu.memory_space<vmem>>) target(%dma_start3A_132 : memref<8000x48xf32, #tpu.memory_space<vmem_shared>>) offsets(%dma_start3A_129 : memref<125xi32, #tpu.memory_space<vmem>>) semaphore(%arg9 : memref<!tpu.dma_semaphore, #tpu.memory_space<semaphore_mem>>) {add = true}
    %dma_start3A_133 = arith.constant 0 : i32
    %dma_start3A_134 = arith.constant 0 : i32
    %dma_start3A_135 = arith.constant 3 : i32
    %dma_start3A_136 = arith.constant 375 : i32
    %dma_start3A_137 = arith.constant 0 : i32
    %dma_start3A_138 = tpu.memref_slice %arg5[%dma_start3A_133, %dma_start3A_136, %dma_start3A_137] : memref<2x1000x48xf32, #tpu.memory_space<vmem>> -> memref<1x125x48xf32, #tpu.memory_space<vmem>>
    %dma_start3A_139 = tpu.memref_squeeze %dma_start3A_138 : memref<1x125x48xf32, #tpu.memory_space<vmem>> -> memref<125x48xf32, #tpu.memory_space<vmem>>
    %dma_start3A_140 = arith.constant 0 : i32
    %dma_start3A_141 = tpu.memref_slice %arg6[%dma_start3A_134, %dma_start3A_135, %dma_start3A_140] : memref<2x8x125xi32, #tpu.memory_space<vmem>> -> memref<1x1x125xi32, #tpu.memory_space<vmem>>
    %dma_start3A_142 = tpu.memref_squeeze %dma_start3A_141 : memref<1x1x125xi32, #tpu.memory_space<vmem>> -> memref<125xi32, #tpu.memory_space<vmem>>
    %dma_start3A_143 = arith.constant 0 : i32
    %dma_start3A_144 = arith.constant 0 : i32
    %dma_start3A_145 = tpu.memref_slice %arg7[%dma_start3A_143, %dma_start3A_144] : memref<8000x48xf32, #tpu.memory_space<vmem_shared>> -> memref<8000x48xf32, #tpu.memory_space<vmem_shared>>
    tpu.enqueue_indirect_dma source(%dma_start3A_139 : memref<125x48xf32, #tpu.memory_space<vmem>>) target(%dma_start3A_145 : memref<8000x48xf32, #tpu.memory_space<vmem_shared>>) offsets(%dma_start3A_142 : memref<125xi32, #tpu.memory_space<vmem>>) semaphore(%arg9 : memref<!tpu.dma_semaphore, #tpu.memory_space<semaphore_mem>>) {add = true}
    %dma_start3A_146 = arith.constant 0 : i32
    %dma_start3A_147 = arith.constant 0 : i32
    %dma_start3A_148 = arith.constant 4 : i32
    %dma_start3A_149 = arith.constant 500 : i32
    %dma_start3A_150 = arith.constant 0 : i32
    %dma_start3A_151 = tpu.memref_slice %arg5[%dma_start3A_146, %dma_start3A_149, %dma_start3A_150] : memref<2x1000x48xf32, #tpu.memory_space<vmem>> -> memref<1x125x48xf32, #tpu.memory_space<vmem>>
    %dma_start3A_152 = tpu.memref_squeeze %dma_start3A_151 : memref<1x125x48xf32, #tpu.memory_space<vmem>> -> memref<125x48xf32, #tpu.memory_space<vmem>>
    %dma_start3A_153 = arith.constant 0 : i32
    %dma_start3A_154 = tpu.memref_slice %arg6[%dma_start3A_147, %dma_start3A_148, %dma_start3A_153] : memref<2x8x125xi32, #tpu.memory_space<vmem>> -> memref<1x1x125xi32, #tpu.memory_space<vmem>>
    %dma_start3A_155 = tpu.memref_squeeze %dma_start3A_154 : memref<1x1x125xi32, #tpu.memory_space<vmem>> -> memref<125xi32, #tpu.memory_space<vmem>>
    %dma_start3A_156 = arith.constant 0 : i32
    %dma_start3A_157 = arith.constant 0 : i32
    %dma_start3A_158 = tpu.memref_slice %arg7[%dma_start3A_156, %dma_start3A_157] : memref<8000x48xf32, #tpu.memory_space<vmem_shared>> -> memref<8000x48xf32, #tpu.memory_space<vmem_shared>>
    tpu.enqueue_indirect_dma source(%dma_start3A_152 : memref<125x48xf32, #tpu.memory_space<vmem>>) target(%dma_start3A_158 : memref<8000x48xf32, #tpu.memory_space<vmem_shared>>) offsets(%dma_start3A_155 : memref<125xi32, #tpu.memory_space<vmem>>) semaphore(%arg9 : memref<!tpu.dma_semaphore, #tpu.memory_space<semaphore_mem>>) {add = true}
    %dma_start3A_159 = arith.constant 0 : i32
    %dma_start3A_160 = arith.constant 0 : i32
    %dma_start3A_161 = arith.constant 5 : i32
    %dma_start3A_162 = arith.constant 625 : i32
    %dma_start3A_163 = arith.constant 0 : i32
    %dma_start3A_164 = tpu.memref_slice %arg5[%dma_start3A_159, %dma_start3A_162, %dma_start3A_163] : memref<2x1000x48xf32, #tpu.memory_space<vmem>> -> memref<1x125x48xf32, #tpu.memory_space<vmem>>
    %dma_start3A_165 = tpu.memref_squeeze %dma_start3A_164 : memref<1x125x48xf32, #tpu.memory_space<vmem>> -> memref<125x48xf32, #tpu.memory_space<vmem>>
    %dma_start3A_166 = arith.constant 0 : i32
    %dma_start3A_167 = tpu.memref_slice %arg6[%dma_start3A_160, %dma_start3A_161, %dma_start3A_166] : memref<2x8x125xi32, #tpu.memory_space<vmem>> -> memref<1x1x125xi32, #tpu.memory_space<vmem>>
    %dma_start3A_168 = tpu.memref_squeeze %dma_start3A_167 : memref<1x1x125xi32, #tpu.memory_space<vmem>> -> memref<125xi32, #tpu.memory_space<vmem>>
    %dma_start3A_169 = arith.constant 0 : i32
    %dma_start3A_170 = arith.constant 0 : i32
    %dma_start3A_171 = tpu.memref_slice %arg7[%dma_start3A_169, %dma_start3A_170] : memref<8000x48xf32, #tpu.memory_space<vmem_shared>> -> memref<8000x48xf32, #tpu.memory_space<vmem_shared>>
    tpu.enqueue_indirect_dma source(%dma_start3A_165 : memref<125x48xf32, #tpu.memory_space<vmem>>) target(%dma_start3A_171 : memref<8000x48xf32, #tpu.memory_space<vmem_shared>>) offsets(%dma_start3A_168 : memref<125xi32, #tpu.memory_space<vmem>>) semaphore(%arg9 : memref<!tpu.dma_semaphore, #tpu.memory_space<semaphore_mem>>) {add = true}
    %dma_start3A_172 = arith.constant 0 : i32
    %dma_start3A_173 = arith.constant 0 : i32
    %dma_start3A_174 = arith.constant 6 : i32
    %dma_start3A_175 = arith.constant 750 : i32
    %dma_start3A_176 = arith.constant 0 : i32
    %dma_start3A_177 = tpu.memref_slice %arg5[%dma_start3A_172, %dma_start3A_175, %dma_start3A_176] : memref<2x1000x48xf32, #tpu.memory_space<vmem>> -> memref<1x125x48xf32, #tpu.memory_space<vmem>>
    %dma_start3A_178 = tpu.memref_squeeze %dma_start3A_177 : memref<1x125x48xf32, #tpu.memory_space<vmem>> -> memref<125x48xf32, #tpu.memory_space<vmem>>
    %dma_start3A_179 = arith.constant 0 : i32
    %dma_start3A_180 = tpu.memref_slice %arg6[%dma_start3A_173, %dma_start3A_174, %dma_start3A_179] : memref<2x8x125xi32, #tpu.memory_space<vmem>> -> memref<1x1x125xi32, #tpu.memory_space<vmem>>
    %dma_start3A_181 = tpu.memref_squeeze %dma_start3A_180 : memref<1x1x125xi32, #tpu.memory_space<vmem>> -> memref<125xi32, #tpu.memory_space<vmem>>
    %dma_start3A_182 = arith.constant 0 : i32
    %dma_start3A_183 = arith.constant 0 : i32
    %dma_start3A_184 = tpu.memref_slice %arg7[%dma_start3A_182, %dma_start3A_183] : memref<8000x48xf32, #tpu.memory_space<vmem_shared>> -> memref<8000x48xf32, #tpu.memory_space<vmem_shared>>
    tpu.enqueue_indirect_dma source(%dma_start3A_178 : memref<125x48xf32, #tpu.memory_space<vmem>>) target(%dma_start3A_184 : memref<8000x48xf32, #tpu.memory_space<vmem_shared>>) offsets(%dma_start3A_181 : memref<125xi32, #tpu.memory_space<vmem>>) semaphore(%arg9 : memref<!tpu.dma_semaphore, #tpu.memory_space<semaphore_mem>>) {add = true}
    %dma_start3A_185 = arith.constant 0 : i32
    %dma_start3A_186 = arith.constant 0 : i32
    %dma_start3A_187 = arith.constant 7 : i32
    %dma_start3A_188 = arith.constant 875 : i32
    %dma_start3A_189 = arith.constant 0 : i32
    %dma_start3A_190 = tpu.memref_slice %arg5[%dma_start3A_185, %dma_start3A_188, %dma_start3A_189] : memref<2x1000x48xf32, #tpu.memory_space<vmem>> -> memref<1x125x48xf32, #tpu.memory_space<vmem>>
    %dma_start3A_191 = tpu.memref_squeeze %dma_start3A_190 : memref<1x125x48xf32, #tpu.memory_space<vmem>> -> memref<125x48xf32, #tpu.memory_space<vmem>>
    %dma_start3A_192 = arith.constant 0 : i32
    %dma_start3A_193 = tpu.memref_slice %arg6[%dma_start3A_186, %dma_start3A_187, %dma_start3A_192] : memref<2x8x125xi32, #tpu.memory_space<vmem>> -> memref<1x1x125xi32, #tpu.memory_space<vmem>>
    %dma_start3A_194 = tpu.memref_squeeze %dma_start3A_193 : memref<1x1x125xi32, #tpu.memory_space<vmem>> -> memref<125xi32, #tpu.memory_space<vmem>>
    %dma_start3A_195 = arith.constant 0 : i32
    %dma_start3A_196 = arith.constant 0 : i32
    %dma_start3A_197 = tpu.memref_slice %arg7[%dma_start3A_195, %dma_start3A_196] : memref<8000x48xf32, #tpu.memory_space<vmem_shared>> -> memref<8000x48xf32, #tpu.memory_space<vmem_shared>>
    tpu.enqueue_indirect_dma source(%dma_start3A_191 : memref<125x48xf32, #tpu.memory_space<vmem>>) target(%dma_start3A_197 : memref<8000x48xf32, #tpu.memory_space<vmem_shared>>) offsets(%dma_start3A_194 : memref<125xi32, #tpu.memory_space<vmem>>) semaphore(%arg9 : memref<!tpu.dma_semaphore, #tpu.memory_space<semaphore_mem>>) {add = true}
    %dma_wait3A_198 = arith.constant 0 : i32
    %dma_wait3A_199 = arith.constant 0 : i32
    %dma_wait3A_200 = arith.constant 0 : i32
    %dma_wait3A_201 = arith.constant 0 : i32
    %dma_wait3A_202 = arith.constant 0 : i32
    %dma_wait3A_203 = tpu.memref_slice %arg5[%dma_wait3A_198, %dma_wait3A_201, %dma_wait3A_202] : memref<2x1000x48xf32, #tpu.memory_space<vmem>> -> memref<1x125x48xf32, #tpu.memory_space<vmem>>
    %dma_wait3A_204 = tpu.memref_squeeze %dma_wait3A_203 : memref<1x125x48xf32, #tpu.memory_space<vmem>> -> memref<125x48xf32, #tpu.memory_space<vmem>>
    %dma_wait3A_205 = arith.constant 0 : i32
    %dma_wait3A_206 = tpu.memref_slice %arg6[%dma_wait3A_199, %dma_wait3A_200, %dma_wait3A_205] : memref<2x8x125xi32, #tpu.memory_space<vmem>> -> memref<1x1x125xi32, #tpu.memory_space<vmem>>
    %dma_wait3A_207 = tpu.memref_squeeze %dma_wait3A_206 : memref<1x1x125xi32, #tpu.memory_space<vmem>> -> memref<125xi32, #tpu.memory_space<vmem>>
    %dma_wait3A_208 = arith.constant 0 : i32
    %dma_wait3A_209 = arith.constant 0 : i32
    %dma_wait3A_210 = tpu.memref_slice %arg7[%dma_wait3A_208, %dma_wait3A_209] : memref<8000x48xf32, #tpu.memory_space<vmem_shared>> -> memref<8000x48xf32, #tpu.memory_space<vmem_shared>>
    tpu.wait_indirect_dma semaphore(%arg9 : memref<!tpu.dma_semaphore, #tpu.memory_space<semaphore_mem>>) src(%dma_wait3A_204 : memref<125x48xf32, #tpu.memory_space<vmem>>) dst(%dma_wait3A_210 : memref<8000x48xf32, #tpu.memory_space<vmem_shared>>)
    %dma_wait3A_211 = arith.constant 0 : i32
    %dma_wait3A_212 = arith.constant 0 : i32
    %dma_wait3A_213 = arith.constant 1 : i32
    %dma_wait3A_214 = arith.constant 125 : i32
    %dma_wait3A_215 = arith.constant 0 : i32
    %dma_wait3A_216 = tpu.memref_slice %arg5[%dma_wait3A_211, %dma_wait3A_214, %dma_wait3A_215] : memref<2x1000x48xf32, #tpu.memory_space<vmem>> -> memref<1x125x48xf32, #tpu.memory_space<vmem>>
    %dma_wait3A_217 = tpu.memref_squeeze %dma_wait3A_216 : memref<1x125x48xf32, #tpu.memory_space<vmem>> -> memref<125x48xf32, #tpu.memory_space<vmem>>
    %dma_wait3A_218 = arith.constant 0 : i32
    %dma_wait3A_219 = tpu.memref_slice %arg6[%dma_wait3A_212, %dma_wait3A_213, %dma_wait3A_218] : memref<2x8x125xi32, #tpu.memory_space<vmem>> -> memref<1x1x125xi32, #tpu.memory_space<vmem>>
    %dma_wait3A_220 = tpu.memref_squeeze %dma_wait3A_219 : memref<1x1x125xi32, #tpu.memory_space<vmem>> -> memref<125xi32, #tpu.memory_space<vmem>>
    %dma_wait3A_221 = arith.constant 0 : i32
    %dma_wait3A_222 = arith.constant 0 : i32
    %dma_wait3A_223 = tpu.memref_slice %arg7[%dma_wait3A_221, %dma_wait3A_222] : memref<8000x48xf32, #tpu.memory_space<vmem_shared>> -> memref<8000x48xf32, #tpu.memory_space<vmem_shared>>
    tpu.wait_indirect_dma semaphore(%arg9 : memref<!tpu.dma_semaphore, #tpu.memory_space<semaphore_mem>>) src(%dma_wait3A_217 : memref<125x48xf32, #tpu.memory_space<vmem>>) dst(%dma_wait3A_223 : memref<8000x48xf32, #tpu.memory_space<vmem_shared>>)
    %dma_wait3A_224 = arith.constant 0 : i32
    %dma_wait3A_225 = arith.constant 0 : i32
    %dma_wait3A_226 = arith.constant 2 : i32
    %dma_wait3A_227 = arith.constant 250 : i32
    %dma_wait3A_228 = arith.constant 0 : i32
    %dma_wait3A_229 = tpu.memref_slice %arg5[%dma_wait3A_224, %dma_wait3A_227, %dma_wait3A_228] : memref<2x1000x48xf32, #tpu.memory_space<vmem>> -> memref<1x125x48xf32, #tpu.memory_space<vmem>>
    %dma_wait3A_230 = tpu.memref_squeeze %dma_wait3A_229 : memref<1x125x48xf32, #tpu.memory_space<vmem>> -> memref<125x48xf32, #tpu.memory_space<vmem>>
    %dma_wait3A_231 = arith.constant 0 : i32
    %dma_wait3A_232 = tpu.memref_slice %arg6[%dma_wait3A_225, %dma_wait3A_226, %dma_wait3A_231] : memref<2x8x125xi32, #tpu.memory_space<vmem>> -> memref<1x1x125xi32, #tpu.memory_space<vmem>>
    %dma_wait3A_233 = tpu.memref_squeeze %dma_wait3A_232 : memref<1x1x125xi32, #tpu.memory_space<vmem>> -> memref<125xi32, #tpu.memory_space<vmem>>
    %dma_wait3A_234 = arith.constant 0 : i32
    %dma_wait3A_235 = arith.constant 0 : i32
    %dma_wait3A_236 = tpu.memref_slice %arg7[%dma_wait3A_234, %dma_wait3A_235] : memref<8000x48xf32, #tpu.memory_space<vmem_shared>> -> memref<8000x48xf32, #tpu.memory_space<vmem_shared>>
    tpu.wait_indirect_dma semaphore(%arg9 : memref<!tpu.dma_semaphore, #tpu.memory_space<semaphore_mem>>) src(%dma_wait3A_230 : memref<125x48xf32, #tpu.memory_space<vmem>>) dst(%dma_wait3A_236 : memref<8000x48xf32, #tpu.memory_space<vmem_shared>>)
    %dma_wait3A_237 = arith.constant 0 : i32
    %dma_wait3A_238 = arith.constant 0 : i32
    %dma_wait3A_239 = arith.constant 3 : i32
    %dma_wait3A_240 = arith.constant 375 : i32
    %dma_wait3A_241 = arith.constant 0 : i32
    %dma_wait3A_242 = tpu.memref_slice %arg5[%dma_wait3A_237, %dma_wait3A_240, %dma_wait3A_241] : memref<2x1000x48xf32, #tpu.memory_space<vmem>> -> memref<1x125x48xf32, #tpu.memory_space<vmem>>
    %dma_wait3A_243 = tpu.memref_squeeze %dma_wait3A_242 : memref<1x125x48xf32, #tpu.memory_space<vmem>> -> memref<125x48xf32, #tpu.memory_space<vmem>>
    %dma_wait3A_244 = arith.constant 0 : i32
    %dma_wait3A_245 = tpu.memref_slice %arg6[%dma_wait3A_238, %dma_wait3A_239, %dma_wait3A_244] : memref<2x8x125xi32, #tpu.memory_space<vmem>> -> memref<1x1x125xi32, #tpu.memory_space<vmem>>
    %dma_wait3A_246 = tpu.memref_squeeze %dma_wait3A_245 : memref<1x1x125xi32, #tpu.memory_space<vmem>> -> memref<125xi32, #tpu.memory_space<vmem>>
    %dma_wait3A_247 = arith.constant 0 : i32
    %dma_wait3A_248 = arith.constant 0 : i32
    %dma_wait3A_249 = tpu.memref_slice %arg7[%dma_wait3A_247, %dma_wait3A_248] : memref<8000x48xf32, #tpu.memory_space<vmem_shared>> -> memref<8000x48xf32, #tpu.memory_space<vmem_shared>>
    tpu.wait_indirect_dma semaphore(%arg9 : memref<!tpu.dma_semaphore, #tpu.memory_space<semaphore_mem>>) src(%dma_wait3A_243 : memref<125x48xf32, #tpu.memory_space<vmem>>) dst(%dma_wait3A_249 : memref<8000x48xf32, #tpu.memory_space<vmem_shared>>)
    %dma_wait3A_250 = arith.constant 0 : i32
    %dma_wait3A_251 = arith.constant 0 : i32
    %dma_wait3A_252 = arith.constant 4 : i32
    %dma_wait3A_253 = arith.constant 500 : i32
    %dma_wait3A_254 = arith.constant 0 : i32
    %dma_wait3A_255 = tpu.memref_slice %arg5[%dma_wait3A_250, %dma_wait3A_253, %dma_wait3A_254] : memref<2x1000x48xf32, #tpu.memory_space<vmem>> -> memref<1x125x48xf32, #tpu.memory_space<vmem>>
    %dma_wait3A_256 = tpu.memref_squeeze %dma_wait3A_255 : memref<1x125x48xf32, #tpu.memory_space<vmem>> -> memref<125x48xf32, #tpu.memory_space<vmem>>
    %dma_wait3A_257 = arith.constant 0 : i32
    %dma_wait3A_258 = tpu.memref_slice %arg6[%dma_wait3A_251, %dma_wait3A_252, %dma_wait3A_257] : memref<2x8x125xi32, #tpu.memory_space<vmem>> -> memref<1x1x125xi32, #tpu.memory_space<vmem>>
    %dma_wait3A_259 = tpu.memref_squeeze %dma_wait3A_258 : memref<1x1x125xi32, #tpu.memory_space<vmem>> -> memref<125xi32, #tpu.memory_space<vmem>>
    %dma_wait3A_260 = arith.constant 0 : i32
    %dma_wait3A_261 = arith.constant 0 : i32
    %dma_wait3A_262 = tpu.memref_slice %arg7[%dma_wait3A_260, %dma_wait3A_261] : memref<8000x48xf32, #tpu.memory_space<vmem_shared>> -> memref<8000x48xf32, #tpu.memory_space<vmem_shared>>
    tpu.wait_indirect_dma semaphore(%arg9 : memref<!tpu.dma_semaphore, #tpu.memory_space<semaphore_mem>>) src(%dma_wait3A_256 : memref<125x48xf32, #tpu.memory_space<vmem>>) dst(%dma_wait3A_262 : memref<8000x48xf32, #tpu.memory_space<vmem_shared>>)
    %dma_wait3A_263 = arith.constant 0 : i32
    %dma_wait3A_264 = arith.constant 0 : i32
    %dma_wait3A_265 = arith.constant 5 : i32
    %dma_wait3A_266 = arith.constant 625 : i32
    %dma_wait3A_267 = arith.constant 0 : i32
    %dma_wait3A_268 = tpu.memref_slice %arg5[%dma_wait3A_263, %dma_wait3A_266, %dma_wait3A_267] : memref<2x1000x48xf32, #tpu.memory_space<vmem>> -> memref<1x125x48xf32, #tpu.memory_space<vmem>>
    %dma_wait3A_269 = tpu.memref_squeeze %dma_wait3A_268 : memref<1x125x48xf32, #tpu.memory_space<vmem>> -> memref<125x48xf32, #tpu.memory_space<vmem>>
    %dma_wait3A_270 = arith.constant 0 : i32
    %dma_wait3A_271 = tpu.memref_slice %arg6[%dma_wait3A_264, %dma_wait3A_265, %dma_wait3A_270] : memref<2x8x125xi32, #tpu.memory_space<vmem>> -> memref<1x1x125xi32, #tpu.memory_space<vmem>>
    %dma_wait3A_272 = tpu.memref_squeeze %dma_wait3A_271 : memref<1x1x125xi32, #tpu.memory_space<vmem>> -> memref<125xi32, #tpu.memory_space<vmem>>
    %dma_wait3A_273 = arith.constant 0 : i32
    %dma_wait3A_274 = arith.constant 0 : i32
    %dma_wait3A_275 = tpu.memref_slice %arg7[%dma_wait3A_273, %dma_wait3A_274] : memref<8000x48xf32, #tpu.memory_space<vmem_shared>> -> memref<8000x48xf32, #tpu.memory_space<vmem_shared>>
    tpu.wait_indirect_dma semaphore(%arg9 : memref<!tpu.dma_semaphore, #tpu.memory_space<semaphore_mem>>) src(%dma_wait3A_269 : memref<125x48xf32, #tpu.memory_space<vmem>>) dst(%dma_wait3A_275 : memref<8000x48xf32, #tpu.memory_space<vmem_shared>>)
    %dma_wait3A_276 = arith.constant 0 : i32
    %dma_wait3A_277 = arith.constant 0 : i32
    %dma_wait3A_278 = arith.constant 6 : i32
    %dma_wait3A_279 = arith.constant 750 : i32
    %dma_wait3A_280 = arith.constant 0 : i32
    %dma_wait3A_281 = tpu.memref_slice %arg5[%dma_wait3A_276, %dma_wait3A_279, %dma_wait3A_280] : memref<2x1000x48xf32, #tpu.memory_space<vmem>> -> memref<1x125x48xf32, #tpu.memory_space<vmem>>
    %dma_wait3A_282 = tpu.memref_squeeze %dma_wait3A_281 : memref<1x125x48xf32, #tpu.memory_space<vmem>> -> memref<125x48xf32, #tpu.memory_space<vmem>>
    %dma_wait3A_283 = arith.constant 0 : i32
    %dma_wait3A_284 = tpu.memref_slice %arg6[%dma_wait3A_277, %dma_wait3A_278, %dma_wait3A_283] : memref<2x8x125xi32, #tpu.memory_space<vmem>> -> memref<1x1x125xi32, #tpu.memory_space<vmem>>
    %dma_wait3A_285 = tpu.memref_squeeze %dma_wait3A_284 : memref<1x1x125xi32, #tpu.memory_space<vmem>> -> memref<125xi32, #tpu.memory_space<vmem>>
    %dma_wait3A_286 = arith.constant 0 : i32
    %dma_wait3A_287 = arith.constant 0 : i32
    %dma_wait3A_288 = tpu.memref_slice %arg7[%dma_wait3A_286, %dma_wait3A_287] : memref<8000x48xf32, #tpu.memory_space<vmem_shared>> -> memref<8000x48xf32, #tpu.memory_space<vmem_shared>>
    tpu.wait_indirect_dma semaphore(%arg9 : memref<!tpu.dma_semaphore, #tpu.memory_space<semaphore_mem>>) src(%dma_wait3A_282 : memref<125x48xf32, #tpu.memory_space<vmem>>) dst(%dma_wait3A_288 : memref<8000x48xf32, #tpu.memory_space<vmem_shared>>)
    %dma_wait3A_289 = arith.constant 0 : i32
    %dma_wait3A_290 = arith.constant 0 : i32
    %dma_wait3A_291 = arith.constant 7 : i32
    %dma_wait3A_292 = arith.constant 875 : i32
    %dma_wait3A_293 = arith.constant 0 : i32
    %dma_wait3A_294 = tpu.memref_slice %arg5[%dma_wait3A_289, %dma_wait3A_292, %dma_wait3A_293] : memref<2x1000x48xf32, #tpu.memory_space<vmem>> -> memref<1x125x48xf32, #tpu.memory_space<vmem>>
    %dma_wait3A_295 = tpu.memref_squeeze %dma_wait3A_294 : memref<1x125x48xf32, #tpu.memory_space<vmem>> -> memref<125x48xf32, #tpu.memory_space<vmem>>
    %dma_wait3A_296 = arith.constant 0 : i32
    %dma_wait3A_297 = tpu.memref_slice %arg6[%dma_wait3A_290, %dma_wait3A_291, %dma_wait3A_296] : memref<2x8x125xi32, #tpu.memory_space<vmem>> -> memref<1x1x125xi32, #tpu.memory_space<vmem>>
    %dma_wait3A_298 = tpu.memref_squeeze %dma_wait3A_297 : memref<1x1x125xi32, #tpu.memory_space<vmem>> -> memref<125xi32, #tpu.memory_space<vmem>>
    %dma_wait3A_299 = arith.constant 0 : i32
    %dma_wait3A_300 = arith.constant 0 : i32
    %dma_wait3A_301 = tpu.memref_slice %arg7[%dma_wait3A_299, %dma_wait3A_300] : memref<8000x48xf32, #tpu.memory_space<vmem_shared>> -> memref<8000x48xf32, #tpu.memory_space<vmem_shared>>
    tpu.wait_indirect_dma semaphore(%arg9 : memref<!tpu.dma_semaphore, #tpu.memory_space<semaphore_mem>>) src(%dma_wait3A_295 : memref<125x48xf32, #tpu.memory_space<vmem>>) dst(%dma_wait3A_301 : memref<8000x48xf32, #tpu.memory_space<vmem_shared>>)
    %add3A_302 = arith.constant 2000 : i32
    %add3A_303 = arith.addi %mul3A_5, %add3A_302 : i32
    %dma_start3A_304 = arith.constant 0 : i32
    %dma_start3A_305 = arith.constant 0 : i32
    %dma_start3A_306 = arith.constant 0 : i32
    %dma_start3A_307 = tpu.memref_slice %arg5[%dma_start3A_304, %dma_start3A_305, %dma_start3A_306] : memref<2x1000x48xf32, #tpu.memory_space<vmem>> -> memref<1x1000x48xf32, #tpu.memory_space<vmem>>
    %dma_start3A_308 = tpu.memref_squeeze %dma_start3A_307 : memref<1x1000x48xf32, #tpu.memory_space<vmem>> -> memref<1000x48xf32, #tpu.memory_space<vmem>>
    %dma_start3A_309 = arith.constant 0 : i32
    %dma_start3A_310 = tpu.memref_slice %arg2[%add3A_303, %dma_start3A_309] : memref<160000x48xf32, #tpu.memory_space<hbm>> -> memref<1000x48xf32, #tpu.memory_space<hbm>>
    %dma_start3A_311 = arith.constant 0 : i32
    %dma_start3A_312 = arith.constant 0 : i32
    %dma_start3A_313 = tpu.memref_slice %arg5[%dma_start3A_304, %dma_start3A_311, %dma_start3A_312] : memref<2x1000x48xf32, #tpu.memory_space<vmem>> -> memref<1x1000x48xf32, #tpu.memory_space<vmem>>
    %dma_start3A_314 = tpu.memref_squeeze %dma_start3A_313 : memref<1x1000x48xf32, #tpu.memory_space<vmem>> -> memref<1000x48xf32, #tpu.memory_space<vmem>>
    %dma_start3A_315 = arith.constant 0 : i32
    %dma_start3A_316 = tpu.memref_slice %arg2[%add3A_303, %dma_start3A_315] : memref<160000x48xf32, #tpu.memory_space<hbm>> -> memref<1000x48xf32, #tpu.memory_space<hbm>>
    tpu.enqueue_dma source(%dma_start3A_316 : memref<1000x48xf32, #tpu.memory_space<hbm>>) target(%dma_start3A_314 : memref<1000x48xf32, #tpu.memory_space<vmem>>) target_semaphore(%arg8 : memref<!tpu.dma_semaphore, #tpu.memory_space<semaphore_mem>>)
    %add3A_317 = arith.constant 16 : i32
    %add3A_318 = arith.addi %add3A_9, %add3A_317 : i32
    %dma_start3A_319 = arith.constant 0 : i32
    %dma_start3A_320 = arith.constant 0 : i32
    %dma_start3A_321 = arith.constant 0 : i32
    %dma_start3A_322 = tpu.memref_slice %arg6[%dma_start3A_319, %dma_start3A_320, %dma_start3A_321] : memref<2x8x125xi32, #tpu.memory_space<vmem>> -> memref<1x8x125xi32, #tpu.memory_space<vmem>>
    %dma_start3A_323 = tpu.memref_squeeze %dma_start3A_322 : memref<1x8x125xi32, #tpu.memory_space<vmem>> -> memref<8x125xi32, #tpu.memory_space<vmem>>
    %dma_start3A_324 = arith.constant 0 : i32
    %dma_start3A_325 = tpu.memref_slice %arg3[%add3A_318, %dma_start3A_324] : memref<2560x125xi32, #tpu.memory_space<hbm>> -> memref<8x125xi32, #tpu.memory_space<hbm>>
    %dma_start3A_326 = arith.constant 0 : i32
    %dma_start3A_327 = arith.constant 0 : i32
    %dma_start3A_328 = tpu.memref_slice %arg6[%dma_start3A_319, %dma_start3A_326, %dma_start3A_327] : memref<2x8x125xi32, #tpu.memory_space<vmem>> -> memref<1x8x125xi32, #tpu.memory_space<vmem>>
    %dma_start3A_329 = tpu.memref_squeeze %dma_start3A_328 : memref<1x8x125xi32, #tpu.memory_space<vmem>> -> memref<8x125xi32, #tpu.memory_space<vmem>>
    %dma_start3A_330 = arith.constant 0 : i32
    %dma_start3A_331 = tpu.memref_slice %arg3[%add3A_318, %dma_start3A_330] : memref<2560x125xi32, #tpu.memory_space<hbm>> -> memref<8x125xi32, #tpu.memory_space<hbm>>
    tpu.enqueue_dma source(%dma_start3A_331 : memref<8x125xi32, #tpu.memory_space<hbm>>) target(%dma_start3A_329 : memref<8x125xi32, #tpu.memory_space<vmem>>) target_semaphore(%arg8 : memref<!tpu.dma_semaphore, #tpu.memory_space<semaphore_mem>>)
    %dma_wait3A_332 = arith.constant 1 : i32
    %dma_wait3A_333 = arith.constant 0 : i32
    %dma_wait3A_334 = arith.constant 0 : i32
    %dma_wait3A_335 = tpu.memref_slice %arg5[%dma_wait3A_332, %dma_wait3A_333, %dma_wait3A_334] : memref<2x1000x48xf32, #tpu.memory_space<vmem>> -> memref<1x1000x48xf32, #tpu.memory_space<vmem>>
    %dma_wait3A_336 = tpu.memref_squeeze %dma_wait3A_335 : memref<1x1000x48xf32, #tpu.memory_space<vmem>> -> memref<1000x48xf32, #tpu.memory_space<vmem>>
    %dma_wait3A_337 = arith.constant 0 : i32
    %dma_wait3A_338 = tpu.memref_slice %arg2[%add3A_40, %dma_wait3A_337] : memref<160000x48xf32, #tpu.memory_space<hbm>> -> memref<1000x48xf32, #tpu.memory_space<hbm>>
    %dma_wait3A_339 = arith.constant 0 : i32
    %dma_wait3A_340 = arith.constant 0 : i32
    %dma_wait3A_341 = tpu.memref_slice %arg5[%dma_wait3A_332, %dma_wait3A_339, %dma_wait3A_340] : memref<2x1000x48xf32, #tpu.memory_space<vmem>> -> memref<1x1000x48xf32, #tpu.memory_space<vmem>>
    %dma_wait3A_342 = tpu.memref_squeeze %dma_wait3A_341 : memref<1x1000x48xf32, #tpu.memory_space<vmem>> -> memref<1000x48xf32, #tpu.memory_space<vmem>>
    %dma_wait3A_343 = arith.constant 0 : i32
    %dma_wait3A_344 = tpu.memref_slice %arg2[%add3A_40, %dma_wait3A_343] : memref<160000x48xf32, #tpu.memory_space<hbm>> -> memref<1000x48xf32, #tpu.memory_space<hbm>>
    tpu.wait_dma2 semaphore(%arg8 : memref<!tpu.dma_semaphore, #tpu.memory_space<semaphore_mem>>) src(%dma_wait3A_344 : memref<1000x48xf32, #tpu.memory_space<hbm>>) dst(%dma_wait3A_342 : memref<1000x48xf32, #tpu.memory_space<vmem>>)
    %dma_wait3A_345 = arith.constant 1 : i32
    %dma_wait3A_346 = arith.constant 0 : i32
    %dma_wait3A_347 = arith.constant 0 : i32
    %dma_wait3A_348 = tpu.memref_slice %arg6[%dma_wait3A_345, %dma_wait3A_346, %dma_wait3A_347] : memref<2x8x125xi32, #tpu.memory_space<vmem>> -> memref<1x8x125xi32, #tpu.memory_space<vmem>>
    %dma_wait3A_349 = tpu.memref_squeeze %dma_wait3A_348 : memref<1x8x125xi32, #tpu.memory_space<vmem>> -> memref<8x125xi32, #tpu.memory_space<vmem>>
    %dma_wait3A_350 = arith.constant 0 : i32
    %dma_wait3A_351 = tpu.memref_slice %arg3[%add3A_55, %dma_wait3A_350] : memref<2560x125xi32, #tpu.memory_space<hbm>> -> memref<8x125xi32, #tpu.memory_space<hbm>>
    %dma_wait3A_352 = arith.constant 0 : i32
    %dma_wait3A_353 = arith.constant 0 : i32
    %dma_wait3A_354 = tpu.memref_slice %arg6[%dma_wait3A_345, %dma_wait3A_352, %dma_wait3A_353] : memref<2x8x125xi32, #tpu.memory_space<vmem>> -> memref<1x8x125xi32, #tpu.memory_space<vmem>>
    %dma_wait3A_355 = tpu.memref_squeeze %dma_wait3A_354 : memref<1x8x125xi32, #tpu.memory_space<vmem>> -> memref<8x125xi32, #tpu.memory_space<vmem>>
    %dma_wait3A_356 = arith.constant 0 : i32
    %dma_wait3A_357 = tpu.memref_slice %arg3[%add3A_55, %dma_wait3A_356] : memref<2560x125xi32, #tpu.memory_space<hbm>> -> memref<8x125xi32, #tpu.memory_space<hbm>>
    tpu.wait_dma2 semaphore(%arg8 : memref<!tpu.dma_semaphore, #tpu.memory_space<semaphore_mem>>) src(%dma_wait3A_357 : memref<8x125xi32, #tpu.memory_space<hbm>>) dst(%dma_wait3A_355 : memref<8x125xi32, #tpu.memory_space<vmem>>)
    %dma_start3A_358 = arith.constant 1 : i32
    %dma_start3A_359 = arith.constant 1 : i32
    %dma_start3A_360 = arith.constant 0 : i32
    %dma_start3A_361 = arith.constant 0 : i32
    %dma_start3A_362 = arith.constant 0 : i32
    %dma_start3A_363 = tpu.memref_slice %arg5[%dma_start3A_358, %dma_start3A_361, %dma_start3A_362] : memref<2x1000x48xf32, #tpu.memory_space<vmem>> -> memref<1x125x48xf32, #tpu.memory_space<vmem>>
    %dma_start3A_364 = tpu.memref_squeeze %dma_start3A_363 : memref<1x125x48xf32, #tpu.memory_space<vmem>> -> memref<125x48xf32, #tpu.memory_space<vmem>>
    %dma_start3A_365 = arith.constant 0 : i32
    %dma_start3A_366 = tpu.memref_slice %arg6[%dma_start3A_359, %dma_start3A_360, %dma_start3A_365] : memref<2x8x125xi32, #tpu.memory_space<vmem>> -> memref<1x1x125xi32, #tpu.memory_space<vmem>>
    %dma_start3A_367 = tpu.memref_squeeze %dma_start3A_366 : memref<1x1x125xi32, #tpu.memory_space<vmem>> -> memref<125xi32, #tpu.memory_space<vmem>>
    %dma_start3A_368 = arith.constant 0 : i32
    %dma_start3A_369 = arith.constant 0 : i32
    %dma_start3A_370 = tpu.memref_slice %arg7[%dma_start3A_368, %dma_start3A_369] : memref<8000x48xf32, #tpu.memory_space<vmem_shared>> -> memref<8000x48xf32, #tpu.memory_space<vmem_shared>>
    tpu.enqueue_indirect_dma source(%dma_start3A_364 : memref<125x48xf32, #tpu.memory_space<vmem>>) target(%dma_start3A_370 : memref<8000x48xf32, #tpu.memory_space<vmem_shared>>) offsets(%dma_start3A_367 : memref<125xi32, #tpu.memory_space<vmem>>) semaphore(%arg9 : memref<!tpu.dma_semaphore, #tpu.memory_space<semaphore_mem>>) {add = true}
    %dma_start3A_371 = arith.constant 1 : i32
    %dma_start3A_372 = arith.constant 1 : i32
    %dma_start3A_373 = arith.constant 1 : i32
    %dma_start3A_374 = arith.constant 125 : i32
    %dma_start3A_375 = arith.constant 0 : i32
    %dma_start3A_376 = tpu.memref_slice %arg5[%dma_start3A_371, %dma_start3A_374, %dma_start3A_375] : memref<2x1000x48xf32, #tpu.memory_space<vmem>> -> memref<1x125x48xf32, #tpu.memory_space<vmem>>
    %dma_start3A_377 = tpu.memref_squeeze %dma_start3A_376 : memref<1x125x48xf32, #tpu.memory_space<vmem>> -> memref<125x48xf32, #tpu.memory_space<vmem>>
    %dma_start3A_378 = arith.constant 0 : i32
    %dma_start3A_379 = tpu.memref_slice %arg6[%dma_start3A_372, %dma_start3A_373, %dma_start3A_378] : memref<2x8x125xi32, #tpu.memory_space<vmem>> -> memref<1x1x125xi32, #tpu.memory_space<vmem>>
    %dma_start3A_380 = tpu.memref_squeeze %dma_start3A_379 : memref<1x1x125xi32, #tpu.memory_space<vmem>> -> memref<125xi32, #tpu.memory_space<vmem>>
    %dma_start3A_381 = arith.constant 0 : i32
    %dma_start3A_382 = arith.constant 0 : i32
    %dma_start3A_383 = tpu.memref_slice %arg7[%dma_start3A_381, %dma_start3A_382] : memref<8000x48xf32, #tpu.memory_space<vmem_shared>> -> memref<8000x48xf32, #tpu.memory_space<vmem_shared>>
    tpu.enqueue_indirect_dma source(%dma_start3A_377 : memref<125x48xf32, #tpu.memory_space<vmem>>) target(%dma_start3A_383 : memref<8000x48xf32, #tpu.memory_space<vmem_shared>>) offsets(%dma_start3A_380 : memref<125xi32, #tpu.memory_space<vmem>>) semaphore(%arg9 : memref<!tpu.dma_semaphore, #tpu.memory_space<semaphore_mem>>) {add = true}
    %dma_start3A_384 = arith.constant 1 : i32
    %dma_start3A_385 = arith.constant 1 : i32
    %dma_start3A_386 = arith.constant 2 : i32
    %dma_start3A_387 = arith.constant 250 : i32
    %dma_start3A_388 = arith.constant 0 : i32
    %dma_start3A_389 = tpu.memref_slice %arg5[%dma_start3A_384, %dma_start3A_387, %dma_start3A_388] : memref<2x1000x48xf32, #tpu.memory_space<vmem>> -> memref<1x125x48xf32, #tpu.memory_space<vmem>>
    %dma_start3A_390 = tpu.memref_squeeze %dma_start3A_389 : memref<1x125x48xf32, #tpu.memory_space<vmem>> -> memref<125x48xf32, #tpu.memory_space<vmem>>
    %dma_start3A_391 = arith.constant 0 : i32
    %dma_start3A_392 = tpu.memref_slice %arg6[%dma_start3A_385, %dma_start3A_386, %dma_start3A_391] : memref<2x8x125xi32, #tpu.memory_space<vmem>> -> memref<1x1x125xi32, #tpu.memory_space<vmem>>
    %dma_start3A_393 = tpu.memref_squeeze %dma_start3A_392 : memref<1x1x125xi32, #tpu.memory_space<vmem>> -> memref<125xi32, #tpu.memory_space<vmem>>
    %dma_start3A_394 = arith.constant 0 : i32
    %dma_start3A_395 = arith.constant 0 : i32
    %dma_start3A_396 = tpu.memref_slice %arg7[%dma_start3A_394, %dma_start3A_395] : memref<8000x48xf32, #tpu.memory_space<vmem_shared>> -> memref<8000x48xf32, #tpu.memory_space<vmem_shared>>
    tpu.enqueue_indirect_dma source(%dma_start3A_390 : memref<125x48xf32, #tpu.memory_space<vmem>>) target(%dma_start3A_396 : memref<8000x48xf32, #tpu.memory_space<vmem_shared>>) offsets(%dma_start3A_393 : memref<125xi32, #tpu.memory_space<vmem>>) semaphore(%arg9 : memref<!tpu.dma_semaphore, #tpu.memory_space<semaphore_mem>>) {add = true}
    %dma_start3A_397 = arith.constant 1 : i32
    %dma_start3A_398 = arith.constant 1 : i32
    %dma_start3A_399 = arith.constant 3 : i32
    %dma_start3A_400 = arith.constant 375 : i32
    %dma_start3A_401 = arith.constant 0 : i32
    %dma_start3A_402 = tpu.memref_slice %arg5[%dma_start3A_397, %dma_start3A_400, %dma_start3A_401] : memref<2x1000x48xf32, #tpu.memory_space<vmem>> -> memref<1x125x48xf32, #tpu.memory_space<vmem>>
    %dma_start3A_403 = tpu.memref_squeeze %dma_start3A_402 : memref<1x125x48xf32, #tpu.memory_space<vmem>> -> memref<125x48xf32, #tpu.memory_space<vmem>>
    %dma_start3A_404 = arith.constant 0 : i32
    %dma_start3A_405 = tpu.memref_slice %arg6[%dma_start3A_398, %dma_start3A_399, %dma_start3A_404] : memref<2x8x125xi32, #tpu.memory_space<vmem>> -> memref<1x1x125xi32, #tpu.memory_space<vmem>>
    %dma_start3A_406 = tpu.memref_squeeze %dma_start3A_405 : memref<1x1x125xi32, #tpu.memory_space<vmem>> -> memref<125xi32, #tpu.memory_space<vmem>>
    %dma_start3A_407 = arith.constant 0 : i32
    %dma_start3A_408 = arith.constant 0 : i32
    %dma_start3A_409 = tpu.memref_slice %arg7[%dma_start3A_407, %dma_start3A_408] : memref<8000x48xf32, #tpu.memory_space<vmem_shared>> -> memref<8000x48xf32, #tpu.memory_space<vmem_shared>>
    tpu.enqueue_indirect_dma source(%dma_start3A_403 : memref<125x48xf32, #tpu.memory_space<vmem>>) target(%dma_start3A_409 : memref<8000x48xf32, #tpu.memory_space<vmem_shared>>) offsets(%dma_start3A_406 : memref<125xi32, #tpu.memory_space<vmem>>) semaphore(%arg9 : memref<!tpu.dma_semaphore, #tpu.memory_space<semaphore_mem>>) {add = true}
    %dma_start3A_410 = arith.constant 1 : i32
    %dma_start3A_411 = arith.constant 1 : i32
    %dma_start3A_412 = arith.constant 4 : i32
    %dma_start3A_413 = arith.constant 500 : i32
    %dma_start3A_414 = arith.constant 0 : i32
    %dma_start3A_415 = tpu.memref_slice %arg5[%dma_start3A_410, %dma_start3A_413, %dma_start3A_414] : memref<2x1000x48xf32, #tpu.memory_space<vmem>> -> memref<1x125x48xf32, #tpu.memory_space<vmem>>
    %dma_start3A_416 = tpu.memref_squeeze %dma_start3A_415 : memref<1x125x48xf32, #tpu.memory_space<vmem>> -> memref<125x48xf32, #tpu.memory_space<vmem>>
    %dma_start3A_417 = arith.constant 0 : i32
    %dma_start3A_418 = tpu.memref_slice %arg6[%dma_start3A_411, %dma_start3A_412, %dma_start3A_417] : memref<2x8x125xi32, #tpu.memory_space<vmem>> -> memref<1x1x125xi32, #tpu.memory_space<vmem>>
    %dma_start3A_419 = tpu.memref_squeeze %dma_start3A_418 : memref<1x1x125xi32, #tpu.memory_space<vmem>> -> memref<125xi32, #tpu.memory_space<vmem>>
    %dma_start3A_420 = arith.constant 0 : i32
    %dma_start3A_421 = arith.constant 0 : i32
    %dma_start3A_422 = tpu.memref_slice %arg7[%dma_start3A_420, %dma_start3A_421] : memref<8000x48xf32, #tpu.memory_space<vmem_shared>> -> memref<8000x48xf32, #tpu.memory_space<vmem_shared>>
    tpu.enqueue_indirect_dma source(%dma_start3A_416 : memref<125x48xf32, #tpu.memory_space<vmem>>) target(%dma_start3A_422 : memref<8000x48xf32, #tpu.memory_space<vmem_shared>>) offsets(%dma_start3A_419 : memref<125xi32, #tpu.memory_space<vmem>>) semaphore(%arg9 : memref<!tpu.dma_semaphore, #tpu.memory_space<semaphore_mem>>) {add = true}
    %dma_start3A_423 = arith.constant 1 : i32
    %dma_start3A_424 = arith.constant 1 : i32
    %dma_start3A_425 = arith.constant 5 : i32
    %dma_start3A_426 = arith.constant 625 : i32
    %dma_start3A_427 = arith.constant 0 : i32
    %dma_start3A_428 = tpu.memref_slice %arg5[%dma_start3A_423, %dma_start3A_426, %dma_start3A_427] : memref<2x1000x48xf32, #tpu.memory_space<vmem>> -> memref<1x125x48xf32, #tpu.memory_space<vmem>>
    %dma_start3A_429 = tpu.memref_squeeze %dma_start3A_428 : memref<1x125x48xf32, #tpu.memory_space<vmem>> -> memref<125x48xf32, #tpu.memory_space<vmem>>
    %dma_start3A_430 = arith.constant 0 : i32
    %dma_start3A_431 = tpu.memref_slice %arg6[%dma_start3A_424, %dma_start3A_425, %dma_start3A_430] : memref<2x8x125xi32, #tpu.memory_space<vmem>> -> memref<1x1x125xi32, #tpu.memory_space<vmem>>
    %dma_start3A_432 = tpu.memref_squeeze %dma_start3A_431 : memref<1x1x125xi32, #tpu.memory_space<vmem>> -> memref<125xi32, #tpu.memory_space<vmem>>
    %dma_start3A_433 = arith.constant 0 : i32
    %dma_start3A_434 = arith.constant 0 : i32
    %dma_start3A_435 = tpu.memref_slice %arg7[%dma_start3A_433, %dma_start3A_434] : memref<8000x48xf32, #tpu.memory_space<vmem_shared>> -> memref<8000x48xf32, #tpu.memory_space<vmem_shared>>
    tpu.enqueue_indirect_dma source(%dma_start3A_429 : memref<125x48xf32, #tpu.memory_space<vmem>>) target(%dma_start3A_435 : memref<8000x48xf32, #tpu.memory_space<vmem_shared>>) offsets(%dma_start3A_432 : memref<125xi32, #tpu.memory_space<vmem>>) semaphore(%arg9 : memref<!tpu.dma_semaphore, #tpu.memory_space<semaphore_mem>>) {add = true}
    %dma_start3A_436 = arith.constant 1 : i32
    %dma_start3A_437 = arith.constant 1 : i32
    %dma_start3A_438 = arith.constant 6 : i32
    %dma_start3A_439 = arith.constant 750 : i32
    %dma_start3A_440 = arith.constant 0 : i32
    %dma_start3A_441 = tpu.memref_slice %arg5[%dma_start3A_436, %dma_start3A_439, %dma_start3A_440] : memref<2x1000x48xf32, #tpu.memory_space<vmem>> -> memref<1x125x48xf32, #tpu.memory_space<vmem>>
    %dma_start3A_442 = tpu.memref_squeeze %dma_start3A_441 : memref<1x125x48xf32, #tpu.memory_space<vmem>> -> memref<125x48xf32, #tpu.memory_space<vmem>>
    %dma_start3A_443 = arith.constant 0 : i32
    %dma_start3A_444 = tpu.memref_slice %arg6[%dma_start3A_437, %dma_start3A_438, %dma_start3A_443] : memref<2x8x125xi32, #tpu.memory_space<vmem>> -> memref<1x1x125xi32, #tpu.memory_space<vmem>>
    %dma_start3A_445 = tpu.memref_squeeze %dma_start3A_444 : memref<1x1x125xi32, #tpu.memory_space<vmem>> -> memref<125xi32, #tpu.memory_space<vmem>>
    %dma_start3A_446 = arith.constant 0 : i32
    %dma_start3A_447 = arith.constant 0 : i32
    %dma_start3A_448 = tpu.memref_slice %arg7[%dma_start3A_446, %dma_start3A_447] : memref<8000x48xf32, #tpu.memory_space<vmem_shared>> -> memref<8000x48xf32, #tpu.memory_space<vmem_shared>>
    tpu.enqueue_indirect_dma source(%dma_start3A_442 : memref<125x48xf32, #tpu.memory_space<vmem>>) target(%dma_start3A_448 : memref<8000x48xf32, #tpu.memory_space<vmem_shared>>) offsets(%dma_start3A_445 : memref<125xi32, #tpu.memory_space<vmem>>) semaphore(%arg9 : memref<!tpu.dma_semaphore, #tpu.memory_space<semaphore_mem>>) {add = true}
    %dma_start3A_449 = arith.constant 1 : i32
    %dma_start3A_450 = arith.constant 1 : i32
    %dma_start3A_451 = arith.constant 7 : i32
    %dma_start3A_452 = arith.constant 875 : i32
    %dma_start3A_453 = arith.constant 0 : i32
    %dma_start3A_454 = tpu.memref_slice %arg5[%dma_start3A_449, %dma_start3A_452, %dma_start3A_453] : memref<2x1000x48xf32, #tpu.memory_space<vmem>> -> memref<1x125x48xf32, #tpu.memory_space<vmem>>
    %dma_start3A_455 = tpu.memref_squeeze %dma_start3A_454 : memref<1x125x48xf32, #tpu.memory_space<vmem>> -> memref<125x48xf32, #tpu.memory_space<vmem>>
    %dma_start3A_456 = arith.constant 0 : i32
    %dma_start3A_457 = tpu.memref_slice %arg6[%dma_start3A_450, %dma_start3A_451, %dma_start3A_456] : memref<2x8x125xi32, #tpu.memory_space<vmem>> -> memref<1x1x125xi32, #tpu.memory_space<vmem>>
    %dma_start3A_458 = tpu.memref_squeeze %dma_start3A_457 : memref<1x1x125xi32, #tpu.memory_space<vmem>> -> memref<125xi32, #tpu.memory_space<vmem>>
    %dma_start3A_459 = arith.constant 0 : i32
    %dma_start3A_460 = arith.constant 0 : i32
    %dma_start3A_461 = tpu.memref_slice %arg7[%dma_start3A_459, %dma_start3A_460] : memref<8000x48xf32, #tpu.memory_space<vmem_shared>> -> memref<8000x48xf32, #tpu.memory_space<vmem_shared>>
    tpu.enqueue_indirect_dma source(%dma_start3A_455 : memref<125x48xf32, #tpu.memory_space<vmem>>) target(%dma_start3A_461 : memref<8000x48xf32, #tpu.memory_space<vmem_shared>>) offsets(%dma_start3A_458 : memref<125xi32, #tpu.memory_space<vmem>>) semaphore(%arg9 : memref<!tpu.dma_semaphore, #tpu.memory_space<semaphore_mem>>) {add = true}
    %dma_wait3A_462 = arith.constant 1 : i32
    %dma_wait3A_463 = arith.constant 1 : i32
    %dma_wait3A_464 = arith.constant 0 : i32
    %dma_wait3A_465 = arith.constant 0 : i32
    %dma_wait3A_466 = arith.constant 0 : i32
    %dma_wait3A_467 = tpu.memref_slice %arg5[%dma_wait3A_462, %dma_wait3A_465, %dma_wait3A_466] : memref<2x1000x48xf32, #tpu.memory_space<vmem>> -> memref<1x125x48xf32, #tpu.memory_space<vmem>>
    %dma_wait3A_468 = tpu.memref_squeeze %dma_wait3A_467 : memref<1x125x48xf32, #tpu.memory_space<vmem>> -> memref<125x48xf32, #tpu.memory_space<vmem>>
    %dma_wait3A_469 = arith.constant 0 : i32
    %dma_wait3A_470 = tpu.memref_slice %arg6[%dma_wait3A_463, %dma_wait3A_464, %dma_wait3A_469] : memref<2x8x125xi32, #tpu.memory_space<vmem>> -> memref<1x1x125xi32, #tpu.memory_space<vmem>>
    %dma_wait3A_471 = tpu.memref_squeeze %dma_wait3A_470 : memref<1x1x125xi32, #tpu.memory_space<vmem>> -> memref<125xi32, #tpu.memory_space<vmem>>
    %dma_wait3A_472 = arith.constant 0 : i32
    %dma_wait3A_473 = arith.constant 0 : i32
    %dma_wait3A_474 = tpu.memref_slice %arg7[%dma_wait3A_472, %dma_wait3A_473] : memref<8000x48xf32, #tpu.memory_space<vmem_shared>> -> memref<8000x48xf32, #tpu.memory_space<vmem_shared>>
    tpu.wait_indirect_dma semaphore(%arg9 : memref<!tpu.dma_semaphore, #tpu.memory_space<semaphore_mem>>) src(%dma_wait3A_468 : memref<125x48xf32, #tpu.memory_space<vmem>>) dst(%dma_wait3A_474 : memref<8000x48xf32, #tpu.memory_space<vmem_shared>>)
    %dma_wait3A_475 = arith.constant 1 : i32
    %dma_wait3A_476 = arith.constant 1 : i32
    %dma_wait3A_477 = arith.constant 1 : i32
    %dma_wait3A_478 = arith.constant 125 : i32
    %dma_wait3A_479 = arith.constant 0 : i32
    %dma_wait3A_480 = tpu.memref_slice %arg5[%dma_wait3A_475, %dma_wait3A_478, %dma_wait3A_479] : memref<2x1000x48xf32, #tpu.memory_space<vmem>> -> memref<1x125x48xf32, #tpu.memory_space<vmem>>
    %dma_wait3A_481 = tpu.memref_squeeze %dma_wait3A_480 : memref<1x125x48xf32, #tpu.memory_space<vmem>> -> memref<125x48xf32, #tpu.memory_space<vmem>>
    %dma_wait3A_482 = arith.constant 0 : i32
    %dma_wait3A_483 = tpu.memref_slice %arg6[%dma_wait3A_476, %dma_wait3A_477, %dma_wait3A_482] : memref<2x8x125xi32, #tpu.memory_space<vmem>> -> memref<1x1x125xi32, #tpu.memory_space<vmem>>
    %dma_wait3A_484 = tpu.memref_squeeze %dma_wait3A_483 : memref<1x1x125xi32, #tpu.memory_space<vmem>> -> memref<125xi32, #tpu.memory_space<vmem>>
    %dma_wait3A_485 = arith.constant 0 : i32
    %dma_wait3A_486 = arith.constant 0 : i32
    %dma_wait3A_487 = tpu.memref_slice %arg7[%dma_wait3A_485, %dma_wait3A_486] : memref<8000x48xf32, #tpu.memory_space<vmem_shared>> -> memref<8000x48xf32, #tpu.memory_space<vmem_shared>>
    tpu.wait_indirect_dma semaphore(%arg9 : memref<!tpu.dma_semaphore, #tpu.memory_space<semaphore_mem>>) src(%dma_wait3A_481 : memref<125x48xf32, #tpu.memory_space<vmem>>) dst(%dma_wait3A_487 : memref<8000x48xf32, #tpu.memory_space<vmem_shared>>)
    %dma_wait3A_488 = arith.constant 1 : i32
    %dma_wait3A_489 = arith.constant 1 : i32
    %dma_wait3A_490 = arith.constant 2 : i32
    %dma_wait3A_491 = arith.constant 250 : i32
    %dma_wait3A_492 = arith.constant 0 : i32
    %dma_wait3A_493 = tpu.memref_slice %arg5[%dma_wait3A_488, %dma_wait3A_491, %dma_wait3A_492] : memref<2x1000x48xf32, #tpu.memory_space<vmem>> -> memref<1x125x48xf32, #tpu.memory_space<vmem>>
    %dma_wait3A_494 = tpu.memref_squeeze %dma_wait3A_493 : memref<1x125x48xf32, #tpu.memory_space<vmem>> -> memref<125x48xf32, #tpu.memory_space<vmem>>
    %dma_wait3A_495 = arith.constant 0 : i32
    %dma_wait3A_496 = tpu.memref_slice %arg6[%dma_wait3A_489, %dma_wait3A_490, %dma_wait3A_495] : memref<2x8x125xi32, #tpu.memory_space<vmem>> -> memref<1x1x125xi32, #tpu.memory_space<vmem>>
    %dma_wait3A_497 = tpu.memref_squeeze %dma_wait3A_496 : memref<1x1x125xi32, #tpu.memory_space<vmem>> -> memref<125xi32, #tpu.memory_space<vmem>>
    %dma_wait3A_498 = arith.constant 0 : i32
    %dma_wait3A_499 = arith.constant 0 : i32
    %dma_wait3A_500 = tpu.memref_slice %arg7[%dma_wait3A_498, %dma_wait3A_499] : memref<8000x48xf32, #tpu.memory_space<vmem_shared>> -> memref<8000x48xf32, #tpu.memory_space<vmem_shared>>
    tpu.wait_indirect_dma semaphore(%arg9 : memref<!tpu.dma_semaphore, #tpu.memory_space<semaphore_mem>>) src(%dma_wait3A_494 : memref<125x48xf32, #tpu.memory_space<vmem>>) dst(%dma_wait3A_500 : memref<8000x48xf32, #tpu.memory_space<vmem_shared>>)
    %dma_wait3A_501 = arith.constant 1 : i32
    %dma_wait3A_502 = arith.constant 1 : i32
    %dma_wait3A_503 = arith.constant 3 : i32
    %dma_wait3A_504 = arith.constant 375 : i32
    %dma_wait3A_505 = arith.constant 0 : i32
    %dma_wait3A_506 = tpu.memref_slice %arg5[%dma_wait3A_501, %dma_wait3A_504, %dma_wait3A_505] : memref<2x1000x48xf32, #tpu.memory_space<vmem>> -> memref<1x125x48xf32, #tpu.memory_space<vmem>>
    %dma_wait3A_507 = tpu.memref_squeeze %dma_wait3A_506 : memref<1x125x48xf32, #tpu.memory_space<vmem>> -> memref<125x48xf32, #tpu.memory_space<vmem>>
    %dma_wait3A_508 = arith.constant 0 : i32
    %dma_wait3A_509 = tpu.memref_slice %arg6[%dma_wait3A_502, %dma_wait3A_503, %dma_wait3A_508] : memref<2x8x125xi32, #tpu.memory_space<vmem>> -> memref<1x1x125xi32, #tpu.memory_space<vmem>>
    %dma_wait3A_510 = tpu.memref_squeeze %dma_wait3A_509 : memref<1x1x125xi32, #tpu.memory_space<vmem>> -> memref<125xi32, #tpu.memory_space<vmem>>
    %dma_wait3A_511 = arith.constant 0 : i32
    %dma_wait3A_512 = arith.constant 0 : i32
    %dma_wait3A_513 = tpu.memref_slice %arg7[%dma_wait3A_511, %dma_wait3A_512] : memref<8000x48xf32, #tpu.memory_space<vmem_shared>> -> memref<8000x48xf32, #tpu.memory_space<vmem_shared>>
    tpu.wait_indirect_dma semaphore(%arg9 : memref<!tpu.dma_semaphore, #tpu.memory_space<semaphore_mem>>) src(%dma_wait3A_507 : memref<125x48xf32, #tpu.memory_space<vmem>>) dst(%dma_wait3A_513 : memref<8000x48xf32, #tpu.memory_space<vmem_shared>>)
    %dma_wait3A_514 = arith.constant 1 : i32
    %dma_wait3A_515 = arith.constant 1 : i32
    %dma_wait3A_516 = arith.constant 4 : i32
    %dma_wait3A_517 = arith.constant 500 : i32
    %dma_wait3A_518 = arith.constant 0 : i32
    %dma_wait3A_519 = tpu.memref_slice %arg5[%dma_wait3A_514, %dma_wait3A_517, %dma_wait3A_518] : memref<2x1000x48xf32, #tpu.memory_space<vmem>> -> memref<1x125x48xf32, #tpu.memory_space<vmem>>
    %dma_wait3A_520 = tpu.memref_squeeze %dma_wait3A_519 : memref<1x125x48xf32, #tpu.memory_space<vmem>> -> memref<125x48xf32, #tpu.memory_space<vmem>>
    %dma_wait3A_521 = arith.constant 0 : i32
    %dma_wait3A_522 = tpu.memref_slice %arg6[%dma_wait3A_515, %dma_wait3A_516, %dma_wait3A_521] : memref<2x8x125xi32, #tpu.memory_space<vmem>> -> memref<1x1x125xi32, #tpu.memory_space<vmem>>
    %dma_wait3A_523 = tpu.memref_squeeze %dma_wait3A_522 : memref<1x1x125xi32, #tpu.memory_space<vmem>> -> memref<125xi32, #tpu.memory_space<vmem>>
    %dma_wait3A_524 = arith.constant 0 : i32
    %dma_wait3A_525 = arith.constant 0 : i32
    %dma_wait3A_526 = tpu.memref_slice %arg7[%dma_wait3A_524, %dma_wait3A_525] : memref<8000x48xf32, #tpu.memory_space<vmem_shared>> -> memref<8000x48xf32, #tpu.memory_space<vmem_shared>>
    tpu.wait_indirect_dma semaphore(%arg9 : memref<!tpu.dma_semaphore, #tpu.memory_space<semaphore_mem>>) src(%dma_wait3A_520 : memref<125x48xf32, #tpu.memory_space<vmem>>) dst(%dma_wait3A_526 : memref<8000x48xf32, #tpu.memory_space<vmem_shared>>)
    %dma_wait3A_527 = arith.constant 1 : i32
    %dma_wait3A_528 = arith.constant 1 : i32
    %dma_wait3A_529 = arith.constant 5 : i32
    %dma_wait3A_530 = arith.constant 625 : i32
    %dma_wait3A_531 = arith.constant 0 : i32
    %dma_wait3A_532 = tpu.memref_slice %arg5[%dma_wait3A_527, %dma_wait3A_530, %dma_wait3A_531] : memref<2x1000x48xf32, #tpu.memory_space<vmem>> -> memref<1x125x48xf32, #tpu.memory_space<vmem>>
    %dma_wait3A_533 = tpu.memref_squeeze %dma_wait3A_532 : memref<1x125x48xf32, #tpu.memory_space<vmem>> -> memref<125x48xf32, #tpu.memory_space<vmem>>
    %dma_wait3A_534 = arith.constant 0 : i32
    %dma_wait3A_535 = tpu.memref_slice %arg6[%dma_wait3A_528, %dma_wait3A_529, %dma_wait3A_534] : memref<2x8x125xi32, #tpu.memory_space<vmem>> -> memref<1x1x125xi32, #tpu.memory_space<vmem>>
    %dma_wait3A_536 = tpu.memref_squeeze %dma_wait3A_535 : memref<1x1x125xi32, #tpu.memory_space<vmem>> -> memref<125xi32, #tpu.memory_space<vmem>>
    %dma_wait3A_537 = arith.constant 0 : i32
    %dma_wait3A_538 = arith.constant 0 : i32
    %dma_wait3A_539 = tpu.memref_slice %arg7[%dma_wait3A_537, %dma_wait3A_538] : memref<8000x48xf32, #tpu.memory_space<vmem_shared>> -> memref<8000x48xf32, #tpu.memory_space<vmem_shared>>
    tpu.wait_indirect_dma semaphore(%arg9 : memref<!tpu.dma_semaphore, #tpu.memory_space<semaphore_mem>>) src(%dma_wait3A_533 : memref<125x48xf32, #tpu.memory_space<vmem>>) dst(%dma_wait3A_539 : memref<8000x48xf32, #tpu.memory_space<vmem_shared>>)
    %dma_wait3A_540 = arith.constant 1 : i32
    %dma_wait3A_541 = arith.constant 1 : i32
    %dma_wait3A_542 = arith.constant 6 : i32
    %dma_wait3A_543 = arith.constant 750 : i32
    %dma_wait3A_544 = arith.constant 0 : i32
    %dma_wait3A_545 = tpu.memref_slice %arg5[%dma_wait3A_540, %dma_wait3A_543, %dma_wait3A_544] : memref<2x1000x48xf32, #tpu.memory_space<vmem>> -> memref<1x125x48xf32, #tpu.memory_space<vmem>>
    %dma_wait3A_546 = tpu.memref_squeeze %dma_wait3A_545 : memref<1x125x48xf32, #tpu.memory_space<vmem>> -> memref<125x48xf32, #tpu.memory_space<vmem>>
    %dma_wait3A_547 = arith.constant 0 : i32
    %dma_wait3A_548 = tpu.memref_slice %arg6[%dma_wait3A_541, %dma_wait3A_542, %dma_wait3A_547] : memref<2x8x125xi32, #tpu.memory_space<vmem>> -> memref<1x1x125xi32, #tpu.memory_space<vmem>>
    %dma_wait3A_549 = tpu.memref_squeeze %dma_wait3A_548 : memref<1x1x125xi32, #tpu.memory_space<vmem>> -> memref<125xi32, #tpu.memory_space<vmem>>
    %dma_wait3A_550 = arith.constant 0 : i32
    %dma_wait3A_551 = arith.constant 0 : i32
    %dma_wait3A_552 = tpu.memref_slice %arg7[%dma_wait3A_550, %dma_wait3A_551] : memref<8000x48xf32, #tpu.memory_space<vmem_shared>> -> memref<8000x48xf32, #tpu.memory_space<vmem_shared>>
    tpu.wait_indirect_dma semaphore(%arg9 : memref<!tpu.dma_semaphore, #tpu.memory_space<semaphore_mem>>) src(%dma_wait3A_546 : memref<125x48xf32, #tpu.memory_space<vmem>>) dst(%dma_wait3A_552 : memref<8000x48xf32, #tpu.memory_space<vmem_shared>>)
    %dma_wait3A_553 = arith.constant 1 : i32
    %dma_wait3A_554 = arith.constant 1 : i32
    %dma_wait3A_555 = arith.constant 7 : i32
    %dma_wait3A_556 = arith.constant 875 : i32
    %dma_wait3A_557 = arith.constant 0 : i32
    %dma_wait3A_558 = tpu.memref_slice %arg5[%dma_wait3A_553, %dma_wait3A_556, %dma_wait3A_557] : memref<2x1000x48xf32, #tpu.memory_space<vmem>> -> memref<1x125x48xf32, #tpu.memory_space<vmem>>
    %dma_wait3A_559 = tpu.memref_squeeze %dma_wait3A_558 : memref<1x125x48xf32, #tpu.memory_space<vmem>> -> memref<125x48xf32, #tpu.memory_space<vmem>>
    %dma_wait3A_560 = arith.constant 0 : i32
    %dma_wait3A_561 = tpu.memref_slice %arg6[%dma_wait3A_554, %dma_wait3A_555, %dma_wait3A_560] : memref<2x8x125xi32, #tpu.memory_space<vmem>> -> memref<1x1x125xi32, #tpu.memory_space<vmem>>
    %dma_wait3A_562 = tpu.memref_squeeze %dma_wait3A_561 : memref<1x1x125xi32, #tpu.memory_space<vmem>> -> memref<125xi32, #tpu.memory_space<vmem>>
    %dma_wait3A_563 = arith.constant 0 : i32
    %dma_wait3A_564 = arith.constant 0 : i32
    %dma_wait3A_565 = tpu.memref_slice %arg7[%dma_wait3A_563, %dma_wait3A_564] : memref<8000x48xf32, #tpu.memory_space<vmem_shared>> -> memref<8000x48xf32, #tpu.memory_space<vmem_shared>>
    tpu.wait_indirect_dma semaphore(%arg9 : memref<!tpu.dma_semaphore, #tpu.memory_space<semaphore_mem>>) src(%dma_wait3A_559 : memref<125x48xf32, #tpu.memory_space<vmem>>) dst(%dma_wait3A_565 : memref<8000x48xf32, #tpu.memory_space<vmem_shared>>)
    %add3A_566 = arith.constant 3000 : i32
    %add3A_567 = arith.addi %mul3A_5, %add3A_566 : i32
    %dma_start3A_568 = arith.constant 1 : i32
    %dma_start3A_569 = arith.constant 0 : i32
    %dma_start3A_570 = arith.constant 0 : i32
    %dma_start3A_571 = tpu.memref_slice %arg5[%dma_start3A_568, %dma_start3A_569, %dma_start3A_570] : memref<2x1000x48xf32, #tpu.memory_space<vmem>> -> memref<1x1000x48xf32, #tpu.memory_space<vmem>>
    %dma_start3A_572 = tpu.memref_squeeze %dma_start3A_571 : memref<1x1000x48xf32, #tpu.memory_space<vmem>> -> memref<1000x48xf32, #tpu.memory_space<vmem>>
    %dma_start3A_573 = arith.constant 0 : i32
    %dma_start3A_574 = tpu.memref_slice %arg2[%add3A_567, %dma_start3A_573] : memref<160000x48xf32, #tpu.memory_space<hbm>> -> memref<1000x48xf32, #tpu.memory_space<hbm>>
    %dma_start3A_575 = arith.constant 0 : i32
    %dma_start3A_576 = arith.constant 0 : i32
    %dma_start3A_577 = tpu.memref_slice %arg5[%dma_start3A_568, %dma_start3A_575, %dma_start3A_576] : memref<2x1000x48xf32, #tpu.memory_space<vmem>> -> memref<1x1000x48xf32, #tpu.memory_space<vmem>>
    %dma_start3A_578 = tpu.memref_squeeze %dma_start3A_577 : memref<1x1000x48xf32, #tpu.memory_space<vmem>> -> memref<1000x48xf32, #tpu.memory_space<vmem>>
    %dma_start3A_579 = arith.constant 0 : i32
    %dma_start3A_580 = tpu.memref_slice %arg2[%add3A_567, %dma_start3A_579] : memref<160000x48xf32, #tpu.memory_space<hbm>> -> memref<1000x48xf32, #tpu.memory_space<hbm>>
    tpu.enqueue_dma source(%dma_start3A_580 : memref<1000x48xf32, #tpu.memory_space<hbm>>) target(%dma_start3A_578 : memref<1000x48xf32, #tpu.memory_space<vmem>>) target_semaphore(%arg8 : memref<!tpu.dma_semaphore, #tpu.memory_space<semaphore_mem>>)
    %add3A_581 = arith.constant 24 : i32
    %add3A_582 = arith.addi %add3A_9, %add3A_581 : i32
    %dma_start3A_583 = arith.constant 1 : i32
    %dma_start3A_584 = arith.constant 0 : i32
    %dma_start3A_585 = arith.constant 0 : i32
    %dma_start3A_586 = tpu.memref_slice %arg6[%dma_start3A_583, %dma_start3A_584, %dma_start3A_585] : memref<2x8x125xi32, #tpu.memory_space<vmem>> -> memref<1x8x125xi32, #tpu.memory_space<vmem>>
    %dma_start3A_587 = tpu.memref_squeeze %dma_start3A_586 : memref<1x8x125xi32, #tpu.memory_space<vmem>> -> memref<8x125xi32, #tpu.memory_space<vmem>>
    %dma_start3A_588 = arith.constant 0 : i32
    %dma_start3A_589 = tpu.memref_slice %arg3[%add3A_582, %dma_start3A_588] : memref<2560x125xi32, #tpu.memory_space<hbm>> -> memref<8x125xi32, #tpu.memory_space<hbm>>
    %dma_start3A_590 = arith.constant 0 : i32
    %dma_start3A_591 = arith.constant 0 : i32
    %dma_start3A_592 = tpu.memref_slice %arg6[%dma_start3A_583, %dma_start3A_590, %dma_start3A_591] : memref<2x8x125xi32, #tpu.memory_space<vmem>> -> memref<1x8x125xi32, #tpu.memory_space<vmem>>
    %dma_start3A_593 = tpu.memref_squeeze %dma_start3A_592 : memref<1x8x125xi32, #tpu.memory_space<vmem>> -> memref<8x125xi32, #tpu.memory_space<vmem>>
    %dma_start3A_594 = arith.constant 0 : i32
    %dma_start3A_595 = tpu.memref_slice %arg3[%add3A_582, %dma_start3A_594] : memref<2560x125xi32, #tpu.memory_space<hbm>> -> memref<8x125xi32, #tpu.memory_space<hbm>>
    tpu.enqueue_dma source(%dma_start3A_595 : memref<8x125xi32, #tpu.memory_space<hbm>>) target(%dma_start3A_593 : memref<8x125xi32, #tpu.memory_space<vmem>>) target_semaphore(%arg8 : memref<!tpu.dma_semaphore, #tpu.memory_space<semaphore_mem>>)
    %dma_wait3A_596 = arith.constant 0 : i32
    %dma_wait3A_597 = arith.constant 0 : i32
    %dma_wait3A_598 = arith.constant 0 : i32
    %dma_wait3A_599 = tpu.memref_slice %arg5[%dma_wait3A_596, %dma_wait3A_597, %dma_wait3A_598] : memref<2x1000x48xf32, #tpu.memory_space<vmem>> -> memref<1x1000x48xf32, #tpu.memory_space<vmem>>
    %dma_wait3A_600 = tpu.memref_squeeze %dma_wait3A_599 : memref<1x1000x48xf32, #tpu.memory_space<vmem>> -> memref<1000x48xf32, #tpu.memory_space<vmem>>
    %dma_wait3A_601 = arith.constant 0 : i32
    %dma_wait3A_602 = tpu.memref_slice %arg2[%add3A_303, %dma_wait3A_601] : memref<160000x48xf32, #tpu.memory_space<hbm>> -> memref<1000x48xf32, #tpu.memory_space<hbm>>
    %dma_wait3A_603 = arith.constant 0 : i32
    %dma_wait3A_604 = arith.constant 0 : i32
    %dma_wait3A_605 = tpu.memref_slice %arg5[%dma_wait3A_596, %dma_wait3A_603, %dma_wait3A_604] : memref<2x1000x48xf32, #tpu.memory_space<vmem>> -> memref<1x1000x48xf32, #tpu.memory_space<vmem>>
    %dma_wait3A_606 = tpu.memref_squeeze %dma_wait3A_605 : memref<1x1000x48xf32, #tpu.memory_space<vmem>> -> memref<1000x48xf32, #tpu.memory_space<vmem>>
    %dma_wait3A_607 = arith.constant 0 : i32
    %dma_wait3A_608 = tpu.memref_slice %arg2[%add3A_303, %dma_wait3A_607] : memref<160000x48xf32, #tpu.memory_space<hbm>> -> memref<1000x48xf32, #tpu.memory_space<hbm>>
    tpu.wait_dma2 semaphore(%arg8 : memref<!tpu.dma_semaphore, #tpu.memory_space<semaphore_mem>>) src(%dma_wait3A_608 : memref<1000x48xf32, #tpu.memory_space<hbm>>) dst(%dma_wait3A_606 : memref<1000x48xf32, #tpu.memory_space<vmem>>)
    %dma_wait3A_609 = arith.constant 0 : i32
    %dma_wait3A_610 = arith.constant 0 : i32
    %dma_wait3A_611 = arith.constant 0 : i32
    %dma_wait3A_612 = tpu.memref_slice %arg6[%dma_wait3A_609, %dma_wait3A_610, %dma_wait3A_611] : memref<2x8x125xi32, #tpu.memory_space<vmem>> -> memref<1x8x125xi32, #tpu.memory_space<vmem>>
    %dma_wait3A_613 = tpu.memref_squeeze %dma_wait3A_612 : memref<1x8x125xi32, #tpu.memory_space<vmem>> -> memref<8x125xi32, #tpu.memory_space<vmem>>
    %dma_wait3A_614 = arith.constant 0 : i32
    %dma_wait3A_615 = tpu.memref_slice %arg3[%add3A_318, %dma_wait3A_614] : memref<2560x125xi32, #tpu.memory_space<hbm>> -> memref<8x125xi32, #tpu.memory_space<hbm>>
    %dma_wait3A_616 = arith.constant 0 : i32
    %dma_wait3A_617 = arith.constant 0 : i32
    %dma_wait3A_618 = tpu.memref_slice %arg6[%dma_wait3A_609, %dma_wait3A_616, %dma_wait3A_617] : memref<2x8x125xi32, #tpu.memory_space<vmem>> -> memref<1x8x125xi32, #tpu.memory_space<vmem>>
    %dma_wait3A_619 = tpu.memref_squeeze %dma_wait3A_618 : memref<1x8x125xi32, #tpu.memory_space<vmem>> -> memref<8x125xi32, #tpu.memory_space<vmem>>
    %dma_wait3A_620 = arith.constant 0 : i32
    %dma_wait3A_621 = tpu.memref_slice %arg3[%add3A_318, %dma_wait3A_620] : memref<2560x125xi32, #tpu.memory_space<hbm>> -> memref<8x125xi32, #tpu.memory_space<hbm>>
    tpu.wait_dma2 semaphore(%arg8 : memref<!tpu.dma_semaphore, #tpu.memory_space<semaphore_mem>>) src(%dma_wait3A_621 : memref<8x125xi32, #tpu.memory_space<hbm>>) dst(%dma_wait3A_619 : memref<8x125xi32, #tpu.memory_space<vmem>>)
    %dma_start3A_622 = arith.constant 0 : i32
    %dma_start3A_623 = arith.constant 0 : i32
    %dma_start3A_624 = arith.constant 0 : i32
    %dma_start3A_625 = arith.constant 0 : i32
    %dma_start3A_626 = arith.constant 0 : i32
    %dma_start3A_627 = tpu.memref_slice %arg5[%dma_start3A_622, %dma_start3A_625, %dma_start3A_626] : memref<2x1000x48xf32, #tpu.memory_space<vmem>> -> memref<1x125x48xf32, #tpu.memory_space<vmem>>
    %dma_start3A_628 = tpu.memref_squeeze %dma_start3A_627 : memref<1x125x48xf32, #tpu.memory_space<vmem>> -> memref<125x48xf32, #tpu.memory_space<vmem>>
    %dma_start3A_629 = arith.constant 0 : i32
    %dma_start3A_630 = tpu.memref_slice %arg6[%dma_start3A_623, %dma_start3A_624, %dma_start3A_629] : memref<2x8x125xi32, #tpu.memory_space<vmem>> -> memref<1x1x125xi32, #tpu.memory_space<vmem>>
    %dma_start3A_631 = tpu.memref_squeeze %dma_start3A_630 : memref<1x1x125xi32, #tpu.memory_space<vmem>> -> memref<125xi32, #tpu.memory_space<vmem>>
    %dma_start3A_632 = arith.constant 0 : i32
    %dma_start3A_633 = arith.constant 0 : i32
    %dma_start3A_634 = tpu.memref_slice %arg7[%dma_start3A_632, %dma_start3A_633] : memref<8000x48xf32, #tpu.memory_space<vmem_shared>> -> memref<8000x48xf32, #tpu.memory_space<vmem_shared>>
    tpu.enqueue_indirect_dma source(%dma_start3A_628 : memref<125x48xf32, #tpu.memory_space<vmem>>) target(%dma_start3A_634 : memref<8000x48xf32, #tpu.memory_space<vmem_shared>>) offsets(%dma_start3A_631 : memref<125xi32, #tpu.memory_space<vmem>>) semaphore(%arg9 : memref<!tpu.dma_semaphore, #tpu.memory_space<semaphore_mem>>) {add = true}
    %dma_start3A_635 = arith.constant 0 : i32
    %dma_start3A_636 = arith.constant 0 : i32
    %dma_start3A_637 = arith.constant 1 : i32
    %dma_start3A_638 = arith.constant 125 : i32
    %dma_start3A_639 = arith.constant 0 : i32
    %dma_start3A_640 = tpu.memref_slice %arg5[%dma_start3A_635, %dma_start3A_638, %dma_start3A_639] : memref<2x1000x48xf32, #tpu.memory_space<vmem>> -> memref<1x125x48xf32, #tpu.memory_space<vmem>>
    %dma_start3A_641 = tpu.memref_squeeze %dma_start3A_640 : memref<1x125x48xf32, #tpu.memory_space<vmem>> -> memref<125x48xf32, #tpu.memory_space<vmem>>
    %dma_start3A_642 = arith.constant 0 : i32
    %dma_start3A_643 = tpu.memref_slice %arg6[%dma_start3A_636, %dma_start3A_637, %dma_start3A_642] : memref<2x8x125xi32, #tpu.memory_space<vmem>> -> memref<1x1x125xi32, #tpu.memory_space<vmem>>
    %dma_start3A_644 = tpu.memref_squeeze %dma_start3A_643 : memref<1x1x125xi32, #tpu.memory_space<vmem>> -> memref<125xi32, #tpu.memory_space<vmem>>
    %dma_start3A_645 = arith.constant 0 : i32
    %dma_start3A_646 = arith.constant 0 : i32
    %dma_start3A_647 = tpu.memref_slice %arg7[%dma_start3A_645, %dma_start3A_646] : memref<8000x48xf32, #tpu.memory_space<vmem_shared>> -> memref<8000x48xf32, #tpu.memory_space<vmem_shared>>
    tpu.enqueue_indirect_dma source(%dma_start3A_641 : memref<125x48xf32, #tpu.memory_space<vmem>>) target(%dma_start3A_647 : memref<8000x48xf32, #tpu.memory_space<vmem_shared>>) offsets(%dma_start3A_644 : memref<125xi32, #tpu.memory_space<vmem>>) semaphore(%arg9 : memref<!tpu.dma_semaphore, #tpu.memory_space<semaphore_mem>>) {add = true}
    %dma_start3A_648 = arith.constant 0 : i32
    %dma_start3A_649 = arith.constant 0 : i32
    %dma_start3A_650 = arith.constant 2 : i32
    %dma_start3A_651 = arith.constant 250 : i32
    %dma_start3A_652 = arith.constant 0 : i32
    %dma_start3A_653 = tpu.memref_slice %arg5[%dma_start3A_648, %dma_start3A_651, %dma_start3A_652] : memref<2x1000x48xf32, #tpu.memory_space<vmem>> -> memref<1x125x48xf32, #tpu.memory_space<vmem>>
    %dma_start3A_654 = tpu.memref_squeeze %dma_start3A_653 : memref<1x125x48xf32, #tpu.memory_space<vmem>> -> memref<125x48xf32, #tpu.memory_space<vmem>>
    %dma_start3A_655 = arith.constant 0 : i32
    %dma_start3A_656 = tpu.memref_slice %arg6[%dma_start3A_649, %dma_start3A_650, %dma_start3A_655] : memref<2x8x125xi32, #tpu.memory_space<vmem>> -> memref<1x1x125xi32, #tpu.memory_space<vmem>>
    %dma_start3A_657 = tpu.memref_squeeze %dma_start3A_656 : memref<1x1x125xi32, #tpu.memory_space<vmem>> -> memref<125xi32, #tpu.memory_space<vmem>>
    %dma_start3A_658 = arith.constant 0 : i32
    %dma_start3A_659 = arith.constant 0 : i32
    %dma_start3A_660 = tpu.memref_slice %arg7[%dma_start3A_658, %dma_start3A_659] : memref<8000x48xf32, #tpu.memory_space<vmem_shared>> -> memref<8000x48xf32, #tpu.memory_space<vmem_shared>>
    tpu.enqueue_indirect_dma source(%dma_start3A_654 : memref<125x48xf32, #tpu.memory_space<vmem>>) target(%dma_start3A_660 : memref<8000x48xf32, #tpu.memory_space<vmem_shared>>) offsets(%dma_start3A_657 : memref<125xi32, #tpu.memory_space<vmem>>) semaphore(%arg9 : memref<!tpu.dma_semaphore, #tpu.memory_space<semaphore_mem>>) {add = true}
    %dma_start3A_661 = arith.constant 0 : i32
    %dma_start3A_662 = arith.constant 0 : i32
    %dma_start3A_663 = arith.constant 3 : i32
    %dma_start3A_664 = arith.constant 375 : i32
    %dma_start3A_665 = arith.constant 0 : i32
    %dma_start3A_666 = tpu.memref_slice %arg5[%dma_start3A_661, %dma_start3A_664, %dma_start3A_665] : memref<2x1000x48xf32, #tpu.memory_space<vmem>> -> memref<1x125x48xf32, #tpu.memory_space<vmem>>
    %dma_start3A_667 = tpu.memref_squeeze %dma_start3A_666 : memref<1x125x48xf32, #tpu.memory_space<vmem>> -> memref<125x48xf32, #tpu.memory_space<vmem>>
    %dma_start3A_668 = arith.constant 0 : i32
    %dma_start3A_669 = tpu.memref_slice %arg6[%dma_start3A_662, %dma_start3A_663, %dma_start3A_668] : memref<2x8x125xi32, #tpu.memory_space<vmem>> -> memref<1x1x125xi32, #tpu.memory_space<vmem>>
    %dma_start3A_670 = tpu.memref_squeeze %dma_start3A_669 : memref<1x1x125xi32, #tpu.memory_space<vmem>> -> memref<125xi32, #tpu.memory_space<vmem>>
    %dma_start3A_671 = arith.constant 0 : i32
    %dma_start3A_672 = arith.constant 0 : i32
    %dma_start3A_673 = tpu.memref_slice %arg7[%dma_start3A_671, %dma_start3A_672] : memref<8000x48xf32, #tpu.memory_space<vmem_shared>> -> memref<8000x48xf32, #tpu.memory_space<vmem_shared>>
    tpu.enqueue_indirect_dma source(%dma_start3A_667 : memref<125x48xf32, #tpu.memory_space<vmem>>) target(%dma_start3A_673 : memref<8000x48xf32, #tpu.memory_space<vmem_shared>>) offsets(%dma_start3A_670 : memref<125xi32, #tpu.memory_space<vmem>>) semaphore(%arg9 : memref<!tpu.dma_semaphore, #tpu.memory_space<semaphore_mem>>) {add = true}
    %dma_start3A_674 = arith.constant 0 : i32
    %dma_start3A_675 = arith.constant 0 : i32
    %dma_start3A_676 = arith.constant 4 : i32
    %dma_start3A_677 = arith.constant 500 : i32
    %dma_start3A_678 = arith.constant 0 : i32
    %dma_start3A_679 = tpu.memref_slice %arg5[%dma_start3A_674, %dma_start3A_677, %dma_start3A_678] : memref<2x1000x48xf32, #tpu.memory_space<vmem>> -> memref<1x125x48xf32, #tpu.memory_space<vmem>>
    %dma_start3A_680 = tpu.memref_squeeze %dma_start3A_679 : memref<1x125x48xf32, #tpu.memory_space<vmem>> -> memref<125x48xf32, #tpu.memory_space<vmem>>
    %dma_start3A_681 = arith.constant 0 : i32
    %dma_start3A_682 = tpu.memref_slice %arg6[%dma_start3A_675, %dma_start3A_676, %dma_start3A_681] : memref<2x8x125xi32, #tpu.memory_space<vmem>> -> memref<1x1x125xi32, #tpu.memory_space<vmem>>
    %dma_start3A_683 = tpu.memref_squeeze %dma_start3A_682 : memref<1x1x125xi32, #tpu.memory_space<vmem>> -> memref<125xi32, #tpu.memory_space<vmem>>
    %dma_start3A_684 = arith.constant 0 : i32
    %dma_start3A_685 = arith.constant 0 : i32
    %dma_start3A_686 = tpu.memref_slice %arg7[%dma_start3A_684, %dma_start3A_685] : memref<8000x48xf32, #tpu.memory_space<vmem_shared>> -> memref<8000x48xf32, #tpu.memory_space<vmem_shared>>
    tpu.enqueue_indirect_dma source(%dma_start3A_680 : memref<125x48xf32, #tpu.memory_space<vmem>>) target(%dma_start3A_686 : memref<8000x48xf32, #tpu.memory_space<vmem_shared>>) offsets(%dma_start3A_683 : memref<125xi32, #tpu.memory_space<vmem>>) semaphore(%arg9 : memref<!tpu.dma_semaphore, #tpu.memory_space<semaphore_mem>>) {add = true}
    %dma_start3A_687 = arith.constant 0 : i32
    %dma_start3A_688 = arith.constant 0 : i32
    %dma_start3A_689 = arith.constant 5 : i32
    %dma_start3A_690 = arith.constant 625 : i32
    %dma_start3A_691 = arith.constant 0 : i32
    %dma_start3A_692 = tpu.memref_slice %arg5[%dma_start3A_687, %dma_start3A_690, %dma_start3A_691] : memref<2x1000x48xf32, #tpu.memory_space<vmem>> -> memref<1x125x48xf32, #tpu.memory_space<vmem>>
    %dma_start3A_693 = tpu.memref_squeeze %dma_start3A_692 : memref<1x125x48xf32, #tpu.memory_space<vmem>> -> memref<125x48xf32, #tpu.memory_space<vmem>>
    %dma_start3A_694 = arith.constant 0 : i32
    %dma_start3A_695 = tpu.memref_slice %arg6[%dma_start3A_688, %dma_start3A_689, %dma_start3A_694] : memref<2x8x125xi32, #tpu.memory_space<vmem>> -> memref<1x1x125xi32, #tpu.memory_space<vmem>>
    %dma_start3A_696 = tpu.memref_squeeze %dma_start3A_695 : memref<1x1x125xi32, #tpu.memory_space<vmem>> -> memref<125xi32, #tpu.memory_space<vmem>>
    %dma_start3A_697 = arith.constant 0 : i32
    %dma_start3A_698 = arith.constant 0 : i32
    %dma_start3A_699 = tpu.memref_slice %arg7[%dma_start3A_697, %dma_start3A_698] : memref<8000x48xf32, #tpu.memory_space<vmem_shared>> -> memref<8000x48xf32, #tpu.memory_space<vmem_shared>>
    tpu.enqueue_indirect_dma source(%dma_start3A_693 : memref<125x48xf32, #tpu.memory_space<vmem>>) target(%dma_start3A_699 : memref<8000x48xf32, #tpu.memory_space<vmem_shared>>) offsets(%dma_start3A_696 : memref<125xi32, #tpu.memory_space<vmem>>) semaphore(%arg9 : memref<!tpu.dma_semaphore, #tpu.memory_space<semaphore_mem>>) {add = true}
    %dma_start3A_700 = arith.constant 0 : i32
    %dma_start3A_701 = arith.constant 0 : i32
    %dma_start3A_702 = arith.constant 6 : i32
    %dma_start3A_703 = arith.constant 750 : i32
    %dma_start3A_704 = arith.constant 0 : i32
    %dma_start3A_705 = tpu.memref_slice %arg5[%dma_start3A_700, %dma_start3A_703, %dma_start3A_704] : memref<2x1000x48xf32, #tpu.memory_space<vmem>> -> memref<1x125x48xf32, #tpu.memory_space<vmem>>
    %dma_start3A_706 = tpu.memref_squeeze %dma_start3A_705 : memref<1x125x48xf32, #tpu.memory_space<vmem>> -> memref<125x48xf32, #tpu.memory_space<vmem>>
    %dma_start3A_707 = arith.constant 0 : i32
    %dma_start3A_708 = tpu.memref_slice %arg6[%dma_start3A_701, %dma_start3A_702, %dma_start3A_707] : memref<2x8x125xi32, #tpu.memory_space<vmem>> -> memref<1x1x125xi32, #tpu.memory_space<vmem>>
    %dma_start3A_709 = tpu.memref_squeeze %dma_start3A_708 : memref<1x1x125xi32, #tpu.memory_space<vmem>> -> memref<125xi32, #tpu.memory_space<vmem>>
    %dma_start3A_710 = arith.constant 0 : i32
    %dma_start3A_711 = arith.constant 0 : i32
    %dma_start3A_712 = tpu.memref_slice %arg7[%dma_start3A_710, %dma_start3A_711] : memref<8000x48xf32, #tpu.memory_space<vmem_shared>> -> memref<8000x48xf32, #tpu.memory_space<vmem_shared>>
    tpu.enqueue_indirect_dma source(%dma_start3A_706 : memref<125x48xf32, #tpu.memory_space<vmem>>) target(%dma_start3A_712 : memref<8000x48xf32, #tpu.memory_space<vmem_shared>>) offsets(%dma_start3A_709 : memref<125xi32, #tpu.memory_space<vmem>>) semaphore(%arg9 : memref<!tpu.dma_semaphore, #tpu.memory_space<semaphore_mem>>) {add = true}
    %dma_start3A_713 = arith.constant 0 : i32
    %dma_start3A_714 = arith.constant 0 : i32
    %dma_start3A_715 = arith.constant 7 : i32
    %dma_start3A_716 = arith.constant 875 : i32
    %dma_start3A_717 = arith.constant 0 : i32
    %dma_start3A_718 = tpu.memref_slice %arg5[%dma_start3A_713, %dma_start3A_716, %dma_start3A_717] : memref<2x1000x48xf32, #tpu.memory_space<vmem>> -> memref<1x125x48xf32, #tpu.memory_space<vmem>>
    %dma_start3A_719 = tpu.memref_squeeze %dma_start3A_718 : memref<1x125x48xf32, #tpu.memory_space<vmem>> -> memref<125x48xf32, #tpu.memory_space<vmem>>
    %dma_start3A_720 = arith.constant 0 : i32
    %dma_start3A_721 = tpu.memref_slice %arg6[%dma_start3A_714, %dma_start3A_715, %dma_start3A_720] : memref<2x8x125xi32, #tpu.memory_space<vmem>> -> memref<1x1x125xi32, #tpu.memory_space<vmem>>
    %dma_start3A_722 = tpu.memref_squeeze %dma_start3A_721 : memref<1x1x125xi32, #tpu.memory_space<vmem>> -> memref<125xi32, #tpu.memory_space<vmem>>
    %dma_start3A_723 = arith.constant 0 : i32
    %dma_start3A_724 = arith.constant 0 : i32
    %dma_start3A_725 = tpu.memref_slice %arg7[%dma_start3A_723, %dma_start3A_724] : memref<8000x48xf32, #tpu.memory_space<vmem_shared>> -> memref<8000x48xf32, #tpu.memory_space<vmem_shared>>
    tpu.enqueue_indirect_dma source(%dma_start3A_719 : memref<125x48xf32, #tpu.memory_space<vmem>>) target(%dma_start3A_725 : memref<8000x48xf32, #tpu.memory_space<vmem_shared>>) offsets(%dma_start3A_722 : memref<125xi32, #tpu.memory_space<vmem>>) semaphore(%arg9 : memref<!tpu.dma_semaphore, #tpu.memory_space<semaphore_mem>>) {add = true}
    %dma_wait3A_726 = arith.constant 0 : i32
    %dma_wait3A_727 = arith.constant 0 : i32
    %dma_wait3A_728 = arith.constant 0 : i32
    %dma_wait3A_729 = arith.constant 0 : i32
    %dma_wait3A_730 = arith.constant 0 : i32
    %dma_wait3A_731 = tpu.memref_slice %arg5[%dma_wait3A_726, %dma_wait3A_729, %dma_wait3A_730] : memref<2x1000x48xf32, #tpu.memory_space<vmem>> -> memref<1x125x48xf32, #tpu.memory_space<vmem>>
    %dma_wait3A_732 = tpu.memref_squeeze %dma_wait3A_731 : memref<1x125x48xf32, #tpu.memory_space<vmem>> -> memref<125x48xf32, #tpu.memory_space<vmem>>
    %dma_wait3A_733 = arith.constant 0 : i32
    %dma_wait3A_734 = tpu.memref_slice %arg6[%dma_wait3A_727, %dma_wait3A_728, %dma_wait3A_733] : memref<2x8x125xi32, #tpu.memory_space<vmem>> -> memref<1x1x125xi32, #tpu.memory_space<vmem>>
    %dma_wait3A_735 = tpu.memref_squeeze %dma_wait3A_734 : memref<1x1x125xi32, #tpu.memory_space<vmem>> -> memref<125xi32, #tpu.memory_space<vmem>>
    %dma_wait3A_736 = arith.constant 0 : i32
    %dma_wait3A_737 = arith.constant 0 : i32
    %dma_wait3A_738 = tpu.memref_slice %arg7[%dma_wait3A_736, %dma_wait3A_737] : memref<8000x48xf32, #tpu.memory_space<vmem_shared>> -> memref<8000x48xf32, #tpu.memory_space<vmem_shared>>
    tpu.wait_indirect_dma semaphore(%arg9 : memref<!tpu.dma_semaphore, #tpu.memory_space<semaphore_mem>>) src(%dma_wait3A_732 : memref<125x48xf32, #tpu.memory_space<vmem>>) dst(%dma_wait3A_738 : memref<8000x48xf32, #tpu.memory_space<vmem_shared>>)
    %dma_wait3A_739 = arith.constant 0 : i32
    %dma_wait3A_740 = arith.constant 0 : i32
    %dma_wait3A_741 = arith.constant 1 : i32
    %dma_wait3A_742 = arith.constant 125 : i32
    %dma_wait3A_743 = arith.constant 0 : i32
    %dma_wait3A_744 = tpu.memref_slice %arg5[%dma_wait3A_739, %dma_wait3A_742, %dma_wait3A_743] : memref<2x1000x48xf32, #tpu.memory_space<vmem>> -> memref<1x125x48xf32, #tpu.memory_space<vmem>>
    %dma_wait3A_745 = tpu.memref_squeeze %dma_wait3A_744 : memref<1x125x48xf32, #tpu.memory_space<vmem>> -> memref<125x48xf32, #tpu.memory_space<vmem>>
    %dma_wait3A_746 = arith.constant 0 : i32
    %dma_wait3A_747 = tpu.memref_slice %arg6[%dma_wait3A_740, %dma_wait3A_741, %dma_wait3A_746] : memref<2x8x125xi32, #tpu.memory_space<vmem>> -> memref<1x1x125xi32, #tpu.memory_space<vmem>>
    %dma_wait3A_748 = tpu.memref_squeeze %dma_wait3A_747 : memref<1x1x125xi32, #tpu.memory_space<vmem>> -> memref<125xi32, #tpu.memory_space<vmem>>
    %dma_wait3A_749 = arith.constant 0 : i32
    %dma_wait3A_750 = arith.constant 0 : i32
    %dma_wait3A_751 = tpu.memref_slice %arg7[%dma_wait3A_749, %dma_wait3A_750] : memref<8000x48xf32, #tpu.memory_space<vmem_shared>> -> memref<8000x48xf32, #tpu.memory_space<vmem_shared>>
    tpu.wait_indirect_dma semaphore(%arg9 : memref<!tpu.dma_semaphore, #tpu.memory_space<semaphore_mem>>) src(%dma_wait3A_745 : memref<125x48xf32, #tpu.memory_space<vmem>>) dst(%dma_wait3A_751 : memref<8000x48xf32, #tpu.memory_space<vmem_shared>>)
    %dma_wait3A_752 = arith.constant 0 : i32
    %dma_wait3A_753 = arith.constant 0 : i32
    %dma_wait3A_754 = arith.constant 2 : i32
    %dma_wait3A_755 = arith.constant 250 : i32
    %dma_wait3A_756 = arith.constant 0 : i32
    %dma_wait3A_757 = tpu.memref_slice %arg5[%dma_wait3A_752, %dma_wait3A_755, %dma_wait3A_756] : memref<2x1000x48xf32, #tpu.memory_space<vmem>> -> memref<1x125x48xf32, #tpu.memory_space<vmem>>
    %dma_wait3A_758 = tpu.memref_squeeze %dma_wait3A_757 : memref<1x125x48xf32, #tpu.memory_space<vmem>> -> memref<125x48xf32, #tpu.memory_space<vmem>>
    %dma_wait3A_759 = arith.constant 0 : i32
    %dma_wait3A_760 = tpu.memref_slice %arg6[%dma_wait3A_753, %dma_wait3A_754, %dma_wait3A_759] : memref<2x8x125xi32, #tpu.memory_space<vmem>> -> memref<1x1x125xi32, #tpu.memory_space<vmem>>
    %dma_wait3A_761 = tpu.memref_squeeze %dma_wait3A_760 : memref<1x1x125xi32, #tpu.memory_space<vmem>> -> memref<125xi32, #tpu.memory_space<vmem>>
    %dma_wait3A_762 = arith.constant 0 : i32
    %dma_wait3A_763 = arith.constant 0 : i32
    %dma_wait3A_764 = tpu.memref_slice %arg7[%dma_wait3A_762, %dma_wait3A_763] : memref<8000x48xf32, #tpu.memory_space<vmem_shared>> -> memref<8000x48xf32, #tpu.memory_space<vmem_shared>>
    tpu.wait_indirect_dma semaphore(%arg9 : memref<!tpu.dma_semaphore, #tpu.memory_space<semaphore_mem>>) src(%dma_wait3A_758 : memref<125x48xf32, #tpu.memory_space<vmem>>) dst(%dma_wait3A_764 : memref<8000x48xf32, #tpu.memory_space<vmem_shared>>)
    %dma_wait3A_765 = arith.constant 0 : i32
    %dma_wait3A_766 = arith.constant 0 : i32
    %dma_wait3A_767 = arith.constant 3 : i32
    %dma_wait3A_768 = arith.constant 375 : i32
    %dma_wait3A_769 = arith.constant 0 : i32
    %dma_wait3A_770 = tpu.memref_slice %arg5[%dma_wait3A_765, %dma_wait3A_768, %dma_wait3A_769] : memref<2x1000x48xf32, #tpu.memory_space<vmem>> -> memref<1x125x48xf32, #tpu.memory_space<vmem>>
    %dma_wait3A_771 = tpu.memref_squeeze %dma_wait3A_770 : memref<1x125x48xf32, #tpu.memory_space<vmem>> -> memref<125x48xf32, #tpu.memory_space<vmem>>
    %dma_wait3A_772 = arith.constant 0 : i32
    %dma_wait3A_773 = tpu.memref_slice %arg6[%dma_wait3A_766, %dma_wait3A_767, %dma_wait3A_772] : memref<2x8x125xi32, #tpu.memory_space<vmem>> -> memref<1x1x125xi32, #tpu.memory_space<vmem>>
    %dma_wait3A_774 = tpu.memref_squeeze %dma_wait3A_773 : memref<1x1x125xi32, #tpu.memory_space<vmem>> -> memref<125xi32, #tpu.memory_space<vmem>>
    %dma_wait3A_775 = arith.constant 0 : i32
    %dma_wait3A_776 = arith.constant 0 : i32
    %dma_wait3A_777 = tpu.memref_slice %arg7[%dma_wait3A_775, %dma_wait3A_776] : memref<8000x48xf32, #tpu.memory_space<vmem_shared>> -> memref<8000x48xf32, #tpu.memory_space<vmem_shared>>
    tpu.wait_indirect_dma semaphore(%arg9 : memref<!tpu.dma_semaphore, #tpu.memory_space<semaphore_mem>>) src(%dma_wait3A_771 : memref<125x48xf32, #tpu.memory_space<vmem>>) dst(%dma_wait3A_777 : memref<8000x48xf32, #tpu.memory_space<vmem_shared>>)
    %dma_wait3A_778 = arith.constant 0 : i32
    %dma_wait3A_779 = arith.constant 0 : i32
    %dma_wait3A_780 = arith.constant 4 : i32
    %dma_wait3A_781 = arith.constant 500 : i32
    %dma_wait3A_782 = arith.constant 0 : i32
    %dma_wait3A_783 = tpu.memref_slice %arg5[%dma_wait3A_778, %dma_wait3A_781, %dma_wait3A_782] : memref<2x1000x48xf32, #tpu.memory_space<vmem>> -> memref<1x125x48xf32, #tpu.memory_space<vmem>>
    %dma_wait3A_784 = tpu.memref_squeeze %dma_wait3A_783 : memref<1x125x48xf32, #tpu.memory_space<vmem>> -> memref<125x48xf32, #tpu.memory_space<vmem>>
    %dma_wait3A_785 = arith.constant 0 : i32
    %dma_wait3A_786 = tpu.memref_slice %arg6[%dma_wait3A_779, %dma_wait3A_780, %dma_wait3A_785] : memref<2x8x125xi32, #tpu.memory_space<vmem>> -> memref<1x1x125xi32, #tpu.memory_space<vmem>>
    %dma_wait3A_787 = tpu.memref_squeeze %dma_wait3A_786 : memref<1x1x125xi32, #tpu.memory_space<vmem>> -> memref<125xi32, #tpu.memory_space<vmem>>
    %dma_wait3A_788 = arith.constant 0 : i32
    %dma_wait3A_789 = arith.constant 0 : i32
    %dma_wait3A_790 = tpu.memref_slice %arg7[%dma_wait3A_788, %dma_wait3A_789] : memref<8000x48xf32, #tpu.memory_space<vmem_shared>> -> memref<8000x48xf32, #tpu.memory_space<vmem_shared>>
    tpu.wait_indirect_dma semaphore(%arg9 : memref<!tpu.dma_semaphore, #tpu.memory_space<semaphore_mem>>) src(%dma_wait3A_784 : memref<125x48xf32, #tpu.memory_space<vmem>>) dst(%dma_wait3A_790 : memref<8000x48xf32, #tpu.memory_space<vmem_shared>>)
    %dma_wait3A_791 = arith.constant 0 : i32
    %dma_wait3A_792 = arith.constant 0 : i32
    %dma_wait3A_793 = arith.constant 5 : i32
    %dma_wait3A_794 = arith.constant 625 : i32
    %dma_wait3A_795 = arith.constant 0 : i32
    %dma_wait3A_796 = tpu.memref_slice %arg5[%dma_wait3A_791, %dma_wait3A_794, %dma_wait3A_795] : memref<2x1000x48xf32, #tpu.memory_space<vmem>> -> memref<1x125x48xf32, #tpu.memory_space<vmem>>
    %dma_wait3A_797 = tpu.memref_squeeze %dma_wait3A_796 : memref<1x125x48xf32, #tpu.memory_space<vmem>> -> memref<125x48xf32, #tpu.memory_space<vmem>>
    %dma_wait3A_798 = arith.constant 0 : i32
    %dma_wait3A_799 = tpu.memref_slice %arg6[%dma_wait3A_792, %dma_wait3A_793, %dma_wait3A_798] : memref<2x8x125xi32, #tpu.memory_space<vmem>> -> memref<1x1x125xi32, #tpu.memory_space<vmem>>
    %dma_wait3A_800 = tpu.memref_squeeze %dma_wait3A_799 : memref<1x1x125xi32, #tpu.memory_space<vmem>> -> memref<125xi32, #tpu.memory_space<vmem>>
    %dma_wait3A_801 = arith.constant 0 : i32
    %dma_wait3A_802 = arith.constant 0 : i32
    %dma_wait3A_803 = tpu.memref_slice %arg7[%dma_wait3A_801, %dma_wait3A_802] : memref<8000x48xf32, #tpu.memory_space<vmem_shared>> -> memref<8000x48xf32, #tpu.memory_space<vmem_shared>>
    tpu.wait_indirect_dma semaphore(%arg9 : memref<!tpu.dma_semaphore, #tpu.memory_space<semaphore_mem>>) src(%dma_wait3A_797 : memref<125x48xf32, #tpu.memory_space<vmem>>) dst(%dma_wait3A_803 : memref<8000x48xf32, #tpu.memory_space<vmem_shared>>)
    %dma_wait3A_804 = arith.constant 0 : i32
    %dma_wait3A_805 = arith.constant 0 : i32
    %dma_wait3A_806 = arith.constant 6 : i32
    %dma_wait3A_807 = arith.constant 750 : i32
    %dma_wait3A_808 = arith.constant 0 : i32
    %dma_wait3A_809 = tpu.memref_slice %arg5[%dma_wait3A_804, %dma_wait3A_807, %dma_wait3A_808] : memref<2x1000x48xf32, #tpu.memory_space<vmem>> -> memref<1x125x48xf32, #tpu.memory_space<vmem>>
    %dma_wait3A_810 = tpu.memref_squeeze %dma_wait3A_809 : memref<1x125x48xf32, #tpu.memory_space<vmem>> -> memref<125x48xf32, #tpu.memory_space<vmem>>
    %dma_wait3A_811 = arith.constant 0 : i32
    %dma_wait3A_812 = tpu.memref_slice %arg6[%dma_wait3A_805, %dma_wait3A_806, %dma_wait3A_811] : memref<2x8x125xi32, #tpu.memory_space<vmem>> -> memref<1x1x125xi32, #tpu.memory_space<vmem>>
    %dma_wait3A_813 = tpu.memref_squeeze %dma_wait3A_812 : memref<1x1x125xi32, #tpu.memory_space<vmem>> -> memref<125xi32, #tpu.memory_space<vmem>>
    %dma_wait3A_814 = arith.constant 0 : i32
    %dma_wait3A_815 = arith.constant 0 : i32
    %dma_wait3A_816 = tpu.memref_slice %arg7[%dma_wait3A_814, %dma_wait3A_815] : memref<8000x48xf32, #tpu.memory_space<vmem_shared>> -> memref<8000x48xf32, #tpu.memory_space<vmem_shared>>
    tpu.wait_indirect_dma semaphore(%arg9 : memref<!tpu.dma_semaphore, #tpu.memory_space<semaphore_mem>>) src(%dma_wait3A_810 : memref<125x48xf32, #tpu.memory_space<vmem>>) dst(%dma_wait3A_816 : memref<8000x48xf32, #tpu.memory_space<vmem_shared>>)
    %dma_wait3A_817 = arith.constant 0 : i32
    %dma_wait3A_818 = arith.constant 0 : i32
    %dma_wait3A_819 = arith.constant 7 : i32
    %dma_wait3A_820 = arith.constant 875 : i32
    %dma_wait3A_821 = arith.constant 0 : i32
    %dma_wait3A_822 = tpu.memref_slice %arg5[%dma_wait3A_817, %dma_wait3A_820, %dma_wait3A_821] : memref<2x1000x48xf32, #tpu.memory_space<vmem>> -> memref<1x125x48xf32, #tpu.memory_space<vmem>>
    %dma_wait3A_823 = tpu.memref_squeeze %dma_wait3A_822 : memref<1x125x48xf32, #tpu.memory_space<vmem>> -> memref<125x48xf32, #tpu.memory_space<vmem>>
    %dma_wait3A_824 = arith.constant 0 : i32
    %dma_wait3A_825 = tpu.memref_slice %arg6[%dma_wait3A_818, %dma_wait3A_819, %dma_wait3A_824] : memref<2x8x125xi32, #tpu.memory_space<vmem>> -> memref<1x1x125xi32, #tpu.memory_space<vmem>>
    %dma_wait3A_826 = tpu.memref_squeeze %dma_wait3A_825 : memref<1x1x125xi32, #tpu.memory_space<vmem>> -> memref<125xi32, #tpu.memory_space<vmem>>
    %dma_wait3A_827 = arith.constant 0 : i32
    %dma_wait3A_828 = arith.constant 0 : i32
    %dma_wait3A_829 = tpu.memref_slice %arg7[%dma_wait3A_827, %dma_wait3A_828] : memref<8000x48xf32, #tpu.memory_space<vmem_shared>> -> memref<8000x48xf32, #tpu.memory_space<vmem_shared>>
    tpu.wait_indirect_dma semaphore(%arg9 : memref<!tpu.dma_semaphore, #tpu.memory_space<semaphore_mem>>) src(%dma_wait3A_823 : memref<125x48xf32, #tpu.memory_space<vmem>>) dst(%dma_wait3A_829 : memref<8000x48xf32, #tpu.memory_space<vmem_shared>>)
    %add3A_830 = arith.constant 4000 : i32
    %add3A_831 = arith.addi %mul3A_5, %add3A_830 : i32
    %dma_start3A_832 = arith.constant 0 : i32
    %dma_start3A_833 = arith.constant 0 : i32
    %dma_start3A_834 = arith.constant 0 : i32
    %dma_start3A_835 = tpu.memref_slice %arg5[%dma_start3A_832, %dma_start3A_833, %dma_start3A_834] : memref<2x1000x48xf32, #tpu.memory_space<vmem>> -> memref<1x1000x48xf32, #tpu.memory_space<vmem>>
    %dma_start3A_836 = tpu.memref_squeeze %dma_start3A_835 : memref<1x1000x48xf32, #tpu.memory_space<vmem>> -> memref<1000x48xf32, #tpu.memory_space<vmem>>
    %dma_start3A_837 = arith.constant 0 : i32
    %dma_start3A_838 = tpu.memref_slice %arg2[%add3A_831, %dma_start3A_837] : memref<160000x48xf32, #tpu.memory_space<hbm>> -> memref<1000x48xf32, #tpu.memory_space<hbm>>
    %dma_start3A_839 = arith.constant 0 : i32
    %dma_start3A_840 = arith.constant 0 : i32
    %dma_start3A_841 = tpu.memref_slice %arg5[%dma_start3A_832, %dma_start3A_839, %dma_start3A_840] : memref<2x1000x48xf32, #tpu.memory_space<vmem>> -> memref<1x1000x48xf32, #tpu.memory_space<vmem>>
    %dma_start3A_842 = tpu.memref_squeeze %dma_start3A_841 : memref<1x1000x48xf32, #tpu.memory_space<vmem>> -> memref<1000x48xf32, #tpu.memory_space<vmem>>
    %dma_start3A_843 = arith.constant 0 : i32
    %dma_start3A_844 = tpu.memref_slice %arg2[%add3A_831, %dma_start3A_843] : memref<160000x48xf32, #tpu.memory_space<hbm>> -> memref<1000x48xf32, #tpu.memory_space<hbm>>
    tpu.enqueue_dma source(%dma_start3A_844 : memref<1000x48xf32, #tpu.memory_space<hbm>>) target(%dma_start3A_842 : memref<1000x48xf32, #tpu.memory_space<vmem>>) target_semaphore(%arg8 : memref<!tpu.dma_semaphore, #tpu.memory_space<semaphore_mem>>)
    %add3A_845 = arith.constant 32 : i32
    %add3A_846 = arith.addi %add3A_9, %add3A_845 : i32
    %dma_start3A_847 = arith.constant 0 : i32
    %dma_start3A_848 = arith.constant 0 : i32
    %dma_start3A_849 = arith.constant 0 : i32
    %dma_start3A_850 = tpu.memref_slice %arg6[%dma_start3A_847, %dma_start3A_848, %dma_start3A_849] : memref<2x8x125xi32, #tpu.memory_space<vmem>> -> memref<1x8x125xi32, #tpu.memory_space<vmem>>
    %dma_start3A_851 = tpu.memref_squeeze %dma_start3A_850 : memref<1x8x125xi32, #tpu.memory_space<vmem>> -> memref<8x125xi32, #tpu.memory_space<vmem>>
    %dma_start3A_852 = arith.constant 0 : i32
    %dma_start3A_853 = tpu.memref_slice %arg3[%add3A_846, %dma_start3A_852] : memref<2560x125xi32, #tpu.memory_space<hbm>> -> memref<8x125xi32, #tpu.memory_space<hbm>>
    %dma_start3A_854 = arith.constant 0 : i32
    %dma_start3A_855 = arith.constant 0 : i32
    %dma_start3A_856 = tpu.memref_slice %arg6[%dma_start3A_847, %dma_start3A_854, %dma_start3A_855] : memref<2x8x125xi32, #tpu.memory_space<vmem>> -> memref<1x8x125xi32, #tpu.memory_space<vmem>>
    %dma_start3A_857 = tpu.memref_squeeze %dma_start3A_856 : memref<1x8x125xi32, #tpu.memory_space<vmem>> -> memref<8x125xi32, #tpu.memory_space<vmem>>
    %dma_start3A_858 = arith.constant 0 : i32
    %dma_start3A_859 = tpu.memref_slice %arg3[%add3A_846, %dma_start3A_858] : memref<2560x125xi32, #tpu.memory_space<hbm>> -> memref<8x125xi32, #tpu.memory_space<hbm>>
    tpu.enqueue_dma source(%dma_start3A_859 : memref<8x125xi32, #tpu.memory_space<hbm>>) target(%dma_start3A_857 : memref<8x125xi32, #tpu.memory_space<vmem>>) target_semaphore(%arg8 : memref<!tpu.dma_semaphore, #tpu.memory_space<semaphore_mem>>)
    %dma_wait3A_860 = arith.constant 1 : i32
    %dma_wait3A_861 = arith.constant 0 : i32
    %dma_wait3A_862 = arith.constant 0 : i32
    %dma_wait3A_863 = tpu.memref_slice %arg5[%dma_wait3A_860, %dma_wait3A_861, %dma_wait3A_862] : memref<2x1000x48xf32, #tpu.memory_space<vmem>> -> memref<1x1000x48xf32, #tpu.memory_space<vmem>>
    %dma_wait3A_864 = tpu.memref_squeeze %dma_wait3A_863 : memref<1x1000x48xf32, #tpu.memory_space<vmem>> -> memref<1000x48xf32, #tpu.memory_space<vmem>>
    %dma_wait3A_865 = arith.constant 0 : i32
    %dma_wait3A_866 = tpu.memref_slice %arg2[%add3A_567, %dma_wait3A_865] : memref<160000x48xf32, #tpu.memory_space<hbm>> -> memref<1000x48xf32, #tpu.memory_space<hbm>>
    %dma_wait3A_867 = arith.constant 0 : i32
    %dma_wait3A_868 = arith.constant 0 : i32
    %dma_wait3A_869 = tpu.memref_slice %arg5[%dma_wait3A_860, %dma_wait3A_867, %dma_wait3A_868] : memref<2x1000x48xf32, #tpu.memory_space<vmem>> -> memref<1x1000x48xf32, #tpu.memory_space<vmem>>
    %dma_wait3A_870 = tpu.memref_squeeze %dma_wait3A_869 : memref<1x1000x48xf32, #tpu.memory_space<vmem>> -> memref<1000x48xf32, #tpu.memory_space<vmem>>
    %dma_wait3A_871 = arith.constant 0 : i32
    %dma_wait3A_872 = tpu.memref_slice %arg2[%add3A_567, %dma_wait3A_871] : memref<160000x48xf32, #tpu.memory_space<hbm>> -> memref<1000x48xf32, #tpu.memory_space<hbm>>
    tpu.wait_dma2 semaphore(%arg8 : memref<!tpu.dma_semaphore, #tpu.memory_space<semaphore_mem>>) src(%dma_wait3A_872 : memref<1000x48xf32, #tpu.memory_space<hbm>>) dst(%dma_wait3A_870 : memref<1000x48xf32, #tpu.memory_space<vmem>>)
    %dma_wait3A_873 = arith.constant 1 : i32
    %dma_wait3A_874 = arith.constant 0 : i32
    %dma_wait3A_875 = arith.constant 0 : i32
    %dma_wait3A_876 = tpu.memref_slice %arg6[%dma_wait3A_873, %dma_wait3A_874, %dma_wait3A_875] : memref<2x8x125xi32, #tpu.memory_space<vmem>> -> memref<1x8x125xi32, #tpu.memory_space<vmem>>
    %dma_wait3A_877 = tpu.memref_squeeze %dma_wait3A_876 : memref<1x8x125xi32, #tpu.memory_space<vmem>> -> memref<8x125xi32, #tpu.memory_space<vmem>>
    %dma_wait3A_878 = arith.constant 0 : i32
    %dma_wait3A_879 = tpu.memref_slice %arg3[%add3A_582, %dma_wait3A_878] : memref<2560x125xi32, #tpu.memory_space<hbm>> -> memref<8x125xi32, #tpu.memory_space<hbm>>
    %dma_wait3A_880 = arith.constant 0 : i32
    %dma_wait3A_881 = arith.constant 0 : i32
    %dma_wait3A_882 = tpu.memref_slice %arg6[%dma_wait3A_873, %dma_wait3A_880, %dma_wait3A_881] : memref<2x8x125xi32, #tpu.memory_space<vmem>> -> memref<1x8x125xi32, #tpu.memory_space<vmem>>
    %dma_wait3A_883 = tpu.memref_squeeze %dma_wait3A_882 : memref<1x8x125xi32, #tpu.memory_space<vmem>> -> memref<8x125xi32, #tpu.memory_space<vmem>>
    %dma_wait3A_884 = arith.constant 0 : i32
    %dma_wait3A_885 = tpu.memref_slice %arg3[%add3A_582, %dma_wait3A_884] : memref<2560x125xi32, #tpu.memory_space<hbm>> -> memref<8x125xi32, #tpu.memory_space<hbm>>
    tpu.wait_dma2 semaphore(%arg8 : memref<!tpu.dma_semaphore, #tpu.memory_space<semaphore_mem>>) src(%dma_wait3A_885 : memref<8x125xi32, #tpu.memory_space<hbm>>) dst(%dma_wait3A_883 : memref<8x125xi32, #tpu.memory_space<vmem>>)
    %dma_start3A_886 = arith.constant 1 : i32
    %dma_start3A_887 = arith.constant 1 : i32
    %dma_start3A_888 = arith.constant 0 : i32
    %dma_start3A_889 = arith.constant 0 : i32
    %dma_start3A_890 = arith.constant 0 : i32
    %dma_start3A_891 = tpu.memref_slice %arg5[%dma_start3A_886, %dma_start3A_889, %dma_start3A_890] : memref<2x1000x48xf32, #tpu.memory_space<vmem>> -> memref<1x125x48xf32, #tpu.memory_space<vmem>>
    %dma_start3A_892 = tpu.memref_squeeze %dma_start3A_891 : memref<1x125x48xf32, #tpu.memory_space<vmem>> -> memref<125x48xf32, #tpu.memory_space<vmem>>
    %dma_start3A_893 = arith.constant 0 : i32
    %dma_start3A_894 = tpu.memref_slice %arg6[%dma_start3A_887, %dma_start3A_888, %dma_start3A_893] : memref<2x8x125xi32, #tpu.memory_space<vmem>> -> memref<1x1x125xi32, #tpu.memory_space<vmem>>
    %dma_start3A_895 = tpu.memref_squeeze %dma_start3A_894 : memref<1x1x125xi32, #tpu.memory_space<vmem>> -> memref<125xi32, #tpu.memory_space<vmem>>
    %dma_start3A_896 = arith.constant 0 : i32
    %dma_start3A_897 = arith.constant 0 : i32
    %dma_start3A_898 = tpu.memref_slice %arg7[%dma_start3A_896, %dma_start3A_897] : memref<8000x48xf32, #tpu.memory_space<vmem_shared>> -> memref<8000x48xf32, #tpu.memory_space<vmem_shared>>
    tpu.enqueue_indirect_dma source(%dma_start3A_892 : memref<125x48xf32, #tpu.memory_space<vmem>>) target(%dma_start3A_898 : memref<8000x48xf32, #tpu.memory_space<vmem_shared>>) offsets(%dma_start3A_895 : memref<125xi32, #tpu.memory_space<vmem>>) semaphore(%arg9 : memref<!tpu.dma_semaphore, #tpu.memory_space<semaphore_mem>>) {add = true}
    %dma_start3A_899 = arith.constant 1 : i32
    %dma_start3A_900 = arith.constant 1 : i32
    %dma_start3A_901 = arith.constant 1 : i32
    %dma_start3A_902 = arith.constant 125 : i32
    %dma_start3A_903 = arith.constant 0 : i32
    %dma_start3A_904 = tpu.memref_slice %arg5[%dma_start3A_899, %dma_start3A_902, %dma_start3A_903] : memref<2x1000x48xf32, #tpu.memory_space<vmem>> -> memref<1x125x48xf32, #tpu.memory_space<vmem>>
    %dma_start3A_905 = tpu.memref_squeeze %dma_start3A_904 : memref<1x125x48xf32, #tpu.memory_space<vmem>> -> memref<125x48xf32, #tpu.memory_space<vmem>>
    %dma_start3A_906 = arith.constant 0 : i32
    %dma_start3A_907 = tpu.memref_slice %arg6[%dma_start3A_900, %dma_start3A_901, %dma_start3A_906] : memref<2x8x125xi32, #tpu.memory_space<vmem>> -> memref<1x1x125xi32, #tpu.memory_space<vmem>>
    %dma_start3A_908 = tpu.memref_squeeze %dma_start3A_907 : memref<1x1x125xi32, #tpu.memory_space<vmem>> -> memref<125xi32, #tpu.memory_space<vmem>>
    %dma_start3A_909 = arith.constant 0 : i32
    %dma_start3A_910 = arith.constant 0 : i32
    %dma_start3A_911 = tpu.memref_slice %arg7[%dma_start3A_909, %dma_start3A_910] : memref<8000x48xf32, #tpu.memory_space<vmem_shared>> -> memref<8000x48xf32, #tpu.memory_space<vmem_shared>>
    tpu.enqueue_indirect_dma source(%dma_start3A_905 : memref<125x48xf32, #tpu.memory_space<vmem>>) target(%dma_start3A_911 : memref<8000x48xf32, #tpu.memory_space<vmem_shared>>) offsets(%dma_start3A_908 : memref<125xi32, #tpu.memory_space<vmem>>) semaphore(%arg9 : memref<!tpu.dma_semaphore, #tpu.memory_space<semaphore_mem>>) {add = true}
    %dma_start3A_912 = arith.constant 1 : i32
    %dma_start3A_913 = arith.constant 1 : i32
    %dma_start3A_914 = arith.constant 2 : i32
    %dma_start3A_915 = arith.constant 250 : i32
    %dma_start3A_916 = arith.constant 0 : i32
    %dma_start3A_917 = tpu.memref_slice %arg5[%dma_start3A_912, %dma_start3A_915, %dma_start3A_916] : memref<2x1000x48xf32, #tpu.memory_space<vmem>> -> memref<1x125x48xf32, #tpu.memory_space<vmem>>
    %dma_start3A_918 = tpu.memref_squeeze %dma_start3A_917 : memref<1x125x48xf32, #tpu.memory_space<vmem>> -> memref<125x48xf32, #tpu.memory_space<vmem>>
    %dma_start3A_919 = arith.constant 0 : i32
    %dma_start3A_920 = tpu.memref_slice %arg6[%dma_start3A_913, %dma_start3A_914, %dma_start3A_919] : memref<2x8x125xi32, #tpu.memory_space<vmem>> -> memref<1x1x125xi32, #tpu.memory_space<vmem>>
    %dma_start3A_921 = tpu.memref_squeeze %dma_start3A_920 : memref<1x1x125xi32, #tpu.memory_space<vmem>> -> memref<125xi32, #tpu.memory_space<vmem>>
    %dma_start3A_922 = arith.constant 0 : i32
    %dma_start3A_923 = arith.constant 0 : i32
    %dma_start3A_924 = tpu.memref_slice %arg7[%dma_start3A_922, %dma_start3A_923] : memref<8000x48xf32, #tpu.memory_space<vmem_shared>> -> memref<8000x48xf32, #tpu.memory_space<vmem_shared>>
    tpu.enqueue_indirect_dma source(%dma_start3A_918 : memref<125x48xf32, #tpu.memory_space<vmem>>) target(%dma_start3A_924 : memref<8000x48xf32, #tpu.memory_space<vmem_shared>>) offsets(%dma_start3A_921 : memref<125xi32, #tpu.memory_space<vmem>>) semaphore(%arg9 : memref<!tpu.dma_semaphore, #tpu.memory_space<semaphore_mem>>) {add = true}
    %dma_start3A_925 = arith.constant 1 : i32
    %dma_start3A_926 = arith.constant 1 : i32
    %dma_start3A_927 = arith.constant 3 : i32
    %dma_start3A_928 = arith.constant 375 : i32
    %dma_start3A_929 = arith.constant 0 : i32
    %dma_start3A_930 = tpu.memref_slice %arg5[%dma_start3A_925, %dma_start3A_928, %dma_start3A_929] : memref<2x1000x48xf32, #tpu.memory_space<vmem>> -> memref<1x125x48xf32, #tpu.memory_space<vmem>>
    %dma_start3A_931 = tpu.memref_squeeze %dma_start3A_930 : memref<1x125x48xf32, #tpu.memory_space<vmem>> -> memref<125x48xf32, #tpu.memory_space<vmem>>
    %dma_start3A_932 = arith.constant 0 : i32
    %dma_start3A_933 = tpu.memref_slice %arg6[%dma_start3A_926, %dma_start3A_927, %dma_start3A_932] : memref<2x8x125xi32, #tpu.memory_space<vmem>> -> memref<1x1x125xi32, #tpu.memory_space<vmem>>
    %dma_start3A_934 = tpu.memref_squeeze %dma_start3A_933 : memref<1x1x125xi32, #tpu.memory_space<vmem>> -> memref<125xi32, #tpu.memory_space<vmem>>
    %dma_start3A_935 = arith.constant 0 : i32
    %dma_start3A_936 = arith.constant 0 : i32
    %dma_start3A_937 = tpu.memref_slice %arg7[%dma_start3A_935, %dma_start3A_936] : memref<8000x48xf32, #tpu.memory_space<vmem_shared>> -> memref<8000x48xf32, #tpu.memory_space<vmem_shared>>
    tpu.enqueue_indirect_dma source(%dma_start3A_931 : memref<125x48xf32, #tpu.memory_space<vmem>>) target(%dma_start3A_937 : memref<8000x48xf32, #tpu.memory_space<vmem_shared>>) offsets(%dma_start3A_934 : memref<125xi32, #tpu.memory_space<vmem>>) semaphore(%arg9 : memref<!tpu.dma_semaphore, #tpu.memory_space<semaphore_mem>>) {add = true}
    %dma_start3A_938 = arith.constant 1 : i32
    %dma_start3A_939 = arith.constant 1 : i32
    %dma_start3A_940 = arith.constant 4 : i32
    %dma_start3A_941 = arith.constant 500 : i32
    %dma_start3A_942 = arith.constant 0 : i32
    %dma_start3A_943 = tpu.memref_slice %arg5[%dma_start3A_938, %dma_start3A_941, %dma_start3A_942] : memref<2x1000x48xf32, #tpu.memory_space<vmem>> -> memref<1x125x48xf32, #tpu.memory_space<vmem>>
    %dma_start3A_944 = tpu.memref_squeeze %dma_start3A_943 : memref<1x125x48xf32, #tpu.memory_space<vmem>> -> memref<125x48xf32, #tpu.memory_space<vmem>>
    %dma_start3A_945 = arith.constant 0 : i32
    %dma_start3A_946 = tpu.memref_slice %arg6[%dma_start3A_939, %dma_start3A_940, %dma_start3A_945] : memref<2x8x125xi32, #tpu.memory_space<vmem>> -> memref<1x1x125xi32, #tpu.memory_space<vmem>>
    %dma_start3A_947 = tpu.memref_squeeze %dma_start3A_946 : memref<1x1x125xi32, #tpu.memory_space<vmem>> -> memref<125xi32, #tpu.memory_space<vmem>>
    %dma_start3A_948 = arith.constant 0 : i32
    %dma_start3A_949 = arith.constant 0 : i32
    %dma_start3A_950 = tpu.memref_slice %arg7[%dma_start3A_948, %dma_start3A_949] : memref<8000x48xf32, #tpu.memory_space<vmem_shared>> -> memref<8000x48xf32, #tpu.memory_space<vmem_shared>>
    tpu.enqueue_indirect_dma source(%dma_start3A_944 : memref<125x48xf32, #tpu.memory_space<vmem>>) target(%dma_start3A_950 : memref<8000x48xf32, #tpu.memory_space<vmem_shared>>) offsets(%dma_start3A_947 : memref<125xi32, #tpu.memory_space<vmem>>) semaphore(%arg9 : memref<!tpu.dma_semaphore, #tpu.memory_space<semaphore_mem>>) {add = true}
    %dma_start3A_951 = arith.constant 1 : i32
    %dma_start3A_952 = arith.constant 1 : i32
    %dma_start3A_953 = arith.constant 5 : i32
    %dma_start3A_954 = arith.constant 625 : i32
    %dma_start3A_955 = arith.constant 0 : i32
    %dma_start3A_956 = tpu.memref_slice %arg5[%dma_start3A_951, %dma_start3A_954, %dma_start3A_955] : memref<2x1000x48xf32, #tpu.memory_space<vmem>> -> memref<1x125x48xf32, #tpu.memory_space<vmem>>
    %dma_start3A_957 = tpu.memref_squeeze %dma_start3A_956 : memref<1x125x48xf32, #tpu.memory_space<vmem>> -> memref<125x48xf32, #tpu.memory_space<vmem>>
    %dma_start3A_958 = arith.constant 0 : i32
    %dma_start3A_959 = tpu.memref_slice %arg6[%dma_start3A_952, %dma_start3A_953, %dma_start3A_958] : memref<2x8x125xi32, #tpu.memory_space<vmem>> -> memref<1x1x125xi32, #tpu.memory_space<vmem>>
    %dma_start3A_960 = tpu.memref_squeeze %dma_start3A_959 : memref<1x1x125xi32, #tpu.memory_space<vmem>> -> memref<125xi32, #tpu.memory_space<vmem>>
    %dma_start3A_961 = arith.constant 0 : i32
    %dma_start3A_962 = arith.constant 0 : i32
    %dma_start3A_963 = tpu.memref_slice %arg7[%dma_start3A_961, %dma_start3A_962] : memref<8000x48xf32, #tpu.memory_space<vmem_shared>> -> memref<8000x48xf32, #tpu.memory_space<vmem_shared>>
    tpu.enqueue_indirect_dma source(%dma_start3A_957 : memref<125x48xf32, #tpu.memory_space<vmem>>) target(%dma_start3A_963 : memref<8000x48xf32, #tpu.memory_space<vmem_shared>>) offsets(%dma_start3A_960 : memref<125xi32, #tpu.memory_space<vmem>>) semaphore(%arg9 : memref<!tpu.dma_semaphore, #tpu.memory_space<semaphore_mem>>) {add = true}
    %dma_start3A_964 = arith.constant 1 : i32
    %dma_start3A_965 = arith.constant 1 : i32
    %dma_start3A_966 = arith.constant 6 : i32
    %dma_start3A_967 = arith.constant 750 : i32
    %dma_start3A_968 = arith.constant 0 : i32
    %dma_start3A_969 = tpu.memref_slice %arg5[%dma_start3A_964, %dma_start3A_967, %dma_start3A_968] : memref<2x1000x48xf32, #tpu.memory_space<vmem>> -> memref<1x125x48xf32, #tpu.memory_space<vmem>>
    %dma_start3A_970 = tpu.memref_squeeze %dma_start3A_969 : memref<1x125x48xf32, #tpu.memory_space<vmem>> -> memref<125x48xf32, #tpu.memory_space<vmem>>
    %dma_start3A_971 = arith.constant 0 : i32
    %dma_start3A_972 = tpu.memref_slice %arg6[%dma_start3A_965, %dma_start3A_966, %dma_start3A_971] : memref<2x8x125xi32, #tpu.memory_space<vmem>> -> memref<1x1x125xi32, #tpu.memory_space<vmem>>
    %dma_start3A_973 = tpu.memref_squeeze %dma_start3A_972 : memref<1x1x125xi32, #tpu.memory_space<vmem>> -> memref<125xi32, #tpu.memory_space<vmem>>
    %dma_start3A_974 = arith.constant 0 : i32
    %dma_start3A_975 = arith.constant 0 : i32
    %dma_start3A_976 = tpu.memref_slice %arg7[%dma_start3A_974, %dma_start3A_975] : memref<8000x48xf32, #tpu.memory_space<vmem_shared>> -> memref<8000x48xf32, #tpu.memory_space<vmem_shared>>
    tpu.enqueue_indirect_dma source(%dma_start3A_970 : memref<125x48xf32, #tpu.memory_space<vmem>>) target(%dma_start3A_976 : memref<8000x48xf32, #tpu.memory_space<vmem_shared>>) offsets(%dma_start3A_973 : memref<125xi32, #tpu.memory_space<vmem>>) semaphore(%arg9 : memref<!tpu.dma_semaphore, #tpu.memory_space<semaphore_mem>>) {add = true}
    %dma_start3A_977 = arith.constant 1 : i32
    %dma_start3A_978 = arith.constant 1 : i32
    %dma_start3A_979 = arith.constant 7 : i32
    %dma_start3A_980 = arith.constant 875 : i32
    %dma_start3A_981 = arith.constant 0 : i32
    %dma_start3A_982 = tpu.memref_slice %arg5[%dma_start3A_977, %dma_start3A_980, %dma_start3A_981] : memref<2x1000x48xf32, #tpu.memory_space<vmem>> -> memref<1x125x48xf32, #tpu.memory_space<vmem>>
    %dma_start3A_983 = tpu.memref_squeeze %dma_start3A_982 : memref<1x125x48xf32, #tpu.memory_space<vmem>> -> memref<125x48xf32, #tpu.memory_space<vmem>>
    %dma_start3A_984 = arith.constant 0 : i32
    %dma_start3A_985 = tpu.memref_slice %arg6[%dma_start3A_978, %dma_start3A_979, %dma_start3A_984] : memref<2x8x125xi32, #tpu.memory_space<vmem>> -> memref<1x1x125xi32, #tpu.memory_space<vmem>>
    %dma_start3A_986 = tpu.memref_squeeze %dma_start3A_985 : memref<1x1x125xi32, #tpu.memory_space<vmem>> -> memref<125xi32, #tpu.memory_space<vmem>>
    %dma_start3A_987 = arith.constant 0 : i32
    %dma_start3A_988 = arith.constant 0 : i32
    %dma_start3A_989 = tpu.memref_slice %arg7[%dma_start3A_987, %dma_start3A_988] : memref<8000x48xf32, #tpu.memory_space<vmem_shared>> -> memref<8000x48xf32, #tpu.memory_space<vmem_shared>>
    tpu.enqueue_indirect_dma source(%dma_start3A_983 : memref<125x48xf32, #tpu.memory_space<vmem>>) target(%dma_start3A_989 : memref<8000x48xf32, #tpu.memory_space<vmem_shared>>) offsets(%dma_start3A_986 : memref<125xi32, #tpu.memory_space<vmem>>) semaphore(%arg9 : memref<!tpu.dma_semaphore, #tpu.memory_space<semaphore_mem>>) {add = true}
    %dma_wait3A_990 = arith.constant 1 : i32
    %dma_wait3A_991 = arith.constant 1 : i32
    %dma_wait3A_992 = arith.constant 0 : i32
    %dma_wait3A_993 = arith.constant 0 : i32
    %dma_wait3A_994 = arith.constant 0 : i32
    %dma_wait3A_995 = tpu.memref_slice %arg5[%dma_wait3A_990, %dma_wait3A_993, %dma_wait3A_994] : memref<2x1000x48xf32, #tpu.memory_space<vmem>> -> memref<1x125x48xf32, #tpu.memory_space<vmem>>
    %dma_wait3A_996 = tpu.memref_squeeze %dma_wait3A_995 : memref<1x125x48xf32, #tpu.memory_space<vmem>> -> memref<125x48xf32, #tpu.memory_space<vmem>>
    %dma_wait3A_997 = arith.constant 0 : i32
    %dma_wait3A_998 = tpu.memref_slice %arg6[%dma_wait3A_991, %dma_wait3A_992, %dma_wait3A_997] : memref<2x8x125xi32, #tpu.memory_space<vmem>> -> memref<1x1x125xi32, #tpu.memory_space<vmem>>
    %dma_wait3A_999 = tpu.memref_squeeze %dma_wait3A_998 : memref<1x1x125xi32, #tpu.memory_space<vmem>> -> memref<125xi32, #tpu.memory_space<vmem>>
    %dma_wait3A_1000 = arith.constant 0 : i32
    %dma_wait3A_1001 = arith.constant 0 : i32
    %dma_wait3A_1002 = tpu.memref_slice %arg7[%dma_wait3A_1000, %dma_wait3A_1001] : memref<8000x48xf32, #tpu.memory_space<vmem_shared>> -> memref<8000x48xf32, #tpu.memory_space<vmem_shared>>
    tpu.wait_indirect_dma semaphore(%arg9 : memref<!tpu.dma_semaphore, #tpu.memory_space<semaphore_mem>>) src(%dma_wait3A_996 : memref<125x48xf32, #tpu.memory_space<vmem>>) dst(%dma_wait3A_1002 : memref<8000x48xf32, #tpu.memory_space<vmem_shared>>)
    %dma_wait3A_1003 = arith.constant 1 : i32
    %dma_wait3A_1004 = arith.constant 1 : i32
    %dma_wait3A_1005 = arith.constant 1 : i32
    %dma_wait3A_1006 = arith.constant 125 : i32
    %dma_wait3A_1007 = arith.constant 0 : i32
    %dma_wait3A_1008 = tpu.memref_slice %arg5[%dma_wait3A_1003, %dma_wait3A_1006, %dma_wait3A_1007] : memref<2x1000x48xf32, #tpu.memory_space<vmem>> -> memref<1x125x48xf32, #tpu.memory_space<vmem>>
    %dma_wait3A_1009 = tpu.memref_squeeze %dma_wait3A_1008 : memref<1x125x48xf32, #tpu.memory_space<vmem>> -> memref<125x48xf32, #tpu.memory_space<vmem>>
    %dma_wait3A_1010 = arith.constant 0 : i32
    %dma_wait3A_1011 = tpu.memref_slice %arg6[%dma_wait3A_1004, %dma_wait3A_1005, %dma_wait3A_1010] : memref<2x8x125xi32, #tpu.memory_space<vmem>> -> memref<1x1x125xi32, #tpu.memory_space<vmem>>
    %dma_wait3A_1012 = tpu.memref_squeeze %dma_wait3A_1011 : memref<1x1x125xi32, #tpu.memory_space<vmem>> -> memref<125xi32, #tpu.memory_space<vmem>>
    %dma_wait3A_1013 = arith.constant 0 : i32
    %dma_wait3A_1014 = arith.constant 0 : i32
    %dma_wait3A_1015 = tpu.memref_slice %arg7[%dma_wait3A_1013, %dma_wait3A_1014] : memref<8000x48xf32, #tpu.memory_space<vmem_shared>> -> memref<8000x48xf32, #tpu.memory_space<vmem_shared>>
    tpu.wait_indirect_dma semaphore(%arg9 : memref<!tpu.dma_semaphore, #tpu.memory_space<semaphore_mem>>) src(%dma_wait3A_1009 : memref<125x48xf32, #tpu.memory_space<vmem>>) dst(%dma_wait3A_1015 : memref<8000x48xf32, #tpu.memory_space<vmem_shared>>)
    %dma_wait3A_1016 = arith.constant 1 : i32
    %dma_wait3A_1017 = arith.constant 1 : i32
    %dma_wait3A_1018 = arith.constant 2 : i32
    %dma_wait3A_1019 = arith.constant 250 : i32
    %dma_wait3A_1020 = arith.constant 0 : i32
    %dma_wait3A_1021 = tpu.memref_slice %arg5[%dma_wait3A_1016, %dma_wait3A_1019, %dma_wait3A_1020] : memref<2x1000x48xf32, #tpu.memory_space<vmem>> -> memref<1x125x48xf32, #tpu.memory_space<vmem>>
    %dma_wait3A_1022 = tpu.memref_squeeze %dma_wait3A_1021 : memref<1x125x48xf32, #tpu.memory_space<vmem>> -> memref<125x48xf32, #tpu.memory_space<vmem>>
    %dma_wait3A_1023 = arith.constant 0 : i32
    %dma_wait3A_1024 = tpu.memref_slice %arg6[%dma_wait3A_1017, %dma_wait3A_1018, %dma_wait3A_1023] : memref<2x8x125xi32, #tpu.memory_space<vmem>> -> memref<1x1x125xi32, #tpu.memory_space<vmem>>
    %dma_wait3A_1025 = tpu.memref_squeeze %dma_wait3A_1024 : memref<1x1x125xi32, #tpu.memory_space<vmem>> -> memref<125xi32, #tpu.memory_space<vmem>>
    %dma_wait3A_1026 = arith.constant 0 : i32
    %dma_wait3A_1027 = arith.constant 0 : i32
    %dma_wait3A_1028 = tpu.memref_slice %arg7[%dma_wait3A_1026, %dma_wait3A_1027] : memref<8000x48xf32, #tpu.memory_space<vmem_shared>> -> memref<8000x48xf32, #tpu.memory_space<vmem_shared>>
    tpu.wait_indirect_dma semaphore(%arg9 : memref<!tpu.dma_semaphore, #tpu.memory_space<semaphore_mem>>) src(%dma_wait3A_1022 : memref<125x48xf32, #tpu.memory_space<vmem>>) dst(%dma_wait3A_1028 : memref<8000x48xf32, #tpu.memory_space<vmem_shared>>)
    %dma_wait3A_1029 = arith.constant 1 : i32
    %dma_wait3A_1030 = arith.constant 1 : i32
    %dma_wait3A_1031 = arith.constant 3 : i32
    %dma_wait3A_1032 = arith.constant 375 : i32
    %dma_wait3A_1033 = arith.constant 0 : i32
    %dma_wait3A_1034 = tpu.memref_slice %arg5[%dma_wait3A_1029, %dma_wait3A_1032, %dma_wait3A_1033] : memref<2x1000x48xf32, #tpu.memory_space<vmem>> -> memref<1x125x48xf32, #tpu.memory_space<vmem>>
    %dma_wait3A_1035 = tpu.memref_squeeze %dma_wait3A_1034 : memref<1x125x48xf32, #tpu.memory_space<vmem>> -> memref<125x48xf32, #tpu.memory_space<vmem>>
    %dma_wait3A_1036 = arith.constant 0 : i32
    %dma_wait3A_1037 = tpu.memref_slice %arg6[%dma_wait3A_1030, %dma_wait3A_1031, %dma_wait3A_1036] : memref<2x8x125xi32, #tpu.memory_space<vmem>> -> memref<1x1x125xi32, #tpu.memory_space<vmem>>
    %dma_wait3A_1038 = tpu.memref_squeeze %dma_wait3A_1037 : memref<1x1x125xi32, #tpu.memory_space<vmem>> -> memref<125xi32, #tpu.memory_space<vmem>>
    %dma_wait3A_1039 = arith.constant 0 : i32
    %dma_wait3A_1040 = arith.constant 0 : i32
    %dma_wait3A_1041 = tpu.memref_slice %arg7[%dma_wait3A_1039, %dma_wait3A_1040] : memref<8000x48xf32, #tpu.memory_space<vmem_shared>> -> memref<8000x48xf32, #tpu.memory_space<vmem_shared>>
    tpu.wait_indirect_dma semaphore(%arg9 : memref<!tpu.dma_semaphore, #tpu.memory_space<semaphore_mem>>) src(%dma_wait3A_1035 : memref<125x48xf32, #tpu.memory_space<vmem>>) dst(%dma_wait3A_1041 : memref<8000x48xf32, #tpu.memory_space<vmem_shared>>)
    %dma_wait3A_1042 = arith.constant 1 : i32
    %dma_wait3A_1043 = arith.constant 1 : i32
    %dma_wait3A_1044 = arith.constant 4 : i32
    %dma_wait3A_1045 = arith.constant 500 : i32
    %dma_wait3A_1046 = arith.constant 0 : i32
    %dma_wait3A_1047 = tpu.memref_slice %arg5[%dma_wait3A_1042, %dma_wait3A_1045, %dma_wait3A_1046] : memref<2x1000x48xf32, #tpu.memory_space<vmem>> -> memref<1x125x48xf32, #tpu.memory_space<vmem>>
    %dma_wait3A_1048 = tpu.memref_squeeze %dma_wait3A_1047 : memref<1x125x48xf32, #tpu.memory_space<vmem>> -> memref<125x48xf32, #tpu.memory_space<vmem>>
    %dma_wait3A_1049 = arith.constant 0 : i32
    %dma_wait3A_1050 = tpu.memref_slice %arg6[%dma_wait3A_1043, %dma_wait3A_1044, %dma_wait3A_1049] : memref<2x8x125xi32, #tpu.memory_space<vmem>> -> memref<1x1x125xi32, #tpu.memory_space<vmem>>
    %dma_wait3A_1051 = tpu.memref_squeeze %dma_wait3A_1050 : memref<1x1x125xi32, #tpu.memory_space<vmem>> -> memref<125xi32, #tpu.memory_space<vmem>>
    %dma_wait3A_1052 = arith.constant 0 : i32
    %dma_wait3A_1053 = arith.constant 0 : i32
    %dma_wait3A_1054 = tpu.memref_slice %arg7[%dma_wait3A_1052, %dma_wait3A_1053] : memref<8000x48xf32, #tpu.memory_space<vmem_shared>> -> memref<8000x48xf32, #tpu.memory_space<vmem_shared>>
    tpu.wait_indirect_dma semaphore(%arg9 : memref<!tpu.dma_semaphore, #tpu.memory_space<semaphore_mem>>) src(%dma_wait3A_1048 : memref<125x48xf32, #tpu.memory_space<vmem>>) dst(%dma_wait3A_1054 : memref<8000x48xf32, #tpu.memory_space<vmem_shared>>)
    %dma_wait3A_1055 = arith.constant 1 : i32
    %dma_wait3A_1056 = arith.constant 1 : i32
    %dma_wait3A_1057 = arith.constant 5 : i32
    %dma_wait3A_1058 = arith.constant 625 : i32
    %dma_wait3A_1059 = arith.constant 0 : i32
    %dma_wait3A_1060 = tpu.memref_slice %arg5[%dma_wait3A_1055, %dma_wait3A_1058, %dma_wait3A_1059] : memref<2x1000x48xf32, #tpu.memory_space<vmem>> -> memref<1x125x48xf32, #tpu.memory_space<vmem>>
    %dma_wait3A_1061 = tpu.memref_squeeze %dma_wait3A_1060 : memref<1x125x48xf32, #tpu.memory_space<vmem>> -> memref<125x48xf32, #tpu.memory_space<vmem>>
    %dma_wait3A_1062 = arith.constant 0 : i32
    %dma_wait3A_1063 = tpu.memref_slice %arg6[%dma_wait3A_1056, %dma_wait3A_1057, %dma_wait3A_1062] : memref<2x8x125xi32, #tpu.memory_space<vmem>> -> memref<1x1x125xi32, #tpu.memory_space<vmem>>
    %dma_wait3A_1064 = tpu.memref_squeeze %dma_wait3A_1063 : memref<1x1x125xi32, #tpu.memory_space<vmem>> -> memref<125xi32, #tpu.memory_space<vmem>>
    %dma_wait3A_1065 = arith.constant 0 : i32
    %dma_wait3A_1066 = arith.constant 0 : i32
    %dma_wait3A_1067 = tpu.memref_slice %arg7[%dma_wait3A_1065, %dma_wait3A_1066] : memref<8000x48xf32, #tpu.memory_space<vmem_shared>> -> memref<8000x48xf32, #tpu.memory_space<vmem_shared>>
    tpu.wait_indirect_dma semaphore(%arg9 : memref<!tpu.dma_semaphore, #tpu.memory_space<semaphore_mem>>) src(%dma_wait3A_1061 : memref<125x48xf32, #tpu.memory_space<vmem>>) dst(%dma_wait3A_1067 : memref<8000x48xf32, #tpu.memory_space<vmem_shared>>)
    %dma_wait3A_1068 = arith.constant 1 : i32
    %dma_wait3A_1069 = arith.constant 1 : i32
    %dma_wait3A_1070 = arith.constant 6 : i32
    %dma_wait3A_1071 = arith.constant 750 : i32
    %dma_wait3A_1072 = arith.constant 0 : i32
    %dma_wait3A_1073 = tpu.memref_slice %arg5[%dma_wait3A_1068, %dma_wait3A_1071, %dma_wait3A_1072] : memref<2x1000x48xf32, #tpu.memory_space<vmem>> -> memref<1x125x48xf32, #tpu.memory_space<vmem>>
    %dma_wait3A_1074 = tpu.memref_squeeze %dma_wait3A_1073 : memref<1x125x48xf32, #tpu.memory_space<vmem>> -> memref<125x48xf32, #tpu.memory_space<vmem>>
    %dma_wait3A_1075 = arith.constant 0 : i32
    %dma_wait3A_1076 = tpu.memref_slice %arg6[%dma_wait3A_1069, %dma_wait3A_1070, %dma_wait3A_1075] : memref<2x8x125xi32, #tpu.memory_space<vmem>> -> memref<1x1x125xi32, #tpu.memory_space<vmem>>
    %dma_wait3A_1077 = tpu.memref_squeeze %dma_wait3A_1076 : memref<1x1x125xi32, #tpu.memory_space<vmem>> -> memref<125xi32, #tpu.memory_space<vmem>>
    %dma_wait3A_1078 = arith.constant 0 : i32
    %dma_wait3A_1079 = arith.constant 0 : i32
    %dma_wait3A_1080 = tpu.memref_slice %arg7[%dma_wait3A_1078, %dma_wait3A_1079] : memref<8000x48xf32, #tpu.memory_space<vmem_shared>> -> memref<8000x48xf32, #tpu.memory_space<vmem_shared>>
    tpu.wait_indirect_dma semaphore(%arg9 : memref<!tpu.dma_semaphore, #tpu.memory_space<semaphore_mem>>) src(%dma_wait3A_1074 : memref<125x48xf32, #tpu.memory_space<vmem>>) dst(%dma_wait3A_1080 : memref<8000x48xf32, #tpu.memory_space<vmem_shared>>)
    %dma_wait3A_1081 = arith.constant 1 : i32
    %dma_wait3A_1082 = arith.constant 1 : i32
    %dma_wait3A_1083 = arith.constant 7 : i32
    %dma_wait3A_1084 = arith.constant 875 : i32
    %dma_wait3A_1085 = arith.constant 0 : i32
    %dma_wait3A_1086 = tpu.memref_slice %arg5[%dma_wait3A_1081, %dma_wait3A_1084, %dma_wait3A_1085] : memref<2x1000x48xf32, #tpu.memory_space<vmem>> -> memref<1x125x48xf32, #tpu.memory_space<vmem>>
    %dma_wait3A_1087 = tpu.memref_squeeze %dma_wait3A_1086 : memref<1x125x48xf32, #tpu.memory_space<vmem>> -> memref<125x48xf32, #tpu.memory_space<vmem>>
    %dma_wait3A_1088 = arith.constant 0 : i32
    %dma_wait3A_1089 = tpu.memref_slice %arg6[%dma_wait3A_1082, %dma_wait3A_1083, %dma_wait3A_1088] : memref<2x8x125xi32, #tpu.memory_space<vmem>> -> memref<1x1x125xi32, #tpu.memory_space<vmem>>
    %dma_wait3A_1090 = tpu.memref_squeeze %dma_wait3A_1089 : memref<1x1x125xi32, #tpu.memory_space<vmem>> -> memref<125xi32, #tpu.memory_space<vmem>>
    %dma_wait3A_1091 = arith.constant 0 : i32
    %dma_wait3A_1092 = arith.constant 0 : i32
    %dma_wait3A_1093 = tpu.memref_slice %arg7[%dma_wait3A_1091, %dma_wait3A_1092] : memref<8000x48xf32, #tpu.memory_space<vmem_shared>> -> memref<8000x48xf32, #tpu.memory_space<vmem_shared>>
    tpu.wait_indirect_dma semaphore(%arg9 : memref<!tpu.dma_semaphore, #tpu.memory_space<semaphore_mem>>) src(%dma_wait3A_1087 : memref<125x48xf32, #tpu.memory_space<vmem>>) dst(%dma_wait3A_1093 : memref<8000x48xf32, #tpu.memory_space<vmem_shared>>)
    %dma_wait3A_1094 = arith.constant 0 : i32
    %dma_wait3A_1095 = arith.constant 0 : i32
    %dma_wait3A_1096 = arith.constant 0 : i32
    %dma_wait3A_1097 = tpu.memref_slice %arg5[%dma_wait3A_1094, %dma_wait3A_1095, %dma_wait3A_1096] : memref<2x1000x48xf32, #tpu.memory_space<vmem>> -> memref<1x1000x48xf32, #tpu.memory_space<vmem>>
    %dma_wait3A_1098 = tpu.memref_squeeze %dma_wait3A_1097 : memref<1x1000x48xf32, #tpu.memory_space<vmem>> -> memref<1000x48xf32, #tpu.memory_space<vmem>>
    %dma_wait3A_1099 = arith.constant 0 : i32
    %dma_wait3A_1100 = tpu.memref_slice %arg2[%add3A_831, %dma_wait3A_1099] : memref<160000x48xf32, #tpu.memory_space<hbm>> -> memref<1000x48xf32, #tpu.memory_space<hbm>>
    %dma_wait3A_1101 = arith.constant 0 : i32
    %dma_wait3A_1102 = arith.constant 0 : i32
    %dma_wait3A_1103 = tpu.memref_slice %arg5[%dma_wait3A_1094, %dma_wait3A_1101, %dma_wait3A_1102] : memref<2x1000x48xf32, #tpu.memory_space<vmem>> -> memref<1x1000x48xf32, #tpu.memory_space<vmem>>
    %dma_wait3A_1104 = tpu.memref_squeeze %dma_wait3A_1103 : memref<1x1000x48xf32, #tpu.memory_space<vmem>> -> memref<1000x48xf32, #tpu.memory_space<vmem>>
    %dma_wait3A_1105 = arith.constant 0 : i32
    %dma_wait3A_1106 = tpu.memref_slice %arg2[%add3A_831, %dma_wait3A_1105] : memref<160000x48xf32, #tpu.memory_space<hbm>> -> memref<1000x48xf32, #tpu.memory_space<hbm>>
    tpu.wait_dma2 semaphore(%arg8 : memref<!tpu.dma_semaphore, #tpu.memory_space<semaphore_mem>>) src(%dma_wait3A_1106 : memref<1000x48xf32, #tpu.memory_space<hbm>>) dst(%dma_wait3A_1104 : memref<1000x48xf32, #tpu.memory_space<vmem>>)
    %dma_wait3A_1107 = arith.constant 0 : i32
    %dma_wait3A_1108 = arith.constant 0 : i32
    %dma_wait3A_1109 = arith.constant 0 : i32
    %dma_wait3A_1110 = tpu.memref_slice %arg6[%dma_wait3A_1107, %dma_wait3A_1108, %dma_wait3A_1109] : memref<2x8x125xi32, #tpu.memory_space<vmem>> -> memref<1x8x125xi32, #tpu.memory_space<vmem>>
    %dma_wait3A_1111 = tpu.memref_squeeze %dma_wait3A_1110 : memref<1x8x125xi32, #tpu.memory_space<vmem>> -> memref<8x125xi32, #tpu.memory_space<vmem>>
    %dma_wait3A_1112 = arith.constant 0 : i32
    %dma_wait3A_1113 = tpu.memref_slice %arg3[%add3A_846, %dma_wait3A_1112] : memref<2560x125xi32, #tpu.memory_space<hbm>> -> memref<8x125xi32, #tpu.memory_space<hbm>>
    %dma_wait3A_1114 = arith.constant 0 : i32
    %dma_wait3A_1115 = arith.constant 0 : i32
    %dma_wait3A_1116 = tpu.memref_slice %arg6[%dma_wait3A_1107, %dma_wait3A_1114, %dma_wait3A_1115] : memref<2x8x125xi32, #tpu.memory_space<vmem>> -> memref<1x8x125xi32, #tpu.memory_space<vmem>>
    %dma_wait3A_1117 = tpu.memref_squeeze %dma_wait3A_1116 : memref<1x8x125xi32, #tpu.memory_space<vmem>> -> memref<8x125xi32, #tpu.memory_space<vmem>>
    %dma_wait3A_1118 = arith.constant 0 : i32
    %dma_wait3A_1119 = tpu.memref_slice %arg3[%add3A_846, %dma_wait3A_1118] : memref<2560x125xi32, #tpu.memory_space<hbm>> -> memref<8x125xi32, #tpu.memory_space<hbm>>
    tpu.wait_dma2 semaphore(%arg8 : memref<!tpu.dma_semaphore, #tpu.memory_space<semaphore_mem>>) src(%dma_wait3A_1119 : memref<8x125xi32, #tpu.memory_space<hbm>>) dst(%dma_wait3A_1117 : memref<8x125xi32, #tpu.memory_space<vmem>>)
    %dma_start3A_1120 = arith.constant 0 : i32
    %dma_start3A_1121 = arith.constant 0 : i32
    %dma_start3A_1122 = arith.constant 0 : i32
    %dma_start3A_1123 = arith.constant 0 : i32
    %dma_start3A_1124 = arith.constant 0 : i32
    %dma_start3A_1125 = tpu.memref_slice %arg5[%dma_start3A_1120, %dma_start3A_1123, %dma_start3A_1124] : memref<2x1000x48xf32, #tpu.memory_space<vmem>> -> memref<1x125x48xf32, #tpu.memory_space<vmem>>
    %dma_start3A_1126 = tpu.memref_squeeze %dma_start3A_1125 : memref<1x125x48xf32, #tpu.memory_space<vmem>> -> memref<125x48xf32, #tpu.memory_space<vmem>>
    %dma_start3A_1127 = arith.constant 0 : i32
    %dma_start3A_1128 = tpu.memref_slice %arg6[%dma_start3A_1121, %dma_start3A_1122, %dma_start3A_1127] : memref<2x8x125xi32, #tpu.memory_space<vmem>> -> memref<1x1x125xi32, #tpu.memory_space<vmem>>
    %dma_start3A_1129 = tpu.memref_squeeze %dma_start3A_1128 : memref<1x1x125xi32, #tpu.memory_space<vmem>> -> memref<125xi32, #tpu.memory_space<vmem>>
    %dma_start3A_1130 = arith.constant 0 : i32
    %dma_start3A_1131 = arith.constant 0 : i32
    %dma_start3A_1132 = tpu.memref_slice %arg7[%dma_start3A_1130, %dma_start3A_1131] : memref<8000x48xf32, #tpu.memory_space<vmem_shared>> -> memref<8000x48xf32, #tpu.memory_space<vmem_shared>>
    tpu.enqueue_indirect_dma source(%dma_start3A_1126 : memref<125x48xf32, #tpu.memory_space<vmem>>) target(%dma_start3A_1132 : memref<8000x48xf32, #tpu.memory_space<vmem_shared>>) offsets(%dma_start3A_1129 : memref<125xi32, #tpu.memory_space<vmem>>) semaphore(%arg9 : memref<!tpu.dma_semaphore, #tpu.memory_space<semaphore_mem>>) {add = true}
    %dma_start3A_1133 = arith.constant 0 : i32
    %dma_start3A_1134 = arith.constant 0 : i32
    %dma_start3A_1135 = arith.constant 1 : i32
    %dma_start3A_1136 = arith.constant 125 : i32
    %dma_start3A_1137 = arith.constant 0 : i32
    %dma_start3A_1138 = tpu.memref_slice %arg5[%dma_start3A_1133, %dma_start3A_1136, %dma_start3A_1137] : memref<2x1000x48xf32, #tpu.memory_space<vmem>> -> memref<1x125x48xf32, #tpu.memory_space<vmem>>
    %dma_start3A_1139 = tpu.memref_squeeze %dma_start3A_1138 : memref<1x125x48xf32, #tpu.memory_space<vmem>> -> memref<125x48xf32, #tpu.memory_space<vmem>>
    %dma_start3A_1140 = arith.constant 0 : i32
    %dma_start3A_1141 = tpu.memref_slice %arg6[%dma_start3A_1134, %dma_start3A_1135, %dma_start3A_1140] : memref<2x8x125xi32, #tpu.memory_space<vmem>> -> memref<1x1x125xi32, #tpu.memory_space<vmem>>
    %dma_start3A_1142 = tpu.memref_squeeze %dma_start3A_1141 : memref<1x1x125xi32, #tpu.memory_space<vmem>> -> memref<125xi32, #tpu.memory_space<vmem>>
    %dma_start3A_1143 = arith.constant 0 : i32
    %dma_start3A_1144 = arith.constant 0 : i32
    %dma_start3A_1145 = tpu.memref_slice %arg7[%dma_start3A_1143, %dma_start3A_1144] : memref<8000x48xf32, #tpu.memory_space<vmem_shared>> -> memref<8000x48xf32, #tpu.memory_space<vmem_shared>>
    tpu.enqueue_indirect_dma source(%dma_start3A_1139 : memref<125x48xf32, #tpu.memory_space<vmem>>) target(%dma_start3A_1145 : memref<8000x48xf32, #tpu.memory_space<vmem_shared>>) offsets(%dma_start3A_1142 : memref<125xi32, #tpu.memory_space<vmem>>) semaphore(%arg9 : memref<!tpu.dma_semaphore, #tpu.memory_space<semaphore_mem>>) {add = true}
    %dma_start3A_1146 = arith.constant 0 : i32
    %dma_start3A_1147 = arith.constant 0 : i32
    %dma_start3A_1148 = arith.constant 2 : i32
    %dma_start3A_1149 = arith.constant 250 : i32
    %dma_start3A_1150 = arith.constant 0 : i32
    %dma_start3A_1151 = tpu.memref_slice %arg5[%dma_start3A_1146, %dma_start3A_1149, %dma_start3A_1150] : memref<2x1000x48xf32, #tpu.memory_space<vmem>> -> memref<1x125x48xf32, #tpu.memory_space<vmem>>
    %dma_start3A_1152 = tpu.memref_squeeze %dma_start3A_1151 : memref<1x125x48xf32, #tpu.memory_space<vmem>> -> memref<125x48xf32, #tpu.memory_space<vmem>>
    %dma_start3A_1153 = arith.constant 0 : i32
    %dma_start3A_1154 = tpu.memref_slice %arg6[%dma_start3A_1147, %dma_start3A_1148, %dma_start3A_1153] : memref<2x8x125xi32, #tpu.memory_space<vmem>> -> memref<1x1x125xi32, #tpu.memory_space<vmem>>
    %dma_start3A_1155 = tpu.memref_squeeze %dma_start3A_1154 : memref<1x1x125xi32, #tpu.memory_space<vmem>> -> memref<125xi32, #tpu.memory_space<vmem>>
    %dma_start3A_1156 = arith.constant 0 : i32
    %dma_start3A_1157 = arith.constant 0 : i32
    %dma_start3A_1158 = tpu.memref_slice %arg7[%dma_start3A_1156, %dma_start3A_1157] : memref<8000x48xf32, #tpu.memory_space<vmem_shared>> -> memref<8000x48xf32, #tpu.memory_space<vmem_shared>>
    tpu.enqueue_indirect_dma source(%dma_start3A_1152 : memref<125x48xf32, #tpu.memory_space<vmem>>) target(%dma_start3A_1158 : memref<8000x48xf32, #tpu.memory_space<vmem_shared>>) offsets(%dma_start3A_1155 : memref<125xi32, #tpu.memory_space<vmem>>) semaphore(%arg9 : memref<!tpu.dma_semaphore, #tpu.memory_space<semaphore_mem>>) {add = true}
    %dma_start3A_1159 = arith.constant 0 : i32
    %dma_start3A_1160 = arith.constant 0 : i32
    %dma_start3A_1161 = arith.constant 3 : i32
    %dma_start3A_1162 = arith.constant 375 : i32
    %dma_start3A_1163 = arith.constant 0 : i32
    %dma_start3A_1164 = tpu.memref_slice %arg5[%dma_start3A_1159, %dma_start3A_1162, %dma_start3A_1163] : memref<2x1000x48xf32, #tpu.memory_space<vmem>> -> memref<1x125x48xf32, #tpu.memory_space<vmem>>
    %dma_start3A_1165 = tpu.memref_squeeze %dma_start3A_1164 : memref<1x125x48xf32, #tpu.memory_space<vmem>> -> memref<125x48xf32, #tpu.memory_space<vmem>>
    %dma_start3A_1166 = arith.constant 0 : i32
    %dma_start3A_1167 = tpu.memref_slice %arg6[%dma_start3A_1160, %dma_start3A_1161, %dma_start3A_1166] : memref<2x8x125xi32, #tpu.memory_space<vmem>> -> memref<1x1x125xi32, #tpu.memory_space<vmem>>
    %dma_start3A_1168 = tpu.memref_squeeze %dma_start3A_1167 : memref<1x1x125xi32, #tpu.memory_space<vmem>> -> memref<125xi32, #tpu.memory_space<vmem>>
    %dma_start3A_1169 = arith.constant 0 : i32
    %dma_start3A_1170 = arith.constant 0 : i32
    %dma_start3A_1171 = tpu.memref_slice %arg7[%dma_start3A_1169, %dma_start3A_1170] : memref<8000x48xf32, #tpu.memory_space<vmem_shared>> -> memref<8000x48xf32, #tpu.memory_space<vmem_shared>>
    tpu.enqueue_indirect_dma source(%dma_start3A_1165 : memref<125x48xf32, #tpu.memory_space<vmem>>) target(%dma_start3A_1171 : memref<8000x48xf32, #tpu.memory_space<vmem_shared>>) offsets(%dma_start3A_1168 : memref<125xi32, #tpu.memory_space<vmem>>) semaphore(%arg9 : memref<!tpu.dma_semaphore, #tpu.memory_space<semaphore_mem>>) {add = true}
    %dma_start3A_1172 = arith.constant 0 : i32
    %dma_start3A_1173 = arith.constant 0 : i32
    %dma_start3A_1174 = arith.constant 4 : i32
    %dma_start3A_1175 = arith.constant 500 : i32
    %dma_start3A_1176 = arith.constant 0 : i32
    %dma_start3A_1177 = tpu.memref_slice %arg5[%dma_start3A_1172, %dma_start3A_1175, %dma_start3A_1176] : memref<2x1000x48xf32, #tpu.memory_space<vmem>> -> memref<1x125x48xf32, #tpu.memory_space<vmem>>
    %dma_start3A_1178 = tpu.memref_squeeze %dma_start3A_1177 : memref<1x125x48xf32, #tpu.memory_space<vmem>> -> memref<125x48xf32, #tpu.memory_space<vmem>>
    %dma_start3A_1179 = arith.constant 0 : i32
    %dma_start3A_1180 = tpu.memref_slice %arg6[%dma_start3A_1173, %dma_start3A_1174, %dma_start3A_1179] : memref<2x8x125xi32, #tpu.memory_space<vmem>> -> memref<1x1x125xi32, #tpu.memory_space<vmem>>
    %dma_start3A_1181 = tpu.memref_squeeze %dma_start3A_1180 : memref<1x1x125xi32, #tpu.memory_space<vmem>> -> memref<125xi32, #tpu.memory_space<vmem>>
    %dma_start3A_1182 = arith.constant 0 : i32
    %dma_start3A_1183 = arith.constant 0 : i32
    %dma_start3A_1184 = tpu.memref_slice %arg7[%dma_start3A_1182, %dma_start3A_1183] : memref<8000x48xf32, #tpu.memory_space<vmem_shared>> -> memref<8000x48xf32, #tpu.memory_space<vmem_shared>>
    tpu.enqueue_indirect_dma source(%dma_start3A_1178 : memref<125x48xf32, #tpu.memory_space<vmem>>) target(%dma_start3A_1184 : memref<8000x48xf32, #tpu.memory_space<vmem_shared>>) offsets(%dma_start3A_1181 : memref<125xi32, #tpu.memory_space<vmem>>) semaphore(%arg9 : memref<!tpu.dma_semaphore, #tpu.memory_space<semaphore_mem>>) {add = true}
    %dma_start3A_1185 = arith.constant 0 : i32
    %dma_start3A_1186 = arith.constant 0 : i32
    %dma_start3A_1187 = arith.constant 5 : i32
    %dma_start3A_1188 = arith.constant 625 : i32
    %dma_start3A_1189 = arith.constant 0 : i32
    %dma_start3A_1190 = tpu.memref_slice %arg5[%dma_start3A_1185, %dma_start3A_1188, %dma_start3A_1189] : memref<2x1000x48xf32, #tpu.memory_space<vmem>> -> memref<1x125x48xf32, #tpu.memory_space<vmem>>
    %dma_start3A_1191 = tpu.memref_squeeze %dma_start3A_1190 : memref<1x125x48xf32, #tpu.memory_space<vmem>> -> memref<125x48xf32, #tpu.memory_space<vmem>>
    %dma_start3A_1192 = arith.constant 0 : i32
    %dma_start3A_1193 = tpu.memref_slice %arg6[%dma_start3A_1186, %dma_start3A_1187, %dma_start3A_1192] : memref<2x8x125xi32, #tpu.memory_space<vmem>> -> memref<1x1x125xi32, #tpu.memory_space<vmem>>
    %dma_start3A_1194 = tpu.memref_squeeze %dma_start3A_1193 : memref<1x1x125xi32, #tpu.memory_space<vmem>> -> memref<125xi32, #tpu.memory_space<vmem>>
    %dma_start3A_1195 = arith.constant 0 : i32
    %dma_start3A_1196 = arith.constant 0 : i32
    %dma_start3A_1197 = tpu.memref_slice %arg7[%dma_start3A_1195, %dma_start3A_1196] : memref<8000x48xf32, #tpu.memory_space<vmem_shared>> -> memref<8000x48xf32, #tpu.memory_space<vmem_shared>>
    tpu.enqueue_indirect_dma source(%dma_start3A_1191 : memref<125x48xf32, #tpu.memory_space<vmem>>) target(%dma_start3A_1197 : memref<8000x48xf32, #tpu.memory_space<vmem_shared>>) offsets(%dma_start3A_1194 : memref<125xi32, #tpu.memory_space<vmem>>) semaphore(%arg9 : memref<!tpu.dma_semaphore, #tpu.memory_space<semaphore_mem>>) {add = true}
    %dma_start3A_1198 = arith.constant 0 : i32
    %dma_start3A_1199 = arith.constant 0 : i32
    %dma_start3A_1200 = arith.constant 6 : i32
    %dma_start3A_1201 = arith.constant 750 : i32
    %dma_start3A_1202 = arith.constant 0 : i32
    %dma_start3A_1203 = tpu.memref_slice %arg5[%dma_start3A_1198, %dma_start3A_1201, %dma_start3A_1202] : memref<2x1000x48xf32, #tpu.memory_space<vmem>> -> memref<1x125x48xf32, #tpu.memory_space<vmem>>
    %dma_start3A_1204 = tpu.memref_squeeze %dma_start3A_1203 : memref<1x125x48xf32, #tpu.memory_space<vmem>> -> memref<125x48xf32, #tpu.memory_space<vmem>>
    %dma_start3A_1205 = arith.constant 0 : i32
    %dma_start3A_1206 = tpu.memref_slice %arg6[%dma_start3A_1199, %dma_start3A_1200, %dma_start3A_1205] : memref<2x8x125xi32, #tpu.memory_space<vmem>> -> memref<1x1x125xi32, #tpu.memory_space<vmem>>
    %dma_start3A_1207 = tpu.memref_squeeze %dma_start3A_1206 : memref<1x1x125xi32, #tpu.memory_space<vmem>> -> memref<125xi32, #tpu.memory_space<vmem>>
    %dma_start3A_1208 = arith.constant 0 : i32
    %dma_start3A_1209 = arith.constant 0 : i32
    %dma_start3A_1210 = tpu.memref_slice %arg7[%dma_start3A_1208, %dma_start3A_1209] : memref<8000x48xf32, #tpu.memory_space<vmem_shared>> -> memref<8000x48xf32, #tpu.memory_space<vmem_shared>>
    tpu.enqueue_indirect_dma source(%dma_start3A_1204 : memref<125x48xf32, #tpu.memory_space<vmem>>) target(%dma_start3A_1210 : memref<8000x48xf32, #tpu.memory_space<vmem_shared>>) offsets(%dma_start3A_1207 : memref<125xi32, #tpu.memory_space<vmem>>) semaphore(%arg9 : memref<!tpu.dma_semaphore, #tpu.memory_space<semaphore_mem>>) {add = true}
    %dma_start3A_1211 = arith.constant 0 : i32
    %dma_start3A_1212 = arith.constant 0 : i32
    %dma_start3A_1213 = arith.constant 7 : i32
    %dma_start3A_1214 = arith.constant 875 : i32
    %dma_start3A_1215 = arith.constant 0 : i32
    %dma_start3A_1216 = tpu.memref_slice %arg5[%dma_start3A_1211, %dma_start3A_1214, %dma_start3A_1215] : memref<2x1000x48xf32, #tpu.memory_space<vmem>> -> memref<1x125x48xf32, #tpu.memory_space<vmem>>
    %dma_start3A_1217 = tpu.memref_squeeze %dma_start3A_1216 : memref<1x125x48xf32, #tpu.memory_space<vmem>> -> memref<125x48xf32, #tpu.memory_space<vmem>>
    %dma_start3A_1218 = arith.constant 0 : i32
    %dma_start3A_1219 = tpu.memref_slice %arg6[%dma_start3A_1212, %dma_start3A_1213, %dma_start3A_1218] : memref<2x8x125xi32, #tpu.memory_space<vmem>> -> memref<1x1x125xi32, #tpu.memory_space<vmem>>
    %dma_start3A_1220 = tpu.memref_squeeze %dma_start3A_1219 : memref<1x1x125xi32, #tpu.memory_space<vmem>> -> memref<125xi32, #tpu.memory_space<vmem>>
    %dma_start3A_1221 = arith.constant 0 : i32
    %dma_start3A_1222 = arith.constant 0 : i32
    %dma_start3A_1223 = tpu.memref_slice %arg7[%dma_start3A_1221, %dma_start3A_1222] : memref<8000x48xf32, #tpu.memory_space<vmem_shared>> -> memref<8000x48xf32, #tpu.memory_space<vmem_shared>>
    tpu.enqueue_indirect_dma source(%dma_start3A_1217 : memref<125x48xf32, #tpu.memory_space<vmem>>) target(%dma_start3A_1223 : memref<8000x48xf32, #tpu.memory_space<vmem_shared>>) offsets(%dma_start3A_1220 : memref<125xi32, #tpu.memory_space<vmem>>) semaphore(%arg9 : memref<!tpu.dma_semaphore, #tpu.memory_space<semaphore_mem>>) {add = true}
    %dma_wait3A_1224 = arith.constant 0 : i32
    %dma_wait3A_1225 = arith.constant 0 : i32
    %dma_wait3A_1226 = arith.constant 0 : i32
    %dma_wait3A_1227 = arith.constant 0 : i32
    %dma_wait3A_1228 = arith.constant 0 : i32
    %dma_wait3A_1229 = tpu.memref_slice %arg5[%dma_wait3A_1224, %dma_wait3A_1227, %dma_wait3A_1228] : memref<2x1000x48xf32, #tpu.memory_space<vmem>> -> memref<1x125x48xf32, #tpu.memory_space<vmem>>
    %dma_wait3A_1230 = tpu.memref_squeeze %dma_wait3A_1229 : memref<1x125x48xf32, #tpu.memory_space<vmem>> -> memref<125x48xf32, #tpu.memory_space<vmem>>
    %dma_wait3A_1231 = arith.constant 0 : i32
    %dma_wait3A_1232 = tpu.memref_slice %arg6[%dma_wait3A_1225, %dma_wait3A_1226, %dma_wait3A_1231] : memref<2x8x125xi32, #tpu.memory_space<vmem>> -> memref<1x1x125xi32, #tpu.memory_space<vmem>>
    %dma_wait3A_1233 = tpu.memref_squeeze %dma_wait3A_1232 : memref<1x1x125xi32, #tpu.memory_space<vmem>> -> memref<125xi32, #tpu.memory_space<vmem>>
    %dma_wait3A_1234 = arith.constant 0 : i32
    %dma_wait3A_1235 = arith.constant 0 : i32
    %dma_wait3A_1236 = tpu.memref_slice %arg7[%dma_wait3A_1234, %dma_wait3A_1235] : memref<8000x48xf32, #tpu.memory_space<vmem_shared>> -> memref<8000x48xf32, #tpu.memory_space<vmem_shared>>
    tpu.wait_indirect_dma semaphore(%arg9 : memref<!tpu.dma_semaphore, #tpu.memory_space<semaphore_mem>>) src(%dma_wait3A_1230 : memref<125x48xf32, #tpu.memory_space<vmem>>) dst(%dma_wait3A_1236 : memref<8000x48xf32, #tpu.memory_space<vmem_shared>>)
    %dma_wait3A_1237 = arith.constant 0 : i32
    %dma_wait3A_1238 = arith.constant 0 : i32
    %dma_wait3A_1239 = arith.constant 1 : i32
    %dma_wait3A_1240 = arith.constant 125 : i32
    %dma_wait3A_1241 = arith.constant 0 : i32
    %dma_wait3A_1242 = tpu.memref_slice %arg5[%dma_wait3A_1237, %dma_wait3A_1240, %dma_wait3A_1241] : memref<2x1000x48xf32, #tpu.memory_space<vmem>> -> memref<1x125x48xf32, #tpu.memory_space<vmem>>
    %dma_wait3A_1243 = tpu.memref_squeeze %dma_wait3A_1242 : memref<1x125x48xf32, #tpu.memory_space<vmem>> -> memref<125x48xf32, #tpu.memory_space<vmem>>
    %dma_wait3A_1244 = arith.constant 0 : i32
    %dma_wait3A_1245 = tpu.memref_slice %arg6[%dma_wait3A_1238, %dma_wait3A_1239, %dma_wait3A_1244] : memref<2x8x125xi32, #tpu.memory_space<vmem>> -> memref<1x1x125xi32, #tpu.memory_space<vmem>>
    %dma_wait3A_1246 = tpu.memref_squeeze %dma_wait3A_1245 : memref<1x1x125xi32, #tpu.memory_space<vmem>> -> memref<125xi32, #tpu.memory_space<vmem>>
    %dma_wait3A_1247 = arith.constant 0 : i32
    %dma_wait3A_1248 = arith.constant 0 : i32
    %dma_wait3A_1249 = tpu.memref_slice %arg7[%dma_wait3A_1247, %dma_wait3A_1248] : memref<8000x48xf32, #tpu.memory_space<vmem_shared>> -> memref<8000x48xf32, #tpu.memory_space<vmem_shared>>
    tpu.wait_indirect_dma semaphore(%arg9 : memref<!tpu.dma_semaphore, #tpu.memory_space<semaphore_mem>>) src(%dma_wait3A_1243 : memref<125x48xf32, #tpu.memory_space<vmem>>) dst(%dma_wait3A_1249 : memref<8000x48xf32, #tpu.memory_space<vmem_shared>>)
    %dma_wait3A_1250 = arith.constant 0 : i32
    %dma_wait3A_1251 = arith.constant 0 : i32
    %dma_wait3A_1252 = arith.constant 2 : i32
    %dma_wait3A_1253 = arith.constant 250 : i32
    %dma_wait3A_1254 = arith.constant 0 : i32
    %dma_wait3A_1255 = tpu.memref_slice %arg5[%dma_wait3A_1250, %dma_wait3A_1253, %dma_wait3A_1254] : memref<2x1000x48xf32, #tpu.memory_space<vmem>> -> memref<1x125x48xf32, #tpu.memory_space<vmem>>
    %dma_wait3A_1256 = tpu.memref_squeeze %dma_wait3A_1255 : memref<1x125x48xf32, #tpu.memory_space<vmem>> -> memref<125x48xf32, #tpu.memory_space<vmem>>
    %dma_wait3A_1257 = arith.constant 0 : i32
    %dma_wait3A_1258 = tpu.memref_slice %arg6[%dma_wait3A_1251, %dma_wait3A_1252, %dma_wait3A_1257] : memref<2x8x125xi32, #tpu.memory_space<vmem>> -> memref<1x1x125xi32, #tpu.memory_space<vmem>>
    %dma_wait3A_1259 = tpu.memref_squeeze %dma_wait3A_1258 : memref<1x1x125xi32, #tpu.memory_space<vmem>> -> memref<125xi32, #tpu.memory_space<vmem>>
    %dma_wait3A_1260 = arith.constant 0 : i32
    %dma_wait3A_1261 = arith.constant 0 : i32
    %dma_wait3A_1262 = tpu.memref_slice %arg7[%dma_wait3A_1260, %dma_wait3A_1261] : memref<8000x48xf32, #tpu.memory_space<vmem_shared>> -> memref<8000x48xf32, #tpu.memory_space<vmem_shared>>
    tpu.wait_indirect_dma semaphore(%arg9 : memref<!tpu.dma_semaphore, #tpu.memory_space<semaphore_mem>>) src(%dma_wait3A_1256 : memref<125x48xf32, #tpu.memory_space<vmem>>) dst(%dma_wait3A_1262 : memref<8000x48xf32, #tpu.memory_space<vmem_shared>>)
    %dma_wait3A_1263 = arith.constant 0 : i32
    %dma_wait3A_1264 = arith.constant 0 : i32
    %dma_wait3A_1265 = arith.constant 3 : i32
    %dma_wait3A_1266 = arith.constant 375 : i32
    %dma_wait3A_1267 = arith.constant 0 : i32
    %dma_wait3A_1268 = tpu.memref_slice %arg5[%dma_wait3A_1263, %dma_wait3A_1266, %dma_wait3A_1267] : memref<2x1000x48xf32, #tpu.memory_space<vmem>> -> memref<1x125x48xf32, #tpu.memory_space<vmem>>
    %dma_wait3A_1269 = tpu.memref_squeeze %dma_wait3A_1268 : memref<1x125x48xf32, #tpu.memory_space<vmem>> -> memref<125x48xf32, #tpu.memory_space<vmem>>
    %dma_wait3A_1270 = arith.constant 0 : i32
    %dma_wait3A_1271 = tpu.memref_slice %arg6[%dma_wait3A_1264, %dma_wait3A_1265, %dma_wait3A_1270] : memref<2x8x125xi32, #tpu.memory_space<vmem>> -> memref<1x1x125xi32, #tpu.memory_space<vmem>>
    %dma_wait3A_1272 = tpu.memref_squeeze %dma_wait3A_1271 : memref<1x1x125xi32, #tpu.memory_space<vmem>> -> memref<125xi32, #tpu.memory_space<vmem>>
    %dma_wait3A_1273 = arith.constant 0 : i32
    %dma_wait3A_1274 = arith.constant 0 : i32
    %dma_wait3A_1275 = tpu.memref_slice %arg7[%dma_wait3A_1273, %dma_wait3A_1274] : memref<8000x48xf32, #tpu.memory_space<vmem_shared>> -> memref<8000x48xf32, #tpu.memory_space<vmem_shared>>
    tpu.wait_indirect_dma semaphore(%arg9 : memref<!tpu.dma_semaphore, #tpu.memory_space<semaphore_mem>>) src(%dma_wait3A_1269 : memref<125x48xf32, #tpu.memory_space<vmem>>) dst(%dma_wait3A_1275 : memref<8000x48xf32, #tpu.memory_space<vmem_shared>>)
    %dma_wait3A_1276 = arith.constant 0 : i32
    %dma_wait3A_1277 = arith.constant 0 : i32
    %dma_wait3A_1278 = arith.constant 4 : i32
    %dma_wait3A_1279 = arith.constant 500 : i32
    %dma_wait3A_1280 = arith.constant 0 : i32
    %dma_wait3A_1281 = tpu.memref_slice %arg5[%dma_wait3A_1276, %dma_wait3A_1279, %dma_wait3A_1280] : memref<2x1000x48xf32, #tpu.memory_space<vmem>> -> memref<1x125x48xf32, #tpu.memory_space<vmem>>
    %dma_wait3A_1282 = tpu.memref_squeeze %dma_wait3A_1281 : memref<1x125x48xf32, #tpu.memory_space<vmem>> -> memref<125x48xf32, #tpu.memory_space<vmem>>
    %dma_wait3A_1283 = arith.constant 0 : i32
    %dma_wait3A_1284 = tpu.memref_slice %arg6[%dma_wait3A_1277, %dma_wait3A_1278, %dma_wait3A_1283] : memref<2x8x125xi32, #tpu.memory_space<vmem>> -> memref<1x1x125xi32, #tpu.memory_space<vmem>>
    %dma_wait3A_1285 = tpu.memref_squeeze %dma_wait3A_1284 : memref<1x1x125xi32, #tpu.memory_space<vmem>> -> memref<125xi32, #tpu.memory_space<vmem>>
    %dma_wait3A_1286 = arith.constant 0 : i32
    %dma_wait3A_1287 = arith.constant 0 : i32
    %dma_wait3A_1288 = tpu.memref_slice %arg7[%dma_wait3A_1286, %dma_wait3A_1287] : memref<8000x48xf32, #tpu.memory_space<vmem_shared>> -> memref<8000x48xf32, #tpu.memory_space<vmem_shared>>
    tpu.wait_indirect_dma semaphore(%arg9 : memref<!tpu.dma_semaphore, #tpu.memory_space<semaphore_mem>>) src(%dma_wait3A_1282 : memref<125x48xf32, #tpu.memory_space<vmem>>) dst(%dma_wait3A_1288 : memref<8000x48xf32, #tpu.memory_space<vmem_shared>>)
    %dma_wait3A_1289 = arith.constant 0 : i32
    %dma_wait3A_1290 = arith.constant 0 : i32
    %dma_wait3A_1291 = arith.constant 5 : i32
    %dma_wait3A_1292 = arith.constant 625 : i32
    %dma_wait3A_1293 = arith.constant 0 : i32
    %dma_wait3A_1294 = tpu.memref_slice %arg5[%dma_wait3A_1289, %dma_wait3A_1292, %dma_wait3A_1293] : memref<2x1000x48xf32, #tpu.memory_space<vmem>> -> memref<1x125x48xf32, #tpu.memory_space<vmem>>
    %dma_wait3A_1295 = tpu.memref_squeeze %dma_wait3A_1294 : memref<1x125x48xf32, #tpu.memory_space<vmem>> -> memref<125x48xf32, #tpu.memory_space<vmem>>
    %dma_wait3A_1296 = arith.constant 0 : i32
    %dma_wait3A_1297 = tpu.memref_slice %arg6[%dma_wait3A_1290, %dma_wait3A_1291, %dma_wait3A_1296] : memref<2x8x125xi32, #tpu.memory_space<vmem>> -> memref<1x1x125xi32, #tpu.memory_space<vmem>>
    %dma_wait3A_1298 = tpu.memref_squeeze %dma_wait3A_1297 : memref<1x1x125xi32, #tpu.memory_space<vmem>> -> memref<125xi32, #tpu.memory_space<vmem>>
    %dma_wait3A_1299 = arith.constant 0 : i32
    %dma_wait3A_1300 = arith.constant 0 : i32
    %dma_wait3A_1301 = tpu.memref_slice %arg7[%dma_wait3A_1299, %dma_wait3A_1300] : memref<8000x48xf32, #tpu.memory_space<vmem_shared>> -> memref<8000x48xf32, #tpu.memory_space<vmem_shared>>
    tpu.wait_indirect_dma semaphore(%arg9 : memref<!tpu.dma_semaphore, #tpu.memory_space<semaphore_mem>>) src(%dma_wait3A_1295 : memref<125x48xf32, #tpu.memory_space<vmem>>) dst(%dma_wait3A_1301 : memref<8000x48xf32, #tpu.memory_space<vmem_shared>>)
    %dma_wait3A_1302 = arith.constant 0 : i32
    %dma_wait3A_1303 = arith.constant 0 : i32
    %dma_wait3A_1304 = arith.constant 6 : i32
    %dma_wait3A_1305 = arith.constant 750 : i32
    %dma_wait3A_1306 = arith.constant 0 : i32
    %dma_wait3A_1307 = tpu.memref_slice %arg5[%dma_wait3A_1302, %dma_wait3A_1305, %dma_wait3A_1306] : memref<2x1000x48xf32, #tpu.memory_space<vmem>> -> memref<1x125x48xf32, #tpu.memory_space<vmem>>
    %dma_wait3A_1308 = tpu.memref_squeeze %dma_wait3A_1307 : memref<1x125x48xf32, #tpu.memory_space<vmem>> -> memref<125x48xf32, #tpu.memory_space<vmem>>
    %dma_wait3A_1309 = arith.constant 0 : i32
    %dma_wait3A_1310 = tpu.memref_slice %arg6[%dma_wait3A_1303, %dma_wait3A_1304, %dma_wait3A_1309] : memref<2x8x125xi32, #tpu.memory_space<vmem>> -> memref<1x1x125xi32, #tpu.memory_space<vmem>>
    %dma_wait3A_1311 = tpu.memref_squeeze %dma_wait3A_1310 : memref<1x1x125xi32, #tpu.memory_space<vmem>> -> memref<125xi32, #tpu.memory_space<vmem>>
    %dma_wait3A_1312 = arith.constant 0 : i32
    %dma_wait3A_1313 = arith.constant 0 : i32
    %dma_wait3A_1314 = tpu.memref_slice %arg7[%dma_wait3A_1312, %dma_wait3A_1313] : memref<8000x48xf32, #tpu.memory_space<vmem_shared>> -> memref<8000x48xf32, #tpu.memory_space<vmem_shared>>
    tpu.wait_indirect_dma semaphore(%arg9 : memref<!tpu.dma_semaphore, #tpu.memory_space<semaphore_mem>>) src(%dma_wait3A_1308 : memref<125x48xf32, #tpu.memory_space<vmem>>) dst(%dma_wait3A_1314 : memref<8000x48xf32, #tpu.memory_space<vmem_shared>>)
    %dma_wait3A_1315 = arith.constant 0 : i32
    %dma_wait3A_1316 = arith.constant 0 : i32
    %dma_wait3A_1317 = arith.constant 7 : i32
    %dma_wait3A_1318 = arith.constant 875 : i32
    %dma_wait3A_1319 = arith.constant 0 : i32
    %dma_wait3A_1320 = tpu.memref_slice %arg5[%dma_wait3A_1315, %dma_wait3A_1318, %dma_wait3A_1319] : memref<2x1000x48xf32, #tpu.memory_space<vmem>> -> memref<1x125x48xf32, #tpu.memory_space<vmem>>
    %dma_wait3A_1321 = tpu.memref_squeeze %dma_wait3A_1320 : memref<1x125x48xf32, #tpu.memory_space<vmem>> -> memref<125x48xf32, #tpu.memory_space<vmem>>
    %dma_wait3A_1322 = arith.constant 0 : i32
    %dma_wait3A_1323 = tpu.memref_slice %arg6[%dma_wait3A_1316, %dma_wait3A_1317, %dma_wait3A_1322] : memref<2x8x125xi32, #tpu.memory_space<vmem>> -> memref<1x1x125xi32, #tpu.memory_space<vmem>>
    %dma_wait3A_1324 = tpu.memref_squeeze %dma_wait3A_1323 : memref<1x1x125xi32, #tpu.memory_space<vmem>> -> memref<125xi32, #tpu.memory_space<vmem>>
    %dma_wait3A_1325 = arith.constant 0 : i32
    %dma_wait3A_1326 = arith.constant 0 : i32
    %dma_wait3A_1327 = tpu.memref_slice %arg7[%dma_wait3A_1325, %dma_wait3A_1326] : memref<8000x48xf32, #tpu.memory_space<vmem_shared>> -> memref<8000x48xf32, #tpu.memory_space<vmem_shared>>
    tpu.wait_indirect_dma semaphore(%arg9 : memref<!tpu.dma_semaphore, #tpu.memory_space<semaphore_mem>>) src(%dma_wait3A_1321 : memref<125x48xf32, #tpu.memory_space<vmem>>) dst(%dma_wait3A_1327 : memref<8000x48xf32, #tpu.memory_space<vmem_shared>>)
    %barrier3A_1328 = arith.constant 0 : index
    tpu.barrier barrier_id(%barrier3A_1328)
    %lt3A_1329 = arith.constant 8 : i32
    %lt3A_1330 = arith.cmpi slt, %arg1, %lt3A_1329 : i32
    %convert_element_type3A_1331 = arith.extui %lt3A_1330 : i1 to i32
    %cond3A_1332 = arith.constant 0 : i32
    %cond3A_1333 = arith.cmpi ne, %convert_element_type3A_1331, %cond3A_1332 : i32
    scf.if %cond3A_1333 {
      %mul3A_1334 = arith.constant 1000 : i32
      %mul3A_1335 = arith.muli %arg1, %mul3A_1334 : i32
      %mul3A_1336 = arith.constant 1000 : i32
      %mul3A_1337 = arith.muli %arg1, %mul3A_1336 : i32
      "tpu.region"() ({
        %run_scoped3A = tpu.sem_alloc : memref<!tpu.dma_semaphore, #tpu.memory_space<semaphore_mem>>
        %dma_start3A_1338 = arith.constant 0 : i32
        %dma_start3A_1339 = tpu.memref_slice %arg4[%arg0, %mul3A_1337, %dma_start3A_1338] : memref<2x8000x48xf32, #tpu.memory_space<hbm>> -> memref<1x1000x48xf32, #tpu.memory_space<hbm>>
        %dma_start3A_1340 = tpu.memref_squeeze %dma_start3A_1339 : memref<1x1000x48xf32, #tpu.memory_space<hbm>> -> memref<1000x48xf32, #tpu.memory_space<hbm>>
        %dma_start3A_1341 = arith.constant 0 : i32
        %dma_start3A_1342 = tpu.memref_slice %arg7[%mul3A_1335, %dma_start3A_1341] : memref<8000x48xf32, #tpu.memory_space<vmem_shared>> -> memref<1000x48xf32, #tpu.memory_space<vmem_shared>>
        tpu.enqueue_dma source(%dma_start3A_1342 : memref<1000x48xf32, #tpu.memory_space<vmem_shared>>) target(%dma_start3A_1340 : memref<1000x48xf32, #tpu.memory_space<hbm>>) target_semaphore(%run_scoped3A : memref<!tpu.dma_semaphore, #tpu.memory_space<semaphore_mem>>)
        %dma_wait3A_1343 = arith.constant 0 : i32
        %dma_wait3A_1344 = tpu.memref_slice %arg4[%arg0, %mul3A_1337, %dma_wait3A_1343] : memref<2x8000x48xf32, #tpu.memory_space<hbm>> -> memref<1x1000x48xf32, #tpu.memory_space<hbm>>
        %dma_wait3A_1345 = tpu.memref_squeeze %dma_wait3A_1344 : memref<1x1000x48xf32, #tpu.memory_space<hbm>> -> memref<1000x48xf32, #tpu.memory_space<hbm>>
        %dma_wait3A_1346 = arith.constant 0 : i32
        %dma_wait3A_1347 = tpu.memref_slice %arg7[%mul3A_1335, %dma_wait3A_1346] : memref<8000x48xf32, #tpu.memory_space<vmem_shared>> -> memref<1000x48xf32, #tpu.memory_space<vmem_shared>>
        tpu.wait_dma2 semaphore(%run_scoped3A : memref<!tpu.dma_semaphore, #tpu.memory_space<semaphore_mem>>) src(%dma_wait3A_1347 : memref<1000x48xf32, #tpu.memory_space<vmem_shared>>) dst(%dma_wait3A_1345 : memref<1000x48xf32, #tpu.memory_space<hbm>>)
        tpu.yield
      }) : () -> ()
    } else {
    }
    return
  }
}

module attributes {stable_mosaic.version = 14 : i64} {
  func.func @_stage_a(%arg0: i32, %arg1: memref<4000x128xf32, #tpu.memory_space<vmem>>, %arg2: memref<128x32xf32, #tpu.memory_space<vmem>>, %arg3: memref<1x32xf32, #tpu.memory_space<vmem>>, %arg4: memref<1x32xf32, #tpu.memory_space<vmem>>, %arg5: memref<1x1xf32, #tpu.memory_space<vmem>>, %arg6: memref<4000x48xf32, #tpu.memory_space<vmem>>) attributes {dimension_semantics = [#tpu.dimension_semantics<arbitrary>], iteration_bounds = array<i64: 40>, scalar_prefetch = 0 : i64, scratch_operands = 0 : i64, tpu.core_type = #tpu.core_type<tc>, window_params = [{transform_indices = @transform_0, window_bounds = array<i64: 4000, 128>}, {pipeline_mode = #tpu.pipeline_mode<synchronous>, transform_indices = @transform_1, window_bounds = array<i64: 128, 32>}, {pipeline_mode = #tpu.pipeline_mode<synchronous>, transform_indices = @transform_2, window_bounds = array<i64: 1, 32>}, {pipeline_mode = #tpu.pipeline_mode<synchronous>, transform_indices = @transform_3, window_bounds = array<i64: 1, 32>}, {pipeline_mode = #tpu.pipeline_mode<synchronous>, transform_indices = @transform_4, window_bounds = array<i64: 1, 1>}, {transform_indices = @transform_5, window_bounds = array<i64: 4000, 48>}]} {
    %get3A = arith.constant 0 : index
    %get3A_0 = arith.constant 0 : index
    %get3A_1 = vector.load %arg1[%get3A, %get3A_0] : memref<4000x128xf32, #tpu.memory_space<vmem>>, vector<4000x128xf32>
    %get3A_2 = arith.constant 0 : index
    %get3A_3 = arith.constant 0 : index
    %get3A_4 = vector.load %arg2[%get3A_2, %get3A_3] : memref<128x32xf32, #tpu.memory_space<vmem>>, vector<128x32xf32>
    %dot_general3A = arith.constant dense<0.000000e+00> : vector<4000x32xf32>
    %dot_general3A_5 = tpu.matmul %get3A_1, %get3A_4, %dot_general3A {dimension_numbers = #tpu.dot_dimension_numbers<[1], [0], [0], [1], [0, 0, 1, 1], [], []>, transpose_lhs_hint = false} : vector<4000x128xf32>, vector<128x32xf32>, vector<4000x32xf32> -> vector<4000x32xf32>
    %get3A_6 = arith.constant 0 : index
    %get3A_7 = arith.constant 0 : index
    %get3A_8 = vector.load %arg3[%get3A_6, %get3A_7] : memref<1x32xf32, #tpu.memory_space<vmem>>, vector<1x32xf32>
    %add3A = vector.broadcast %get3A_8 : vector<1x32xf32> to vector<4000x32xf32>
    %add3A_9 = arith.addf %dot_general3A_5, %add3A : vector<4000x32xf32>
    %max3A = arith.constant 0.000000e+00 : f32
    %max3A_10 = vector.broadcast %max3A : f32 to vector<4000x32xf32>
    %max3A_11 = arith.maximumf %add3A_9, %max3A_10 : vector<4000x32xf32>
    %get3A_12 = arith.constant 0 : index
    %get3A_13 = arith.constant 0 : index
    %get3A_14 = vector.load %arg4[%get3A_12, %get3A_13] : memref<1x32xf32, #tpu.memory_space<vmem>>, vector<1x32xf32>
    %mul3A = vector.broadcast %get3A_14 : vector<1x32xf32> to vector<4000x32xf32>
    %mul3A_15 = arith.mulf %max3A_11, %mul3A : vector<4000x32xf32>
    %reduce_sum3A = arith.constant dense<0.000000e+00> : vector<4000xf32>
    %reduce_sum3A_16 = vector.multi_reduction <add>, %mul3A_15, %reduce_sum3A [1] : vector<4000x32xf32> to vector<4000xf32>
    %broadcast_in_dim3A = vector.shape_cast %reduce_sum3A_16 : vector<4000xf32> to vector<4000x1xf32>
    %get3A_17 = arith.constant 0 : index
    %get3A_18 = arith.constant 0 : index
    %get3A_19 = vector.load %arg5[%get3A_17, %get3A_18] : memref<1x1xf32, #tpu.memory_space<vmem>>, vector<1x1xf32>
    %add3A_20 = vector.broadcast %get3A_19 : vector<1x1xf32> to vector<4000x1xf32>
    %add3A_21 = arith.addf %broadcast_in_dim3A, %add3A_20 : vector<4000x1xf32>
    %exp3A = math.exp %add3A_21 : vector<4000x1xf32>
    %mul3A_22 = vector.broadcast %exp3A : vector<4000x1xf32> to vector<4000x32xf32>
    %mul3A_23 = arith.mulf %max3A_11, %mul3A_22 : vector<4000x32xf32>
    %broadcast_in_dim3A_24 = arith.constant 0.000000e+00 : f32
    %broadcast_in_dim3A_25 = vector.broadcast %broadcast_in_dim3A_24 : f32 to vector<4000x15xf32>
    %concatenate3A = tpu.concatenate %mul3A_23, %exp3A, %broadcast_in_dim3A_25 in 1 : vector<4000x32xf32>, vector<4000x1xf32>, vector<4000x15xf32> -> vector<4000x48xf32>
    %swap3A = arith.constant 0 : index
    %swap3A_26 = arith.constant 0 : index
    %swap3A_27 = vector.load %arg6[%swap3A, %swap3A_26] : memref<4000x48xf32, #tpu.memory_space<vmem>>, vector<4000x48xf32>
    tpu.vector_store %arg6[%swap3A, %swap3A_26], %concatenate3A {strides = array<i32>} : memref<4000x48xf32, #tpu.memory_space<vmem>>, vector<4000x48xf32>,
    return
  }
  func.func @transform_0(%arg0: i32) -> (i32, i32) {
    %add3A = arith.constant 0 : i32
    %add3A_0 = arith.addi %arg0, %add3A : i32
    %c0_i32 = arith.constant 0 : i32
    %c0_i32_1 = arith.constant 0 : i32
    return %add3A_0, %c0_i32 : i32, i32
  }
  func.func @transform_1(%arg0: i32) -> (i32, i32) {
    %c0_i32 = arith.constant 0 : i32
    %c0_i32_0 = arith.constant 0 : i32
    %c0_i32_1 = arith.constant 0 : i32
    return %c0_i32, %c0_i32_0 : i32, i32
  }
  func.func @transform_2(%arg0: i32) -> (i32, i32) {
    %c0_i32 = arith.constant 0 : i32
    %c0_i32_0 = arith.constant 0 : i32
    %c0_i32_1 = arith.constant 0 : i32
    return %c0_i32, %c0_i32_0 : i32, i32
  }
  func.func @transform_3(%arg0: i32) -> (i32, i32) {
    %c0_i32 = arith.constant 0 : i32
    %c0_i32_0 = arith.constant 0 : i32
    %c0_i32_1 = arith.constant 0 : i32
    return %c0_i32, %c0_i32_0 : i32, i32
  }
  func.func @transform_4(%arg0: i32) -> (i32, i32) {
    %c0_i32 = arith.constant 0 : i32
    %c0_i32_0 = arith.constant 0 : i32
    %c0_i32_1 = arith.constant 0 : i32
    return %c0_i32, %c0_i32_0 : i32, i32
  }
  func.func @transform_5(%arg0: i32) -> (i32, i32) {
    %c0_i32 = arith.constant 0 : i32
    %c0_i32_0 = arith.constant 0 : i32
    return %arg0, %c0_i32 : i32, i32
  }
}

module attributes {stable_mosaic.version = 14 : i64} {
  func.func @_stage_a(%arg0: i32, %arg1: memref<4000x128xf32, #tpu.memory_space<vmem>>, %arg2: memref<128x32xf32, #tpu.memory_space<vmem>>, %arg3: memref<1x32xf32, #tpu.memory_space<vmem>>, %arg4: memref<1x32xf32, #tpu.memory_space<vmem>>, %arg5: memref<1x1xf32, #tpu.memory_space<vmem>>, %arg6: memref<4000x48xf32, #tpu.memory_space<vmem>>) attributes {dimension_semantics = [#tpu.dimension_semantics<arbitrary>], iteration_bounds = array<i64: 40>, scalar_prefetch = 0 : i64, scratch_operands = 0 : i64, tpu.core_type = #tpu.core_type<tc>, window_params = [{transform_indices = @transform_0, window_bounds = array<i64: 4000, 128>}, {pipeline_mode = #tpu.pipeline_mode<synchronous>, transform_indices = @transform_1, window_bounds = array<i64: 128, 32>}, {pipeline_mode = #tpu.pipeline_mode<synchronous>, transform_indices = @transform_2, window_bounds = array<i64: 1, 32>}, {pipeline_mode = #tpu.pipeline_mode<synchronous>, transform_indices = @transform_3, window_bounds = array<i64: 1, 32>}, {pipeline_mode = #tpu.pipeline_mode<synchronous>, transform_indices = @transform_4, window_bounds = array<i64: 1, 1>}, {transform_indices = @transform_5, window_bounds = array<i64: 4000, 48>}]} {
    %get3A = arith.constant 0 : index
    %get3A_0 = arith.constant 0 : index
    %get3A_1 = vector.load %arg1[%get3A, %get3A_0] : memref<4000x128xf32, #tpu.memory_space<vmem>>, vector<4000x128xf32>
    %get3A_2 = arith.constant 0 : index
    %get3A_3 = arith.constant 0 : index
    %get3A_4 = vector.load %arg2[%get3A_2, %get3A_3] : memref<128x32xf32, #tpu.memory_space<vmem>>, vector<128x32xf32>
    %dot_general3A = arith.constant dense<0.000000e+00> : vector<4000x32xf32>
    %dot_general3A_5 = tpu.matmul %get3A_1, %get3A_4, %dot_general3A {dimension_numbers = #tpu.dot_dimension_numbers<[1], [0], [0], [1], [0, 0, 1, 1], [], []>, transpose_lhs_hint = false} : vector<4000x128xf32>, vector<128x32xf32>, vector<4000x32xf32> -> vector<4000x32xf32>
    %get3A_6 = arith.constant 0 : index
    %get3A_7 = arith.constant 0 : index
    %get3A_8 = vector.load %arg3[%get3A_6, %get3A_7] : memref<1x32xf32, #tpu.memory_space<vmem>>, vector<1x32xf32>
    %add3A = vector.broadcast %get3A_8 : vector<1x32xf32> to vector<4000x32xf32>
    %add3A_9 = arith.addf %dot_general3A_5, %add3A : vector<4000x32xf32>
    %max3A = arith.constant 0.000000e+00 : f32
    %max3A_10 = vector.broadcast %max3A : f32 to vector<4000x32xf32>
    %max3A_11 = arith.maximumf %add3A_9, %max3A_10 : vector<4000x32xf32>
    %get3A_12 = arith.constant 0 : index
    %get3A_13 = arith.constant 0 : index
    %get3A_14 = vector.load %arg4[%get3A_12, %get3A_13] : memref<1x32xf32, #tpu.memory_space<vmem>>, vector<1x32xf32>
    %mul3A = vector.broadcast %get3A_14 : vector<1x32xf32> to vector<4000x32xf32>
    %mul3A_15 = arith.mulf %max3A_11, %mul3A : vector<4000x32xf32>
    %reduce_sum3A = arith.constant dense<0.000000e+00> : vector<4000xf32>
    %reduce_sum3A_16 = vector.multi_reduction <add>, %mul3A_15, %reduce_sum3A [1] : vector<4000x32xf32> to vector<4000xf32>
    %broadcast_in_dim3A = vector.shape_cast %reduce_sum3A_16 : vector<4000xf32> to vector<4000x1xf32>
    %get3A_17 = arith.constant 0 : index
    %get3A_18 = arith.constant 0 : index
    %get3A_19 = vector.load %arg5[%get3A_17, %get3A_18] : memref<1x1xf32, #tpu.memory_space<vmem>>, vector<1x1xf32>
    %add3A_20 = vector.broadcast %get3A_19 : vector<1x1xf32> to vector<4000x1xf32>
    %add3A_21 = arith.addf %broadcast_in_dim3A, %add3A_20 : vector<4000x1xf32>
    %exp3A = math.exp %add3A_21 : vector<4000x1xf32>
    %mul3A_22 = vector.broadcast %exp3A : vector<4000x1xf32> to vector<4000x32xf32>
    %mul3A_23 = arith.mulf %max3A_11, %mul3A_22 : vector<4000x32xf32>
    %broadcast_in_dim3A_24 = arith.constant 0.000000e+00 : f32
    %broadcast_in_dim3A_25 = vector.broadcast %broadcast_in_dim3A_24 : f32 to vector<4000x15xf32>
    %concatenate3A = tpu.concatenate %mul3A_23, %exp3A, %broadcast_in_dim3A_25 in 1 : vector<4000x32xf32>, vector<4000x1xf32>, vector<4000x15xf32> -> vector<4000x48xf32>
    %swap3A = arith.constant 0 : index
    %swap3A_26 = arith.constant 0 : index
    %swap3A_27 = vector.load %arg6[%swap3A, %swap3A_26] : memref<4000x48xf32, #tpu.memory_space<vmem>>, vector<4000x48xf32>
    tpu.vector_store %arg6[%swap3A, %swap3A_26], %concatenate3A {strides = array<i32>} : memref<4000x48xf32, #tpu.memory_space<vmem>>, vector<4000x48xf32>,
    return
  }
  func.func @transform_0(%arg0: i32) -> (i32, i32) {
    %add3A = arith.constant 40 : i32
    %add3A_0 = arith.addi %arg0, %add3A : i32
    %c0_i32 = arith.constant 0 : i32
    %c0_i32_1 = arith.constant 0 : i32
    return %add3A_0, %c0_i32 : i32, i32
  }
  func.func @transform_1(%arg0: i32) -> (i32, i32) {
    %c0_i32 = arith.constant 0 : i32
    %c0_i32_0 = arith.constant 0 : i32
    %c0_i32_1 = arith.constant 0 : i32
    return %c0_i32, %c0_i32_0 : i32, i32
  }
  func.func @transform_2(%arg0: i32) -> (i32, i32) {
    %c0_i32 = arith.constant 0 : i32
    %c0_i32_0 = arith.constant 0 : i32
    %c0_i32_1 = arith.constant 0 : i32
    return %c0_i32, %c0_i32_0 : i32, i32
  }
  func.func @transform_3(%arg0: i32) -> (i32, i32) {
    %c0_i32 = arith.constant 0 : i32
    %c0_i32_0 = arith.constant 0 : i32
    %c0_i32_1 = arith.constant 0 : i32
    return %c0_i32, %c0_i32_0 : i32, i32
  }
  func.func @transform_4(%arg0: i32) -> (i32, i32) {
    %c0_i32 = arith.constant 0 : i32
    %c0_i32_0 = arith.constant 0 : i32
    %c0_i32_1 = arith.constant 0 : i32
    return %c0_i32, %c0_i32_0 : i32, i32
  }
  func.func @transform_5(%arg0: i32) -> (i32, i32) {
    %c0_i32 = arith.constant 0 : i32
    %c0_i32_0 = arith.constant 0 : i32
    return %arg0, %c0_i32 : i32, i32
  }
}

module attributes {stable_mosaic.version = 14 : i64} {
  func.func @_stage_c(%arg0: memref<2x500x16x48xf32, #tpu.memory_space<vmem>>, %arg1: memref<2x500x16x48xf32, #tpu.memory_space<vmem>>, %arg2: memref<1x1x32xf32, #tpu.memory_space<vmem>>, %arg3: memref<1x1x1xf32, #tpu.memory_space<vmem>>, %arg4: memref<1x32xf32, #tpu.memory_space<vmem>>, %arg5: memref<1x1xf32, #tpu.memory_space<vmem>>, %arg6: memref<500x1xf32, #tpu.memory_space<vmem>>) attributes {dimension_semantics = [], scalar_prefetch = 0 : i64, scratch_operands = 0 : i64, tpu.core_type = #tpu.core_type<tc>} {
    %get3A = arith.constant 0 : index
    %get3A_0 = arith.constant 0 : index
    %get3A_1 = arith.constant 0 : index
    %get3A_2 = arith.constant 0 : index
    %get3A_3 = vector.load %arg0[%get3A, %get3A_0, %get3A_1, %get3A_2] : memref<2x500x16x48xf32, #tpu.memory_space<vmem>>, vector<2x500x16x48xf32>
    %get3A_4 = arith.constant 0 : index
    %get3A_5 = arith.constant 0 : index
    %get3A_6 = arith.constant 0 : index
    %get3A_7 = arith.constant 0 : index
    %get3A_8 = vector.load %arg1[%get3A_4, %get3A_5, %get3A_6, %get3A_7] : memref<2x500x16x48xf32, #tpu.memory_space<vmem>>, vector<2x500x16x48xf32>
    %slice3A = vector.extract_strided_slice %get3A_3 {offsets = [0, 0, 0, 0], sizes = [1, 500, 16, 48], strides = [1, 1, 1, 1]} : vector<2x500x16x48xf32> to vector<1x500x16x48xf32>
    %squeeze3A = vector.shape_cast %slice3A : vector<1x500x16x48xf32> to vector<500x16x48xf32>
    %slice3A_9 = vector.extract_strided_slice %get3A_3 {offsets = [1, 0, 0, 0], sizes = [1, 500, 16, 48], strides = [1, 1, 1, 1]} : vector<2x500x16x48xf32> to vector<1x500x16x48xf32>
    %squeeze3A_10 = vector.shape_cast %slice3A_9 : vector<1x500x16x48xf32> to vector<500x16x48xf32>
    %add3A = arith.addf %squeeze3A, %squeeze3A_10 : vector<500x16x48xf32>
    %slice3A_11 = vector.extract_strided_slice %get3A_8 {offsets = [0, 0, 0, 0], sizes = [1, 500, 16, 48], strides = [1, 1, 1, 1]} : vector<2x500x16x48xf32> to vector<1x500x16x48xf32>
    %squeeze3A_12 = vector.shape_cast %slice3A_11 : vector<1x500x16x48xf32> to vector<500x16x48xf32>
    %slice3A_13 = vector.extract_strided_slice %get3A_8 {offsets = [1, 0, 0, 0], sizes = [1, 500, 16, 48], strides = [1, 1, 1, 1]} : vector<2x500x16x48xf32> to vector<1x500x16x48xf32>
    %squeeze3A_14 = vector.shape_cast %slice3A_13 : vector<1x500x16x48xf32> to vector<500x16x48xf32>
    %add3A_15 = arith.addf %squeeze3A_12, %squeeze3A_14 : vector<500x16x48xf32>
    %add3A_16 = arith.addf %add3A, %add3A_15 : vector<500x16x48xf32>
    %slice3A_17 = vector.extract_strided_slice %add3A_16 {offsets = [0, 0, 0], sizes = [500, 16, 32], strides = [1, 1, 1]} : vector<500x16x48xf32> to vector<500x16x32xf32>
    %slice3A_18 = vector.extract_strided_slice %add3A_16 {offsets = [0, 0, 32], sizes = [500, 16, 1], strides = [1, 1, 1]} : vector<500x16x48xf32> to vector<500x16x1xf32>
    %add3A_19 = arith.constant 1.000000e-16 : f32
    %add3A_20 = vector.broadcast %add3A_19 : f32 to vector<500x16x1xf32>
    %add3A_21 = arith.addf %slice3A_18, %add3A_20 : vector<500x16x1xf32>
    %div3A = vector.broadcast %add3A_21 : vector<500x16x1xf32> to vector<500x16x32xf32>
    %div3A_22 = arith.divf %slice3A_17, %div3A : vector<500x16x32xf32>
    %get3A_23 = arith.constant 0 : index
    %get3A_24 = arith.constant 0 : index
    %get3A_25 = arith.constant 0 : index
    %get3A_26 = vector.load %arg2[%get3A_23, %get3A_24, %get3A_25] : memref<1x1x32xf32, #tpu.memory_space<vmem>>, vector<1x1x32xf32>
    %mul3A = vector.broadcast %get3A_26 : vector<1x1x32xf32> to vector<500x16x32xf32>
    %mul3A_27 = arith.mulf %div3A_22, %mul3A : vector<500x16x32xf32>
    %reduce_sum3A = arith.constant dense<0.000000e+00> : vector<500x16xf32>
    %reduce_sum3A_28 = vector.multi_reduction <add>, %mul3A_27, %reduce_sum3A [2] : vector<500x16x32xf32> to vector<500x16xf32>
    %broadcast_in_dim3A = vector.shape_cast %reduce_sum3A_28 : vector<500x16xf32> to vector<500x16x1xf32>
    %get3A_29 = arith.constant 0 : index
    %get3A_30 = arith.constant 0 : index
    %get3A_31 = arith.constant 0 : index
    %get3A_32 = vector.load %arg3[%get3A_29, %get3A_30, %get3A_31] : memref<1x1x1xf32, #tpu.memory_space<vmem>>, vector<1x1x1xf32>
    %add3A_33 = vector.broadcast %get3A_32 : vector<1x1x1xf32> to vector<500x16x1xf32>
    %add3A_34 = arith.addf %broadcast_in_dim3A, %add3A_33 : vector<500x16x1xf32>
    %reduce_max3A = arith.constant dense<0xFF800000> : vector<500x1xf32>
    %reduce_max3A_35 = vector.multi_reduction <maximumf>, %add3A_34, %reduce_max3A [1] : vector<500x16x1xf32> to vector<500x1xf32>
    %broadcast_in_dim3A_36 = vector.shape_cast %reduce_max3A_35 : vector<500x1xf32> to vector<500x1x1xf32>
    %sub3A = vector.broadcast %broadcast_in_dim3A_36 : vector<500x1x1xf32> to vector<500x16x1xf32>
    %sub3A_37 = arith.subf %add3A_34, %sub3A : vector<500x16x1xf32>
    %exp3A = math.exp %sub3A_37 : vector<500x16x1xf32>
    %reduce_sum3A_38 = arith.constant dense<0.000000e+00> : vector<500x1xf32>
    %reduce_sum3A_39 = vector.multi_reduction <add>, %exp3A, %reduce_sum3A_38 [1] : vector<500x16x1xf32> to vector<500x1xf32>
    %broadcast_in_dim3A_40 = vector.shape_cast %reduce_sum3A_39 : vector<500x1xf32> to vector<500x1x1xf32>
    %div3A_41 = vector.broadcast %broadcast_in_dim3A_40 : vector<500x1x1xf32> to vector<500x16x1xf32>
    %div3A_42 = arith.divf %exp3A, %div3A_41 : vector<500x16x1xf32>
    %mul3A_43 = vector.broadcast %div3A_42 : vector<500x16x1xf32> to vector<500x16x32xf32>
    %mul3A_44 = arith.mulf %div3A_22, %mul3A_43 : vector<500x16x32xf32>
    %reduce_sum3A_45 = arith.constant dense<0.000000e+00> : vector<500x32xf32>
    %reduce_sum3A_46 = vector.multi_reduction <add>, %mul3A_44, %reduce_sum3A_45 [1] : vector<500x16x32xf32> to vector<500x32xf32>
    %get3A_47 = arith.constant 0 : index
    %get3A_48 = arith.constant 0 : index
    %get3A_49 = vector.load %arg4[%get3A_47, %get3A_48] : memref<1x32xf32, #tpu.memory_space<vmem>>, vector<1x32xf32>
    %mul3A_50 = vector.broadcast %get3A_49 : vector<1x32xf32> to vector<500x32xf32>
    %mul3A_51 = arith.mulf %reduce_sum3A_46, %mul3A_50 : vector<500x32xf32>
    %reduce_sum3A_52 = arith.constant dense<0.000000e+00> : vector<500xf32>
    %reduce_sum3A_53 = vector.multi_reduction <add>, %mul3A_51, %reduce_sum3A_52 [1] : vector<500x32xf32> to vector<500xf32>
    %broadcast_in_dim3A_54 = vector.shape_cast %reduce_sum3A_53 : vector<500xf32> to vector<500x1xf32>
    %get3A_55 = arith.constant 0 : index
    %get3A_56 = arith.constant 0 : index
    %get3A_57 = vector.load %arg5[%get3A_55, %get3A_56] : memref<1x1xf32, #tpu.memory_space<vmem>>, vector<1x1xf32>
    %add3A_58 = vector.broadcast %get3A_57 : vector<1x1xf32> to vector<500x1xf32>
    %add3A_59 = arith.addf %broadcast_in_dim3A_54, %add3A_58 : vector<500x1xf32>
    %swap3A = arith.constant 0 : index
    %swap3A_60 = arith.constant 0 : index
    %swap3A_61 = vector.load %arg6[%swap3A, %swap3A_60] : memref<500x1xf32, #tpu.memory_space<vmem>>, vector<500x1xf32>
    tpu.vector_store %arg6[%swap3A, %swap3A_60], %add3A_59 {strides = array<i32>} : memref<500x1xf32, #tpu.memory_space<vmem>>, vector<500x1xf32>,
    return
  }
}

</mosaic_0001>

<sc_bundles>
// kernel: kernel.10.cloned.1.call-start
scs
__scs_entry_jumppad:
0x0: {  	(pc) =	sbr.rel $0x88, $3  }
0x1: {  	(tag) =	ssettag $0x0;
	lr =	simm.s32 $0x1  }
0x2: {  	[smem:$0x3F97] =	sst lr;
	_ =	strace $0xD0000000  }
0x3: {  	_ = 	snop  }
0x4: {  	_ = 	snop  }
0x5: {  	_ = 	snop  }
0x6: {  	_ = 	snop  }
0x7: {  	_ = 	snop  }
__scs_overlays_trampoline_lowered:
0x8: {  	[smem:$0x3FA6] =	sst s0  }
0x9: {  	[smem:$0x3FA7] =	sst s1  }
0xa: {  	[smem:$0x3FA8] =	sst s2  }
0xb: {  	[smem:$0x3FA9] =	sst s3  }
0xc: {  	[smem:$0x3FAA] =	sst s4  }
0xd: {  	[smem:$0x3FAB] =	sst s5  }
0xe: {  	[smem:$0x3FAC] =	sst s6  }
0xf: {  	[smem:$0x3FAD] =	sst s7  }
0x10: {  	[smem:$0x3FAE] =	sst s8  }
0x11: {  	[smem:$0x3FAF] =	sst s9;
	s0 =	simm.s32 @!p0 $0x0  }
0x12: {  	s1 =	sld [smem:$0x3F95];
	s0 =	simm.s32 @p0 $0x1  }
0x13: {  	[smem:$0x3FB0] =	sst s0;
	s0 =	simm.s32 @!p1 $0x0  }
0x14: {  	s2 =	sld [smem:$0x3F94];
	s0 =	simm.s32 @p1 $0x1  }
0x15: {  	[smem:$0x3FB1] =	sst s0;
	s0 =	simm.s32 @!p2 $0x0  }
0x16: {  	s3 =	sld [smem:$0x3FDB];
	s0 =	simm.s32 @p2 $0x1  }
0x17: {  	s4 =	simm.s32 $0x1BF5;
	[smem:$0x3FB3] =	sst s0  }
0x18: {  	s0 =	sld [smem:$0x3F96];
	_ =	swait.ge [sflag:s4], $0x0  }
0x19: {  	s7 =	sld [smem:$0x3F97]  }
0x1a: {  	s8 =	sadd.s32 $0xFFFFE003, lr  }
0x1b: {  	s9 =	sadd.s32 $0xFFFFFEF7, lr;
	s5 =	simm.s32 $0xFFFFFFFF;
	p2 =	slt.u32 s8, $0xFFFFF086  }
0x1c: {  	p1 =	slt.u32 s9, $0xF7A;
	s5 =	simm.s32 @!p2 $0x0  }
0x1d: {  	s5 =	simm.s32 @p1 $0x1;
	p0 =	seq.s32 s7, s2  }
0x1e: {  	s7 =	smul.u32 @!p0 $0xF7A, s2;
	p2 =	seq.s32 @!p0 s5, $0x0  }
0x1f: {  	s9 =	smul.u32 $0xF7A, s1;
	s8 =	simm.s32 @!p0 $0x1BF5;
	p2 =	por !p2, p0  }
0x20: {  	[sflag:s8] =	ssyncset.s32 @!p0 $0xFFFFF086;
	s6 =	sadd.s32 @!p0 s3, s7;
	s7 =	simm.s32 @!p0 $0x108  }
0x21: {  	s3 =	sadd.s32 s3, s9;
	s6 =	sadd.s32 @!p0 $0x88, s6;
	s7 =	simm.s32 @p2 $0x1082  }
0x22: {  	[simem:s7], [sflag:s8] =	dma.local @!p0 [hbm:s6], $0xF7A  }
0x23: {  	s9 =	sor.u32 $0xD0000000, s2;
	s6 =	simm.s32 $0x108;
	_ =	swait.ge @!p0 [sflag:s8], $0x0  }
0x24: {  	s3 =	sadd.s32 $0x88, s3;
	s6 =	simm.s32 @!p1 $0x1082;
	[sflag:s4] =	ssyncset.s32 $0xFFFFF086  }
0x25: {  	[simem:s6], [sflag:s4] =	dma.local [hbm:s3], $0xF7A  }
0x26: {  	[smem:$0x3F97] =	sst s1;
	(tag) =	ssettag s2;
	_ =	strace s9  }
0x27: {  	s1 =	sld [smem:$0x3FA7]  }
0x28: {  	s2 =	sld [smem:$0x3FA8]  }
0x29: {  	s4 =	sld [smem:$0x3FAA]  }
0x2a: {  	p0 =	seq.s32 s5, $0x0;
	s5 =	sld [smem:$0x3FAB]  }
0x2b: {  	s6 =	sld [smem:$0x3FAC]  }
0x2c: {  	s7 =	sld [smem:$0x3FAD]  }
0x2d: {  	s3 =	simm.s32 $0x108;
	s8 =	sld [smem:$0x3FAE]  }
0x2e: {  	s3 =	simm.s32 @!p0 $0x1082;
	s9 =	sld [smem:$0x3FAF]  }
0x2f: {  	lr =	sadd.s32 s0, s3;
	s0 =	sld [smem:$0x3FA6]  }
0x30: {  	s3 =	sld [smem:$0x3FA9]  }
0x31: {  	[smem:$0x3FB2] =	sst s10  }
0x32: {  	s10 =	sld [smem:$0x3FB0];
	_ =	sdelay $0x3  }
0x33: {  	p0 =	seq.s32 s10, $0x1;
	s10 =	sld [smem:$0x3FB2];
	_ =	sdelay $0x3  }
0x34: {  	[smem:$0x3FB2] =	sst s10  }
0x35: {  	s10 =	sld [smem:$0x3FB1];
	_ =	sdelay $0x3  }
0x36: {  	p1 =	seq.s32 s10, $0x1;
	s10 =	sld [smem:$0x3FB2];
	_ =	sdelay $0x3  }
0x37: {  	[smem:$0x3FB2] =	sst s10  }
0x38: {  	s10 =	sld [smem:$0x3FB3]  }
0x39: {  	_ = 	snop;
	(pc) =	sbr.ind lr, $3  }
0x3a: {  	_ = 	snop  }
0x3b: {  	_ = 	snop  }
0x3c: {  	p2 =	seq.s32 s10, $0x1;
	s10 =	sld [smem:$0x3FB2]  }
0x3d: {  	_ =	shalt  }
0x3e: {  	_ =	shalt  }
0x3f: {  	_ =	shalt  }
0x40: {  	_ =	shalt  }
0x41: {  	_ =	shalt  }
0x42: {  	_ =	shalt  }
0x43: {  	_ =	shalt  }
0x44: {  	_ =	shalt  }
0x45: {  	_ =	shalt  }
0x46: {  	_ =	shalt  }
0x47: {  	_ =	shalt  }
0x48: {  	_ =	shalt  }
0x49: {  	_ =	shalt  }
0x4a: {  	_ =	shalt  }
0x4b: {  	_ =	shalt  }
0x4c: {  	_ =	shalt  }
0x4d: {  	_ =	shalt  }
0x4e: {  	_ =	shalt  }
0x4f: {  	_ =	shalt  }
0x50: {  	_ =	shalt  }
0x51: {  	_ =	shalt  }
0x52: {  	_ =	shalt  }
0x53: {  	_ =	shalt  }
0x54: {  	_ =	shalt  }
0x55: {  	_ =	shalt  }
0x56: {  	_ =	shalt  }
0x57: {  	_ =	shalt  }
0x58: {  	_ =	shalt  }
0x59: {  	_ =	shalt  }
0x5a: {  	_ =	shalt  }
0x5b: {  	_ =	shalt  }
0x5c: {  	_ =	shalt  }
0x5d: {  	_ =	shalt  }
0x5e: {  	_ =	shalt  }
0x5f: {  	_ =	shalt  }
0x60: {  	_ =	shalt  }
0x61: {  	_ =	shalt  }
0x62: {  	_ =	shalt  }
0x63: {  	_ =	shalt  }
0x64: {  	_ =	shalt  }
0x65: {  	_ =	shalt  }
0x66: {  	_ =	shalt  }
0x67: {  	_ =	shalt  }
0x68: {  	_ =	shalt  }
0x69: {  	_ =	shalt  }
0x6a: {  	_ =	shalt  }
0x6b: {  	_ =	shalt  }
0x6c: {  	_ =	shalt  }
0x6d: {  	_ =	shalt  }
0x6e: {  	_ =	shalt  }
0x6f: {  	_ =	shalt  }
0x70: {  	_ =	shalt  }
0x71: {  	_ =	shalt  }
0x72: {  	_ =	shalt  }
0x73: {  	_ =	shalt  }
0x74: {  	_ =	shalt  }
0x75: {  	_ =	shalt  }
0x76: {  	_ =	shalt  }
0x77: {  	_ =	shalt  }
0x78: {  	_ =	shalt  }
0x79: {  	_ =	shalt  }
0x7a: {  	_ =	shalt  }
0x7b: {  	_ =	shalt  }
0x7c: {  	_ =	shalt  }
0x7d: {  	_ =	shalt  }
0x7e: {  	_ =	shalt  }
0x7f: {  	_ =	shalt  }
0x80: {  	_ =	shalt  }
0x81: {  	_ =	shalt  }
0x82: {  	_ =	shalt  }
0x83: {  	_ =	shalt  }
0x84: {  	_ =	shalt  }
0x85: {  	_ =	shalt  }
0x86: {  	_ =	shalt  }
0x87: {  	_ =	shalt  }
.Lfunc_end0:
.L_simem_size_0:
called_computation.1_lowered:
.L_overlay_start_0:
0x88: {  	s2 =	sld [smem:$0x3FD9]  }
0x89: {  	s3 =	sld [smem:$0x3FFE];
	_ =	sdelay $0x1  }
0x8a: {  	s1 =	srdreg.scid  }
0x8b: {  	s0 =	sand.u32 $0x1, s1  }
0x8c: {  	s17 =	sshll.u32 s0, $0xA;
	s2 =	sadd.s32 s3, s2  }
0x8d: {  	s2 =	sadd.s32 s2, s17  }
0x8e: {  	[smem:$0x3FBE] =	sst s2  }
0x8f: {  	_ = 	snop  }
0x90: {  	(tm) =	ssettm $0x1  }
0x91: {  	s18 =	sld [smem:$0x3FFB];
	_ =	sdelay $0x3  }
0x92: {  	_ =	strace s18  }
0x93: {  	s2 =	sld [smem:$0x3FFC];
	_ =	sdelay $0x3  }
0x94: {  	_ =	strace s2  }
0x95: {  	s2 =	sld [smem:$0x3FFD];
	_ =	sdelay $0x3  }
0x96: {  	_ =	strace s2  }
0x97: {  	_ =	strace $0x8FFFFFFF  }
0x98: {  	s19 =	sld [smem:$0x3FDB];
	_ =	sdelay $0x1  }
0x99: {  	s20 =	simm.s32 $_scs_section_size  }
0x9a: {  	s4 =	simm.s32 $_size__tile_overlayer_lowered;
	s5 =	simm.s32 $_tile_overlayer_lowered  }
0x9b: {  	s6 =	simm.s32 $0x1BFF;
	s21 =	sshll.u32 s5, $0x1;
	s3 =	sadd.s32 s20, s19  }
0x9c: {  	s22 =	simm.s32 $0x0;
	s4 =	sshll.u32 s4, $0x1;
	s5 =	sadd.s32 s21, s3  }
0x9d: {  	[timem:s22], [sflag:s6] =	dma.local [hbm:s5], s4  }
0x9e: {  	_ =	swait.ge [sflag:s6], s4  }
0x9f: {  	s4 =	ssub.s32 $0x0, s4;
	[sflag:s6] =	ssyncset.done $0x0  }
0xa0: {  	[sflag:s6] =	ssyncadd.s32 s4;
	_ =	sdelay $0x1  }
0xa1: {  	s23 =	simm.s32 $0x1B8B  }
0xa2: {  	_ =	swait.ge [sflag:s23], $0x1  }
0xa3: {  	[sflag:s23] =	ssyncset.done $0x0  }
0xa4: {  	[sflag:s23] =	ssyncadd.s32 $0xFFFFFFFF  }
0xa5: {  	s4 =	sld [smem:$0x0]  }
0xa6: {  	s5 =	sand.u32 $0xFFFFFFFE, s1  }
0xa7: {  	p0 =	sne.s32 s1, s5  }
0xa8: {  	s5 =	sshll.u32 @p0 s5, $0xE  }
0xa9: {  	s5 =	sadd.s32 @p0 $0x11B8D, s5;
	s6 =	sshll.u32 @p0 s4, $0x11  }
0xaa: {  	s5 =	sor.u32 @p0 s6, s5  }
0xab: {  	[sflag:s5] =	ssyncadd.remote.s32 @p0 $0x1;
	_ =	sdelay $0x1  }
0xac: {  	s5 =	simm.s32 @p0 $0x1B8D  }
0xad: {  	_ =	swait.eq @p0 [sflag:s5], $0x1  }
0xae: {  	[sflag:s5] =	ssyncadd.s32 @p0 $0xFFFFFFFF  }
0xaf: {  	s6 =	sshll.u32 @!p0 s1, $0xE  }
0xb0: {  	s6 =	sor.u32 @!p0 $0x4000, s6;
	s5 =	simm.s32 @!p0 $0x1B8D  }
0xb1: {  	s4 =	sshll.u32 @!p0 s4, $0x11;
	s6 =	sadd.s32 @!p0 $0x11B8D, s6;
	_ =	swait.eq @!p0 [sflag:s5], $0x1  }
0xb2: {  	s4 =	sor.u32 @!p0 s4, s6;
	[sflag:s5] =	ssyncadd.s32 @!p0 $0xFFFFFFFF  }
0xb3: {  	s25 =	simm.s32 $0x1B8E;
	s24 =	sld [smem:$0x3FFE];
	[sflag:s4] =	ssyncadd.remote.s32 @!p0 $0x1  }
0xb4: {  	s26 =	simm.s32 $execute0_lowered;
	[smem:$0x3FD2] =	sst s25  }
0xb5: {  	s5 =	sshll.u32 s26, $0x1;
	_ =	strace $0x80000049;
	[dreg:$0x1] =	wrdreg $0xFFFFFFFF  }
0xb6: {  	s28 =	simm.s32 $_size_execute0_lowered;
	s3 =	sadd.s32 s3, s5;
	[dreg:$0x0] =	wrdreg $0x0  }
0xb7: {  	s5 =	sshll.u32 s28, $0x1;
	[dreg:$0x2] =	wrdreg s3  }
0xb8: {  	[dreg:$0x3] =	wrdreg s5  }
0xb9: {  	[dreg:$0x4] =	wrdreg $0xC0  }
0xba: {  	_ =	task [dreg:s22], $0x5FFFF  }
0xbb: {  	[dreg:$0x1] =	wrdreg $0xFFFFFFFF  }
0xbc: {  	[dreg:$0x0] =	wrdreg $0x60  }
0xbd: {  	[dreg:$0x2] =	wrdreg s24  }
0xbe: {  	[dreg:$0x3] =	wrdreg $0x17F000  }
0xbf: {  	[dreg:$0x4] =	wrdreg $0xA  }
0xc0: {  	_ =	task.clear_ibuf [dreg:s22], $0x5FFFF;
	_ =	strace $0x90000049  }
0xc1: {  	s29 =	simm.s32 $0xA;
	_ =	strace $0x8000004B  }
0xc2: {  	_ =	swait.ge [sflag:s29], $0x1  }
0xc3: {  	[sflag:s29] =	ssyncadd.s32 $0xFFFFFFFF  }
0xc4: {  	_ =	strace $0x9000004B  }
0xc5: {  	_ =	sfence  }
0xc6: {  	s30 =	sld [smem:$0x0];
	_ =	sdelay $0x2  }
0xc7: {  	s31 =	sshll.u32 s1, $0xD;
	s1 =	sshrl.u32 s1, $0x2  }
0xc8: {  	s4 =	sand.u32 $0x4000, s31;
	s1 =	sadd.s32 s1, s30  }
0xc9: {  	s0 =	sor.u32 s4, s0;
	s1 =	sshll.u32 s1, $0x11  }
0xca: {  	s0 =	sor.u32 s1, s0  }
0xcb: {  	s0 =	sadd.s32 $0x8F2B, s0  }
0xcc: {  	[sflag:s0] =	ssyncadd.remote.s32 $0x1  }
0xcd: {  	_ =	sfence.sel $0xFFFF  }
0xce: {  	[dreg:$0x0] =	wrdreg $0xFFFFFFFF;
	(pc) =	sbr.abs _section_cstart, $3  }
0xcf: {  	[dreg:$0x1] =	wrdreg $0xFFFFFFFF  }
0xd0: {  	_ =	task.clear_ibuf [dreg:s22], $0x2FFFF;
	_ =	strace $0x9FFFFFFF  }
0xd1: {  	(tm) =	ssettm $0x7FFFFFFF  }
tec
execute0_lowered:
.L_overlay_start_1:
0x0: {  	(tag) =	ssettag $0x1  }
0x1: {  	s0 =	srdreg.scid  }
0x2: {  	s14 =	stileid.u32;
	s4 =	rddreg [dreg:$0x0]  }
0x3: {  	s2 =	rddreg [dreg:$0x1];
	s3 =	simm.s32 $0x0;
	s18 =	simm.s32 $0x17B80  }
0x4: {  	s28 =	simm.s32 $0xEA60;
	s29 =	simm.s32 $0x11940;
	s17 =	simm.s32 $0x130B0  }
0x5: {  	s0 =	sand.u32 $0x1, s0;
	s1 =	sshll.u32 s14, $0x1;
	s7 =	smul.u32 $0xBB80, s14  }
0x6: {  	[smem:$0x7FF] =	sst s3;
	s8 =	sadd.s32 $0x22A00, s4;
	s9 =	smul.u32 $0x2EE00, s14  }
0x7: {  	p0 =	sgt.u32 s14, $0x7;
	s1 =	sor.u32 s0, s1;
	s6 =	smul.u32 $0x5DC00, s0  }
0x8: {  	s14 =	simm.s32 $0x0;
	s0 =	ssub.s32 $0x2, s0;
	s5 =	smul.u32 $0x1400, s1  }
0x9: {  	_ =	strace $0x8000004A;
	s10 =	smul.u32 $0x3A980, s1;
	s20 =	sshrl.u32 s0, $0x1  }
0xa: {  	s9 =	sshrl.u32 s9, $0x2;
	s1 =	smul.u32 $0x7530, s1;
	s6 =	sadd.s32 s7, s6  }
0xb: {  	s0 =	ssub.s32 s0, s20;
	s21 =	sadd.s32 s9, s2;
	s20 =	simm.s32 $0xBB80  }
0xc: {  	s5 =	sshrl.u32 s5, $0x3;
	s6 =	sshrl.u32 s6, $0x3;
	s10 =	sshrl.u32 s10, $0x3  }
0xd: {  	[dreg:$0x3] =	wrdreg s21;
	s9 =	sadd.s32 s8, s1;
	s31 =	smax.u32 s0, $0x1  }
0xe: {  	s21 =	simm.s32 $0x1;
	s5 =	sadd.s32 s5, s4;
	s4 =	sadd.s32 s6, s4  }
0xf: {  	s22 =	sadd.s32 s8, s10;
	s8 =	simm.s32 $0x2;
	[dreg:$0x8] =	wrdreg s9  }
0x10: {  	s6 =	simm.s32 $0x17E00;
	s10 =	sadd.s32 $0x6200, s5;
	s24 =	sadd.s32 $0x2EE0, s22  }
0x11: {  	s11 =	sadd.s32 $0x1770, s22;
	s25 =	sadd.s32 $0x5DC0, s22;
	[dreg:$0x5] =	wrdreg s24  }
0x12: {  	s12 =	sadd.s32 $0x6280, s5;
	s30 =	sadd.s32 $0x6400, s5;
	[dreg:$0x6] =	wrdreg s25  }
.Ltmp0:
0x13: {  	s13 =	sadd.s32 $0x6300, s5;
	[dreg:$0x7] =	wrdreg s30;
	(pc) =	sbr.rel .LBB2_1-.Ltmp0, $4  }
0x14: {  	s23 =	sadd.s32 $0x4650, s22;
	s26 =	sadd.s32 $0x6380, s5;
	[dreg:$0x9] =	wrdreg s10  }
0x15: {  	s19 =	sadd.s32 $0x10D000, s4;
	s4 =	sadd.s32 s7, s2;
	[dreg:$0xa] =	wrdreg s11  }
0x16: {  	s22 =	simm.s32 $0x7D;
	s0 =	sshrl.u32 @!p0 s4, $0x3;
	[dreg:$0xb] =	wrdreg s12  }
0x17: {  	v0 =	vimm.f32 $0.0e+00;
	s7 =	simm.s32 $0x17D80;
	s5 =	simm.s32 $0x17E80;
	[dreg:$0x4] =	wrdreg s0  }
.LBB2_4:
0x18: {  	[tilespmem:s16+$0x20] =	vst v0  }
0x19: {  	[tilespmem:s16+$0x0] =	vst v0  }
0x1a: {  	[tilespmem:s16+$0x10] =	vst v0;
	s15 =	rddreg [dreg:$0x3];
	s30 =	simm.s32 $0x3  }
0x1b: {  	[spmem:s15] =	stream.linear.scatter [tilespmem:s3], [sflag:$0x3], $0xBB80, $0x38;
	[tilespmem:$0x1DCC0] =	vst v63  }
0x1c: {  	_ =	swait.ge [sflag:s30], $0xBB80  }
0x1d: {  	[sflag:s30] =	ssyncset.done $0x0  }
0x1e: {  	s13 =	smov.u32 s23;
	s23 =	smov.u32 s24;
	[sflag:s30] =	ssyncadd.s32 $0xFFFF4480  }
.LBB2_5:
0x1f: {  	[bflag:$0x0] =	sbarrier.arrive $0xFFFF  }
0x20: {  	[tilespmem:s3], [sflag:$0x1] =	stream.linear.gather [hbm4b:s9+s3], $0xBB80, $0x38;
	[tilespmem:$0x1DCC0] =	vst v63  }
0x21: {  	s0 =	simm.s32 $0x17700  }
0x22: {  	[tilespmem:s0], [sflag:$0x1] =	stream.linear.gather [hbm4b:s10+s3], $0x400, $0x38;
	[tilespmem:$0x1DCC0] =	vst v63  }
0x23: {  	_ = 	snop  }
0x24: {  	[tilespmem:s20], [sflag:$0x1] =	stream.linear.gather [hbm4b:s11+s3], $0xBB80, $0x38;
	[tilespmem:$0x1DCC0] =	vst v63  }
0x25: {  	s25 =	simm.s32 $0x17B00  }
0x26: {  	[tilespmem:s25], [sflag:$0x1] =	stream.linear.gather [hbm4b:s12+s3], $0x400, $0x38;
	[tilespmem:$0x1DCC0] =	vst v63  }
0x27: {  	_ =	swait.ge [sflag:s21], $0xBB80  }
0x28: {  	[sflag:s21] =	ssyncset.done $0x0  }
0x29: {  	[sflag:s21] =	ssyncadd.s32 $0xFFFF4480  }
0x2a: {  	_ =	swait.ge [sflag:s21], $0x400  }
0x2b: {  	[sflag:s21] =	ssyncset.done $0x0  }
0x2c: {  	[sflag:s21] =	ssyncadd.s32 $0xFFFFFC00  }
0x2d: {  	[spmem:s2] =	stream.indirect.scatter.add.f32 [tilespmem:s3], [sflag:$0x2], $0x30, s0, s22, $0xb8;
	[tilespmem:$0x1DCC0] =	vst v63  }
0x2e: {  	s1 =	simm.s32 $0x1770;
	s4 =	simm.s32 $0x17780  }
0x2f: {  	[spmem:s2] =	stream.indirect.scatter.add.f32 [tilespmem:s1], [sflag:$0x2], $0x30, s4, s22, $0xb8;
	[tilespmem:$0x1DCC0] =	vst v63  }
0x30: {  	s24 =	simm.s32 $0x17800;
	s30 =	simm.s32 $0x2EE0  }
0x31: {  	[spmem:s2] =	stream.indirect.scatter.add.f32 [tilespmem:s30], [sflag:$0x2], $0x30, s24, s22, $0xb8;
	[tilespmem:$0x1DCC0] =	vst v63  }
0x32: {  	s9 =	simm.s32 $0x17880;
	s10 =	simm.s32 $0x4650  }
0x33: {  	[spmem:s2] =	stream.indirect.scatter.add.f32 [tilespmem:s10], [sflag:$0x2], $0x30, s9, s22, $0xb8;
	[tilespmem:$0x1DCC0] =	vst v63  }
0x34: {  	s11 =	simm.s32 $0x17900;
	s12 =	simm.s32 $0x5DC0  }
0x35: {  	[spmem:s2] =	stream.indirect.scatter.add.f32 [tilespmem:s12], [sflag:$0x2], $0x30, s11, s22, $0xb8;
	[tilespmem:$0x1DCC0] =	vst v63  }
0x36: {  	s15 =	simm.s32 $0x17980;
	s16 =	simm.s32 $0x7530  }
0x37: {  	[spmem:s2] =	stream.indirect.scatter.add.f32 [tilespmem:s16], [sflag:$0x2], $0x30, s15, s22, $0xb8;
	[tilespmem:$0x1DCC0] =	vst v63  }
0x38: {  	s24 =	simm.s32 $0x17A00;
	s30 =	simm.s32 $0x8CA0  }
0x39: {  	[spmem:s2] =	stream.indirect.scatter.add.f32 [tilespmem:s30], [sflag:$0x2], $0x30, s24, s22, $0xb8;
	[tilespmem:$0x1DCC0] =	vst v63  }
0x3a: {  	s9 =	simm.s32 $0x17A80;
	s10 =	simm.s32 $0xA410  }
0x3b: {  	[spmem:s2] =	stream.indirect.scatter.add.f32 [tilespmem:s10], [sflag:$0x2], $0x30, s9, s22, $0xb8;
	[tilespmem:$0x1DCC0] =	vst v63  }
0x3c: {  	_ =	swait.ge [sflag:s8], $0x1770  }
0x3d: {  	[sflag:s8] =	ssyncset.done $0x0  }
0x3e: {  	[sflag:s8] =	ssyncadd.s32 $0xFFFFE890  }
0x3f: {  	_ =	swait.ge [sflag:s8], $0x1770  }
0x40: {  	[sflag:s8] =	ssyncset.done $0x0  }
0x41: {  	[sflag:s8] =	ssyncadd.s32 $0xFFFFE890  }
0x42: {  	_ =	swait.ge [sflag:s8], $0x1770  }
0x43: {  	[sflag:s8] =	ssyncset.done $0x0  }
0x44: {  	[sflag:s8] =	ssyncadd.s32 $0xFFFFE890  }
0x45: {  	_ =	swait.ge [sflag:s8], $0x1770  }
0x46: {  	[sflag:s8] =	ssyncset.done $0x0  }
0x47: {  	[sflag:s8] =	ssyncadd.s32 $0xFFFFE890  }
0x48: {  	_ =	swait.ge [sflag:s8], $0x1770  }
0x49: {  	[sflag:s8] =	ssyncset.done $0x0  }
0x4a: {  	[sflag:s8] =	ssyncadd.s32 $0xFFFFE890  }
0x4b: {  	_ =	swait.ge [sflag:s8], $0x1770  }
0x4c: {  	[sflag:s8] =	ssyncset.done $0x0  }
0x4d: {  	[sflag:s8] =	ssyncadd.s32 $0xFFFFE890  }
0x4e: {  	_ =	swait.ge [sflag:s8], $0x1770  }
0x4f: {  	[sflag:s8] =	ssyncset.done $0x0  }
0x50: {  	[sflag:s8] =	ssyncadd.s32 $0xFFFFE890  }
0x51: {  	_ =	swait.ge [sflag:s8], $0x1770  }
0x52: {  	[sflag:s8] =	ssyncset.done $0x0  }
0x53: {  	s12 =	smov.u32 s13;
	s15 =	rddreg [dreg:$0x5];
	[sflag:s8] =	ssyncadd.s32 $0xFFFFE890  }
0x54: {  	[tilespmem:s3], [sflag:$0x1] =	stream.linear.gather [hbm4b:s15+s3], $0xBB80, $0x38;
	[tilespmem:$0x1DCC0] =	vst v63  }
0x55: {  	s13 =	smov.u32 s12  }
0x56: {  	[tilespmem:s0], [sflag:$0x1] =	stream.linear.gather [hbm4b:s13+s3], $0x400, $0x38;
	[tilespmem:$0x1DCC0] =	vst v63  }
0x57: {  	_ =	swait.ge [sflag:s21], $0xBB80  }
0x58: {  	[sflag:s21] =	ssyncset.done $0x0  }
0x59: {  	[sflag:s21] =	ssyncadd.s32 $0xFFFF4480  }
0x5a: {  	_ =	swait.ge [sflag:s21], $0x400  }
0x5b: {  	[sflag:s21] =	ssyncset.done $0x0  }
0x5c: {  	[sflag:s21] =	ssyncadd.s32 $0xFFFFFC00  }
0x5d: {  	[spmem:s2] =	stream.indirect.scatter.add.f32 [tilespmem:s20], [sflag:$0x2], $0x30, s25, s22, $0xb8;
	[tilespmem:$0x1DCC0] =	vst v63  }
0x5e: {  	s9 =	simm.s32 $0xD2F0  }
0x5f: {  	[spmem:s2] =	stream.indirect.scatter.add.f32 [tilespmem:s9], [sflag:$0x2], $0x30, s18, s22, $0xb8;
	[tilespmem:$0x1DCC0] =	vst v63  }
0x60: {  	s12 =	simm.s32 $0x17C00  }
0x61: {  	[spmem:s2] =	stream.indirect.scatter.add.f32 [tilespmem:s28], [sflag:$0x2], $0x30, s12, s22, $0xb8;
	[tilespmem:$0x1DCC0] =	vst v63  }
0x62: {  	s11 =	smov.u32 s23;
	s24 =	simm.s32 $0x101D0;
	s10 =	simm.s32 $0x17C80  }
0x63: {  	[spmem:s2] =	stream.indirect.scatter.add.f32 [tilespmem:s24], [sflag:$0x2], $0x30, s10, s22, $0xb8;
	[tilespmem:$0x1DCC0] =	vst v63  }
0x64: {  	s23 =	smov.u32 s11;
	s11 =	simm.s32 $0x17D00  }
0x65: {  	[spmem:s2] =	stream.indirect.scatter.add.f32 [tilespmem:s29], [sflag:$0x2], $0x30, s11, s22, $0xb8;
	[tilespmem:$0x1DCC0] =	vst v63  }
0x66: {  	_ = 	snop  }
0x67: {  	[spmem:s2] =	stream.indirect.scatter.add.f32 [tilespmem:s17], [sflag:$0x2], $0x30, s7, s22, $0xb8;
	[tilespmem:$0x1DCC0] =	vst v63  }
0x68: {  	s4 =	simm.s32 $0x14820  }
0x69: {  	[spmem:s2] =	stream.indirect.scatter.add.f32 [tilespmem:s4], [sflag:$0x2], $0x30, s6, s22, $0xb8;
	[tilespmem:$0x1DCC0] =	vst v63  }
0x6a: {  	s1 =	simm.s32 $0x15F90  }
0x6b: {  	[spmem:s2] =	stream.indirect.scatter.add.f32 [tilespmem:s1], [sflag:$0x2], $0x30, s5, s22, $0xb8;
	[tilespmem:$0x1DCC0] =	vst v63  }
0x6c: {  	_ =	swait.ge [sflag:s8], $0x1770  }
0x6d: {  	[sflag:s8] =	ssyncset.done $0x0  }
0x6e: {  	[sflag:s8] =	ssyncadd.s32 $0xFFFFE890  }
0x6f: {  	_ =	swait.ge [sflag:s8], $0x1770  }
0x70: {  	[sflag:s8] =	ssyncset.done $0x0  }
0x71: {  	[sflag:s8] =	ssyncadd.s32 $0xFFFFE890  }
0x72: {  	_ =	swait.ge [sflag:s8], $0x1770  }
0x73: {  	[sflag:s8] =	ssyncset.done $0x0  }
0x74: {  	[sflag:s8] =	ssyncadd.s32 $0xFFFFE890  }
0x75: {  	_ =	swait.ge [sflag:s8], $0x1770  }
0x76: {  	[sflag:s8] =	ssyncset.done $0x0  }
0x77: {  	[sflag:s8] =	ssyncadd.s32 $0xFFFFE890  }
0x78: {  	_ =	swait.ge [sflag:s8], $0x1770  }
0x79: {  	[sflag:s8] =	ssyncset.done $0x0  }
0x7a: {  	[sflag:s8] =	ssyncadd.s32 $0xFFFFE890  }
0x7b: {  	_ =	swait.ge [sflag:s8], $0x1770  }
0x7c: {  	[sflag:s8] =	ssyncset.done $0x0  }
0x7d: {  	[sflag:s8] =	ssyncadd.s32 $0xFFFFE890  }
0x7e: {  	_ =	swait.ge [sflag:s8], $0x1770  }
0x7f: {  	[sflag:s8] =	ssyncset.done $0x0  }
0x80: {  	[sflag:s8] =	ssyncadd.s32 $0xFFFFE890  }
0x81: {  	_ =	swait.ge [sflag:s8], $0x1770  }
0x82: {  	[sflag:s8] =	ssyncset.done $0x0  }
0x83: {  	[sflag:s8] =	ssyncadd.s32 $0xFFFFE890  }
0x84: {  	[tilespmem:s20], [sflag:$0x1] =	stream.linear.gather [hbm4b:s23+s3], $0xBB80, $0x38;
	[tilespmem:$0x1DCC0] =	vst v63  }
0x85: {  	s30 =	smov.u32 s26  }
0x86: {  	[tilespmem:s25], [sflag:$0x1] =	stream.linear.gather [hbm4b:s30+s3], $0x400, $0x38;
	[tilespmem:$0x1DCC0] =	vst v63  }
0x87: {  	_ =	swait.ge [sflag:s21], $0xBB80  }
0x88: {  	[sflag:s21] =	ssyncset.done $0x0  }
0x89: {  	[sflag:s21] =	ssyncadd.s32 $0xFFFF4480  }
0x8a: {  	_ =	swait.ge [sflag:s21], $0x400  }
0x8b: {  	[sflag:s21] =	ssyncset.done $0x0  }
0x8c: {  	[sflag:s21] =	ssyncadd.s32 $0xFFFFFC00  }
0x8d: {  	[spmem:s2] =	stream.indirect.scatter.add.f32 [tilespmem:s3], [sflag:$0x2], $0x30, s0, s22, $0xb8;
	[tilespmem:$0x1DCC0] =	vst v63  }
0x8e: {  	s16 =	simm.s32 $0x1770;
	s15 =	simm.s32 $0x17780  }
0x8f: {  	[spmem:s2] =	stream.indirect.scatter.add.f32 [tilespmem:s16], [sflag:$0x2], $0x30, s15, s22, $0xb8;
	[tilespmem:$0x1DCC0] =	vst v63  }
0x90: {  	s15 =	simm.s32 $0x17800;
	s16 =	simm.s32 $0x2EE0  }
0x91: {  	[spmem:s2] =	stream.indirect.scatter.add.f32 [tilespmem:s16], [sflag:$0x2], $0x30, s15, s22, $0xb8;
	[tilespmem:$0x1DCC0] =	vst v63  }
0x92: {  	s26 =	smov.u32 s30;
	s30 =	simm.s32 $0x17880;
	s16 =	simm.s32 $0x4650  }
0x93: {  	[spmem:s2] =	stream.indirect.scatter.add.f32 [tilespmem:s16], [sflag:$0x2], $0x30, s30, s22, $0xb8;
	[tilespmem:$0x1DCC0] =	vst v63  }
0x94: {  	s30 =	simm.s32 $0x17900;
	s16 =	simm.s32 $0x5DC0  }
0x95: {  	[spmem:s2] =	stream.indirect.scatter.add.f32 [tilespmem:s16], [sflag:$0x2], $0x30, s30, s22, $0xb8;
	[tilespmem:$0x1DCC0] =	vst v63  }
0x96: {  	s16 =	simm.s32 $0x17980;
	s30 =	simm.s32 $0x7530  }
0x97: {  	[spmem:s2] =	stream.indirect.scatter.add.f32 [tilespmem:s30], [sflag:$0x2], $0x30, s16, s22, $0xb8;
	[tilespmem:$0x1DCC0] =	vst v63  }
0x98: {  	s16 =	simm.s32 $0x17A00;
	s30 =	simm.s32 $0x8CA0  }
0x99: {  	[spmem:s2] =	stream.indirect.scatter.add.f32 [tilespmem:s30], [sflag:$0x2], $0x30, s16, s22, $0xb8;
	[tilespmem:$0x1DCC0] =	vst v63  }
0x9a: {  	s16 =	simm.s32 $0x17A80;
	s30 =	simm.s32 $0xA410  }
0x9b: {  	[spmem:s2] =	stream.indirect.scatter.add.f32 [tilespmem:s30], [sflag:$0x2], $0x30, s16, s22, $0xb8;
	[tilespmem:$0x1DCC0] =	vst v63  }
0x9c: {  	_ =	swait.ge [sflag:s8], $0x1770  }
0x9d: {  	[sflag:s8] =	ssyncset.done $0x0  }
0x9e: {  	[sflag:s8] =	ssyncadd.s32 $0xFFFFE890  }
0x9f: {  	_ =	swait.ge [sflag:s8], $0x1770  }
0xa0: {  	[sflag:s8] =	ssyncset.done $0x0  }
0xa1: {  	[sflag:s8] =	ssyncadd.s32 $0xFFFFE890  }
0xa2: {  	_ =	swait.ge [sflag:s8], $0x1770  }
0xa3: {  	[sflag:s8] =	ssyncset.done $0x0  }
0xa4: {  	[sflag:s8] =	ssyncadd.s32 $0xFFFFE890  }
0xa5: {  	_ =	swait.ge [sflag:s8], $0x1770  }
0xa6: {  	[sflag:s8] =	ssyncset.done $0x0  }
0xa7: {  	[sflag:s8] =	ssyncadd.s32 $0xFFFFE890  }
0xa8: {  	_ =	swait.ge [sflag:s8], $0x1770  }
0xa9: {  	[sflag:s8] =	ssyncset.done $0x0  }
0xaa: {  	[sflag:s8] =	ssyncadd.s32 $0xFFFFE890  }
0xab: {  	_ =	swait.ge [sflag:s8], $0x1770  }
0xac: {  	[sflag:s8] =	ssyncset.done $0x0  }
0xad: {  	[sflag:s8] =	ssyncadd.s32 $0xFFFFE890  }
0xae: {  	_ =	swait.ge [sflag:s8], $0x1770  }
0xaf: {  	[sflag:s8] =	ssyncset.done $0x0  }
0xb0: {  	[sflag:s8] =	ssyncadd.s32 $0xFFFFE890  }
0xb1: {  	_ =	swait.ge [sflag:s8], $0x1770  }
0xb2: {  	[sflag:s8] =	ssyncset.done $0x0  }
0xb3: {  	s30 =	rddreg [dreg:$0x6];
	[sflag:s8] =	ssyncadd.s32 $0xFFFFE890  }
0xb4: {  	[tilespmem:s3], [sflag:$0x1] =	stream.linear.gather [hbm4b:s30+s3], $0xBB80, $0x38;
	[tilespmem:$0x1DCC0] =	vst v63  }
0xb5: {  	s30 =	rddreg [dreg:$0x7]  }
0xb6: {  	[tilespmem:s0], [sflag:$0x1] =	stream.linear.gather [hbm4b:s30+s3], $0x400, $0x38;
	[tilespmem:$0x1DCC0] =	vst v63  }
0xb7: {  	_ =	swait.ge [sflag:s21], $0xBB80  }
0xb8: {  	[sflag:s21] =	ssyncset.done $0x0  }
0xb9: {  	[sflag:s21] =	ssyncadd.s32 $0xFFFF4480  }
0xba: {  	_ =	swait.ge [sflag:s21], $0x400  }
0xbb: {  	[sflag:s21] =	ssyncset.done $0x0  }
0xbc: {  	[sflag:s21] =	ssyncadd.s32 $0xFFFFFC00  }
0xbd: {  	[spmem:s2] =	stream.indirect.scatter.add.f32 [tilespmem:s20], [sflag:$0x2], $0x30, s25, s22, $0xb8;
	[tilespmem:$0x1DCC0] =	vst v63  }
0xbe: {  	_ = 	snop  }
0xbf: {  	[spmem:s2] =	stream.indirect.scatter.add.f32 [tilespmem:s9], [sflag:$0x2], $0x30, s18, s22, $0xb8;
	[tilespmem:$0x1DCC0] =	vst v63  }
0xc0: {  	_ = 	snop  }
0xc1: {  	[spmem:s2] =	stream.indirect.scatter.add.f32 [tilespmem:s28], [sflag:$0x2], $0x30, s12, s22, $0xb8;
	[tilespmem:$0x1DCC0] =	vst v63  }
0xc2: {  	_ = 	snop  }
0xc3: {  	[spmem:s2] =	stream.indirect.scatter.add.f32 [tilespmem:s24], [sflag:$0x2], $0x30, s10, s22, $0xb8;
	[tilespmem:$0x1DCC0] =	vst v63  }
0xc4: {  	_ = 	snop  }
0xc5: {  	[spmem:s2] =	stream.indirect.scatter.add.f32 [tilespmem:s29], [sflag:$0x2], $0x30, s11, s22, $0xb8;
	[tilespmem:$0x1DCC0] =	vst v63  }
0xc6: {  	_ = 	snop  }
0xc7: {  	[spmem:s2] =	stream.indirect.scatter.add.f32 [tilespmem:s17], [sflag:$0x2], $0x30, s7, s22, $0xb8;
	[tilespmem:$0x1DCC0] =	vst v63  }
0xc8: {  	_ = 	snop  }
0xc9: {  	[spmem:s2] =	stream.indirect.scatter.add.f32 [tilespmem:s4], [sflag:$0x2], $0x30, s6, s22, $0xb8;
	[tilespmem:$0x1DCC0] =	vst v63  }
0xca: {  	_ = 	snop  }
0xcb: {  	[spmem:s2] =	stream.indirect.scatter.add.f32 [tilespmem:s1], [sflag:$0x2], $0x30, s5, s22, $0xb8;
	[tilespmem:$0x1DCC0] =	vst v63  }
0xcc: {  	_ =	swait.ge [sflag:s8], $0x1770  }
0xcd: {  	[sflag:s8] =	ssyncset.done $0x0  }
0xce: {  	[sflag:s8] =	ssyncadd.s32 $0xFFFFE890  }
0xcf: {  	_ =	swait.ge [sflag:s8], $0x1770  }
0xd0: {  	[sflag:s8] =	ssyncset.done $0x0  }
0xd1: {  	[sflag:s8] =	ssyncadd.s32 $0xFFFFE890  }
0xd2: {  	_ =	swait.ge [sflag:s8], $0x1770  }
0xd3: {  	[sflag:s8] =	ssyncset.done $0x0  }
0xd4: {  	[sflag:s8] =	ssyncadd.s32 $0xFFFFE890  }
0xd5: {  	_ =	swait.ge [sflag:s8], $0x1770  }
0xd6: {  	[sflag:s8] =	ssyncset.done $0x0  }
0xd7: {  	[sflag:s8] =	ssyncadd.s32 $0xFFFFE890  }
0xd8: {  	_ =	swait.ge [sflag:s8], $0x1770  }
0xd9: {  	[sflag:s8] =	ssyncset.done $0x0  }
0xda: {  	[sflag:s8] =	ssyncadd.s32 $0xFFFFE890  }
0xdb: {  	_ =	swait.ge [sflag:s8], $0x1770  }
0xdc: {  	[sflag:s8] =	ssyncset.done $0x0  }
0xdd: {  	[sflag:s8] =	ssyncadd.s32 $0xFFFFE890  }
0xde: {  	_ =	swait.ge [sflag:s8], $0x1770  }
0xdf: {  	[sflag:s8] =	ssyncset.done $0x0  }
0xe0: {  	[sflag:s8] =	ssyncadd.s32 $0xFFFFE890  }
0xe1: {  	_ =	swait.ge [sflag:s8], $0x1770  }
0xe2: {  	[sflag:s8] =	ssyncset.done $0x0  }
0xe3: {  	[sflag:s8] =	ssyncadd.s32 $0xFFFFE890  }
0xe4: {  	_ =	swait.ge [sflag:s21], $0xBB80  }
0xe5: {  	[sflag:s21] =	ssyncset.done $0x0  }
0xe6: {  	[sflag:s21] =	ssyncadd.s32 $0xFFFF4480  }
0xe7: {  	_ =	swait.ge [sflag:s21], $0x400  }
0xe8: {  	[sflag:s21] =	ssyncset.done $0x0  }
0xe9: {  	[sflag:s21] =	ssyncadd.s32 $0xFFFFFC00  }
0xea: {  	[spmem:s2] =	stream.indirect.scatter.add.f32 [tilespmem:s3], [sflag:$0x2], $0x30, s0, s22, $0xb8;
	[tilespmem:$0x1DCC0] =	vst v63  }
0xeb: {  	s30 =	simm.s32 $0x1770;
	s25 =	simm.s32 $0x17780  }
0xec: {  	[spmem:s2] =	stream.indirect.scatter.add.f32 [tilespmem:s30], [sflag:$0x2], $0x30, s25, s22, $0xb8;
	[tilespmem:$0x1DCC0] =	vst v63  }
0xed: {  	s1 =	simm.s32 $0x2EE0  }
0xee: {  	[spmem:s2] =	stream.indirect.scatter.add.f32 [tilespmem:s1], [sflag:$0x2], $0x30, s15, s22, $0xb8;
	[tilespmem:$0x1DCC0] =	vst v63  }
0xef: {  	s9 =	simm.s32 $0x17880;
	s4 =	simm.s32 $0x4650  }
0xf0: {  	[spmem:s2] =	stream.indirect.scatter.add.f32 [tilespmem:s4], [sflag:$0x2], $0x30, s9, s22, $0xb8;
	[tilespmem:$0x1DCC0] =	vst v63  }
0xf1: {  	s10 =	simm.s32 $0x17900;
	s11 =	simm.s32 $0x5DC0  }
0xf2: {  	[spmem:s2] =	stream.indirect.scatter.add.f32 [tilespmem:s11], [sflag:$0x2], $0x30, s10, s22, $0xb8;
	[tilespmem:$0x1DCC0] =	vst v63  }
0xf3: {  	s12 =	simm.s32 $0x7530;
	s15 =	simm.s32 $0x17980;
	s9 =	rddreg [dreg:$0x8]  }
0xf4: {  	[spmem:s2] =	stream.indirect.scatter.add.f32 [tilespmem:s12], [sflag:$0x2], $0x30, s15, s22, $0xb8;
	[tilespmem:$0x1DCC0] =	vst v63  }
0xf5: {  	s24 =	simm.s32 $0x8CA0;
	s25 =	simm.s32 $0x17A00;
	s11 =	rddreg [dreg:$0xa]  }
0xf6: {  	[spmem:s2] =	stream.indirect.scatter.add.f32 [tilespmem:s24], [sflag:$0x2], $0x30, s25, s22, $0xb8;
	[tilespmem:$0x1DCC0] =	vst v63  }
0xf7: {  	s30 =	simm.s32 $0xA410;
	s10 =	rddreg [dreg:$0x9]  }
0xf8: {  	[spmem:s2] =	stream.indirect.scatter.add.f32 [tilespmem:s30], [sflag:$0x2], $0x30, s16, s22, $0xb8;
	[tilespmem:$0x1DCC0] =	vst v63  }
0xf9: {  	s12 =	rddreg [dreg:$0xb];
	_ =	swait.ge [sflag:s8], $0x1770  }
0xfa: {  	[sflag:s8] =	ssyncset.done $0x0  }
0xfb: {  	[sflag:s8] =	ssyncadd.s32 $0xFFFFE890  }
0xfc: {  	_ =	swait.ge [sflag:s8], $0x1770  }
0xfd: {  	[sflag:s8] =	ssyncset.done $0x0  }
0xfe: {  	[sflag:s8] =	ssyncadd.s32 $0xFFFFE890  }
0xff: {  	_ =	swait.ge [sflag:s8], $0x1770  }
0x100: {  	[sflag:s8] =	ssyncset.done $0x0  }
0x101: {  	[sflag:s8] =	ssyncadd.s32 $0xFFFFE890  }
0x102: {  	_ =	swait.ge [sflag:s8], $0x1770  }
0x103: {  	[sflag:s8] =	ssyncset.done $0x0  }
0x104: {  	[sflag:s8] =	ssyncadd.s32 $0xFFFFE890  }
0x105: {  	_ =	swait.ge [sflag:s8], $0x1770  }
0x106: {  	[sflag:s8] =	ssyncset.done $0x0  }
0x107: {  	[sflag:s8] =	ssyncadd.s32 $0xFFFFE890  }
0x108: {  	_ =	swait.ge [sflag:s8], $0x1770  }
0x109: {  	[sflag:s8] =	ssyncset.done $0x0  }
0x10a: {  	[sflag:s8] =	ssyncadd.s32 $0xFFFFE890  }
0x10b: {  	_ =	swait.ge [sflag:s8], $0x1770  }
0x10c: {  	[sflag:s8] =	ssyncset.done $0x0  }
0x10d: {  	[sflag:s8] =	ssyncadd.s32 $0xFFFFE890  }
0x10e: {  	_ =	swait.ge [sflag:s8], $0x1770  }
0x10f: {  	[sflag:s8] =	ssyncset.done $0x0  }
0x110: {  	s0 =	stileid.u32;
	[sflag:s8] =	ssyncadd.s32 $0xFFFFE890  }
0x111: {  	s14 =	sadd.s32 $0x1, s14;
	s15 =	sshll.u32 @!p0 s0, $0x6;
	[bflag:$0x0] =	sbarrier.arrive $0xFFFF  }
0x112: {  	p1 =	sne.s32 s14, s31;
	s15 =	sor.u32 @!p0 $0x1C03, s15;
	s16 =	rddreg [dreg:$0x4]  }
0x113: {  	[hbm:s19], [sflag:s15] =	dma.local @!p0 [spmem:s16], $0x1770  }
.Ltmp1:
0x114: {  	_ = 	snop;
	(pc) =	sbr.rel @!p1 .LBB2_6-.Ltmp1, $4  }
0x115: {  	s15 =	simm.s32 @!p0 $0x3  }
0x116: {  	_ =	swait.ge @!p0 [sflag:s15], $0x1770  }
0x117: {  	[sflag:s15] =	ssyncset.done @!p0 $0x0  }
0x118: {  	[sflag:s15] =	ssyncadd.s32 @!p0 $0xFFFFE890  }
.LBB2_1:
.Ltmp2:
0x119: {  	(pc) =	sbr.rel @p0 .LBB2_5-.Ltmp2, $1  }
0x11a: {  	_ =	sdelay $0x3  }
0x11b: {  	s24 =	smov.u32 s23  }
0x11c: {  	s23 =	smov.u32 s13;
	s15 =	simm.s32 $0xC0;
	s16 =	simm.s32 $0x0  }
.LBB2_3:
0x11d: {  	p1 =	sne.s32 s15, $0x2ED40;
	[tilespmem:s16+$0x20] =	vst v0;
	s25 =	smov.u32 s15;
	s15 =	sadd.s32 $0xC0, s15  }
.Ltmp3:
0x11e: {  	[tilespmem:s16+$0x0] =	vst v0;
	(pc) =	sbr.rel @p1 .LBB2_3-.Ltmp3, $2  }
0x11f: {  	[tilespmem:s16+$0x10] =	vst v0;
	_ =	sdelay $0x2  }
0x120: {  	s16 =	sshra.s32 s25, $0x2  }
.Ltmp4:
0x121: {  	_ = 	snop;
	(pc) =	sbr.rel .LBB2_4-.Ltmp4, $1  }
0x122: {  	_ =	sdelay $0x3  }
.LBB2_6:
0x123: {  	_ =	sfence.sel $0x180000  }
0x124: {  	[bflag:$0x0] =	sbarrier.arrive $0xFFFF  }
0x125: {  	_ =	strace $0x9000004A  }
0x126: {  	s0 =	stileid.u32;
	[bflag:$0x2] =	sbarrier.arrive $0xFFFF  }
0x127: {  	p0 =	sne.s32 s0, $0x0;
	s0 =	rddreg [dreg:$0x2]  }
0x128: {  	s0 =	sadd.s32 @!p0 $0x100000, s0  }
0x129: {  	[sflag:s0] =	ssyncadd.tile.s32 @!p0 $0x1;
	_ =	shalt  }
.Lfunc_end2:
_tile_overlayer_lowered:
.L_overlay_start_2:
0x12a: {  	(tag) =	ssettag $0x2  }
0x12b: {  	s0 =	rddreg [dreg:$0x0];
	s2 =	stileid.u32  }
0x12c: {  	s1 =	rddreg [dreg:$0x1];
	p0 =	sne.s32 s2, $0x0  }
0x12d: {  	s3 =	rddreg [dreg:$0x2];
	[bflag:$0x3] =	sbarrier.arrive $0xFFFF;
	s2 =	simm.s32 @!p0 $0x1C03  }
0x12e: {  	[timem:s3], [sflag:s2] =	dma.local @!p0 [hbm:s0], s1  }
0x12f: {  	s0 =	simm.s32 @!p0 $0x3  }
0x130: {  	_ =	swait.ge @!p0 [sflag:s0], s1  }
0x131: {  	s1 =	ssub.s32 @!p0 $0x0, s1;
	[sflag:s0] =	ssyncset.done @!p0 $0x0  }
0x132: {  	[sflag:s0] =	ssyncadd.s32 @!p0 s1  }
0x133: {  	[bflag:$0x3] =	sbarrier.arrive $0xFFFF  }
0x134: {  	_ =	shalt  }

// kernel: kernel.7.cloned.1.call-start
scs
__scs_entry_jumppad:
0x0: {  	(pc) =	sbr.rel $0x88, $3  }
0x1: {  	(tag) =	ssettag $0x0;
	lr =	simm.s32 $0x1  }
0x2: {  	[smem:$0x3F97] =	sst lr;
	_ =	strace $0xD0000000  }
0x3: {  	_ = 	snop  }
0x4: {  	_ = 	snop  }
0x5: {  	_ = 	snop  }
0x6: {  	_ = 	snop  }
0x7: {  	_ = 	snop  }
__scs_overlays_trampoline_lowered:
0x8: {  	[smem:$0x3FA6] =	sst s0  }
0x9: {  	[smem:$0x3FA7] =	sst s1  }
0xa: {  	[smem:$0x3FA8] =	sst s2  }
0xb: {  	[smem:$0x3FA9] =	sst s3  }
0xc: {  	[smem:$0x3FAA] =	sst s4  }
0xd: {  	[smem:$0x3FAB] =	sst s5  }
0xe: {  	[smem:$0x3FAC] =	sst s6  }
0xf: {  	[smem:$0x3FAD] =	sst s7  }
0x10: {  	[smem:$0x3FAE] =	sst s8  }
0x11: {  	[smem:$0x3FAF] =	sst s9;
	s0 =	simm.s32 @!p0 $0x0  }
0x12: {  	s1 =	sld [smem:$0x3F95];
	s0 =	simm.s32 @p0 $0x1  }
0x13: {  	[smem:$0x3FB0] =	sst s0;
	s0 =	simm.s32 @!p1 $0x0  }
0x14: {  	s2 =	sld [smem:$0x3F94];
	s0 =	simm.s32 @p1 $0x1  }
0x15: {  	[smem:$0x3FB1] =	sst s0;
	s0 =	simm.s32 @!p2 $0x0  }
0x16: {  	s3 =	sld [smem:$0x3FDB];
	s0 =	simm.s32 @p2 $0x1  }
0x17: {  	s4 =	simm.s32 $0x1BF5;
	[smem:$0x3FB3] =	sst s0  }
0x18: {  	s0 =	sld [smem:$0x3F96];
	_ =	swait.ge [sflag:s4], $0x0  }
0x19: {  	s7 =	sld [smem:$0x3F97]  }
0x1a: {  	s8 =	sadd.s32 $0xFFFFE003, lr  }
0x1b: {  	s9 =	sadd.s32 $0xFFFFFEF7, lr;
	s5 =	simm.s32 $0xFFFFFFFF;
	p2 =	slt.u32 s8, $0xFFFFF086  }
0x1c: {  	p1 =	slt.u32 s9, $0xF7A;
	s5 =	simm.s32 @!p2 $0x0  }
0x1d: {  	s5 =	simm.s32 @p1 $0x1;
	p0 =	seq.s32 s7, s2  }
0x1e: {  	s7 =	smul.u32 @!p0 $0xF7A, s2;
	p2 =	seq.s32 @!p0 s5, $0x0  }
0x1f: {  	s9 =	smul.u32 $0xF7A, s1;
	s8 =	simm.s32 @!p0 $0x1BF5;
	p2 =	por !p2, p0  }
0x20: {  	[sflag:s8] =	ssyncset.s32 @!p0 $0xFFFFF086;
	s6 =	sadd.s32 @!p0 s3, s7;
	s7 =	simm.s32 @!p0 $0x108  }
0x21: {  	s3 =	sadd.s32 s3, s9;
	s6 =	sadd.s32 @!p0 $0x88, s6;
	s7 =	simm.s32 @p2 $0x1082  }
0x22: {  	[simem:s7], [sflag:s8] =	dma.local @!p0 [hbm:s6], $0xF7A  }
0x23: {  	s9 =	sor.u32 $0xD0000000, s2;
	s6 =	simm.s32 $0x108;
	_ =	swait.ge @!p0 [sflag:s8], $0x0  }
0x24: {  	s3 =	sadd.s32 $0x88, s3;
	s6 =	simm.s32 @!p1 $0x1082;
	[sflag:s4] =	ssyncset.s32 $0xFFFFF086  }
0x25: {  	[simem:s6], [sflag:s4] =	dma.local [hbm:s3], $0xF7A  }
0x26: {  	[smem:$0x3F97] =	sst s1;
	(tag) =	ssettag s2;
	_ =	strace s9  }
0x27: {  	s1 =	sld [smem:$0x3FA7]  }
0x28: {  	s2 =	sld [smem:$0x3FA8]  }
0x29: {  	s4 =	sld [smem:$0x3FAA]  }
0x2a: {  	p0 =	seq.s32 s5, $0x0;
	s5 =	sld [smem:$0x3FAB]  }
0x2b: {  	s6 =	sld [smem:$0x3FAC]  }
0x2c: {  	s7 =	sld [smem:$0x3FAD]  }
0x2d: {  	s3 =	simm.s32 $0x108;
	s8 =	sld [smem:$0x3FAE]  }
0x2e: {  	s3 =	simm.s32 @!p0 $0x1082;
	s9 =	sld [smem:$0x3FAF]  }
0x2f: {  	lr =	sadd.s32 s0, s3;
	s0 =	sld [smem:$0x3FA6]  }
0x30: {  	s3 =	sld [smem:$0x3FA9]  }
0x31: {  	[smem:$0x3FB2] =	sst s10  }
0x32: {  	s10 =	sld [smem:$0x3FB0];
	_ =	sdelay $0x3  }
0x33: {  	p0 =	seq.s32 s10, $0x1;
	s10 =	sld [smem:$0x3FB2];
	_ =	sdelay $0x3  }
0x34: {  	[smem:$0x3FB2] =	sst s10  }
0x35: {  	s10 =	sld [smem:$0x3FB1];
	_ =	sdelay $0x3  }
0x36: {  	p1 =	seq.s32 s10, $0x1;
	s10 =	sld [smem:$0x3FB2];
	_ =	sdelay $0x3  }
0x37: {  	[smem:$0x3FB2] =	sst s10  }
0x38: {  	s10 =	sld [smem:$0x3FB3]  }
0x39: {  	_ = 	snop;
	(pc) =	sbr.ind lr, $3  }
0x3a: {  	_ = 	snop  }
0x3b: {  	_ = 	snop  }
0x3c: {  	p2 =	seq.s32 s10, $0x1;
	s10 =	sld [smem:$0x3FB2]  }
0x3d: {  	_ =	shalt  }
0x3e: {  	_ =	shalt  }
0x3f: {  	_ =	shalt  }
0x40: {  	_ =	shalt  }
0x41: {  	_ =	shalt  }
0x42: {  	_ =	shalt  }
0x43: {  	_ =	shalt  }
0x44: {  	_ =	shalt  }
0x45: {  	_ =	shalt  }
0x46: {  	_ =	shalt  }
0x47: {  	_ =	shalt  }
0x48: {  	_ =	shalt  }
0x49: {  	_ =	shalt  }
0x4a: {  	_ =	shalt  }
0x4b: {  	_ =	shalt  }
0x4c: {  	_ =	shalt  }
0x4d: {  	_ =	shalt  }
0x4e: {  	_ =	shalt  }
0x4f: {  	_ =	shalt  }
0x50: {  	_ =	shalt  }
0x51: {  	_ =	shalt  }
0x52: {  	_ =	shalt  }
0x53: {  	_ =	shalt  }
0x54: {  	_ =	shalt  }
0x55: {  	_ =	shalt  }
0x56: {  	_ =	shalt  }
0x57: {  	_ =	shalt  }
0x58: {  	_ =	shalt  }
0x59: {  	_ =	shalt  }
0x5a: {  	_ =	shalt  }
0x5b: {  	_ =	shalt  }
0x5c: {  	_ =	shalt  }
0x5d: {  	_ =	shalt  }
0x5e: {  	_ =	shalt  }
0x5f: {  	_ =	shalt  }
0x60: {  	_ =	shalt  }
0x61: {  	_ =	shalt  }
0x62: {  	_ =	shalt  }
0x63: {  	_ =	shalt  }
0x64: {  	_ =	shalt  }
0x65: {  	_ =	shalt  }
0x66: {  	_ =	shalt  }
0x67: {  	_ =	shalt  }
0x68: {  	_ =	shalt  }
0x69: {  	_ =	shalt  }
0x6a: {  	_ =	shalt  }
0x6b: {  	_ =	shalt  }
0x6c: {  	_ =	shalt  }
0x6d: {  	_ =	shalt  }
0x6e: {  	_ =	shalt  }
0x6f: {  	_ =	shalt  }
0x70: {  	_ =	shalt  }
0x71: {  	_ =	shalt  }
0x72: {  	_ =	shalt  }
0x73: {  	_ =	shalt  }
0x74: {  	_ =	shalt  }
0x75: {  	_ =	shalt  }
0x76: {  	_ =	shalt  }
0x77: {  	_ =	shalt  }
0x78: {  	_ =	shalt  }
0x79: {  	_ =	shalt  }
0x7a: {  	_ =	shalt  }
0x7b: {  	_ =	shalt  }
0x7c: {  	_ =	shalt  }
0x7d: {  	_ =	shalt  }
0x7e: {  	_ =	shalt  }
0x7f: {  	_ =	shalt  }
0x80: {  	_ =	shalt  }
0x81: {  	_ =	shalt  }
0x82: {  	_ =	shalt  }
0x83: {  	_ =	shalt  }
0x84: {  	_ =	shalt  }
0x85: {  	_ =	shalt  }
0x86: {  	_ =	shalt  }
0x87: {  	_ =	shalt  }
.Lfunc_end0:
.L_simem_size_0:
called_computation_lowered:
.L_overlay_start_0:
0x88: {  	s2 =	sld [smem:$0x3FD9]  }
0x89: {  	s3 =	sld [smem:$0x3FFE];
	_ =	sdelay $0x1  }
0x8a: {  	s1 =	srdreg.scid  }
0x8b: {  	s0 =	sand.u32 $0x1, s1  }
0x8c: {  	s16 =	sshll.u32 s0, $0xA;
	s2 =	sadd.s32 s3, s2  }
0x8d: {  	s2 =	sadd.s32 s2, s16  }
0x8e: {  	[smem:$0x3FBE] =	sst s2  }
0x8f: {  	_ = 	snop  }
0x90: {  	(tm) =	ssettm $0x1  }
0x91: {  	s17 =	sld [smem:$0x3FFB];
	_ =	sdelay $0x3  }
0x92: {  	_ =	strace s17  }
0x93: {  	s2 =	sld [smem:$0x3FFC];
	_ =	sdelay $0x3  }
0x94: {  	_ =	strace s2  }
0x95: {  	s2 =	sld [smem:$0x3FFD];
	_ =	sdelay $0x3  }
0x96: {  	_ =	strace s2  }
0x97: {  	_ =	strace $0x8FFFFFFF  }
0x98: {  	s18 =	sld [smem:$0x3FDB];
	_ =	sdelay $0x1  }
0x99: {  	s19 =	simm.s32 $_scs_section_size  }
0x9a: {  	s4 =	simm.s32 $_size__tile_overlayer_lowered;
	s5 =	simm.s32 $_tile_overlayer_lowered  }
0x9b: {  	s22 =	simm.s32 $0x1BFF;
	s21 =	sshll.u32 s5, $0x1;
	s2 =	sadd.s32 s19, s18  }
0x9c: {  	s6 =	simm.s32 $0x0;
	s20 =	sshll.u32 s4, $0x1;
	s4 =	sadd.s32 s21, s2  }
0x9d: {  	[timem:s6], [sflag:s22] =	dma.local [hbm:s4], s20  }
0x9e: {  	_ =	swait.ge [sflag:s22], s20  }
0x9f: {  	s3 =	ssub.s32 $0x0, s20;
	[sflag:s22] =	ssyncset.done $0x0  }
0xa0: {  	[sflag:s22] =	ssyncadd.s32 s3;
	_ =	sdelay $0x1  }
0xa1: {  	s23 =	simm.s32 $0x1B8B  }
0xa2: {  	_ =	swait.ge [sflag:s23], $0x1  }
0xa3: {  	[sflag:s23] =	ssyncset.done $0x0  }
0xa4: {  	s25 =	simm.s32 $0x1B8E;
	s24 =	sld [smem:$0x3FFE];
	[sflag:s23] =	ssyncadd.s32 $0xFFFFFFFF  }
0xa5: {  	s26 =	simm.s32 $execute0_lowered;
	[smem:$0x3FD2] =	sst s25  }
0xa6: {  	s4 =	sshll.u32 s26, $0x1;
	_ =	strace $0x80000046;
	[dreg:$0x1] =	wrdreg $0xFFFFFFFF  }
0xa7: {  	s28 =	simm.s32 $_size_execute0_lowered;
	s2 =	sadd.s32 s2, s4;
	[dreg:$0x0] =	wrdreg $0x0  }
0xa8: {  	s4 =	sshll.u32 s28, $0x1;
	[dreg:$0x2] =	wrdreg s2  }
0xa9: {  	[dreg:$0x3] =	wrdreg s4  }
0xaa: {  	[dreg:$0x4] =	wrdreg $0xC0  }
0xab: {  	_ =	task [dreg:s6], $0x5FFFF  }
0xac: {  	[dreg:$0x1] =	wrdreg $0xFFFFFFFF  }
0xad: {  	[dreg:$0x0] =	wrdreg $0x60  }
0xae: {  	[dreg:$0x2] =	wrdreg s24  }
0xaf: {  	[dreg:$0x3] =	wrdreg $0x17F000  }
0xb0: {  	[dreg:$0x4] =	wrdreg $0x9  }
0xb1: {  	_ =	task.clear_ibuf [dreg:s6], $0x5FFFF;
	_ =	strace $0x90000046  }
0xb2: {  	s29 =	simm.s32 $0x9;
	_ =	strace $0x80000048  }
0xb3: {  	_ =	swait.ge [sflag:s29], $0x1  }
0xb4: {  	[sflag:s29] =	ssyncadd.s32 $0xFFFFFFFF  }
0xb5: {  	_ =	strace $0x90000048  }
0xb6: {  	_ =	sfence  }
0xb7: {  	s30 =	sld [smem:$0x0];
	_ =	sdelay $0x2  }
0xb8: {  	s31 =	sshll.u32 s1, $0xD;
	s1 =	sshrl.u32 s1, $0x2  }
0xb9: {  	s3 =	sand.u32 $0x4000, s31;
	s1 =	sadd.s32 s1, s30  }
0xba: {  	s0 =	sor.u32 s3, s0;
	s1 =	sshll.u32 s1, $0x11  }
0xbb: {  	s0 =	sor.u32 s1, s0  }
0xbc: {  	s0 =	sadd.s32 $0x8F2B, s0  }
0xbd: {  	[sflag:s0] =	ssyncadd.remote.s32 $0x1  }
0xbe: {  	_ =	sfence.sel $0xFFFF  }
0xbf: {  	[dreg:$0x0] =	wrdreg $0xFFFFFFFF;
	(pc) =	sbr.abs _section_cstart, $3  }
0xc0: {  	[dreg:$0x1] =	wrdreg $0xFFFFFFFF  }
0xc1: {  	_ =	task.clear_ibuf [dreg:s6], $0x2FFFF;
	_ =	strace $0x9FFFFFFF  }
0xc2: {  	(tm) =	ssettm $0x7FFFFFFF  }
0xc3: {  	_ =	shalt  }
tec
execute0_lowered:
.L_overlay_start_1:
0x0: {  	(tag) =	ssettag $0x1  }
0x1: {  	s0 =	rddreg [dreg:$0x0]  }
0x2: {  	s1 =	rddreg [dreg:$0x1];
	s3 =	simm.s32 $0x0;
	s2 =	srdreg.scid  }
0x3: {  	s14 =	stileid.u32;
	s18 =	simm.s32 $0x17B80;
	s17 =	simm.s32 $0x17D80  }
0x4: {  	s28 =	simm.s32 $0x130B0;
	s29 =	simm.s32 $0x14820;
	s5 =	smul.u32 $0xBB80, s14  }
0x5: {  	s2 =	sand.u32 $0x1, s2;
	s8 =	sshll.u32 s14, $0x1;
	s9 =	smul.u32 $0x2EE00, s14  }
0x6: {  	[smem:$0x7FF] =	sst s3;
	s4 =	smul.u32 $0x5DC00, s2;
	s8 =	sor.u32 s2, s8  }
0x7: {  	s6 =	sadd.s32 $0x272200, s0;
	s7 =	sadd.s32 $0x1200, s0;
	s10 =	smul.u32 $0x7530, s8  }
0x8: {  	p0 =	sgt.u32 s14, $0x7;
	s14 =	simm.s32 $0x0;
	s11 =	smul.u32 $0x3A980, s8  }
0x9: {  	_ =	strace $0x80000047;
	s2 =	ssub.s32 $0x2, s2;
	s21 =	smul.u32 $0x1400, s8  }
0xa: {  	s19 =	sshrl.u32 s2, $0x1;
	s20 =	sshrl.u32 s9, $0x2;
	s22 =	smul.u32 $0x280, s8  }
0xb: {  	s8 =	simm.s32 $0x2;
	s4 =	sadd.s32 s5, s4;
	s2 =	ssub.s32 s2, s19  }
0xc: {  	s19 =	simm.s32 $0xEA60;
	s4 =	sshrl.u32 s4, $0x3;
	s23 =	sshrl.u32 s11, $0x3  }
0xd: {  	s15 =	sadd.s32 s6, s10;
	s24 =	sshrl.u32 s21, $0x3;
	s10 =	sadd.s32 s7, s22  }
0xe: {  	s31 =	smax.u32 s2, $0x1;
	s21 =	simm.s32 $0x1;
	s22 =	simm.s32 $0x7D  }
0xf: {  	s0 =	sadd.s32 s4, s0;
	s4 =	sadd.s32 s20, s1;
	[dreg:$0x7] =	wrdreg s15  }
0x10: {  	s6 =	sadd.s32 s6, s23;
	s25 =	sadd.s32 s7, s24;
	[dreg:$0x8] =	wrdreg s10  }
0x11: {  	[dreg:$0x3] =	wrdreg s4;
	s11 =	sadd.s32 $0x1770, s6;
	s30 =	sadd.s32 $0x2EE0, s6  }
0x12: {  	s23 =	sadd.s32 $0x4650, s6;
	s6 =	sadd.s32 $0x5DC0, s6;
	[dreg:$0x5] =	wrdreg s30  }
.Ltmp0:
0x13: {  	s4 =	sadd.s32 $0x200, s25;
	[dreg:$0x6] =	wrdreg s6;
	(pc) =	sbr.rel .LBB2_1-.Ltmp0, $4  }
0x14: {  	s20 =	simm.s32 $0xBB80;
	s12 =	sadd.s32 $0x80, s25;
	[dreg:$0x9] =	wrdreg s4  }
0x15: {  	s7 =	sadd.s32 $0xB200, s0;
	s0 =	sadd.s32 s5, s1;
	[dreg:$0xa] =	wrdreg s11  }
0x16: {  	s13 =	sadd.s32 $0x100, s25;
	s0 =	sshrl.u32 @!p0 s0, $0x3;
	[dreg:$0xb] =	wrdreg s12  }
0x17: {  	v0 =	vimm.f32 $0.0e+00;
	s26 =	sadd.s32 $0x180, s25;
	s5 =	simm.s32 $0x17E80;
	[dreg:$0x4] =	wrdreg s0  }
.LBB2_4:
0x18: {  	[tilespmem:s16+$0x20] =	vst v0  }
0x19: {  	[tilespmem:s16+$0x0] =	vst v0  }
0x1a: {  	[tilespmem:s16+$0x10] =	vst v0;
	s15 =	rddreg [dreg:$0x3];
	s30 =	simm.s32 $0x3  }
0x1b: {  	[spmem:s15] =	stream.linear.scatter [tilespmem:s3], [sflag:$0x3], $0xBB80, $0x38;
	[tilespmem:$0x1DCC0] =	vst v63  }
0x1c: {  	_ =	swait.ge [sflag:s30], $0xBB80  }
0x1d: {  	s13 =	smov.u32 s23;
	[sflag:s30] =	ssyncset.done $0x0  }
0x1e: {  	s23 =	smov.u32 s24;
	s15 =	smov.u32 s9;
	[sflag:s30] =	ssyncadd.s32 $0xFFFF4480  }
.LBB2_5:
0x1f: {  	[bflag:$0x0] =	sbarrier.arrive $0xFFFF  }
0x20: {  	[tilespmem:s3], [sflag:$0x1] =	stream.linear.gather [hbm4b:s15+s3], $0xBB80, $0x38;
	[tilespmem:$0x1DCC0] =	vst v63  }
0x21: {  	s0 =	simm.s32 $0x17700  }
0x22: {  	[tilespmem:s0], [sflag:$0x1] =	stream.linear.gather [hbm4b:s10+s3], $0x400, $0x38;
	[tilespmem:$0x1DCC0] =	vst v63  }
0x23: {  	_ = 	snop  }
0x24: {  	[tilespmem:s20], [sflag:$0x1] =	stream.linear.gather [hbm4b:s11+s3], $0xBB80, $0x38;
	[tilespmem:$0x1DCC0] =	vst v63  }
0x25: {  	s25 =	simm.s32 $0x17B00  }
0x26: {  	[tilespmem:s25], [sflag:$0x1] =	stream.linear.gather [hbm4b:s12+s3], $0x400, $0x38;
	[tilespmem:$0x1DCC0] =	vst v63  }
0x27: {  	_ =	swait.ge [sflag:s21], $0xBB80  }
0x28: {  	[sflag:s21] =	ssyncset.done $0x0  }
0x29: {  	[sflag:s21] =	ssyncadd.s32 $0xFFFF4480  }
0x2a: {  	_ =	swait.ge [sflag:s21], $0x400  }
0x2b: {  	[sflag:s21] =	ssyncset.done $0x0  }
0x2c: {  	[sflag:s21] =	ssyncadd.s32 $0xFFFFFC00  }
0x2d: {  	[spmem:s1] =	stream.indirect.scatter.add.f32 [tilespmem:s3], [sflag:$0x2], $0x30, s0, s22, $0xb8;
	[tilespmem:$0x1DCC0] =	vst v63  }
0x2e: {  	s2 =	simm.s32 $0x1770;
	s4 =	simm.s32 $0x17780  }
0x2f: {  	[spmem:s1] =	stream.indirect.scatter.add.f32 [tilespmem:s2], [sflag:$0x2], $0x30, s4, s22, $0xb8;
	[tilespmem:$0x1DCC0] =	vst v63  }
0x30: {  	s16 =	simm.s32 $0x2EE0;
	s12 =	simm.s32 $0x17800  }
0x31: {  	[spmem:s1] =	stream.indirect.scatter.add.f32 [tilespmem:s16], [sflag:$0x2], $0x30, s12, s22, $0xb8;
	[tilespmem:$0x1DCC0] =	vst v63  }
0x32: {  	s24 =	simm.s32 $0x17880;
	s30 =	simm.s32 $0x4650  }
0x33: {  	[spmem:s1] =	stream.indirect.scatter.add.f32 [tilespmem:s30], [sflag:$0x2], $0x30, s24, s22, $0xb8;
	[tilespmem:$0x1DCC0] =	vst v63  }
0x34: {  	s6 =	simm.s32 $0x17900;
	s9 =	simm.s32 $0x5DC0  }
0x35: {  	[spmem:s1] =	stream.indirect.scatter.add.f32 [tilespmem:s9], [sflag:$0x2], $0x30, s6, s22, $0xb8;
	[tilespmem:$0x1DCC0] =	vst v63  }
0x36: {  	s10 =	simm.s32 $0x17980;
	s11 =	simm.s32 $0x7530  }
0x37: {  	[spmem:s1] =	stream.indirect.scatter.add.f32 [tilespmem:s11], [sflag:$0x2], $0x30, s10, s22, $0xb8;
	[tilespmem:$0x1DCC0] =	vst v63  }
0x38: {  	s12 =	simm.s32 $0x17A00;
	s16 =	simm.s32 $0x8CA0  }
0x39: {  	[spmem:s1] =	stream.indirect.scatter.add.f32 [tilespmem:s16], [sflag:$0x2], $0x30, s12, s22, $0xb8;
	[tilespmem:$0x1DCC0] =	vst v63  }
0x3a: {  	s24 =	simm.s32 $0x17A80;
	s30 =	simm.s32 $0xA410  }
0x3b: {  	[spmem:s1] =	stream.indirect.scatter.add.f32 [tilespmem:s30], [sflag:$0x2], $0x30, s24, s22, $0xb8;
	[tilespmem:$0x1DCC0] =	vst v63  }
0x3c: {  	_ =	swait.ge [sflag:s8], $0x1770  }
0x3d: {  	[sflag:s8] =	ssyncset.done $0x0  }
0x3e: {  	[sflag:s8] =	ssyncadd.s32 $0xFFFFE890  }
0x3f: {  	_ =	swait.ge [sflag:s8], $0x1770  }
0x40: {  	[sflag:s8] =	ssyncset.done $0x0  }
0x41: {  	[sflag:s8] =	ssyncadd.s32 $0xFFFFE890  }
0x42: {  	_ =	swait.ge [sflag:s8], $0x1770  }
0x43: {  	[sflag:s8] =	ssyncset.done $0x0  }
0x44: {  	[sflag:s8] =	ssyncadd.s32 $0xFFFFE890  }
0x45: {  	_ =	swait.ge [sflag:s8], $0x1770  }
0x46: {  	[sflag:s8] =	ssyncset.done $0x0  }
0x47: {  	[sflag:s8] =	ssyncadd.s32 $0xFFFFE890  }
0x48: {  	_ =	swait.ge [sflag:s8], $0x1770  }
0x49: {  	[sflag:s8] =	ssyncset.done $0x0  }
0x4a: {  	[sflag:s8] =	ssyncadd.s32 $0xFFFFE890  }
0x4b: {  	_ =	swait.ge [sflag:s8], $0x1770  }
0x4c: {  	[sflag:s8] =	ssyncset.done $0x0  }
0x4d: {  	[sflag:s8] =	ssyncadd.s32 $0xFFFFE890  }
0x4e: {  	_ =	swait.ge [sflag:s8], $0x1770  }
0x4f: {  	[sflag:s8] =	ssyncset.done $0x0  }
0x50: {  	[sflag:s8] =	ssyncadd.s32 $0xFFFFE890  }
0x51: {  	_ =	swait.ge [sflag:s8], $0x1770  }
0x52: {  	[sflag:s8] =	ssyncset.done $0x0  }
0x53: {  	s4 =	smov.u32 s13;
	s6 =	rddreg [dreg:$0x5];
	[sflag:s8] =	ssyncadd.s32 $0xFFFFE890  }
0x54: {  	[tilespmem:s3], [sflag:$0x1] =	stream.linear.gather [hbm4b:s6+s3], $0xBB80, $0x38;
	[tilespmem:$0x1DCC0] =	vst v63  }
0x55: {  	s13 =	smov.u32 s4  }
0x56: {  	[tilespmem:s0], [sflag:$0x1] =	stream.linear.gather [hbm4b:s13+s3], $0x400, $0x38;
	[tilespmem:$0x1DCC0] =	vst v63  }
0x57: {  	_ =	swait.ge [sflag:s21], $0xBB80  }
0x58: {  	[sflag:s21] =	ssyncset.done $0x0  }
0x59: {  	[sflag:s21] =	ssyncadd.s32 $0xFFFF4480  }
0x5a: {  	_ =	swait.ge [sflag:s21], $0x400  }
0x5b: {  	[sflag:s21] =	ssyncset.done $0x0  }
0x5c: {  	[sflag:s21] =	ssyncadd.s32 $0xFFFFFC00  }
0x5d: {  	[spmem:s1] =	stream.indirect.scatter.add.f32 [tilespmem:s20], [sflag:$0x2], $0x30, s25, s22, $0xb8;
	[tilespmem:$0x1DCC0] =	vst v63  }
0x5e: {  	s6 =	simm.s32 $0xD2F0  }
0x5f: {  	[spmem:s1] =	stream.indirect.scatter.add.f32 [tilespmem:s6], [sflag:$0x2], $0x30, s18, s22, $0xb8;
	[tilespmem:$0x1DCC0] =	vst v63  }
0x60: {  	s9 =	simm.s32 $0x17C00  }
0x61: {  	[spmem:s1] =	stream.indirect.scatter.add.f32 [tilespmem:s19], [sflag:$0x2], $0x30, s9, s22, $0xb8;
	[tilespmem:$0x1DCC0] =	vst v63  }
0x62: {  	s10 =	simm.s32 $0x17C80;
	s9 =	simm.s32 $0x101D0  }
0x63: {  	[spmem:s1] =	stream.indirect.scatter.add.f32 [tilespmem:s9], [sflag:$0x2], $0x30, s10, s22, $0xb8;
	[tilespmem:$0x1DCC0] =	vst v63  }
0x64: {  	s12 =	simm.s32 $0x17D00;
	s16 =	simm.s32 $0x11940  }
0x65: {  	[spmem:s1] =	stream.indirect.scatter.add.f32 [tilespmem:s16], [sflag:$0x2], $0x30, s12, s22, $0xb8;
	[tilespmem:$0x1DCC0] =	vst v63  }
0x66: {  	_ = 	snop  }
0x67: {  	[spmem:s1] =	stream.indirect.scatter.add.f32 [tilespmem:s28], [sflag:$0x2], $0x30, s17, s22, $0xb8;
	[tilespmem:$0x1DCC0] =	vst v63  }
0x68: {  	s24 =	simm.s32 $0x17E00  }
0x69: {  	[spmem:s1] =	stream.indirect.scatter.add.f32 [tilespmem:s29], [sflag:$0x2], $0x30, s24, s22, $0xb8;
	[tilespmem:$0x1DCC0] =	vst v63  }
0x6a: {  	s4 =	simm.s32 $0x15F90  }
0x6b: {  	[spmem:s1] =	stream.indirect.scatter.add.f32 [tilespmem:s4], [sflag:$0x2], $0x30, s5, s22, $0xb8;
	[tilespmem:$0x1DCC0] =	vst v63  }
0x6c: {  	_ =	swait.ge [sflag:s8], $0x1770  }
0x6d: {  	[sflag:s8] =	ssyncset.done $0x0  }
0x6e: {  	[sflag:s8] =	ssyncadd.s32 $0xFFFFE890  }
0x6f: {  	_ =	swait.ge [sflag:s8], $0x1770  }
0x70: {  	[sflag:s8] =	ssyncset.done $0x0  }
0x71: {  	[sflag:s8] =	ssyncadd.s32 $0xFFFFE890  }
0x72: {  	_ =	swait.ge [sflag:s8], $0x1770  }
0x73: {  	[sflag:s8] =	ssyncset.done $0x0  }
0x74: {  	[sflag:s8] =	ssyncadd.s32 $0xFFFFE890  }
0x75: {  	_ =	swait.ge [sflag:s8], $0x1770  }
0x76: {  	[sflag:s8] =	ssyncset.done $0x0  }
0x77: {  	[sflag:s8] =	ssyncadd.s32 $0xFFFFE890  }
0x78: {  	_ =	swait.ge [sflag:s8], $0x1770  }
0x79: {  	[sflag:s8] =	ssyncset.done $0x0  }
0x7a: {  	[sflag:s8] =	ssyncadd.s32 $0xFFFFE890  }
0x7b: {  	_ =	swait.ge [sflag:s8], $0x1770  }
0x7c: {  	[sflag:s8] =	ssyncset.done $0x0  }
0x7d: {  	[sflag:s8] =	ssyncadd.s32 $0xFFFFE890  }
0x7e: {  	_ =	swait.ge [sflag:s8], $0x1770  }
0x7f: {  	[sflag:s8] =	ssyncset.done $0x0  }
0x80: {  	[sflag:s8] =	ssyncadd.s32 $0xFFFFE890  }
0x81: {  	_ =	swait.ge [sflag:s8], $0x1770  }
0x82: {  	s2 =	smov.u32 s23;
	[sflag:s8] =	ssyncset.done $0x0  }
0x83: {  	s23 =	smov.u32 s2;
	[sflag:s8] =	ssyncadd.s32 $0xFFFFE890  }
0x84: {  	[tilespmem:s20], [sflag:$0x1] =	stream.linear.gather [hbm4b:s23+s3], $0xBB80, $0x38;
	[tilespmem:$0x1DCC0] =	vst v63  }
0x85: {  	s30 =	smov.u32 s26  }
0x86: {  	[tilespmem:s25], [sflag:$0x1] =	stream.linear.gather [hbm4b:s30+s3], $0x400, $0x38;
	[tilespmem:$0x1DCC0] =	vst v63  }
0x87: {  	_ =	swait.ge [sflag:s21], $0xBB80  }
0x88: {  	[sflag:s21] =	ssyncset.done $0x0  }
0x89: {  	[sflag:s21] =	ssyncadd.s32 $0xFFFF4480  }
0x8a: {  	_ =	swait.ge [sflag:s21], $0x400  }
0x8b: {  	[sflag:s21] =	ssyncset.done $0x0  }
0x8c: {  	[sflag:s21] =	ssyncadd.s32 $0xFFFFFC00  }
0x8d: {  	[spmem:s1] =	stream.indirect.scatter.add.f32 [tilespmem:s3], [sflag:$0x2], $0x30, s0, s22, $0xb8;
	[tilespmem:$0x1DCC0] =	vst v63  }
0x8e: {  	s15 =	simm.s32 $0x17780;
	s11 =	simm.s32 $0x1770  }
0x8f: {  	[spmem:s1] =	stream.indirect.scatter.add.f32 [tilespmem:s11], [sflag:$0x2], $0x30, s15, s22, $0xb8;
	[tilespmem:$0x1DCC0] =	vst v63  }
0x90: {  	s2 =	simm.s32 $0x2EE0;
	s15 =	simm.s32 $0x17800  }
0x91: {  	[spmem:s1] =	stream.indirect.scatter.add.f32 [tilespmem:s2], [sflag:$0x2], $0x30, s15, s22, $0xb8;
	[tilespmem:$0x1DCC0] =	vst v63  }
0x92: {  	s15 =	simm.s32 $0x17880;
	s2 =	simm.s32 $0x4650  }
0x93: {  	[spmem:s1] =	stream.indirect.scatter.add.f32 [tilespmem:s2], [sflag:$0x2], $0x30, s15, s22, $0xb8;
	[tilespmem:$0x1DCC0] =	vst v63  }
0x94: {  	s10 =	simm.s32 $0x17900;
	s11 =	simm.s32 $0x5DC0  }
0x95: {  	[spmem:s1] =	stream.indirect.scatter.add.f32 [tilespmem:s11], [sflag:$0x2], $0x30, s10, s22, $0xb8;
	[tilespmem:$0x1DCC0] =	vst v63  }
0x96: {  	s10 =	simm.s32 $0x17980;
	s11 =	simm.s32 $0x7530  }
0x97: {  	[spmem:s1] =	stream.indirect.scatter.add.f32 [tilespmem:s11], [sflag:$0x2], $0x30, s10, s22, $0xb8;
	[tilespmem:$0x1DCC0] =	vst v63  }
0x98: {  	s10 =	simm.s32 $0x17A00;
	s11 =	simm.s32 $0x8CA0  }
0x99: {  	[spmem:s1] =	stream.indirect.scatter.add.f32 [tilespmem:s11], [sflag:$0x2], $0x30, s10, s22, $0xb8;
	[tilespmem:$0x1DCC0] =	vst v63  }
0x9a: {  	s26 =	smov.u32 s30;
	s30 =	simm.s32 $0x17A80;
	s11 =	simm.s32 $0xA410  }
0x9b: {  	[spmem:s1] =	stream.indirect.scatter.add.f32 [tilespmem:s11], [sflag:$0x2], $0x30, s30, s22, $0xb8;
	[tilespmem:$0x1DCC0] =	vst v63  }
0x9c: {  	_ =	swait.ge [sflag:s8], $0x1770  }
0x9d: {  	[sflag:s8] =	ssyncset.done $0x0  }
0x9e: {  	[sflag:s8] =	ssyncadd.s32 $0xFFFFE890  }
0x9f: {  	_ =	swait.ge [sflag:s8], $0x1770  }
0xa0: {  	[sflag:s8] =	ssyncset.done $0x0  }
0xa1: {  	[sflag:s8] =	ssyncadd.s32 $0xFFFFE890  }
0xa2: {  	_ =	swait.ge [sflag:s8], $0x1770  }
0xa3: {  	[sflag:s8] =	ssyncset.done $0x0  }
0xa4: {  	[sflag:s8] =	ssyncadd.s32 $0xFFFFE890  }
0xa5: {  	_ =	swait.ge [sflag:s8], $0x1770  }
0xa6: {  	[sflag:s8] =	ssyncset.done $0x0  }
0xa7: {  	[sflag:s8] =	ssyncadd.s32 $0xFFFFE890  }
0xa8: {  	_ =	swait.ge [sflag:s8], $0x1770  }
0xa9: {  	[sflag:s8] =	ssyncset.done $0x0  }
0xaa: {  	[sflag:s8] =	ssyncadd.s32 $0xFFFFE890  }
0xab: {  	_ =	swait.ge [sflag:s8], $0x1770  }
0xac: {  	[sflag:s8] =	ssyncset.done $0x0  }
0xad: {  	[sflag:s8] =	ssyncadd.s32 $0xFFFFE890  }
0xae: {  	_ =	swait.ge [sflag:s8], $0x1770  }
0xaf: {  	[sflag:s8] =	ssyncset.done $0x0  }
0xb0: {  	[sflag:s8] =	ssyncadd.s32 $0xFFFFE890  }
0xb1: {  	_ =	swait.ge [sflag:s8], $0x1770  }
0xb2: {  	[sflag:s8] =	ssyncset.done $0x0  }
0xb3: {  	s30 =	rddreg [dreg:$0x6];
	[sflag:s8] =	ssyncadd.s32 $0xFFFFE890  }
0xb4: {  	[tilespmem:s3], [sflag:$0x1] =	stream.linear.gather [hbm4b:s30+s3], $0xBB80, $0x38;
	[tilespmem:$0x1DCC0] =	vst v63  }
0xb5: {  	s30 =	rddreg [dreg:$0x9]  }
0xb6: {  	[tilespmem:s0], [sflag:$0x1] =	stream.linear.gather [hbm4b:s30+s3], $0x400, $0x38;
	[tilespmem:$0x1DCC0] =	vst v63  }
0xb7: {  	_ =	swait.ge [sflag:s21], $0xBB80  }
0xb8: {  	[sflag:s21] =	ssyncset.done $0x0  }
0xb9: {  	[sflag:s21] =	ssyncadd.s32 $0xFFFF4480  }
0xba: {  	_ =	swait.ge [sflag:s21], $0x400  }
0xbb: {  	[sflag:s21] =	ssyncset.done $0x0  }
0xbc: {  	[sflag:s21] =	ssyncadd.s32 $0xFFFFFC00  }
0xbd: {  	[spmem:s1] =	stream.indirect.scatter.add.f32 [tilespmem:s20], [sflag:$0x2], $0x30, s25, s22, $0xb8;
	[tilespmem:$0x1DCC0] =	vst v63  }
0xbe: {  	_ = 	snop  }
0xbf: {  	[spmem:s1] =	stream.indirect.scatter.add.f32 [tilespmem:s6], [sflag:$0x2], $0x30, s18, s22, $0xb8;
	[tilespmem:$0x1DCC0] =	vst v63  }
0xc0: {  	s25 =	simm.s32 $0x17C00  }
0xc1: {  	[spmem:s1] =	stream.indirect.scatter.add.f32 [tilespmem:s19], [sflag:$0x2], $0x30, s25, s22, $0xb8;
	[tilespmem:$0x1DCC0] =	vst v63  }
0xc2: {  	s30 =	simm.s32 $0x17C80  }
0xc3: {  	[spmem:s1] =	stream.indirect.scatter.add.f32 [tilespmem:s9], [sflag:$0x2], $0x30, s30, s22, $0xb8;
	[tilespmem:$0x1DCC0] =	vst v63  }
0xc4: {  	_ = 	snop  }
0xc5: {  	[spmem:s1] =	stream.indirect.scatter.add.f32 [tilespmem:s16], [sflag:$0x2], $0x30, s12, s22, $0xb8;
	[tilespmem:$0x1DCC0] =	vst v63  }
0xc6: {  	_ = 	snop  }
0xc7: {  	[spmem:s1] =	stream.indirect.scatter.add.f32 [tilespmem:s28], [sflag:$0x2], $0x30, s17, s22, $0xb8;
	[tilespmem:$0x1DCC0] =	vst v63  }
0xc8: {  	_ = 	snop  }
0xc9: {  	[spmem:s1] =	stream.indirect.scatter.add.f32 [tilespmem:s29], [sflag:$0x2], $0x30, s24, s22, $0xb8;
	[tilespmem:$0x1DCC0] =	vst v63  }
0xca: {  	_ = 	snop  }
0xcb: {  	[spmem:s1] =	stream.indirect.scatter.add.f32 [tilespmem:s4], [sflag:$0x2], $0x30, s5, s22, $0xb8;
	[tilespmem:$0x1DCC0] =	vst v63  }
0xcc: {  	_ =	swait.ge [sflag:s8], $0x1770  }
0xcd: {  	[sflag:s8] =	ssyncset.done $0x0  }
0xce: {  	[sflag:s8] =	ssyncadd.s32 $0xFFFFE890  }
0xcf: {  	_ =	swait.ge [sflag:s8], $0x1770  }
0xd0: {  	[sflag:s8] =	ssyncset.done $0x0  }
0xd1: {  	[sflag:s8] =	ssyncadd.s32 $0xFFFFE890  }
0xd2: {  	_ =	swait.ge [sflag:s8], $0x1770  }
0xd3: {  	[sflag:s8] =	ssyncset.done $0x0  }
0xd4: {  	[sflag:s8] =	ssyncadd.s32 $0xFFFFE890  }
0xd5: {  	_ =	swait.ge [sflag:s8], $0x1770  }
0xd6: {  	[sflag:s8] =	ssyncset.done $0x0  }
0xd7: {  	[sflag:s8] =	ssyncadd.s32 $0xFFFFE890  }
0xd8: {  	_ =	swait.ge [sflag:s8], $0x1770  }
0xd9: {  	[sflag:s8] =	ssyncset.done $0x0  }
0xda: {  	[sflag:s8] =	ssyncadd.s32 $0xFFFFE890  }
0xdb: {  	_ =	swait.ge [sflag:s8], $0x1770  }
0xdc: {  	[sflag:s8] =	ssyncset.done $0x0  }
0xdd: {  	[sflag:s8] =	ssyncadd.s32 $0xFFFFE890  }
0xde: {  	_ =	swait.ge [sflag:s8], $0x1770  }
0xdf: {  	[sflag:s8] =	ssyncset.done $0x0  }
0xe0: {  	[sflag:s8] =	ssyncadd.s32 $0xFFFFE890  }
0xe1: {  	_ =	swait.ge [sflag:s8], $0x1770  }
0xe2: {  	[sflag:s8] =	ssyncset.done $0x0  }
0xe3: {  	[sflag:s8] =	ssyncadd.s32 $0xFFFFE890  }
0xe4: {  	_ =	swait.ge [sflag:s21], $0xBB80  }
0xe5: {  	[sflag:s21] =	ssyncset.done $0x0  }
0xe6: {  	[sflag:s21] =	ssyncadd.s32 $0xFFFF4480  }
0xe7: {  	_ =	swait.ge [sflag:s21], $0x400  }
0xe8: {  	[sflag:s21] =	ssyncset.done $0x0  }
0xe9: {  	[sflag:s21] =	ssyncadd.s32 $0xFFFFFC00  }
0xea: {  	[spmem:s1] =	stream.indirect.scatter.add.f32 [tilespmem:s3], [sflag:$0x2], $0x30, s0, s22, $0xb8;
	[tilespmem:$0x1DCC0] =	vst v63  }
0xeb: {  	s25 =	simm.s32 $0x17780;
	s30 =	simm.s32 $0x1770  }
0xec: {  	[spmem:s1] =	stream.indirect.scatter.add.f32 [tilespmem:s30], [sflag:$0x2], $0x30, s25, s22, $0xb8;
	[tilespmem:$0x1DCC0] =	vst v63  }
0xed: {  	s6 =	simm.s32 $0x2EE0;
	s9 =	simm.s32 $0x17800  }
0xee: {  	[spmem:s1] =	stream.indirect.scatter.add.f32 [tilespmem:s6], [sflag:$0x2], $0x30, s9, s22, $0xb8;
	[tilespmem:$0x1DCC0] =	vst v63  }
0xef: {  	_ = 	snop  }
0xf0: {  	[spmem:s1] =	stream.indirect.scatter.add.f32 [tilespmem:s2], [sflag:$0x2], $0x30, s15, s22, $0xb8;
	[tilespmem:$0x1DCC0] =	vst v63  }
0xf1: {  	s12 =	simm.s32 $0x17900;
	s15 =	simm.s32 $0x5DC0  }
0xf2: {  	[spmem:s1] =	stream.indirect.scatter.add.f32 [tilespmem:s15], [sflag:$0x2], $0x30, s12, s22, $0xb8;
	[tilespmem:$0x1DCC0] =	vst v63  }
0xf3: {  	s16 =	simm.s32 $0x7530;
	s24 =	simm.s32 $0x17980  }
0xf4: {  	[spmem:s1] =	stream.indirect.scatter.add.f32 [tilespmem:s16], [sflag:$0x2], $0x30, s24, s22, $0xb8;
	[tilespmem:$0x1DCC0] =	vst v63  }
0xf5: {  	s25 =	simm.s32 $0x8CA0  }
0xf6: {  	[spmem:s1] =	stream.indirect.scatter.add.f32 [tilespmem:s25], [sflag:$0x2], $0x30, s10, s22, $0xb8;
	[tilespmem:$0x1DCC0] =	vst v63  }
0xf7: {  	s11 =	simm.s32 $0x17A80;
	s30 =	simm.s32 $0xA410  }
0xf8: {  	[spmem:s1] =	stream.indirect.scatter.add.f32 [tilespmem:s30], [sflag:$0x2], $0x30, s11, s22, $0xb8;
	[tilespmem:$0x1DCC0] =	vst v63  }
0xf9: {  	s12 =	rddreg [dreg:$0xb];
	_ =	swait.ge [sflag:s8], $0x1770  }
0xfa: {  	[sflag:s8] =	ssyncset.done $0x0  }
0xfb: {  	[sflag:s8] =	ssyncadd.s32 $0xFFFFE890  }
0xfc: {  	_ =	swait.ge [sflag:s8], $0x1770  }
0xfd: {  	[sflag:s8] =	ssyncset.done $0x0  }
0xfe: {  	[sflag:s8] =	ssyncadd.s32 $0xFFFFE890  }
0xff: {  	_ =	swait.ge [sflag:s8], $0x1770  }
0x100: {  	[sflag:s8] =	ssyncset.done $0x0  }
0x101: {  	[sflag:s8] =	ssyncadd.s32 $0xFFFFE890  }
0x102: {  	_ =	swait.ge [sflag:s8], $0x1770  }
0x103: {  	[sflag:s8] =	ssyncset.done $0x0  }
0x104: {  	[sflag:s8] =	ssyncadd.s32 $0xFFFFE890  }
0x105: {  	_ =	swait.ge [sflag:s8], $0x1770  }
0x106: {  	[sflag:s8] =	ssyncset.done $0x0  }
0x107: {  	[sflag:s8] =	ssyncadd.s32 $0xFFFFE890  }
0x108: {  	_ =	swait.ge [sflag:s8], $0x1770  }
0x109: {  	[sflag:s8] =	ssyncset.done $0x0  }
0x10a: {  	[sflag:s8] =	ssyncadd.s32 $0xFFFFE890  }
0x10b: {  	_ =	swait.ge [sflag:s8], $0x1770  }
0x10c: {  	[sflag:s8] =	ssyncset.done $0x0  }
0x10d: {  	[sflag:s8] =	ssyncadd.s32 $0xFFFFE890  }
0x10e: {  	_ =	swait.ge [sflag:s8], $0x1770  }
0x10f: {  	[sflag:s8] =	ssyncset.done $0x0  }
0x110: {  	s0 =	stileid.u32;
	[sflag:s8] =	ssyncadd.s32 $0xFFFFE890  }
0x111: {  	s14 =	sadd.s32 $0x1, s14;
	s15 =	sshll.u32 @!p0 s0, $0x6;
	[bflag:$0x0] =	sbarrier.arrive $0xFFFF  }
0x112: {  	p1 =	sne.s32 s14, s31;
	s15 =	sor.u32 @!p0 $0x1C03, s15;
	s0 =	rddreg [dreg:$0x4]  }
0x113: {  	[hbm:s7], [sflag:s15] =	dma.local @!p0 [spmem:s0], $0x1770  }
.Ltmp1:
0x114: {  	s15 =	simm.s32 @!p0 $0x3;
	(pc) =	sbr.rel @!p1 .LBB2_6-.Ltmp1, $4  }
0x115: {  	_ =	swait.ge @!p0 [sflag:s15], $0x1770  }
0x116: {  	s11 =	rddreg [dreg:$0xa]  }
0x117: {  	[sflag:s15] =	ssyncset.done @!p0 $0x0;
	s10 =	rddreg [dreg:$0x8]  }
0x118: {  	[sflag:s15] =	ssyncadd.s32 @!p0 $0xFFFFE890;
	s15 =	rddreg [dreg:$0x7]  }
.LBB2_1:
.Ltmp2:
0x119: {  	(pc) =	sbr.rel @p0 .LBB2_5-.Ltmp2, $1  }
0x11a: {  	_ =	sdelay $0x3  }
0x11b: {  	s24 =	smov.u32 s23;
	s23 =	smov.u32 s13  }
0x11c: {  	s9 =	smov.u32 s15;
	s15 =	simm.s32 $0xC0;
	s16 =	simm.s32 $0x0  }
.LBB2_3:
0x11d: {  	p1 =	sne.s32 s15, $0x2ED40;
	[tilespmem:s16+$0x20] =	vst v0;
	s25 =	smov.u32 s15;
	s15 =	sadd.s32 $0xC0, s15  }
.Ltmp3:
0x11e: {  	[tilespmem:s16+$0x0] =	vst v0;
	(pc) =	sbr.rel @p1 .LBB2_3-.Ltmp3, $2  }
0x11f: {  	[tilespmem:s16+$0x10] =	vst v0;
	_ =	sdelay $0x2  }
0x120: {  	s16 =	sshra.s32 s25, $0x2  }
.Ltmp4:
0x121: {  	_ = 	snop;
	(pc) =	sbr.rel .LBB2_4-.Ltmp4, $1  }
0x122: {  	_ =	sdelay $0x3  }
.LBB2_6:
0x123: {  	_ =	sfence.sel $0x180000  }
0x124: {  	[bflag:$0x0] =	sbarrier.arrive $0xFFFF  }
0x125: {  	_ =	strace $0x90000047  }
0x126: {  	s0 =	stileid.u32;
	[bflag:$0x2] =	sbarrier.arrive $0xFFFF  }
0x127: {  	p0 =	sne.s32 s0, $0x0;
	s0 =	rddreg [dreg:$0x2]  }
0x128: {  	s0 =	sadd.s32 @!p0 $0x100000, s0  }
0x129: {  	[sflag:s0] =	ssyncadd.tile.s32 @!p0 $0x1;
	_ =	shalt  }
.Lfunc_end2:
_tile_overlayer_lowered:
.L_overlay_start_2:
0x12a: {  	(tag) =	ssettag $0x2  }
0x12b: {  	s0 =	rddreg [dreg:$0x0];
	s2 =	stileid.u32  }
0x12c: {  	s1 =	rddreg [dreg:$0x1];
	p0 =	sne.s32 s2, $0x0  }
0x12d: {  	s3 =	rddreg [dreg:$0x2];
	[bflag:$0x3] =	sbarrier.arrive $0xFFFF;
	s2 =	simm.s32 @!p0 $0x1C03  }
0x12e: {  	[timem:s3], [sflag:s2] =	dma.local @!p0 [hbm:s0], s1  }
0x12f: {  	s0 =	simm.s32 @!p0 $0x3  }
0x130: {  	_ =	swait.ge @!p0 [sflag:s0], s1  }
0x131: {  	s1 =	ssub.s32 @!p0 $0x0, s1;
	[sflag:s0] =	ssyncset.done @!p0 $0x0  }
0x132: {  	[sflag:s0] =	ssyncadd.s32 @!p0 s1  }
0x133: {  	[bflag:$0x3] =	sbarrier.arrive $0xFFFF  }
0x134: {  	_ =	shalt  }

</sc_bundles>
